<compile_context>
chip_gen: v7x
topology: tpu7x:2x2x1
jax: 0.10.2.dev20260603
libtpu: 0.0.44.dev20260713+nightly
codegen_flags: <defaults>
</compile_context>

<pallas_src>
import jax
import jax.numpy as jnp
from jax import lax
from jax.experimental import pallas as pl
from jax.experimental.pallas import tpu as pltpu
from jax.experimental.pallas import tpu_sc as plsc

N = 100000
NPAD = 102400
G = 128
GP = 144
CH = 128
BK = 8
NSUB = 16
NCORE = 2
NW = NCORE * NSUB
ZR = 200
NRW = NPAD // NSUB
F = 16


def _mesh():
    return plsc.VectorSubcoreMesh(core_axis_name="c", subcore_axis_name="s")


_SC_PARAMS = pltpu.CompilerParams(use_tc_tiling_on_sc=False)


def _fill(ref, nrows, ncols, value):
    def row(i, _):
        for j in range(ncols // 16):
            ref[i, pl.ds(j * 16, 16)] = jnp.full((16,), value, jnp.float32)
        return 0
    lax.fori_loop(0, nrows, row, 0)


def _zero_acc(acc, zbuf, s):
    _fill(zbuf, ZR, F, 0.0)

    def zloop(k, _):
        pltpu.sync_copy(zbuf, acc.at[pl.ds(s * NRW + k * ZR, ZR)])
        return 0
    lax.fori_loop(0, NRW // ZR, zloop, 0)


def _deg_kernel(ech):
    wch = ech // NW
    nblk = wch // BK

    def body(dst_ref, out_ref, acc, didx, ones, zbuf, ssem):
        c = lax.axis_index("c")
        s = lax.axis_index("s")
        _fill(ones, CH, F, 1.0)
        _zero_acc(acc, zbuf, s)
        plsc.subcore_barrier()

        base = (c * NSUB + s) * wch

        def blk(b, _):
            cr = base + b * BK
            pltpu.sync_copy(dst_ref.at[pl.ds(cr, BK)], didx)
            ds2 = [pltpu.async_copy(ones, acc.at[didx.at[j]], ssem, add=True)
                   for j in range(BK)]
            for d in ds2:
                d.wait()
            return 0
        lax.fori_loop(0, nblk, blk, 0)
        plsc.subcore_barrier()
        pltpu.sync_copy(acc.at[pl.ds(s * NRW, NRW)],
                        out_ref.at[c].at[pl.ds(s * NRW, NRW)])

    return pl.kernel(
        body,
        out_type=jax.ShapeDtypeStruct((NCORE, NPAD, F), jnp.float32),
        mesh=_mesh(),
        compiler_params=_SC_PARAMS,
        scratch_types=[
            pltpu.VMEM_SHARED((NPAD, F), jnp.float32),
            pltpu.VMEM((BK, CH), jnp.int32),
            pltpu.VMEM((CH, F), jnp.float32),
            pltpu.VMEM((ZR, F), jnp.float32),
            pltpu.SemaphoreType.DMA,
        ],
    )


def _agg_kernel(edge_split, ech):
    wch = ech // NW if edge_split else ech // NSUB
    nblk = wch // BK

    def body(g_ref, src_ref, dst_ref, out_ref,
             acc, sidx, didx, rows, zbuf, gsem, ssem):
        c = lax.axis_index("c")
        s = lax.axis_index("s")
        _zero_acc(acc, zbuf, s)
        plsc.subcore_barrier()

        if edge_split:
            base = (c * NSUB + s) * wch
            table = g_ref
        else:
            base = s * wch
            table = g_ref.at[c]

        def blk(b, _):
            cr = base + b * BK
            pltpu.sync_copy(src_ref.at[pl.ds(cr, BK)], sidx)
            pltpu.sync_copy(dst_ref.at[pl.ds(cr, BK)], didx)
            ds1 = [pltpu.async_copy(table.at[sidx.at[j]], rows.at[j], gsem)
                   for j in range(BK)]
            for d in ds1:
                d.wait()
            ds2 = [pltpu.async_copy(rows.at[j], acc.at[didx.at[j]], ssem,
                                    add=True)
                   for j in range(BK)]
            for d in ds2:
                d.wait()
            return 0
        lax.fori_loop(0, nblk, blk, 0)
        plsc.subcore_barrier()
        pltpu.sync_copy(acc.at[pl.ds(s * NRW, NRW)],
                        out_ref.at[c].at[pl.ds(s * NRW, NRW)])

    return pl.kernel(
        body,
        out_type=jax.ShapeDtypeStruct((NCORE, NPAD, F), jnp.float32),
        mesh=_mesh(),
        compiler_params=_SC_PARAMS,
        scratch_types=[
            pltpu.VMEM_SHARED((NPAD, F), jnp.float32),
            pltpu.VMEM((BK, CH), jnp.int32),
            pltpu.VMEM((BK, CH), jnp.int32),
            pltpu.VMEM((BK, CH, F), jnp.float32),
            pltpu.VMEM((ZR, F), jnp.float32),
            pltpu.SemaphoreType.DMA,
            pltpu.SemaphoreType.DMA,
        ],
    )


def _pool_kernel():
    nchb = NPAD // CH
    wcr = nchb // NW

    def body(h_ref, b2d_ref, psum_ref, pcnt_ref,
             accp, accc, bidx, rows, ones, zp, zc, ssem):
        c = lax.axis_index("c")
        s = lax.axis_index("s")
        _fill(ones, CH, F, 1.0)

        @pl.when(s == 0)
        def _():
            _fill(zp, GP, 32, 0.0)
            _fill(zc, GP, F, 0.0)
            pltpu.sync_copy(zp, accp)
            pltpu.sync_copy(zc, accc)
        plsc.subcore_barrier()

        base = (c * NSUB + s) * wcr
        pltpu.sync_copy(b2d_ref.at[pl.ds(base, wcr)], bidx)

        def blk(b, _):
            pltpu.sync_copy(h_ref.at[pl.ds((base + b) * CH, CH)], rows)
            pltpu.sync_copy(rows, accp.at[bidx.at[b]], add=True)
            pltpu.async_copy(ones, accc.at[bidx.at[b]], ssem, add=True).wait()
            return 0
        lax.fori_loop(0, wcr, blk, 0)
        plsc.subcore_barrier()

        @pl.when(s == 0)
        def _():
            pltpu.sync_copy(accp, psum_ref.at[c])
            pltpu.sync_copy(accc, pcnt_ref.at[c])

    return pl.kernel(
        body,
        out_type=(jax.ShapeDtypeStruct((NCORE, GP, 32), jnp.float32),
                  jax.ShapeDtypeStruct((NCORE, GP, F), jnp.float32)),
        mesh=_mesh(),
        compiler_params=_SC_PARAMS,
        scratch_types=[
            pltpu.VMEM_SHARED((GP, 32), jnp.float32),
            pltpu.VMEM_SHARED((GP, F), jnp.float32),
            pltpu.VMEM((25, CH), jnp.int32),
            pltpu.VMEM((CH, 32), jnp.float32),
            pltpu.VMEM((CH, F), jnp.float32),
            pltpu.VMEM((GP, 32), jnp.float32),
            pltpu.VMEM((GP, F), jnp.float32),
            pltpu.SemaphoreType.DMA,
        ],
    )


RB = 2048
NBLK_TC = NPAD // RB


def _b1_body(degp, x, w1, g1, dinv):
    deg = degp[0, :, 0:1] + degp[1, :, 0:1] + 1.0
    di = lax.rsqrt(deg)
    h = jnp.dot(x[...], w1[...], preferred_element_type=jnp.float32)
    g1[...] = jnp.concatenate(
        [h * di, jnp.zeros((h.shape[0], 8), jnp.float32)], axis=1)
    dinv[...] = di


def _tc_b1(x_pad, degp, W1):
    return pl.pallas_call(
        _b1_body,
        grid=(NBLK_TC,),
        in_specs=[
            pl.BlockSpec((NCORE, RB, F), lambda i: (0, i, 0)),
            pl.BlockSpec((RB, 9), lambda i: (i, 0)),
            pl.BlockSpec((9, 8), lambda i: (0, 0)),
        ],
        out_specs=[
            pl.BlockSpec((RB, F), lambda i: (i, 0)),
            pl.BlockSpec((RB, 1), lambda i: (i, 0)),
        ],
        out_shape=[
            jax.ShapeDtypeStruct((NPAD, F), jnp.float32),
            jax.ShapeDtypeStruct((NPAD, 1), jnp.float32),
        ],
    )(degp, x_pad, W1)


def _mid_body(accp, g, dinv, w, b, gout):
    di = dinv[...]
    t = di * (accp[0, :, :8] + accp[1, :, :8] + g[:, :8]) + b[...]
    t = jnp.maximum(t, 0.0)
    h = jnp.dot(t, w[...], preferred_element_type=jnp.float32)
    gout[...] = h * di


def _tc_mid(accp, g, dinv, W, b):
    return pl.pallas_call(
        _mid_body,
        grid=(NBLK_TC,),
        in_specs=[
            pl.BlockSpec((NCORE, RB, F), lambda i: (0, i, 0)),
            pl.BlockSpec((RB, F), lambda i: (i, 0)),
            pl.BlockSpec((RB, 1), lambda i: (i, 0)),
            pl.BlockSpec((8, 16), lambda i: (0, 0)),
            pl.BlockSpec((1, 8), lambda i: (0, 0)),
        ],
        out_specs=pl.BlockSpec((RB, F), lambda i: (i, 0)),
        out_shape=jax.ShapeDtypeStruct((NPAD, F), jnp.float32),
    )(accp, g, dinv, W, b)


def _b3_body(accp, g, dinv, w, b, gout):
    di = dinv[...]
    t = di * (accp[0] + accp[1] + g[...]) + b[...]
    t = jnp.maximum(t, 0.0)
    h = jnp.dot(t, w[...], preferred_element_type=jnp.float32)
    h = h * di
    gout[0] = h[:, :16]
    gout[1] = h[:, 16:]


def _tc_b3(accp, g2, dinv, W3, b2):
    return pl.pallas_call(
        _b3_body,
        grid=(NBLK_TC,),
        in_specs=[
            pl.BlockSpec((NCORE, RB, 16), lambda i: (0, i, 0)),
            pl.BlockSpec((RB, 16), lambda i: (i, 0)),
            pl.BlockSpec((RB, 1), lambda i: (i, 0)),
            pl.BlockSpec((16, 32), lambda i: (0, 0)),
            pl.BlockSpec((1, 16), lambda i: (0, 0)),
        ],
        out_specs=pl.BlockSpec((NCORE, RB, 16), lambda i: (0, i, 0)),
        out_shape=jax.ShapeDtypeStruct((NCORE, NPAD, 16), jnp.float32),
    )(accp, g2, dinv, W3, b2)


def _b4_body(acc3, g3, dinv, b, out):
    di = dinv[...]
    lo = di * (acc3[0] + g3[0])
    hi = di * (acc3[1] + g3[1])
    out[...] = jnp.concatenate([lo, hi], axis=1) + b[...]


def _tc_b4(acc3, g3, dinv, b3):
    return pl.pallas_call(
        _b4_body,
        grid=(NBLK_TC,),
        in_specs=[
            pl.BlockSpec((NCORE, RB, 16), lambda i: (0, i, 0)),
            pl.BlockSpec((NCORE, RB, 16), lambda i: (0, i, 0)),
            pl.BlockSpec((RB, 1), lambda i: (i, 0)),
            pl.BlockSpec((1, 32), lambda i: (0, 0)),
        ],
        out_specs=pl.BlockSpec((RB, 32), lambda i: (i, 0)),
        out_shape=jax.ShapeDtypeStruct((NPAD, 32), jnp.float32),
    )(acc3, g3, dinv, b3)


def _head_body(psum, pcnt, wl, bl, out):
    pooled = psum[0] + psum[1]
    cnt = pcnt[0, :, 0:1] + pcnt[1, :, 0:1]
    mean = pooled / jnp.maximum(cnt, 1.0)
    r = jnp.dot(mean, wl[...], preferred_element_type=jnp.float32) + bl[...]
    out[...] = r[:G]


def _tc_head(psum, pcnt, Wl, bl):
    return pl.pallas_call(
        _head_body,
        out_shape=jax.ShapeDtypeStruct((G, 2), jnp.float32),
    )(psum, pcnt, Wl, bl)


def kernel(x, edge_index, batch, W1, b1, W2, b2, W3, b3, Wl, bl):
    E = edge_index.shape[1]
    wch = -(-E // (NW * CH * BK)) * BK
    ech = wch * NW
    e_pad = ech * CH

    src = jnp.concatenate(
        [edge_index[0], jnp.full((e_pad - E,), N, jnp.int32)]).reshape(ech, CH)
    dst = jnp.concatenate(
        [edge_index[1], jnp.full((e_pad - E,), N, jnp.int32)]).reshape(ech, CH)
    x_pad = jnp.concatenate(
        [x, jnp.zeros((NPAD - N, 9), jnp.float32)], axis=0)
    b2d = jnp.concatenate(
        [batch, jnp.full((NPAD - N,), G, jnp.int32)]).reshape(NPAD // CH, CH)

    degp = _deg_kernel(ech)(dst)
    g1, dinv = _tc_b1(x_pad, degp, W1)
    acc1 = _agg_kernel(True, ech)(g1, src, dst)
    g2 = _tc_mid(acc1, g1, dinv, W2, b1.reshape(1, 8))
    acc2 = _agg_kernel(True, ech)(g2, src, dst)
    g3 = _tc_b3(acc2, g2, dinv, W3, b2.reshape(1, 16))
    acc3 = _agg_kernel(False, ech)(g3, src, dst)
    out3 = _tc_b4(acc3, g3, dinv, b3.reshape(1, 32))
    psum, pcnt = _pool_kernel()(out3, b2d)
    return _tc_head(psum, pcnt, Wl, bl.reshape(1, 2))

# --- scband reference (transcript-rebuilt; emitter-appended) ---
"""Pipeline reference for scband-gcnmodel-36026185679063 (READ-ONLY COPY).

The authoritative reference and input builder live on the scoring server;
editing this copy changes nothing except your own understanding.
"""

import jax, jax.numpy as jnp
import numpy as np

N = 100000
E = 6400000
NUM_GRAPHS = 128


def setup_inputs(seed: int = 0) -> dict:
    key = jax.random.key(seed)
    ks = jax.random.split(key, 12)
    x = jax.random.normal(ks[0], (N, 9), dtype=jnp.float32)
    edge_index = jax.random.randint(ks[1], (2, E), 0, N, dtype=jnp.int32)
    batch = jnp.sort(jax.random.randint(ks[2], (N,), 0, NUM_GRAPHS, dtype=jnp.int32))
    W1 = jax.random.normal(ks[3], (9, 8), dtype=jnp.float32) * 0.3
    b1 = jnp.zeros((8,), dtype=jnp.float32)
    W2 = jax.random.normal(ks[4], (8, 16), dtype=jnp.float32) * 0.3
    b2 = jnp.zeros((16,), dtype=jnp.float32)
    W3 = jax.random.normal(ks[5], (16, 32), dtype=jnp.float32) * 0.2
    b3 = jnp.zeros((32,), dtype=jnp.float32)
    Wl = jax.random.normal(ks[6], (32, 2), dtype=jnp.float32) * 0.2
    bl = jnp.zeros((2,), dtype=jnp.float32)
    return {"x": x, "edge_index": edge_index, "batch": batch,
            "W1": W1, "b1": b1, "W2": W2, "b2": b2,
            "W3": W3, "b3": b3, "Wl": Wl, "bl": bl}


def _gcn_conv(x, src, dst, norm, W, b, n_nodes):
    # GCNConv: out = scatter_add(norm * (x @ W)[src] -> dst) + b  (self-loops already in src/dst)
    h = x @ W
    msg = h[src] * norm[:, None]
    out = jnp.zeros((n_nodes, h.shape[1]), dtype=h.dtype).at[dst].add(msg)
    return out + b


def reference(x, edge_index, batch, W1, b1, W2, b2, W3, b3, Wl, bl):
    n_nodes = x.shape[0]
    loop = jnp.arange(n_nodes, dtype=edge_index.dtype)
    src = jnp.concatenate([edge_index[0], loop])
    dst = jnp.concatenate([edge_index[1], loop])
    # symmetric normalization D^{-1/2} A_hat D^{-1/2}
    deg = jnp.zeros((n_nodes,), dtype=jnp.float32).at[dst].add(1.0)
    dinv = jnp.where(deg > 0, jax.lax.rsqrt(jnp.maximum(deg, 1e-12)), 0.0)
    norm = dinv[src] * dinv[dst]

    h = _gcn_conv(x, src, dst, norm, W1, b1, n_nodes)
    h = jax.nn.relu(h)
    h = _gcn_conv(h, src, dst, norm, W2, b2, n_nodes)
    h = jax.nn.relu(h)
    h = _gcn_conv(h, src, dst, norm, W3, b3, n_nodes)
    # global_mean_pool over batch ids
    sums = jax.ops.segment_sum(h, batch, num_segments=NUM_GRAPHS)
    cnts = jax.ops.segment_sum(jnp.ones((n_nodes,), dtype=jnp.float32), batch, num_segments=NUM_GRAPHS)
    pooled = sums / jnp.maximum(cnts, 1.0)[:, None]
    out = pooled @ Wl + bl
    return out

if __name__ == "__main__":
    import jax
    _d = setup_inputs()
    print(jax.jit(kernel)(*tuple(_d.values())))

</pallas_src>

<mosaic_0001>
#map = affine_map<(d0, d1) -> (0, 0)>
#map1 = affine_map<(d0, d1) -> (0, 0, 0)>
module attributes {stable_mosaic.version = 14 : i64} {
  func.func @body(%arg0: i32, %arg1: i32, %arg2: memref<102400x16xf32, #tpu.memory_space<hbm>>, %arg3: memref<50176x128xi32, #tpu.memory_space<hbm>>, %arg4: memref<50176x128xi32, #tpu.memory_space<hbm>>, %arg5: memref<2x102400x16xf32, #tpu.memory_space<hbm>>, %arg6: memref<102400x16xf32, #tpu.memory_space<vmem_shared>>, %arg7: memref<8x128xi32, #tpu.memory_space<vmem>>, %arg8: memref<8x128xi32, #tpu.memory_space<vmem>>, %arg9: memref<8x128x16xf32, #tpu.memory_space<vmem>>, %arg10: memref<200x16xf32, #tpu.memory_space<vmem>>, %arg11: memref<!tpu.dma_semaphore, #tpu.memory_space<semaphore_mem>>, %arg12: memref<!tpu.dma_semaphore, #tpu.memory_space<semaphore_mem>>) attributes {dimension_semantics = [#tpu.dimension_semantics<core_parallel>, #tpu.dimension_semantics<subcore_parallel>], iteration_bounds = array<i64: 2, 16>, scalar_prefetch = 0 : i64, scratch_operands = 7 : i64, tpu.core_type = #tpu.core_type<sc_vector_subcore>, window_params = [{transform_indices = #map}, {transform_indices = #map}, {transform_indices = #map}, {transform_indices = #map1}]} {
    %scan3A = arith.constant 0 : i32
    %scan3A_0 = arith.constant 0 : i32
    %scan3A_1 = arith.constant 200 : i32
    %scan3A_2 = arith.addi %scan3A_0, %scan3A_1 : i32
    %scan3A_3 = arith.constant 1 : i32
    %scan3A_4 = scf.for %scan3A_28 = %scan3A_0 to %scan3A_2 step %scan3A_3 iter_args(%scan3A_29 = %scan3A) -> (i32)  : i32 {
      %broadcast_in_dim3A = arith.constant 0.000000e+00 : f32
      %broadcast_in_dim3A_30 = vector.broadcast %broadcast_in_dim3A : f32 to vector<16xf32>
      %swap3A = arith.index_cast %scan3A_28 : i32 to index
      %swap3A_31 = arith.constant 0 : index
      %swap3A_32 = tpu.vector_load %arg10[%swap3A, %swap3A_31] {strides = array<i32>} : memref<200x16xf32, #tpu.memory_space<vmem>>, vector<1x16xf32>,
      %swap3A_33 = vector.shape_cast %swap3A_32 : vector<1x16xf32> to vector<16xf32>
      %swap3A_34 = vector.shape_cast %broadcast_in_dim3A_30 : vector<16xf32> to vector<1x16xf32>
      tpu.vector_store %arg10[%swap3A, %swap3A_31], %swap3A_34 {strides = array<i32>} : memref<200x16xf32, #tpu.memory_space<vmem>>, vector<1x16xf32>,
      %scan3A_35 = arith.constant 0 : i32
      scf.yield %scan3A_35 : i32
    }
    %scan3A_5 = arith.constant 200 : i32
    %scan3A_6 = arith.constant 0 : i32
    %scan3A_7 = arith.constant 0 : i32
    %scan3A_8 = arith.constant 32 : i32
    %scan3A_9 = arith.addi %scan3A_7, %scan3A_8 : i32
    %scan3A_10 = arith.constant 1 : i32
    %scan3A_11 = scf.for %scan3A_28 = %scan3A_7 to %scan3A_9 step %scan3A_10 iter_args(%scan3A_29 = %scan3A_6) -> (i32)  : i32 {
      %mul3A_30 = arith.constant 6400 : i32
      %mul3A_31 = arith.muli %arg1, %mul3A_30 : i32
      %mul3A_32 = arith.constant 200 : i32
      %mul3A_33 = arith.muli %scan3A_28, %mul3A_32 : i32
      %add3A_34 = arith.addi %mul3A_31, %mul3A_33 : i32
      "tpu.region"() ({
        %run_scoped3A = tpu.sem_alloc : memref<!tpu.dma_semaphore, #tpu.memory_space<semaphore_mem>>
        %dma_start3A = arith.constant 0 : i32
        %dma_start3A_36 = tpu.memref_slice %arg6[%add3A_34, %dma_start3A] : memref<102400x16xf32, #tpu.memory_space<vmem_shared>> -> memref<200x16xf32, #tpu.memory_space<vmem_shared>>
        %dma_start3A_37 = arith.constant 0 : i32
        %dma_start3A_38 = tpu.memref_slice %arg6[%add3A_34, %dma_start3A_37] : memref<102400x16xf32, #tpu.memory_space<vmem_shared>> -> memref<200x16xf32, #tpu.memory_space<vmem_shared>>
        tpu.enqueue_dma source(%arg10 : memref<200x16xf32, #tpu.memory_space<vmem>>) target(%dma_start3A_38 : memref<200x16xf32, #tpu.memory_space<vmem_shared>>) target_semaphore(%run_scoped3A : memref<!tpu.dma_semaphore, #tpu.memory_space<semaphore_mem>>)
        %dma_wait3A = arith.constant 0 : i32
        %dma_wait3A_39 = tpu.memref_slice %arg6[%add3A_34, %dma_wait3A] : memref<102400x16xf32, #tpu.memory_space<vmem_shared>> -> memref<200x16xf32, #tpu.memory_space<vmem_shared>>
        %dma_wait3A_40 = arith.constant 0 : i32
        %dma_wait3A_41 = tpu.memref_slice %arg6[%add3A_34, %dma_wait3A_40] : memref<102400x16xf32, #tpu.memory_space<vmem_shared>> -> memref<200x16xf32, #tpu.memory_space<vmem_shared>>
        tpu.wait_dma2 semaphore(%run_scoped3A : memref<!tpu.dma_semaphore, #tpu.memory_space<semaphore_mem>>) src(%arg10 : memref<200x16xf32, #tpu.memory_space<vmem>>) dst(%dma_wait3A_41 : memref<200x16xf32, #tpu.memory_space<vmem_shared>>)
        tpu.yield
      }) : () -> ()
      %scan3A_35 = arith.constant 0 : i32
      scf.yield %scan3A_35 : i32
    }
    %scan3A_12 = arith.constant 32 : i32
    %barrier3A = arith.constant 0 : index
    tpu.barrier barrier_id(%barrier3A)
    %mul3A = arith.constant 16 : i32
    %mul3A_13 = arith.muli %arg0, %mul3A : i32
    %add3A = arith.addi %mul3A_13, %arg1 : i32
    %mul3A_14 = arith.constant 1568 : i32
    %mul3A_15 = arith.muli %add3A, %mul3A_14 : i32
    %scan3A_16 = arith.constant 0 : i32
    %scan3A_17 = arith.constant 0 : i32
    %scan3A_18 = arith.constant 196 : i32
    %scan3A_19 = arith.addi %scan3A_17, %scan3A_18 : i32
    %scan3A_20 = arith.constant 1 : i32
    %scan3A_21 = scf.for %scan3A_28 = %scan3A_17 to %scan3A_19 step %scan3A_20 iter_args(%scan3A_29 = %scan3A_16) -> (i32)  : i32 {
      %mul3A_30 = arith.constant 8 : i32
      %mul3A_31 = arith.muli %scan3A_28, %mul3A_30 : i32
      %add3A_32 = arith.addi %mul3A_15, %mul3A_31 : i32
      "tpu.region"() ({
        %run_scoped3A = tpu.sem_alloc : memref<!tpu.dma_semaphore, #tpu.memory_space<semaphore_mem>>
        %dma_start3A_416 = arith.constant 0 : i32
        %dma_start3A_417 = tpu.memref_slice %arg3[%add3A_32, %dma_start3A_416] : memref<50176x128xi32, #tpu.memory_space<hbm>> -> memref<8x128xi32, #tpu.memory_space<hbm>>
        %dma_start3A_418 = arith.constant 0 : i32
        %dma_start3A_419 = tpu.memref_slice %arg3[%add3A_32, %dma_start3A_418] : memref<50176x128xi32, #tpu.memory_space<hbm>> -> memref<8x128xi32, #tpu.memory_space<hbm>>
        tpu.enqueue_dma source(%dma_start3A_419 : memref<8x128xi32, #tpu.memory_space<hbm>>) target(%arg7 : memref<8x128xi32, #tpu.memory_space<vmem>>) target_semaphore(%run_scoped3A : memref<!tpu.dma_semaphore, #tpu.memory_space<semaphore_mem>>)
        %dma_wait3A_420 = arith.constant 0 : i32
        %dma_wait3A_421 = tpu.memref_slice %arg3[%add3A_32, %dma_wait3A_420] : memref<50176x128xi32, #tpu.memory_space<hbm>> -> memref<8x128xi32, #tpu.memory_space<hbm>>
        %dma_wait3A_422 = arith.constant 0 : i32
        %dma_wait3A_423 = tpu.memref_slice %arg3[%add3A_32, %dma_wait3A_422] : memref<50176x128xi32, #tpu.memory_space<hbm>> -> memref<8x128xi32, #tpu.memory_space<hbm>>
        tpu.wait_dma2 semaphore(%run_scoped3A : memref<!tpu.dma_semaphore, #tpu.memory_space<semaphore_mem>>) src(%dma_wait3A_423 : memref<8x128xi32, #tpu.memory_space<hbm>>) dst(%arg7 : memref<8x128xi32, #tpu.memory_space<vmem>>)
        tpu.yield
      }) : () -> ()
      "tpu.region"() ({
        %run_scoped3A = tpu.sem_alloc : memref<!tpu.dma_semaphore, #tpu.memory_space<semaphore_mem>>
        %dma_start3A_416 = arith.constant 0 : i32
        %dma_start3A_417 = tpu.memref_slice %arg4[%add3A_32, %dma_start3A_416] : memref<50176x128xi32, #tpu.memory_space<hbm>> -> memref<8x128xi32, #tpu.memory_space<hbm>>
        %dma_start3A_418 = arith.constant 0 : i32
        %dma_start3A_419 = tpu.memref_slice %arg4[%add3A_32, %dma_start3A_418] : memref<50176x128xi32, #tpu.memory_space<hbm>> -> memref<8x128xi32, #tpu.memory_space<hbm>>
        tpu.enqueue_dma source(%dma_start3A_419 : memref<8x128xi32, #tpu.memory_space<hbm>>) target(%arg8 : memref<8x128xi32, #tpu.memory_space<vmem>>) target_semaphore(%run_scoped3A : memref<!tpu.dma_semaphore, #tpu.memory_space<semaphore_mem>>)
        %dma_wait3A_420 = arith.constant 0 : i32
        %dma_wait3A_421 = tpu.memref_slice %arg4[%add3A_32, %dma_wait3A_420] : memref<50176x128xi32, #tpu.memory_space<hbm>> -> memref<8x128xi32, #tpu.memory_space<hbm>>
        %dma_wait3A_422 = arith.constant 0 : i32
        %dma_wait3A_423 = tpu.memref_slice %arg4[%add3A_32, %dma_wait3A_422] : memref<50176x128xi32, #tpu.memory_space<hbm>> -> memref<8x128xi32, #tpu.memory_space<hbm>>
        tpu.wait_dma2 semaphore(%run_scoped3A : memref<!tpu.dma_semaphore, #tpu.memory_space<semaphore_mem>>) src(%dma_wait3A_423 : memref<8x128xi32, #tpu.memory_space<hbm>>) dst(%arg8 : memref<8x128xi32, #tpu.memory_space<vmem>>)
        tpu.yield
      }) : () -> ()
      %dma_start3A = arith.constant 0 : i32
      %dma_start3A_33 = arith.constant 0 : i32
      %dma_start3A_34 = arith.constant 0 : i32
      %dma_start3A_35 = arith.constant 0 : i32
      %dma_start3A_36 = tpu.memref_slice %arg9[%dma_start3A_33, %dma_start3A_34, %dma_start3A_35] : memref<8x128x16xf32, #tpu.memory_space<vmem>> -> memref<1x128x16xf32, #tpu.memory_space<vmem>>
      %dma_start3A_37 = tpu.memref_squeeze %dma_start3A_36 : memref<1x128x16xf32, #tpu.memory_space<vmem>> -> memref<128x16xf32, #tpu.memory_space<vmem>>
      %dma_start3A_38 = arith.constant 0 : i32
      %dma_start3A_39 = tpu.memref_slice %arg7[%dma_start3A, %dma_start3A_38] : memref<8x128xi32, #tpu.memory_space<vmem>> -> memref<1x128xi32, #tpu.memory_space<vmem>>
      %dma_start3A_40 = tpu.memref_squeeze %dma_start3A_39 : memref<1x128xi32, #tpu.memory_space<vmem>> -> memref<128xi32, #tpu.memory_space<vmem>>
      %dma_start3A_41 = arith.constant 0 : i32
      %dma_start3A_42 = arith.constant 0 : i32
      %dma_start3A_43 = tpu.memref_slice %arg2[%dma_start3A_41, %dma_start3A_42] : memref<102400x16xf32, #tpu.memory_space<hbm>> -> memref<102400x16xf32, #tpu.memory_space<hbm>>
      tpu.enqueue_indirect_dma source(%dma_start3A_43 : memref<102400x16xf32, #tpu.memory_space<hbm>>) target(%dma_start3A_37 : memref<128x16xf32, #tpu.memory_space<vmem>>) offsets(%dma_start3A_40 : memref<128xi32, #tpu.memory_space<vmem>>) semaphore(%arg11 : memref<!tpu.dma_semaphore, #tpu.memory_space<semaphore_mem>>)
      %dma_start3A_44 = arith.constant 1 : i32
      %dma_start3A_45 = arith.constant 1 : i32
      %dma_start3A_46 = arith.constant 0 : i32
      %dma_start3A_47 = arith.constant 0 : i32
      %dma_start3A_48 = tpu.memref_slice %arg9[%dma_start3A_45, %dma_start3A_46, %dma_start3A_47] : memref<8x128x16xf32, #tpu.memory_space<vmem>> -> memref<1x128x16xf32, #tpu.memory_space<vmem>>
      %dma_start3A_49 = tpu.memref_squeeze %dma_start3A_48 : memref<1x128x16xf32, #tpu.memory_space<vmem>> -> memref<128x16xf32, #tpu.memory_space<vmem>>
      %dma_start3A_50 = arith.constant 0 : i32
      %dma_start3A_51 = tpu.memref_slice %arg7[%dma_start3A_44, %dma_start3A_50] : memref<8x128xi32, #tpu.memory_space<vmem>> -> memref<1x128xi32, #tpu.memory_space<vmem>>
      %dma_start3A_52 = tpu.memref_squeeze %dma_start3A_51 : memref<1x128xi32, #tpu.memory_space<vmem>> -> memref<128xi32, #tpu.memory_space<vmem>>
      %dma_start3A_53 = arith.constant 0 : i32
      %dma_start3A_54 = arith.constant 0 : i32
      %dma_start3A_55 = tpu.memref_slice %arg2[%dma_start3A_53, %dma_start3A_54] : memref<102400x16xf32, #tpu.memory_space<hbm>> -> memref<102400x16xf32, #tpu.memory_space<hbm>>
      tpu.enqueue_indirect_dma source(%dma_start3A_55 : memref<102400x16xf32, #tpu.memory_space<hbm>>) target(%dma_start3A_49 : memref<128x16xf32, #tpu.memory_space<vmem>>) offsets(%dma_start3A_52 : memref<128xi32, #tpu.memory_space<vmem>>) semaphore(%arg11 : memref<!tpu.dma_semaphore, #tpu.memory_space<semaphore_mem>>)
      %dma_start3A_56 = arith.constant 2 : i32
      %dma_start3A_57 = arith.constant 2 : i32
      %dma_start3A_58 = arith.constant 0 : i32
      %dma_start3A_59 = arith.constant 0 : i32
      %dma_start3A_60 = tpu.memref_slice %arg9[%dma_start3A_57, %dma_start3A_58, %dma_start3A_59] : memref<8x128x16xf32, #tpu.memory_space<vmem>> -> memref<1x128x16xf32, #tpu.memory_space<vmem>>
      %dma_start3A_61 = tpu.memref_squeeze %dma_start3A_60 : memref<1x128x16xf32, #tpu.memory_space<vmem>> -> memref<128x16xf32, #tpu.memory_space<vmem>>
      %dma_start3A_62 = arith.constant 0 : i32
      %dma_start3A_63 = tpu.memref_slice %arg7[%dma_start3A_56, %dma_start3A_62] : memref<8x128xi32, #tpu.memory_space<vmem>> -> memref<1x128xi32, #tpu.memory_space<vmem>>
      %dma_start3A_64 = tpu.memref_squeeze %dma_start3A_63 : memref<1x128xi32, #tpu.memory_space<vmem>> -> memref<128xi32, #tpu.memory_space<vmem>>
      %dma_start3A_65 = arith.constant 0 : i32
      %dma_start3A_66 = arith.constant 0 : i32
      %dma_start3A_67 = tpu.memref_slice %arg2[%dma_start3A_65, %dma_start3A_66] : memref<102400x16xf32, #tpu.memory_space<hbm>> -> memref<102400x16xf32, #tpu.memory_space<hbm>>
      tpu.enqueue_indirect_dma source(%dma_start3A_67 : memref<102400x16xf32, #tpu.memory_space<hbm>>) target(%dma_start3A_61 : memref<128x16xf32, #tpu.memory_space<vmem>>) offsets(%dma_start3A_64 : memref<128xi32, #tpu.memory_space<vmem>>) semaphore(%arg11 : memref<!tpu.dma_semaphore, #tpu.memory_space<semaphore_mem>>)
      %dma_start3A_68 = arith.constant 3 : i32
      %dma_start3A_69 = arith.constant 3 : i32
      %dma_start3A_70 = arith.constant 0 : i32
      %dma_start3A_71 = arith.constant 0 : i32
      %dma_start3A_72 = tpu.memref_slice %arg9[%dma_start3A_69, %dma_start3A_70, %dma_start3A_71] : memref<8x128x16xf32, #tpu.memory_space<vmem>> -> memref<1x128x16xf32, #tpu.memory_space<vmem>>
      %dma_start3A_73 = tpu.memref_squeeze %dma_start3A_72 : memref<1x128x16xf32, #tpu.memory_space<vmem>> -> memref<128x16xf32, #tpu.memory_space<vmem>>
      %dma_start3A_74 = arith.constant 0 : i32
      %dma_start3A_75 = tpu.memref_slice %arg7[%dma_start3A_68, %dma_start3A_74] : memref<8x128xi32, #tpu.memory_space<vmem>> -> memref<1x128xi32, #tpu.memory_space<vmem>>
      %dma_start3A_76 = tpu.memref_squeeze %dma_start3A_75 : memref<1x128xi32, #tpu.memory_space<vmem>> -> memref<128xi32, #tpu.memory_space<vmem>>
      %dma_start3A_77 = arith.constant 0 : i32
      %dma_start3A_78 = arith.constant 0 : i32
      %dma_start3A_79 = tpu.memref_slice %arg2[%dma_start3A_77, %dma_start3A_78] : memref<102400x16xf32, #tpu.memory_space<hbm>> -> memref<102400x16xf32, #tpu.memory_space<hbm>>
      tpu.enqueue_indirect_dma source(%dma_start3A_79 : memref<102400x16xf32, #tpu.memory_space<hbm>>) target(%dma_start3A_73 : memref<128x16xf32, #tpu.memory_space<vmem>>) offsets(%dma_start3A_76 : memref<128xi32, #tpu.memory_space<vmem>>) semaphore(%arg11 : memref<!tpu.dma_semaphore, #tpu.memory_space<semaphore_mem>>)
      %dma_start3A_80 = arith.constant 4 : i32
      %dma_start3A_81 = arith.constant 4 : i32
      %dma_start3A_82 = arith.constant 0 : i32
      %dma_start3A_83 = arith.constant 0 : i32
      %dma_start3A_84 = tpu.memref_slice %arg9[%dma_start3A_81, %dma_start3A_82, %dma_start3A_83] : memref<8x128x16xf32, #tpu.memory_space<vmem>> -> memref<1x128x16xf32, #tpu.memory_space<vmem>>
      %dma_start3A_85 = tpu.memref_squeeze %dma_start3A_84 : memref<1x128x16xf32, #tpu.memory_space<vmem>> -> memref<128x16xf32, #tpu.memory_space<vmem>>
      %dma_start3A_86 = arith.constant 0 : i32
      %dma_start3A_87 = tpu.memref_slice %arg7[%dma_start3A_80, %dma_start3A_86] : memref<8x128xi32, #tpu.memory_space<vmem>> -> memref<1x128xi32, #tpu.memory_space<vmem>>
      %dma_start3A_88 = tpu.memref_squeeze %dma_start3A_87 : memref<1x128xi32, #tpu.memory_space<vmem>> -> memref<128xi32, #tpu.memory_space<vmem>>
      %dma_start3A_89 = arith.constant 0 : i32
      %dma_start3A_90 = arith.constant 0 : i32
      %dma_start3A_91 = tpu.memref_slice %arg2[%dma_start3A_89, %dma_start3A_90] : memref<102400x16xf32, #tpu.memory_space<hbm>> -> memref<102400x16xf32, #tpu.memory_space<hbm>>
      tpu.enqueue_indirect_dma source(%dma_start3A_91 : memref<102400x16xf32, #tpu.memory_space<hbm>>) target(%dma_start3A_85 : memref<128x16xf32, #tpu.memory_space<vmem>>) offsets(%dma_start3A_88 : memref<128xi32, #tpu.memory_space<vmem>>) semaphore(%arg11 : memref<!tpu.dma_semaphore, #tpu.memory_space<semaphore_mem>>)
      %dma_start3A_92 = arith.constant 5 : i32
      %dma_start3A_93 = arith.constant 5 : i32
      %dma_start3A_94 = arith.constant 0 : i32
      %dma_start3A_95 = arith.constant 0 : i32
      %dma_start3A_96 = tpu.memref_slice %arg9[%dma_start3A_93, %dma_start3A_94, %dma_start3A_95] : memref<8x128x16xf32, #tpu.memory_space<vmem>> -> memref<1x128x16xf32, #tpu.memory_space<vmem>>
      %dma_start3A_97 = tpu.memref_squeeze %dma_start3A_96 : memref<1x128x16xf32, #tpu.memory_space<vmem>> -> memref<128x16xf32, #tpu.memory_space<vmem>>
      %dma_start3A_98 = arith.constant 0 : i32
      %dma_start3A_99 = tpu.memref_slice %arg7[%dma_start3A_92, %dma_start3A_98] : memref<8x128xi32, #tpu.memory_space<vmem>> -> memref<1x128xi32, #tpu.memory_space<vmem>>
      %dma_start3A_100 = tpu.memref_squeeze %dma_start3A_99 : memref<1x128xi32, #tpu.memory_space<vmem>> -> memref<128xi32, #tpu.memory_space<vmem>>
      %dma_start3A_101 = arith.constant 0 : i32
      %dma_start3A_102 = arith.constant 0 : i32
      %dma_start3A_103 = tpu.memref_slice %arg2[%dma_start3A_101, %dma_start3A_102] : memref<102400x16xf32, #tpu.memory_space<hbm>> -> memref<102400x16xf32, #tpu.memory_space<hbm>>
      tpu.enqueue_indirect_dma source(%dma_start3A_103 : memref<102400x16xf32, #tpu.memory_space<hbm>>) target(%dma_start3A_97 : memref<128x16xf32, #tpu.memory_space<vmem>>) offsets(%dma_start3A_100 : memref<128xi32, #tpu.memory_space<vmem>>) semaphore(%arg11 : memref<!tpu.dma_semaphore, #tpu.memory_space<semaphore_mem>>)
      %dma_start3A_104 = arith.constant 6 : i32
      %dma_start3A_105 = arith.constant 6 : i32
      %dma_start3A_106 = arith.constant 0 : i32
      %dma_start3A_107 = arith.constant 0 : i32
      %dma_start3A_108 = tpu.memref_slice %arg9[%dma_start3A_105, %dma_start3A_106, %dma_start3A_107] : memref<8x128x16xf32, #tpu.memory_space<vmem>> -> memref<1x128x16xf32, #tpu.memory_space<vmem>>
      %dma_start3A_109 = tpu.memref_squeeze %dma_start3A_108 : memref<1x128x16xf32, #tpu.memory_space<vmem>> -> memref<128x16xf32, #tpu.memory_space<vmem>>
      %dma_start3A_110 = arith.constant 0 : i32
      %dma_start3A_111 = tpu.memref_slice %arg7[%dma_start3A_104, %dma_start3A_110] : memref<8x128xi32, #tpu.memory_space<vmem>> -> memref<1x128xi32, #tpu.memory_space<vmem>>
      %dma_start3A_112 = tpu.memref_squeeze %dma_start3A_111 : memref<1x128xi32, #tpu.memory_space<vmem>> -> memref<128xi32, #tpu.memory_space<vmem>>
      %dma_start3A_113 = arith.constant 0 : i32
      %dma_start3A_114 = arith.constant 0 : i32
      %dma_start3A_115 = tpu.memref_slice %arg2[%dma_start3A_113, %dma_start3A_114] : memref<102400x16xf32, #tpu.memory_space<hbm>> -> memref<102400x16xf32, #tpu.memory_space<hbm>>
      tpu.enqueue_indirect_dma source(%dma_start3A_115 : memref<102400x16xf32, #tpu.memory_space<hbm>>) target(%dma_start3A_109 : memref<128x16xf32, #tpu.memory_space<vmem>>) offsets(%dma_start3A_112 : memref<128xi32, #tpu.memory_space<vmem>>) semaphore(%arg11 : memref<!tpu.dma_semaphore, #tpu.memory_space<semaphore_mem>>)
      %dma_start3A_116 = arith.constant 7 : i32
      %dma_start3A_117 = arith.constant 7 : i32
      %dma_start3A_118 = arith.constant 0 : i32
      %dma_start3A_119 = arith.constant 0 : i32
      %dma_start3A_120 = tpu.memref_slice %arg9[%dma_start3A_117, %dma_start3A_118, %dma_start3A_119] : memref<8x128x16xf32, #tpu.memory_space<vmem>> -> memref<1x128x16xf32, #tpu.memory_space<vmem>>
      %dma_start3A_121 = tpu.memref_squeeze %dma_start3A_120 : memref<1x128x16xf32, #tpu.memory_space<vmem>> -> memref<128x16xf32, #tpu.memory_space<vmem>>
      %dma_start3A_122 = arith.constant 0 : i32
      %dma_start3A_123 = tpu.memref_slice %arg7[%dma_start3A_116, %dma_start3A_122] : memref<8x128xi32, #tpu.memory_space<vmem>> -> memref<1x128xi32, #tpu.memory_space<vmem>>
      %dma_start3A_124 = tpu.memref_squeeze %dma_start3A_123 : memref<1x128xi32, #tpu.memory_space<vmem>> -> memref<128xi32, #tpu.memory_space<vmem>>
      %dma_start3A_125 = arith.constant 0 : i32
      %dma_start3A_126 = arith.constant 0 : i32
      %dma_start3A_127 = tpu.memref_slice %arg2[%dma_start3A_125, %dma_start3A_126] : memref<102400x16xf32, #tpu.memory_space<hbm>> -> memref<102400x16xf32, #tpu.memory_space<hbm>>
      tpu.enqueue_indirect_dma source(%dma_start3A_127 : memref<102400x16xf32, #tpu.memory_space<hbm>>) target(%dma_start3A_121 : memref<128x16xf32, #tpu.memory_space<vmem>>) offsets(%dma_start3A_124 : memref<128xi32, #tpu.memory_space<vmem>>) semaphore(%arg11 : memref<!tpu.dma_semaphore, #tpu.memory_space<semaphore_mem>>)
      %dma_wait3A = arith.constant 0 : i32
      %dma_wait3A_128 = arith.constant 0 : i32
      %dma_wait3A_129 = arith.constant 0 : i32
      %dma_wait3A_130 = arith.constant 0 : i32
      %dma_wait3A_131 = tpu.memref_slice %arg9[%dma_wait3A_128, %dma_wait3A_129, %dma_wait3A_130] : memref<8x128x16xf32, #tpu.memory_space<vmem>> -> memref<1x128x16xf32, #tpu.memory_space<vmem>>
      %dma_wait3A_132 = tpu.memref_squeeze %dma_wait3A_131 : memref<1x128x16xf32, #tpu.memory_space<vmem>> -> memref<128x16xf32, #tpu.memory_space<vmem>>
      %dma_wait3A_133 = arith.constant 0 : i32
      %dma_wait3A_134 = tpu.memref_slice %arg7[%dma_wait3A, %dma_wait3A_133] : memref<8x128xi32, #tpu.memory_space<vmem>> -> memref<1x128xi32, #tpu.memory_space<vmem>>
      %dma_wait3A_135 = tpu.memref_squeeze %dma_wait3A_134 : memref<1x128xi32, #tpu.memory_space<vmem>> -> memref<128xi32, #tpu.memory_space<vmem>>
      %dma_wait3A_136 = arith.constant 0 : i32
      %dma_wait3A_137 = arith.constant 0 : i32
      %dma_wait3A_138 = tpu.memref_slice %arg2[%dma_wait3A_136, %dma_wait3A_137] : memref<102400x16xf32, #tpu.memory_space<hbm>> -> memref<102400x16xf32, #tpu.memory_space<hbm>>
      tpu.wait_indirect_dma semaphore(%arg11 : memref<!tpu.dma_semaphore, #tpu.memory_space<semaphore_mem>>) src(%dma_wait3A_138 : memref<102400x16xf32, #tpu.memory_space<hbm>>) dst(%dma_wait3A_132 : memref<128x16xf32, #tpu.memory_space<vmem>>)
      %dma_wait3A_139 = arith.constant 1 : i32
      %dma_wait3A_140 = arith.constant 1 : i32
      %dma_wait3A_141 = arith.constant 0 : i32
      %dma_wait3A_142 = arith.constant 0 : i32
      %dma_wait3A_143 = tpu.memref_slice %arg9[%dma_wait3A_140, %dma_wait3A_141, %dma_wait3A_142] : memref<8x128x16xf32, #tpu.memory_space<vmem>> -> memref<1x128x16xf32, #tpu.memory_space<vmem>>
      %dma_wait3A_144 = tpu.memref_squeeze %dma_wait3A_143 : memref<1x128x16xf32, #tpu.memory_space<vmem>> -> memref<128x16xf32, #tpu.memory_space<vmem>>
      %dma_wait3A_145 = arith.constant 0 : i32
      %dma_wait3A_146 = tpu.memref_slice %arg7[%dma_wait3A_139, %dma_wait3A_145] : memref<8x128xi32, #tpu.memory_space<vmem>> -> memref<1x128xi32, #tpu.memory_space<vmem>>
      %dma_wait3A_147 = tpu.memref_squeeze %dma_wait3A_146 : memref<1x128xi32, #tpu.memory_space<vmem>> -> memref<128xi32, #tpu.memory_space<vmem>>
      %dma_wait3A_148 = arith.constant 0 : i32
      %dma_wait3A_149 = arith.constant 0 : i32
      %dma_wait3A_150 = tpu.memref_slice %arg2[%dma_wait3A_148, %dma_wait3A_149] : memref<102400x16xf32, #tpu.memory_space<hbm>> -> memref<102400x16xf32, #tpu.memory_space<hbm>>
      tpu.wait_indirect_dma semaphore(%arg11 : memref<!tpu.dma_semaphore, #tpu.memory_space<semaphore_mem>>) src(%dma_wait3A_150 : memref<102400x16xf32, #tpu.memory_space<hbm>>) dst(%dma_wait3A_144 : memref<128x16xf32, #tpu.memory_space<vmem>>)
      %dma_wait3A_151 = arith.constant 2 : i32
      %dma_wait3A_152 = arith.constant 2 : i32
      %dma_wait3A_153 = arith.constant 0 : i32
      %dma_wait3A_154 = arith.constant 0 : i32
      %dma_wait3A_155 = tpu.memref_slice %arg9[%dma_wait3A_152, %dma_wait3A_153, %dma_wait3A_154] : memref<8x128x16xf32, #tpu.memory_space<vmem>> -> memref<1x128x16xf32, #tpu.memory_space<vmem>>
      %dma_wait3A_156 = tpu.memref_squeeze %dma_wait3A_155 : memref<1x128x16xf32, #tpu.memory_space<vmem>> -> memref<128x16xf32, #tpu.memory_space<vmem>>
      %dma_wait3A_157 = arith.constant 0 : i32
      %dma_wait3A_158 = tpu.memref_slice %arg7[%dma_wait3A_151, %dma_wait3A_157] : memref<8x128xi32, #tpu.memory_space<vmem>> -> memref<1x128xi32, #tpu.memory_space<vmem>>
      %dma_wait3A_159 = tpu.memref_squeeze %dma_wait3A_158 : memref<1x128xi32, #tpu.memory_space<vmem>> -> memref<128xi32, #tpu.memory_space<vmem>>
      %dma_wait3A_160 = arith.constant 0 : i32
      %dma_wait3A_161 = arith.constant 0 : i32
      %dma_wait3A_162 = tpu.memref_slice %arg2[%dma_wait3A_160, %dma_wait3A_161] : memref<102400x16xf32, #tpu.memory_space<hbm>> -> memref<102400x16xf32, #tpu.memory_space<hbm>>
      tpu.wait_indirect_dma semaphore(%arg11 : memref<!tpu.dma_semaphore, #tpu.memory_space<semaphore_mem>>) src(%dma_wait3A_162 : memref<102400x16xf32, #tpu.memory_space<hbm>>) dst(%dma_wait3A_156 : memref<128x16xf32, #tpu.memory_space<vmem>>)
      %dma_wait3A_163 = arith.constant 3 : i32
      %dma_wait3A_164 = arith.constant 3 : i32
      %dma_wait3A_165 = arith.constant 0 : i32
      %dma_wait3A_166 = arith.constant 0 : i32
      %dma_wait3A_167 = tpu.memref_slice %arg9[%dma_wait3A_164, %dma_wait3A_165, %dma_wait3A_166] : memref<8x128x16xf32, #tpu.memory_space<vmem>> -> memref<1x128x16xf32, #tpu.memory_space<vmem>>
      %dma_wait3A_168 = tpu.memref_squeeze %dma_wait3A_167 : memref<1x128x16xf32, #tpu.memory_space<vmem>> -> memref<128x16xf32, #tpu.memory_space<vmem>>
      %dma_wait3A_169 = arith.constant 0 : i32
      %dma_wait3A_170 = tpu.memref_slice %arg7[%dma_wait3A_163, %dma_wait3A_169] : memref<8x128xi32, #tpu.memory_space<vmem>> -> memref<1x128xi32, #tpu.memory_space<vmem>>
      %dma_wait3A_171 = tpu.memref_squeeze %dma_wait3A_170 : memref<1x128xi32, #tpu.memory_space<vmem>> -> memref<128xi32, #tpu.memory_space<vmem>>
      %dma_wait3A_172 = arith.constant 0 : i32
      %dma_wait3A_173 = arith.constant 0 : i32
      %dma_wait3A_174 = tpu.memref_slice %arg2[%dma_wait3A_172, %dma_wait3A_173] : memref<102400x16xf32, #tpu.memory_space<hbm>> -> memref<102400x16xf32, #tpu.memory_space<hbm>>
      tpu.wait_indirect_dma semaphore(%arg11 : memref<!tpu.dma_semaphore, #tpu.memory_space<semaphore_mem>>) src(%dma_wait3A_174 : memref<102400x16xf32, #tpu.memory_space<hbm>>) dst(%dma_wait3A_168 : memref<128x16xf32, #tpu.memory_space<vmem>>)
      %dma_wait3A_175 = arith.constant 4 : i32
      %dma_wait3A_176 = arith.constant 4 : i32
      %dma_wait3A_177 = arith.constant 0 : i32
      %dma_wait3A_178 = arith.constant 0 : i32
      %dma_wait3A_179 = tpu.memref_slice %arg9[%dma_wait3A_176, %dma_wait3A_177, %dma_wait3A_178] : memref<8x128x16xf32, #tpu.memory_space<vmem>> -> memref<1x128x16xf32, #tpu.memory_space<vmem>>
      %dma_wait3A_180 = tpu.memref_squeeze %dma_wait3A_179 : memref<1x128x16xf32, #tpu.memory_space<vmem>> -> memref<128x16xf32, #tpu.memory_space<vmem>>
      %dma_wait3A_181 = arith.constant 0 : i32
      %dma_wait3A_182 = tpu.memref_slice %arg7[%dma_wait3A_175, %dma_wait3A_181] : memref<8x128xi32, #tpu.memory_space<vmem>> -> memref<1x128xi32, #tpu.memory_space<vmem>>
      %dma_wait3A_183 = tpu.memref_squeeze %dma_wait3A_182 : memref<1x128xi32, #tpu.memory_space<vmem>> -> memref<128xi32, #tpu.memory_space<vmem>>
      %dma_wait3A_184 = arith.constant 0 : i32
      %dma_wait3A_185 = arith.constant 0 : i32
      %dma_wait3A_186 = tpu.memref_slice %arg2[%dma_wait3A_184, %dma_wait3A_185] : memref<102400x16xf32, #tpu.memory_space<hbm>> -> memref<102400x16xf32, #tpu.memory_space<hbm>>
      tpu.wait_indirect_dma semaphore(%arg11 : memref<!tpu.dma_semaphore, #tpu.memory_space<semaphore_mem>>) src(%dma_wait3A_186 : memref<102400x16xf32, #tpu.memory_space<hbm>>) dst(%dma_wait3A_180 : memref<128x16xf32, #tpu.memory_space<vmem>>)
      %dma_wait3A_187 = arith.constant 5 : i32
      %dma_wait3A_188 = arith.constant 5 : i32
      %dma_wait3A_189 = arith.constant 0 : i32
      %dma_wait3A_190 = arith.constant 0 : i32
      %dma_wait3A_191 = tpu.memref_slice %arg9[%dma_wait3A_188, %dma_wait3A_189, %dma_wait3A_190] : memref<8x128x16xf32, #tpu.memory_space<vmem>> -> memref<1x128x16xf32, #tpu.memory_space<vmem>>
      %dma_wait3A_192 = tpu.memref_squeeze %dma_wait3A_191 : memref<1x128x16xf32, #tpu.memory_space<vmem>> -> memref<128x16xf32, #tpu.memory_space<vmem>>
      %dma_wait3A_193 = arith.constant 0 : i32
      %dma_wait3A_194 = tpu.memref_slice %arg7[%dma_wait3A_187, %dma_wait3A_193] : memref<8x128xi32, #tpu.memory_space<vmem>> -> memref<1x128xi32, #tpu.memory_space<vmem>>
      %dma_wait3A_195 = tpu.memref_squeeze %dma_wait3A_194 : memref<1x128xi32, #tpu.memory_space<vmem>> -> memref<128xi32, #tpu.memory_space<vmem>>
      %dma_wait3A_196 = arith.constant 0 : i32
      %dma_wait3A_197 = arith.constant 0 : i32
      %dma_wait3A_198 = tpu.memref_slice %arg2[%dma_wait3A_196, %dma_wait3A_197] : memref<102400x16xf32, #tpu.memory_space<hbm>> -> memref<102400x16xf32, #tpu.memory_space<hbm>>
      tpu.wait_indirect_dma semaphore(%arg11 : memref<!tpu.dma_semaphore, #tpu.memory_space<semaphore_mem>>) src(%dma_wait3A_198 : memref<102400x16xf32, #tpu.memory_space<hbm>>) dst(%dma_wait3A_192 : memref<128x16xf32, #tpu.memory_space<vmem>>)
      %dma_wait3A_199 = arith.constant 6 : i32
      %dma_wait3A_200 = arith.constant 6 : i32
      %dma_wait3A_201 = arith.constant 0 : i32
      %dma_wait3A_202 = arith.constant 0 : i32
      %dma_wait3A_203 = tpu.memref_slice %arg9[%dma_wait3A_200, %dma_wait3A_201, %dma_wait3A_202] : memref<8x128x16xf32, #tpu.memory_space<vmem>> -> memref<1x128x16xf32, #tpu.memory_space<vmem>>
      %dma_wait3A_204 = tpu.memref_squeeze %dma_wait3A_203 : memref<1x128x16xf32, #tpu.memory_space<vmem>> -> memref<128x16xf32, #tpu.memory_space<vmem>>
      %dma_wait3A_205 = arith.constant 0 : i32
      %dma_wait3A_206 = tpu.memref_slice %arg7[%dma_wait3A_199, %dma_wait3A_205] : memref<8x128xi32, #tpu.memory_space<vmem>> -> memref<1x128xi32, #tpu.memory_space<vmem>>
      %dma_wait3A_207 = tpu.memref_squeeze %dma_wait3A_206 : memref<1x128xi32, #tpu.memory_space<vmem>> -> memref<128xi32, #tpu.memory_space<vmem>>
      %dma_wait3A_208 = arith.constant 0 : i32
      %dma_wait3A_209 = arith.constant 0 : i32
      %dma_wait3A_210 = tpu.memref_slice %arg2[%dma_wait3A_208, %dma_wait3A_209] : memref<102400x16xf32, #tpu.memory_space<hbm>> -> memref<102400x16xf32, #tpu.memory_space<hbm>>
      tpu.wait_indirect_dma semaphore(%arg11 : memref<!tpu.dma_semaphore, #tpu.memory_space<semaphore_mem>>) src(%dma_wait3A_210 : memref<102400x16xf32, #tpu.memory_space<hbm>>) dst(%dma_wait3A_204 : memref<128x16xf32, #tpu.memory_space<vmem>>)
      %dma_wait3A_211 = arith.constant 7 : i32
      %dma_wait3A_212 = arith.constant 7 : i32
      %dma_wait3A_213 = arith.constant 0 : i32
      %dma_wait3A_214 = arith.constant 0 : i32
      %dma_wait3A_215 = tpu.memref_slice %arg9[%dma_wait3A_212, %dma_wait3A_213, %dma_wait3A_214] : memref<8x128x16xf32, #tpu.memory_space<vmem>> -> memref<1x128x16xf32, #tpu.memory_space<vmem>>
      %dma_wait3A_216 = tpu.memref_squeeze %dma_wait3A_215 : memref<1x128x16xf32, #tpu.memory_space<vmem>> -> memref<128x16xf32, #tpu.memory_space<vmem>>
      %dma_wait3A_217 = arith.constant 0 : i32
      %dma_wait3A_218 = tpu.memref_slice %arg7[%dma_wait3A_211, %dma_wait3A_217] : memref<8x128xi32, #tpu.memory_space<vmem>> -> memref<1x128xi32, #tpu.memory_space<vmem>>
      %dma_wait3A_219 = tpu.memref_squeeze %dma_wait3A_218 : memref<1x128xi32, #tpu.memory_space<vmem>> -> memref<128xi32, #tpu.memory_space<vmem>>
      %dma_wait3A_220 = arith.constant 0 : i32
      %dma_wait3A_221 = arith.constant 0 : i32
      %dma_wait3A_222 = tpu.memref_slice %arg2[%dma_wait3A_220, %dma_wait3A_221] : memref<102400x16xf32, #tpu.memory_space<hbm>> -> memref<102400x16xf32, #tpu.memory_space<hbm>>
      tpu.wait_indirect_dma semaphore(%arg11 : memref<!tpu.dma_semaphore, #tpu.memory_space<semaphore_mem>>) src(%dma_wait3A_222 : memref<102400x16xf32, #tpu.memory_space<hbm>>) dst(%dma_wait3A_216 : memref<128x16xf32, #tpu.memory_space<vmem>>)
      %dma_start3A_223 = arith.constant 0 : i32
      %dma_start3A_224 = arith.constant 0 : i32
      %dma_start3A_225 = arith.constant 0 : i32
      %dma_start3A_226 = arith.constant 0 : i32
      %dma_start3A_227 = tpu.memref_slice %arg9[%dma_start3A_223, %dma_start3A_225, %dma_start3A_226] : memref<8x128x16xf32, #tpu.memory_space<vmem>> -> memref<1x128x16xf32, #tpu.memory_space<vmem>>
      %dma_start3A_228 = tpu.memref_squeeze %dma_start3A_227 : memref<1x128x16xf32, #tpu.memory_space<vmem>> -> memref<128x16xf32, #tpu.memory_space<vmem>>
      %dma_start3A_229 = arith.constant 0 : i32
      %dma_start3A_230 = tpu.memref_slice %arg8[%dma_start3A_224, %dma_start3A_229] : memref<8x128xi32, #tpu.memory_space<vmem>> -> memref<1x128xi32, #tpu.memory_space<vmem>>
      %dma_start3A_231 = tpu.memref_squeeze %dma_start3A_230 : memref<1x128xi32, #tpu.memory_space<vmem>> -> memref<128xi32, #tpu.memory_space<vmem>>
      %dma_start3A_232 = arith.constant 0 : i32
      %dma_start3A_233 = arith.constant 0 : i32
      %dma_start3A_234 = tpu.memref_slice %arg6[%dma_start3A_232, %dma_start3A_233] : memref<102400x16xf32, #tpu.memory_space<vmem_shared>> -> memref<102400x16xf32, #tpu.memory_space<vmem_shared>>
      tpu.enqueue_indirect_dma source(%dma_start3A_228 : memref<128x16xf32, #tpu.memory_space<vmem>>) target(%dma_start3A_234 : memref<102400x16xf32, #tpu.memory_space<vmem_shared>>) offsets(%dma_start3A_231 : memref<128xi32, #tpu.memory_space<vmem>>) semaphore(%arg12 : memref<!tpu.dma_semaphore, #tpu.memory_space<semaphore_mem>>) {add = true}
      %dma_start3A_235 = arith.constant 1 : i32
      %dma_start3A_236 = arith.constant 1 : i32
      %dma_start3A_237 = arith.constant 0 : i32
      %dma_start3A_238 = arith.constant 0 : i32
      %dma_start3A_239 = tpu.memref_slice %arg9[%dma_start3A_235, %dma_start3A_237, %dma_start3A_238] : memref<8x128x16xf32, #tpu.memory_space<vmem>> -> memref<1x128x16xf32, #tpu.memory_space<vmem>>
      %dma_start3A_240 = tpu.memref_squeeze %dma_start3A_239 : memref<1x128x16xf32, #tpu.memory_space<vmem>> -> memref<128x16xf32, #tpu.memory_space<vmem>>
      %dma_start3A_241 = arith.constant 0 : i32
      %dma_start3A_242 = tpu.memref_slice %arg8[%dma_start3A_236, %dma_start3A_241] : memref<8x128xi32, #tpu.memory_space<vmem>> -> memref<1x128xi32, #tpu.memory_space<vmem>>
      %dma_start3A_243 = tpu.memref_squeeze %dma_start3A_242 : memref<1x128xi32, #tpu.memory_space<vmem>> -> memref<128xi32, #tpu.memory_space<vmem>>
      %dma_start3A_244 = arith.constant 0 : i32
      %dma_start3A_245 = arith.constant 0 : i32
      %dma_start3A_246 = tpu.memref_slice %arg6[%dma_start3A_244, %dma_start3A_245] : memref<102400x16xf32, #tpu.memory_space<vmem_shared>> -> memref<102400x16xf32, #tpu.memory_space<vmem_shared>>
      tpu.enqueue_indirect_dma source(%dma_start3A_240 : memref<128x16xf32, #tpu.memory_space<vmem>>) target(%dma_start3A_246 : memref<102400x16xf32, #tpu.memory_space<vmem_shared>>) offsets(%dma_start3A_243 : memref<128xi32, #tpu.memory_space<vmem>>) semaphore(%arg12 : memref<!tpu.dma_semaphore, #tpu.memory_space<semaphore_mem>>) {add = true}
      %dma_start3A_247 = arith.constant 2 : i32
      %dma_start3A_248 = arith.constant 2 : i32
      %dma_start3A_249 = arith.constant 0 : i32
      %dma_start3A_250 = arith.constant 0 : i32
      %dma_start3A_251 = tpu.memref_slice %arg9[%dma_start3A_247, %dma_start3A_249, %dma_start3A_250] : memref<8x128x16xf32, #tpu.memory_space<vmem>> -> memref<1x128x16xf32, #tpu.memory_space<vmem>>
      %dma_start3A_252 = tpu.memref_squeeze %dma_start3A_251 : memref<1x128x16xf32, #tpu.memory_space<vmem>> -> memref<128x16xf32, #tpu.memory_space<vmem>>
      %dma_start3A_253 = arith.constant 0 : i32
      %dma_start3A_254 = tpu.memref_slice %arg8[%dma_start3A_248, %dma_start3A_253] : memref<8x128xi32, #tpu.memory_space<vmem>> -> memref<1x128xi32, #tpu.memory_space<vmem>>
      %dma_start3A_255 = tpu.memref_squeeze %dma_start3A_254 : memref<1x128xi32, #tpu.memory_space<vmem>> -> memref<128xi32, #tpu.memory_space<vmem>>
      %dma_start3A_256 = arith.constant 0 : i32
      %dma_start3A_257 = arith.constant 0 : i32
      %dma_start3A_258 = tpu.memref_slice %arg6[%dma_start3A_256, %dma_start3A_257] : memref<102400x16xf32, #tpu.memory_space<vmem_shared>> -> memref<102400x16xf32, #tpu.memory_space<vmem_shared>>
      tpu.enqueue_indirect_dma source(%dma_start3A_252 : memref<128x16xf32, #tpu.memory_space<vmem>>) target(%dma_start3A_258 : memref<102400x16xf32, #tpu.memory_space<vmem_shared>>) offsets(%dma_start3A_255 : memref<128xi32, #tpu.memory_space<vmem>>) semaphore(%arg12 : memref<!tpu.dma_semaphore, #tpu.memory_space<semaphore_mem>>) {add = true}
      %dma_start3A_259 = arith.constant 3 : i32
      %dma_start3A_260 = arith.constant 3 : i32
      %dma_start3A_261 = arith.constant 0 : i32
      %dma_start3A_262 = arith.constant 0 : i32
      %dma_start3A_263 = tpu.memref_slice %arg9[%dma_start3A_259, %dma_start3A_261, %dma_start3A_262] : memref<8x128x16xf32, #tpu.memory_space<vmem>> -> memref<1x128x16xf32, #tpu.memory_space<vmem>>
      %dma_start3A_264 = tpu.memref_squeeze %dma_start3A_263 : memref<1x128x16xf32, #tpu.memory_space<vmem>> -> memref<128x16xf32, #tpu.memory_space<vmem>>
      %dma_start3A_265 = arith.constant 0 : i32
      %dma_start3A_266 = tpu.memref_slice %arg8[%dma_start3A_260, %dma_start3A_265] : memref<8x128xi32, #tpu.memory_space<vmem>> -> memref<1x128xi32, #tpu.memory_space<vmem>>
      %dma_start3A_267 = tpu.memref_squeeze %dma_start3A_266 : memref<1x128xi32, #tpu.memory_space<vmem>> -> memref<128xi32, #tpu.memory_space<vmem>>
      %dma_start3A_268 = arith.constant 0 : i32
      %dma_start3A_269 = arith.constant 0 : i32
      %dma_start3A_270 = tpu.memref_slice %arg6[%dma_start3A_268, %dma_start3A_269] : memref<102400x16xf32, #tpu.memory_space<vmem_shared>> -> memref<102400x16xf32, #tpu.memory_space<vmem_shared>>
      tpu.enqueue_indirect_dma source(%dma_start3A_264 : memref<128x16xf32, #tpu.memory_space<vmem>>) target(%dma_start3A_270 : memref<102400x16xf32, #tpu.memory_space<vmem_shared>>) offsets(%dma_start3A_267 : memref<128xi32, #tpu.memory_space<vmem>>) semaphore(%arg12 : memref<!tpu.dma_semaphore, #tpu.memory_space<semaphore_mem>>) {add = true}
      %dma_start3A_271 = arith.constant 4 : i32
      %dma_start3A_272 = arith.constant 4 : i32
      %dma_start3A_273 = arith.constant 0 : i32
      %dma_start3A_274 = arith.constant 0 : i32
      %dma_start3A_275 = tpu.memref_slice %arg9[%dma_start3A_271, %dma_start3A_273, %dma_start3A_274] : memref<8x128x16xf32, #tpu.memory_space<vmem>> -> memref<1x128x16xf32, #tpu.memory_space<vmem>>
      %dma_start3A_276 = tpu.memref_squeeze %dma_start3A_275 : memref<1x128x16xf32, #tpu.memory_space<vmem>> -> memref<128x16xf32, #tpu.memory_space<vmem>>
      %dma_start3A_277 = arith.constant 0 : i32
      %dma_start3A_278 = tpu.memref_slice %arg8[%dma_start3A_272, %dma_start3A_277] : memref<8x128xi32, #tpu.memory_space<vmem>> -> memref<1x128xi32, #tpu.memory_space<vmem>>
      %dma_start3A_279 = tpu.memref_squeeze %dma_start3A_278 : memref<1x128xi32, #tpu.memory_space<vmem>> -> memref<128xi32, #tpu.memory_space<vmem>>
      %dma_start3A_280 = arith.constant 0 : i32
      %dma_start3A_281 = arith.constant 0 : i32
      %dma_start3A_282 = tpu.memref_slice %arg6[%dma_start3A_280, %dma_start3A_281] : memref<102400x16xf32, #tpu.memory_space<vmem_shared>> -> memref<102400x16xf32, #tpu.memory_space<vmem_shared>>
      tpu.enqueue_indirect_dma source(%dma_start3A_276 : memref<128x16xf32, #tpu.memory_space<vmem>>) target(%dma_start3A_282 : memref<102400x16xf32, #tpu.memory_space<vmem_shared>>) offsets(%dma_start3A_279 : memref<128xi32, #tpu.memory_space<vmem>>) semaphore(%arg12 : memref<!tpu.dma_semaphore, #tpu.memory_space<semaphore_mem>>) {add = true}
      %dma_start3A_283 = arith.constant 5 : i32
      %dma_start3A_284 = arith.constant 5 : i32
      %dma_start3A_285 = arith.constant 0 : i32
      %dma_start3A_286 = arith.constant 0 : i32
      %dma_start3A_287 = tpu.memref_slice %arg9[%dma_start3A_283, %dma_start3A_285, %dma_start3A_286] : memref<8x128x16xf32, #tpu.memory_space<vmem>> -> memref<1x128x16xf32, #tpu.memory_space<vmem>>
      %dma_start3A_288 = tpu.memref_squeeze %dma_start3A_287 : memref<1x128x16xf32, #tpu.memory_space<vmem>> -> memref<128x16xf32, #tpu.memory_space<vmem>>
      %dma_start3A_289 = arith.constant 0 : i32
      %dma_start3A_290 = tpu.memref_slice %arg8[%dma_start3A_284, %dma_start3A_289] : memref<8x128xi32, #tpu.memory_space<vmem>> -> memref<1x128xi32, #tpu.memory_space<vmem>>
      %dma_start3A_291 = tpu.memref_squeeze %dma_start3A_290 : memref<1x128xi32, #tpu.memory_space<vmem>> -> memref<128xi32, #tpu.memory_space<vmem>>
      %dma_start3A_292 = arith.constant 0 : i32
      %dma_start3A_293 = arith.constant 0 : i32
      %dma_start3A_294 = tpu.memref_slice %arg6[%dma_start3A_292, %dma_start3A_293] : memref<102400x16xf32, #tpu.memory_space<vmem_shared>> -> memref<102400x16xf32, #tpu.memory_space<vmem_shared>>
      tpu.enqueue_indirect_dma source(%dma_start3A_288 : memref<128x16xf32, #tpu.memory_space<vmem>>) target(%dma_start3A_294 : memref<102400x16xf32, #tpu.memory_space<vmem_shared>>) offsets(%dma_start3A_291 : memref<128xi32, #tpu.memory_space<vmem>>) semaphore(%arg12 : memref<!tpu.dma_semaphore, #tpu.memory_space<semaphore_mem>>) {add = true}
      %dma_start3A_295 = arith.constant 6 : i32
      %dma_start3A_296 = arith.constant 6 : i32
      %dma_start3A_297 = arith.constant 0 : i32
      %dma_start3A_298 = arith.constant 0 : i32
      %dma_start3A_299 = tpu.memref_slice %arg9[%dma_start3A_295, %dma_start3A_297, %dma_start3A_298] : memref<8x128x16xf32, #tpu.memory_space<vmem>> -> memref<1x128x16xf32, #tpu.memory_space<vmem>>
      %dma_start3A_300 = tpu.memref_squeeze %dma_start3A_299 : memref<1x128x16xf32, #tpu.memory_space<vmem>> -> memref<128x16xf32, #tpu.memory_space<vmem>>
      %dma_start3A_301 = arith.constant 0 : i32
      %dma_start3A_302 = tpu.memref_slice %arg8[%dma_start3A_296, %dma_start3A_301] : memref<8x128xi32, #tpu.memory_space<vmem>> -> memref<1x128xi32, #tpu.memory_space<vmem>>
      %dma_start3A_303 = tpu.memref_squeeze %dma_start3A_302 : memref<1x128xi32, #tpu.memory_space<vmem>> -> memref<128xi32, #tpu.memory_space<vmem>>
      %dma_start3A_304 = arith.constant 0 : i32
      %dma_start3A_305 = arith.constant 0 : i32
      %dma_start3A_306 = tpu.memref_slice %arg6[%dma_start3A_304, %dma_start3A_305] : memref<102400x16xf32, #tpu.memory_space<vmem_shared>> -> memref<102400x16xf32, #tpu.memory_space<vmem_shared>>
      tpu.enqueue_indirect_dma source(%dma_start3A_300 : memref<128x16xf32, #tpu.memory_space<vmem>>) target(%dma_start3A_306 : memref<102400x16xf32, #tpu.memory_space<vmem_shared>>) offsets(%dma_start3A_303 : memref<128xi32, #tpu.memory_space<vmem>>) semaphore(%arg12 : memref<!tpu.dma_semaphore, #tpu.memory_space<semaphore_mem>>) {add = true}
      %dma_start3A_307 = arith.constant 7 : i32
      %dma_start3A_308 = arith.constant 7 : i32
      %dma_start3A_309 = arith.constant 0 : i32
      %dma_start3A_310 = arith.constant 0 : i32
      %dma_start3A_311 = tpu.memref_slice %arg9[%dma_start3A_307, %dma_start3A_309, %dma_start3A_310] : memref<8x128x16xf32, #tpu.memory_space<vmem>> -> memref<1x128x16xf32, #tpu.memory_space<vmem>>
      %dma_start3A_312 = tpu.memref_squeeze %dma_start3A_311 : memref<1x128x16xf32, #tpu.memory_space<vmem>> -> memref<128x16xf32, #tpu.memory_space<vmem>>
      %dma_start3A_313 = arith.constant 0 : i32
      %dma_start3A_314 = tpu.memref_slice %arg8[%dma_start3A_308, %dma_start3A_313] : memref<8x128xi32, #tpu.memory_space<vmem>> -> memref<1x128xi32, #tpu.memory_space<vmem>>
      %dma_start3A_315 = tpu.memref_squeeze %dma_start3A_314 : memref<1x128xi32, #tpu.memory_space<vmem>> -> memref<128xi32, #tpu.memory_space<vmem>>
      %dma_start3A_316 = arith.constant 0 : i32
      %dma_start3A_317 = arith.constant 0 : i32
      %dma_start3A_318 = tpu.memref_slice %arg6[%dma_start3A_316, %dma_start3A_317] : memref<102400x16xf32, #tpu.memory_space<vmem_shared>> -> memref<102400x16xf32, #tpu.memory_space<vmem_shared>>
      tpu.enqueue_indirect_dma source(%dma_start3A_312 : memref<128x16xf32, #tpu.memory_space<vmem>>) target(%dma_start3A_318 : memref<102400x16xf32, #tpu.memory_space<vmem_shared>>) offsets(%dma_start3A_315 : memref<128xi32, #tpu.memory_space<vmem>>) semaphore(%arg12 : memref<!tpu.dma_semaphore, #tpu.memory_space<semaphore_mem>>) {add = true}
      %dma_wait3A_319 = arith.constant 0 : i32
      %dma_wait3A_320 = arith.constant 0 : i32
      %dma_wait3A_321 = arith.constant 0 : i32
      %dma_wait3A_322 = arith.constant 0 : i32
      %dma_wait3A_323 = tpu.memref_slice %arg9[%dma_wait3A_319, %dma_wait3A_321, %dma_wait3A_322] : memref<8x128x16xf32, #tpu.memory_space<vmem>> -> memref<1x128x16xf32, #tpu.memory_space<vmem>>
      %dma_wait3A_324 = tpu.memref_squeeze %dma_wait3A_323 : memref<1x128x16xf32, #tpu.memory_space<vmem>> -> memref<128x16xf32, #tpu.memory_space<vmem>>
      %dma_wait3A_325 = arith.constant 0 : i32
      %dma_wait3A_326 = tpu.memref_slice %arg8[%dma_wait3A_320, %dma_wait3A_325] : memref<8x128xi32, #tpu.memory_space<vmem>> -> memref<1x128xi32, #tpu.memory_space<vmem>>
      %dma_wait3A_327 = tpu.memref_squeeze %dma_wait3A_326 : memref<1x128xi32, #tpu.memory_space<vmem>> -> memref<128xi32, #tpu.memory_space<vmem>>
      %dma_wait3A_328 = arith.constant 0 : i32
      %dma_wait3A_329 = arith.constant 0 : i32
      %dma_wait3A_330 = tpu.memref_slice %arg6[%dma_wait3A_328, %dma_wait3A_329] : memref<102400x16xf32, #tpu.memory_space<vmem_shared>> -> memref<102400x16xf32, #tpu.memory_space<vmem_shared>>
      tpu.wait_indirect_dma semaphore(%arg12 : memref<!tpu.dma_semaphore, #tpu.memory_space<semaphore_mem>>) src(%dma_wait3A_324 : memref<128x16xf32, #tpu.memory_space<vmem>>) dst(%dma_wait3A_330 : memref<102400x16xf32, #tpu.memory_space<vmem_shared>>)
      %dma_wait3A_331 = arith.constant 1 : i32
      %dma_wait3A_332 = arith.constant 1 : i32
      %dma_wait3A_333 = arith.constant 0 : i32
      %dma_wait3A_334 = arith.constant 0 : i32
      %dma_wait3A_335 = tpu.memref_slice %arg9[%dma_wait3A_331, %dma_wait3A_333, %dma_wait3A_334] : memref<8x128x16xf32, #tpu.memory_space<vmem>> -> memref<1x128x16xf32, #tpu.memory_space<vmem>>
      %dma_wait3A_336 = tpu.memref_squeeze %dma_wait3A_335 : memref<1x128x16xf32, #tpu.memory_space<vmem>> -> memref<128x16xf32, #tpu.memory_space<vmem>>
      %dma_wait3A_337 = arith.constant 0 : i32
      %dma_wait3A_338 = tpu.memref_slice %arg8[%dma_wait3A_332, %dma_wait3A_337] : memref<8x128xi32, #tpu.memory_space<vmem>> -> memref<1x128xi32, #tpu.memory_space<vmem>>
      %dma_wait3A_339 = tpu.memref_squeeze %dma_wait3A_338 : memref<1x128xi32, #tpu.memory_space<vmem>> -> memref<128xi32, #tpu.memory_space<vmem>>
      %dma_wait3A_340 = arith.constant 0 : i32
      %dma_wait3A_341 = arith.constant 0 : i32
      %dma_wait3A_342 = tpu.memref_slice %arg6[%dma_wait3A_340, %dma_wait3A_341] : memref<102400x16xf32, #tpu.memory_space<vmem_shared>> -> memref<102400x16xf32, #tpu.memory_space<vmem_shared>>
      tpu.wait_indirect_dma semaphore(%arg12 : memref<!tpu.dma_semaphore, #tpu.memory_space<semaphore_mem>>) src(%dma_wait3A_336 : memref<128x16xf32, #tpu.memory_space<vmem>>) dst(%dma_wait3A_342 : memref<102400x16xf32, #tpu.memory_space<vmem_shared>>)
      %dma_wait3A_343 = arith.constant 2 : i32
      %dma_wait3A_344 = arith.constant 2 : i32
      %dma_wait3A_345 = arith.constant 0 : i32
      %dma_wait3A_346 = arith.constant 0 : i32
      %dma_wait3A_347 = tpu.memref_slice %arg9[%dma_wait3A_343, %dma_wait3A_345, %dma_wait3A_346] : memref<8x128x16xf32, #tpu.memory_space<vmem>> -> memref<1x128x16xf32, #tpu.memory_space<vmem>>
      %dma_wait3A_348 = tpu.memref_squeeze %dma_wait3A_347 : memref<1x128x16xf32, #tpu.memory_space<vmem>> -> memref<128x16xf32, #tpu.memory_space<vmem>>
      %dma_wait3A_349 = arith.constant 0 : i32
      %dma_wait3A_350 = tpu.memref_slice %arg8[%dma_wait3A_344, %dma_wait3A_349] : memref<8x128xi32, #tpu.memory_space<vmem>> -> memref<1x128xi32, #tpu.memory_space<vmem>>
      %dma_wait3A_351 = tpu.memref_squeeze %dma_wait3A_350 : memref<1x128xi32, #tpu.memory_space<vmem>> -> memref<128xi32, #tpu.memory_space<vmem>>
      %dma_wait3A_352 = arith.constant 0 : i32
      %dma_wait3A_353 = arith.constant 0 : i32
      %dma_wait3A_354 = tpu.memref_slice %arg6[%dma_wait3A_352, %dma_wait3A_353] : memref<102400x16xf32, #tpu.memory_space<vmem_shared>> -> memref<102400x16xf32, #tpu.memory_space<vmem_shared>>
      tpu.wait_indirect_dma semaphore(%arg12 : memref<!tpu.dma_semaphore, #tpu.memory_space<semaphore_mem>>) src(%dma_wait3A_348 : memref<128x16xf32, #tpu.memory_space<vmem>>) dst(%dma_wait3A_354 : memref<102400x16xf32, #tpu.memory_space<vmem_shared>>)
      %dma_wait3A_355 = arith.constant 3 : i32
      %dma_wait3A_356 = arith.constant 3 : i32
      %dma_wait3A_357 = arith.constant 0 : i32
      %dma_wait3A_358 = arith.constant 0 : i32
      %dma_wait3A_359 = tpu.memref_slice %arg9[%dma_wait3A_355, %dma_wait3A_357, %dma_wait3A_358] : memref<8x128x16xf32, #tpu.memory_space<vmem>> -> memref<1x128x16xf32, #tpu.memory_space<vmem>>
      %dma_wait3A_360 = tpu.memref_squeeze %dma_wait3A_359 : memref<1x128x16xf32, #tpu.memory_space<vmem>> -> memref<128x16xf32, #tpu.memory_space<vmem>>
      %dma_wait3A_361 = arith.constant 0 : i32
      %dma_wait3A_362 = tpu.memref_slice %arg8[%dma_wait3A_356, %dma_wait3A_361] : memref<8x128xi32, #tpu.memory_space<vmem>> -> memref<1x128xi32, #tpu.memory_space<vmem>>
      %dma_wait3A_363 = tpu.memref_squeeze %dma_wait3A_362 : memref<1x128xi32, #tpu.memory_space<vmem>> -> memref<128xi32, #tpu.memory_space<vmem>>
      %dma_wait3A_364 = arith.constant 0 : i32
      %dma_wait3A_365 = arith.constant 0 : i32
      %dma_wait3A_366 = tpu.memref_slice %arg6[%dma_wait3A_364, %dma_wait3A_365] : memref<102400x16xf32, #tpu.memory_space<vmem_shared>> -> memref<102400x16xf32, #tpu.memory_space<vmem_shared>>
      tpu.wait_indirect_dma semaphore(%arg12 : memref<!tpu.dma_semaphore, #tpu.memory_space<semaphore_mem>>) src(%dma_wait3A_360 : memref<128x16xf32, #tpu.memory_space<vmem>>) dst(%dma_wait3A_366 : memref<102400x16xf32, #tpu.memory_space<vmem_shared>>)
      %dma_wait3A_367 = arith.constant 4 : i32
      %dma_wait3A_368 = arith.constant 4 : i32
      %dma_wait3A_369 = arith.constant 0 : i32
      %dma_wait3A_370 = arith.constant 0 : i32
      %dma_wait3A_371 = tpu.memref_slice %arg9[%dma_wait3A_367, %dma_wait3A_369, %dma_wait3A_370] : memref<8x128x16xf32, #tpu.memory_space<vmem>> -> memref<1x128x16xf32, #tpu.memory_space<vmem>>
      %dma_wait3A_372 = tpu.memref_squeeze %dma_wait3A_371 : memref<1x128x16xf32, #tpu.memory_space<vmem>> -> memref<128x16xf32, #tpu.memory_space<vmem>>
      %dma_wait3A_373 = arith.constant 0 : i32
      %dma_wait3A_374 = tpu.memref_slice %arg8[%dma_wait3A_368, %dma_wait3A_373] : memref<8x128xi32, #tpu.memory_space<vmem>> -> memref<1x128xi32, #tpu.memory_space<vmem>>
      %dma_wait3A_375 = tpu.memref_squeeze %dma_wait3A_374 : memref<1x128xi32, #tpu.memory_space<vmem>> -> memref<128xi32, #tpu.memory_space<vmem>>
      %dma_wait3A_376 = arith.constant 0 : i32
      %dma_wait3A_377 = arith.constant 0 : i32
      %dma_wait3A_378 = tpu.memref_slice %arg6[%dma_wait3A_376, %dma_wait3A_377] : memref<102400x16xf32, #tpu.memory_space<vmem_shared>> -> memref<102400x16xf32, #tpu.memory_space<vmem_shared>>
      tpu.wait_indirect_dma semaphore(%arg12 : memref<!tpu.dma_semaphore, #tpu.memory_space<semaphore_mem>>) src(%dma_wait3A_372 : memref<128x16xf32, #tpu.memory_space<vmem>>) dst(%dma_wait3A_378 : memref<102400x16xf32, #tpu.memory_space<vmem_shared>>)
      %dma_wait3A_379 = arith.constant 5 : i32
      %dma_wait3A_380 = arith.constant 5 : i32
      %dma_wait3A_381 = arith.constant 0 : i32
      %dma_wait3A_382 = arith.constant 0 : i32
      %dma_wait3A_383 = tpu.memref_slice %arg9[%dma_wait3A_379, %dma_wait3A_381, %dma_wait3A_382] : memref<8x128x16xf32, #tpu.memory_space<vmem>> -> memref<1x128x16xf32, #tpu.memory_space<vmem>>
      %dma_wait3A_384 = tpu.memref_squeeze %dma_wait3A_383 : memref<1x128x16xf32, #tpu.memory_space<vmem>> -> memref<128x16xf32, #tpu.memory_space<vmem>>
      %dma_wait3A_385 = arith.constant 0 : i32
      %dma_wait3A_386 = tpu.memref_slice %arg8[%dma_wait3A_380, %dma_wait3A_385] : memref<8x128xi32, #tpu.memory_space<vmem>> -> memref<1x128xi32, #tpu.memory_space<vmem>>
      %dma_wait3A_387 = tpu.memref_squeeze %dma_wait3A_386 : memref<1x128xi32, #tpu.memory_space<vmem>> -> memref<128xi32, #tpu.memory_space<vmem>>
      %dma_wait3A_388 = arith.constant 0 : i32
      %dma_wait3A_389 = arith.constant 0 : i32
      %dma_wait3A_390 = tpu.memref_slice %arg6[%dma_wait3A_388, %dma_wait3A_389] : memref<102400x16xf32, #tpu.memory_space<vmem_shared>> -> memref<102400x16xf32, #tpu.memory_space<vmem_shared>>
      tpu.wait_indirect_dma semaphore(%arg12 : memref<!tpu.dma_semaphore, #tpu.memory_space<semaphore_mem>>) src(%dma_wait3A_384 : memref<128x16xf32, #tpu.memory_space<vmem>>) dst(%dma_wait3A_390 : memref<102400x16xf32, #tpu.memory_space<vmem_shared>>)
      %dma_wait3A_391 = arith.constant 6 : i32
      %dma_wait3A_392 = arith.constant 6 : i32
      %dma_wait3A_393 = arith.constant 0 : i32
      %dma_wait3A_394 = arith.constant 0 : i32
      %dma_wait3A_395 = tpu.memref_slice %arg9[%dma_wait3A_391, %dma_wait3A_393, %dma_wait3A_394] : memref<8x128x16xf32, #tpu.memory_space<vmem>> -> memref<1x128x16xf32, #tpu.memory_space<vmem>>
      %dma_wait3A_396 = tpu.memref_squeeze %dma_wait3A_395 : memref<1x128x16xf32, #tpu.memory_space<vmem>> -> memref<128x16xf32, #tpu.memory_space<vmem>>
      %dma_wait3A_397 = arith.constant 0 : i32
      %dma_wait3A_398 = tpu.memref_slice %arg8[%dma_wait3A_392, %dma_wait3A_397] : memref<8x128xi32, #tpu.memory_space<vmem>> -> memref<1x128xi32, #tpu.memory_space<vmem>>
      %dma_wait3A_399 = tpu.memref_squeeze %dma_wait3A_398 : memref<1x128xi32, #tpu.memory_space<vmem>> -> memref<128xi32, #tpu.memory_space<vmem>>
      %dma_wait3A_400 = arith.constant 0 : i32
      %dma_wait3A_401 = arith.constant 0 : i32
      %dma_wait3A_402 = tpu.memref_slice %arg6[%dma_wait3A_400, %dma_wait3A_401] : memref<102400x16xf32, #tpu.memory_space<vmem_shared>> -> memref<102400x16xf32, #tpu.memory_space<vmem_shared>>
      tpu.wait_indirect_dma semaphore(%arg12 : memref<!tpu.dma_semaphore, #tpu.memory_space<semaphore_mem>>) src(%dma_wait3A_396 : memref<128x16xf32, #tpu.memory_space<vmem>>) dst(%dma_wait3A_402 : memref<102400x16xf32, #tpu.memory_space<vmem_shared>>)
      %dma_wait3A_403 = arith.constant 7 : i32
      %dma_wait3A_404 = arith.constant 7 : i32
      %dma_wait3A_405 = arith.constant 0 : i32
      %dma_wait3A_406 = arith.constant 0 : i32
      %dma_wait3A_407 = tpu.memref_slice %arg9[%dma_wait3A_403, %dma_wait3A_405, %dma_wait3A_406] : memref<8x128x16xf32, #tpu.memory_space<vmem>> -> memref<1x128x16xf32, #tpu.memory_space<vmem>>
      %dma_wait3A_408 = tpu.memref_squeeze %dma_wait3A_407 : memref<1x128x16xf32, #tpu.memory_space<vmem>> -> memref<128x16xf32, #tpu.memory_space<vmem>>
      %dma_wait3A_409 = arith.constant 0 : i32
      %dma_wait3A_410 = tpu.memref_slice %arg8[%dma_wait3A_404, %dma_wait3A_409] : memref<8x128xi32, #tpu.memory_space<vmem>> -> memref<1x128xi32, #tpu.memory_space<vmem>>
      %dma_wait3A_411 = tpu.memref_squeeze %dma_wait3A_410 : memref<1x128xi32, #tpu.memory_space<vmem>> -> memref<128xi32, #tpu.memory_space<vmem>>
      %dma_wait3A_412 = arith.constant 0 : i32
      %dma_wait3A_413 = arith.constant 0 : i32
      %dma_wait3A_414 = tpu.memref_slice %arg6[%dma_wait3A_412, %dma_wait3A_413] : memref<102400x16xf32, #tpu.memory_space<vmem_shared>> -> memref<102400x16xf32, #tpu.memory_space<vmem_shared>>
      tpu.wait_indirect_dma semaphore(%arg12 : memref<!tpu.dma_semaphore, #tpu.memory_space<semaphore_mem>>) src(%dma_wait3A_408 : memref<128x16xf32, #tpu.memory_space<vmem>>) dst(%dma_wait3A_414 : memref<102400x16xf32, #tpu.memory_space<vmem_shared>>)
      %scan3A_415 = arith.constant 0 : i32
      scf.yield %scan3A_415 : i32
    }
    %scan3A_22 = arith.constant 196 : i32
    %barrier3A_23 = arith.constant 0 : index
    tpu.barrier barrier_id(%barrier3A_23)
    %mul3A_24 = arith.constant 6400 : i32
    %mul3A_25 = arith.muli %arg1, %mul3A_24 : i32
    %mul3A_26 = arith.constant 6400 : i32
    %mul3A_27 = arith.muli %arg1, %mul3A_26 : i32
    "tpu.region"() ({
      %run_scoped3A = tpu.sem_alloc : memref<!tpu.dma_semaphore, #tpu.memory_space<semaphore_mem>>
      %dma_start3A = arith.constant 0 : i32
      %dma_start3A_28 = arith.constant 0 : i32
      %dma_start3A_29 = tpu.memref_slice %arg5[%arg0, %dma_start3A, %dma_start3A_28] : memref<2x102400x16xf32, #tpu.memory_space<hbm>> -> memref<1x102400x16xf32, #tpu.memory_space<hbm>>
      %dma_start3A_30 = tpu.memref_squeeze %dma_start3A_29 : memref<1x102400x16xf32, #tpu.memory_space<hbm>> -> memref<102400x16xf32, #tpu.memory_space<hbm>>
      %dma_start3A_31 = arith.constant 0 : i32
      %dma_start3A_32 = tpu.memref_slice %dma_start3A_30[%mul3A_27, %dma_start3A_31] : memref<102400x16xf32, #tpu.memory_space<hbm>> -> memref<6400x16xf32, #tpu.memory_space<hbm>>
      %dma_start3A_33 = arith.constant 0 : i32
      %dma_start3A_34 = tpu.memref_slice %arg6[%mul3A_25, %dma_start3A_33] : memref<102400x16xf32, #tpu.memory_space<vmem_shared>> -> memref<6400x16xf32, #tpu.memory_space<vmem_shared>>
      tpu.enqueue_dma source(%dma_start3A_34 : memref<6400x16xf32, #tpu.memory_space<vmem_shared>>) target(%dma_start3A_32 : memref<6400x16xf32, #tpu.memory_space<hbm>>) target_semaphore(%run_scoped3A : memref<!tpu.dma_semaphore, #tpu.memory_space<semaphore_mem>>)
      %dma_wait3A = arith.constant 0 : i32
      %dma_wait3A_35 = arith.constant 0 : i32
      %dma_wait3A_36 = tpu.memref_slice %arg5[%arg0, %dma_wait3A, %dma_wait3A_35] : memref<2x102400x16xf32, #tpu.memory_space<hbm>> -> memref<1x102400x16xf32, #tpu.memory_space<hbm>>
      %dma_wait3A_37 = tpu.memref_squeeze %dma_wait3A_36 : memref<1x102400x16xf32, #tpu.memory_space<hbm>> -> memref<102400x16xf32, #tpu.memory_space<hbm>>
      %dma_wait3A_38 = arith.constant 0 : i32
      %dma_wait3A_39 = tpu.memref_slice %dma_wait3A_37[%mul3A_27, %dma_wait3A_38] : memref<102400x16xf32, #tpu.memory_space<hbm>> -> memref<6400x16xf32, #tpu.memory_space<hbm>>
      %dma_wait3A_40 = arith.constant 0 : i32
      %dma_wait3A_41 = tpu.memref_slice %arg6[%mul3A_25, %dma_wait3A_40] : memref<102400x16xf32, #tpu.memory_space<vmem_shared>> -> memref<6400x16xf32, #tpu.memory_space<vmem_shared>>
      tpu.wait_dma2 semaphore(%run_scoped3A : memref<!tpu.dma_semaphore, #tpu.memory_space<semaphore_mem>>) src(%dma_wait3A_41 : memref<6400x16xf32, #tpu.memory_space<vmem_shared>>) dst(%dma_wait3A_39 : memref<6400x16xf32, #tpu.memory_space<hbm>>)
      tpu.yield
    }) : () -> ()
    return
  }
}

#map = affine_map<(d0, d1) -> (0, 0)>
#map1 = affine_map<(d0, d1) -> (0, 0, 0)>
module attributes {stable_mosaic.version = 14 : i64} {
  func.func @body(%arg0: i32, %arg1: i32, %arg2: memref<50176x128xi32, #tpu.memory_space<hbm>>, %arg3: memref<2x102400x16xf32, #tpu.memory_space<hbm>>, %arg4: memref<102400x16xf32, #tpu.memory_space<vmem_shared>>, %arg5: memref<8x128xi32, #tpu.memory_space<vmem>>, %arg6: memref<128x16xf32, #tpu.memory_space<vmem>>, %arg7: memref<200x16xf32, #tpu.memory_space<vmem>>, %arg8: memref<!tpu.dma_semaphore, #tpu.memory_space<semaphore_mem>>) attributes {dimension_semantics = [#tpu.dimension_semantics<core_parallel>, #tpu.dimension_semantics<subcore_parallel>], iteration_bounds = array<i64: 2, 16>, scalar_prefetch = 0 : i64, scratch_operands = 5 : i64, tpu.core_type = #tpu.core_type<sc_vector_subcore>, window_params = [{transform_indices = #map}, {transform_indices = #map1}]} {
    %scan3A = arith.constant 0 : i32
    %scan3A_0 = arith.constant 0 : i32
    %scan3A_1 = arith.constant 128 : i32
    %scan3A_2 = arith.addi %scan3A_0, %scan3A_1 : i32
    %scan3A_3 = arith.constant 1 : i32
    %scan3A_4 = scf.for %scan3A_35 = %scan3A_0 to %scan3A_2 step %scan3A_3 iter_args(%scan3A_36 = %scan3A) -> (i32)  : i32 {
      %broadcast_in_dim3A = arith.constant 1.000000e+00 : f32
      %broadcast_in_dim3A_37 = vector.broadcast %broadcast_in_dim3A : f32 to vector<16xf32>
      %swap3A = arith.index_cast %scan3A_35 : i32 to index
      %swap3A_38 = arith.constant 0 : index
      %swap3A_39 = tpu.vector_load %arg6[%swap3A, %swap3A_38] {strides = array<i32>} : memref<128x16xf32, #tpu.memory_space<vmem>>, vector<1x16xf32>,
      %swap3A_40 = vector.shape_cast %swap3A_39 : vector<1x16xf32> to vector<16xf32>
      %swap3A_41 = vector.shape_cast %broadcast_in_dim3A_37 : vector<16xf32> to vector<1x16xf32>
      tpu.vector_store %arg6[%swap3A, %swap3A_38], %swap3A_41 {strides = array<i32>} : memref<128x16xf32, #tpu.memory_space<vmem>>, vector<1x16xf32>,
      %scan3A_42 = arith.constant 0 : i32
      scf.yield %scan3A_42 : i32
    }
    %scan3A_5 = arith.constant 128 : i32
    %scan3A_6 = arith.constant 0 : i32
    %scan3A_7 = arith.constant 0 : i32
    %scan3A_8 = arith.constant 200 : i32
    %scan3A_9 = arith.addi %scan3A_7, %scan3A_8 : i32
    %scan3A_10 = arith.constant 1 : i32
    %scan3A_11 = scf.for %scan3A_35 = %scan3A_7 to %scan3A_9 step %scan3A_10 iter_args(%scan3A_36 = %scan3A_6) -> (i32)  : i32 {
      %broadcast_in_dim3A = arith.constant 0.000000e+00 : f32
      %broadcast_in_dim3A_37 = vector.broadcast %broadcast_in_dim3A : f32 to vector<16xf32>
      %swap3A = arith.index_cast %scan3A_35 : i32 to index
      %swap3A_38 = arith.constant 0 : index
      %swap3A_39 = tpu.vector_load %arg7[%swap3A, %swap3A_38] {strides = array<i32>} : memref<200x16xf32, #tpu.memory_space<vmem>>, vector<1x16xf32>,
      %swap3A_40 = vector.shape_cast %swap3A_39 : vector<1x16xf32> to vector<16xf32>
      %swap3A_41 = vector.shape_cast %broadcast_in_dim3A_37 : vector<16xf32> to vector<1x16xf32>
      tpu.vector_store %arg7[%swap3A, %swap3A_38], %swap3A_41 {strides = array<i32>} : memref<200x16xf32, #tpu.memory_space<vmem>>, vector<1x16xf32>,
      %scan3A_42 = arith.constant 0 : i32
      scf.yield %scan3A_42 : i32
    }
    %scan3A_12 = arith.constant 200 : i32
    %scan3A_13 = arith.constant 0 : i32
    %scan3A_14 = arith.constant 0 : i32
    %scan3A_15 = arith.constant 32 : i32
    %scan3A_16 = arith.addi %scan3A_14, %scan3A_15 : i32
    %scan3A_17 = arith.constant 1 : i32
    %scan3A_18 = scf.for %scan3A_35 = %scan3A_14 to %scan3A_16 step %scan3A_17 iter_args(%scan3A_36 = %scan3A_13) -> (i32)  : i32 {
      %mul3A_37 = arith.constant 6400 : i32
      %mul3A_38 = arith.muli %arg1, %mul3A_37 : i32
      %mul3A_39 = arith.constant 200 : i32
      %mul3A_40 = arith.muli %scan3A_35, %mul3A_39 : i32
      %add3A_41 = arith.addi %mul3A_38, %mul3A_40 : i32
      "tpu.region"() ({
        %run_scoped3A = tpu.sem_alloc : memref<!tpu.dma_semaphore, #tpu.memory_space<semaphore_mem>>
        %dma_start3A = arith.constant 0 : i32
        %dma_start3A_43 = tpu.memref_slice %arg4[%add3A_41, %dma_start3A] : memref<102400x16xf32, #tpu.memory_space<vmem_shared>> -> memref<200x16xf32, #tpu.memory_space<vmem_shared>>
        %dma_start3A_44 = arith.constant 0 : i32
        %dma_start3A_45 = tpu.memref_slice %arg4[%add3A_41, %dma_start3A_44] : memref<102400x16xf32, #tpu.memory_space<vmem_shared>> -> memref<200x16xf32, #tpu.memory_space<vmem_shared>>
        tpu.enqueue_dma source(%arg7 : memref<200x16xf32, #tpu.memory_space<vmem>>) target(%dma_start3A_45 : memref<200x16xf32, #tpu.memory_space<vmem_shared>>) target_semaphore(%run_scoped3A : memref<!tpu.dma_semaphore, #tpu.memory_space<semaphore_mem>>)
        %dma_wait3A = arith.constant 0 : i32
        %dma_wait3A_46 = tpu.memref_slice %arg4[%add3A_41, %dma_wait3A] : memref<102400x16xf32, #tpu.memory_space<vmem_shared>> -> memref<200x16xf32, #tpu.memory_space<vmem_shared>>
        %dma_wait3A_47 = arith.constant 0 : i32
        %dma_wait3A_48 = tpu.memref_slice %arg4[%add3A_41, %dma_wait3A_47] : memref<102400x16xf32, #tpu.memory_space<vmem_shared>> -> memref<200x16xf32, #tpu.memory_space<vmem_shared>>
        tpu.wait_dma2 semaphore(%run_scoped3A : memref<!tpu.dma_semaphore, #tpu.memory_space<semaphore_mem>>) src(%arg7 : memref<200x16xf32, #tpu.memory_space<vmem>>) dst(%dma_wait3A_48 : memref<200x16xf32, #tpu.memory_space<vmem_shared>>)
        tpu.yield
      }) : () -> ()
      %scan3A_42 = arith.constant 0 : i32
      scf.yield %scan3A_42 : i32
    }
    %scan3A_19 = arith.constant 32 : i32
    %barrier3A = arith.constant 0 : index
    tpu.barrier barrier_id(%barrier3A)
    %mul3A = arith.constant 16 : i32
    %mul3A_20 = arith.muli %arg0, %mul3A : i32
    %add3A = arith.addi %mul3A_20, %arg1 : i32
    %mul3A_21 = arith.constant 1568 : i32
    %mul3A_22 = arith.muli %add3A, %mul3A_21 : i32
    %scan3A_23 = arith.constant 0 : i32
    %scan3A_24 = arith.constant 0 : i32
    %scan3A_25 = arith.constant 196 : i32
    %scan3A_26 = arith.addi %scan3A_24, %scan3A_25 : i32
    %scan3A_27 = arith.constant 1 : i32
    %scan3A_28 = scf.for %scan3A_35 = %scan3A_24 to %scan3A_26 step %scan3A_27 iter_args(%scan3A_36 = %scan3A_23) -> (i32)  : i32 {
      %mul3A_37 = arith.constant 8 : i32
      %mul3A_38 = arith.muli %scan3A_35, %mul3A_37 : i32
      %add3A_39 = arith.addi %mul3A_22, %mul3A_38 : i32
      "tpu.region"() ({
        %run_scoped3A = tpu.sem_alloc : memref<!tpu.dma_semaphore, #tpu.memory_space<semaphore_mem>>
        %dma_start3A_151 = arith.constant 0 : i32
        %dma_start3A_152 = tpu.memref_slice %arg2[%add3A_39, %dma_start3A_151] : memref<50176x128xi32, #tpu.memory_space<hbm>> -> memref<8x128xi32, #tpu.memory_space<hbm>>
        %dma_start3A_153 = arith.constant 0 : i32
        %dma_start3A_154 = tpu.memref_slice %arg2[%add3A_39, %dma_start3A_153] : memref<50176x128xi32, #tpu.memory_space<hbm>> -> memref<8x128xi32, #tpu.memory_space<hbm>>
        tpu.enqueue_dma source(%dma_start3A_154 : memref<8x128xi32, #tpu.memory_space<hbm>>) target(%arg5 : memref<8x128xi32, #tpu.memory_space<vmem>>) target_semaphore(%run_scoped3A : memref<!tpu.dma_semaphore, #tpu.memory_space<semaphore_mem>>)
        %dma_wait3A_155 = arith.constant 0 : i32
        %dma_wait3A_156 = tpu.memref_slice %arg2[%add3A_39, %dma_wait3A_155] : memref<50176x128xi32, #tpu.memory_space<hbm>> -> memref<8x128xi32, #tpu.memory_space<hbm>>
        %dma_wait3A_157 = arith.constant 0 : i32
        %dma_wait3A_158 = tpu.memref_slice %arg2[%add3A_39, %dma_wait3A_157] : memref<50176x128xi32, #tpu.memory_space<hbm>> -> memref<8x128xi32, #tpu.memory_space<hbm>>
        tpu.wait_dma2 semaphore(%run_scoped3A : memref<!tpu.dma_semaphore, #tpu.memory_space<semaphore_mem>>) src(%dma_wait3A_158 : memref<8x128xi32, #tpu.memory_space<hbm>>) dst(%arg5 : memref<8x128xi32, #tpu.memory_space<vmem>>)
        tpu.yield
      }) : () -> ()
      %dma_start3A = arith.constant 0 : i32
      %dma_start3A_40 = arith.constant 0 : i32
      %dma_start3A_41 = tpu.memref_slice %arg5[%dma_start3A, %dma_start3A_40] : memref<8x128xi32, #tpu.memory_space<vmem>> -> memref<1x128xi32, #tpu.memory_space<vmem>>
      %dma_start3A_42 = tpu.memref_squeeze %dma_start3A_41 : memref<1x128xi32, #tpu.memory_space<vmem>> -> memref<128xi32, #tpu.memory_space<vmem>>
      %dma_start3A_43 = arith.constant 0 : i32
      %dma_start3A_44 = arith.constant 0 : i32
      %dma_start3A_45 = tpu.memref_slice %arg4[%dma_start3A_43, %dma_start3A_44] : memref<102400x16xf32, #tpu.memory_space<vmem_shared>> -> memref<102400x16xf32, #tpu.memory_space<vmem_shared>>
      tpu.enqueue_indirect_dma source(%arg6 : memref<128x16xf32, #tpu.memory_space<vmem>>) target(%dma_start3A_45 : memref<102400x16xf32, #tpu.memory_space<vmem_shared>>) offsets(%dma_start3A_42 : memref<128xi32, #tpu.memory_space<vmem>>) semaphore(%arg8 : memref<!tpu.dma_semaphore, #tpu.memory_space<semaphore_mem>>) {add = true}
      %dma_start3A_46 = arith.constant 1 : i32
      %dma_start3A_47 = arith.constant 0 : i32
      %dma_start3A_48 = tpu.memref_slice %arg5[%dma_start3A_46, %dma_start3A_47] : memref<8x128xi32, #tpu.memory_space<vmem>> -> memref<1x128xi32, #tpu.memory_space<vmem>>
      %dma_start3A_49 = tpu.memref_squeeze %dma_start3A_48 : memref<1x128xi32, #tpu.memory_space<vmem>> -> memref<128xi32, #tpu.memory_space<vmem>>
      %dma_start3A_50 = arith.constant 0 : i32
      %dma_start3A_51 = arith.constant 0 : i32
      %dma_start3A_52 = tpu.memref_slice %arg4[%dma_start3A_50, %dma_start3A_51] : memref<102400x16xf32, #tpu.memory_space<vmem_shared>> -> memref<102400x16xf32, #tpu.memory_space<vmem_shared>>
      tpu.enqueue_indirect_dma source(%arg6 : memref<128x16xf32, #tpu.memory_space<vmem>>) target(%dma_start3A_52 : memref<102400x16xf32, #tpu.memory_space<vmem_shared>>) offsets(%dma_start3A_49 : memref<128xi32, #tpu.memory_space<vmem>>) semaphore(%arg8 : memref<!tpu.dma_semaphore, #tpu.memory_space<semaphore_mem>>) {add = true}
      %dma_start3A_53 = arith.constant 2 : i32
      %dma_start3A_54 = arith.constant 0 : i32
      %dma_start3A_55 = tpu.memref_slice %arg5[%dma_start3A_53, %dma_start3A_54] : memref<8x128xi32, #tpu.memory_space<vmem>> -> memref<1x128xi32, #tpu.memory_space<vmem>>
      %dma_start3A_56 = tpu.memref_squeeze %dma_start3A_55 : memref<1x128xi32, #tpu.memory_space<vmem>> -> memref<128xi32, #tpu.memory_space<vmem>>
      %dma_start3A_57 = arith.constant 0 : i32
      %dma_start3A_58 = arith.constant 0 : i32
      %dma_start3A_59 = tpu.memref_slice %arg4[%dma_start3A_57, %dma_start3A_58] : memref<102400x16xf32, #tpu.memory_space<vmem_shared>> -> memref<102400x16xf32, #tpu.memory_space<vmem_shared>>
      tpu.enqueue_indirect_dma source(%arg6 : memref<128x16xf32, #tpu.memory_space<vmem>>) target(%dma_start3A_59 : memref<102400x16xf32, #tpu.memory_space<vmem_shared>>) offsets(%dma_start3A_56 : memref<128xi32, #tpu.memory_space<vmem>>) semaphore(%arg8 : memref<!tpu.dma_semaphore, #tpu.memory_space<semaphore_mem>>) {add = true}
      %dma_start3A_60 = arith.constant 3 : i32
      %dma_start3A_61 = arith.constant 0 : i32
      %dma_start3A_62 = tpu.memref_slice %arg5[%dma_start3A_60, %dma_start3A_61] : memref<8x128xi32, #tpu.memory_space<vmem>> -> memref<1x128xi32, #tpu.memory_space<vmem>>
      %dma_start3A_63 = tpu.memref_squeeze %dma_start3A_62 : memref<1x128xi32, #tpu.memory_space<vmem>> -> memref<128xi32, #tpu.memory_space<vmem>>
      %dma_start3A_64 = arith.constant 0 : i32
      %dma_start3A_65 = arith.constant 0 : i32
      %dma_start3A_66 = tpu.memref_slice %arg4[%dma_start3A_64, %dma_start3A_65] : memref<102400x16xf32, #tpu.memory_space<vmem_shared>> -> memref<102400x16xf32, #tpu.memory_space<vmem_shared>>
      tpu.enqueue_indirect_dma source(%arg6 : memref<128x16xf32, #tpu.memory_space<vmem>>) target(%dma_start3A_66 : memref<102400x16xf32, #tpu.memory_space<vmem_shared>>) offsets(%dma_start3A_63 : memref<128xi32, #tpu.memory_space<vmem>>) semaphore(%arg8 : memref<!tpu.dma_semaphore, #tpu.memory_space<semaphore_mem>>) {add = true}
      %dma_start3A_67 = arith.constant 4 : i32
      %dma_start3A_68 = arith.constant 0 : i32
      %dma_start3A_69 = tpu.memref_slice %arg5[%dma_start3A_67, %dma_start3A_68] : memref<8x128xi32, #tpu.memory_space<vmem>> -> memref<1x128xi32, #tpu.memory_space<vmem>>
      %dma_start3A_70 = tpu.memref_squeeze %dma_start3A_69 : memref<1x128xi32, #tpu.memory_space<vmem>> -> memref<128xi32, #tpu.memory_space<vmem>>
      %dma_start3A_71 = arith.constant 0 : i32
      %dma_start3A_72 = arith.constant 0 : i32
      %dma_start3A_73 = tpu.memref_slice %arg4[%dma_start3A_71, %dma_start3A_72] : memref<102400x16xf32, #tpu.memory_space<vmem_shared>> -> memref<102400x16xf32, #tpu.memory_space<vmem_shared>>
      tpu.enqueue_indirect_dma source(%arg6 : memref<128x16xf32, #tpu.memory_space<vmem>>) target(%dma_start3A_73 : memref<102400x16xf32, #tpu.memory_space<vmem_shared>>) offsets(%dma_start3A_70 : memref<128xi32, #tpu.memory_space<vmem>>) semaphore(%arg8 : memref<!tpu.dma_semaphore, #tpu.memory_space<semaphore_mem>>) {add = true}
      %dma_start3A_74 = arith.constant 5 : i32
      %dma_start3A_75 = arith.constant 0 : i32
      %dma_start3A_76 = tpu.memref_slice %arg5[%dma_start3A_74, %dma_start3A_75] : memref<8x128xi32, #tpu.memory_space<vmem>> -> memref<1x128xi32, #tpu.memory_space<vmem>>
      %dma_start3A_77 = tpu.memref_squeeze %dma_start3A_76 : memref<1x128xi32, #tpu.memory_space<vmem>> -> memref<128xi32, #tpu.memory_space<vmem>>
      %dma_start3A_78 = arith.constant 0 : i32
      %dma_start3A_79 = arith.constant 0 : i32
      %dma_start3A_80 = tpu.memref_slice %arg4[%dma_start3A_78, %dma_start3A_79] : memref<102400x16xf32, #tpu.memory_space<vmem_shared>> -> memref<102400x16xf32, #tpu.memory_space<vmem_shared>>
      tpu.enqueue_indirect_dma source(%arg6 : memref<128x16xf32, #tpu.memory_space<vmem>>) target(%dma_start3A_80 : memref<102400x16xf32, #tpu.memory_space<vmem_shared>>) offsets(%dma_start3A_77 : memref<128xi32, #tpu.memory_space<vmem>>) semaphore(%arg8 : memref<!tpu.dma_semaphore, #tpu.memory_space<semaphore_mem>>) {add = true}
      %dma_start3A_81 = arith.constant 6 : i32
      %dma_start3A_82 = arith.constant 0 : i32
      %dma_start3A_83 = tpu.memref_slice %arg5[%dma_start3A_81, %dma_start3A_82] : memref<8x128xi32, #tpu.memory_space<vmem>> -> memref<1x128xi32, #tpu.memory_space<vmem>>
      %dma_start3A_84 = tpu.memref_squeeze %dma_start3A_83 : memref<1x128xi32, #tpu.memory_space<vmem>> -> memref<128xi32, #tpu.memory_space<vmem>>
      %dma_start3A_85 = arith.constant 0 : i32
      %dma_start3A_86 = arith.constant 0 : i32
      %dma_start3A_87 = tpu.memref_slice %arg4[%dma_start3A_85, %dma_start3A_86] : memref<102400x16xf32, #tpu.memory_space<vmem_shared>> -> memref<102400x16xf32, #tpu.memory_space<vmem_shared>>
      tpu.enqueue_indirect_dma source(%arg6 : memref<128x16xf32, #tpu.memory_space<vmem>>) target(%dma_start3A_87 : memref<102400x16xf32, #tpu.memory_space<vmem_shared>>) offsets(%dma_start3A_84 : memref<128xi32, #tpu.memory_space<vmem>>) semaphore(%arg8 : memref<!tpu.dma_semaphore, #tpu.memory_space<semaphore_mem>>) {add = true}
      %dma_start3A_88 = arith.constant 7 : i32
      %dma_start3A_89 = arith.constant 0 : i32
      %dma_start3A_90 = tpu.memref_slice %arg5[%dma_start3A_88, %dma_start3A_89] : memref<8x128xi32, #tpu.memory_space<vmem>> -> memref<1x128xi32, #tpu.memory_space<vmem>>
      %dma_start3A_91 = tpu.memref_squeeze %dma_start3A_90 : memref<1x128xi32, #tpu.memory_space<vmem>> -> memref<128xi32, #tpu.memory_space<vmem>>
      %dma_start3A_92 = arith.constant 0 : i32
      %dma_start3A_93 = arith.constant 0 : i32
      %dma_start3A_94 = tpu.memref_slice %arg4[%dma_start3A_92, %dma_start3A_93] : memref<102400x16xf32, #tpu.memory_space<vmem_shared>> -> memref<102400x16xf32, #tpu.memory_space<vmem_shared>>
      tpu.enqueue_indirect_dma source(%arg6 : memref<128x16xf32, #tpu.memory_space<vmem>>) target(%dma_start3A_94 : memref<102400x16xf32, #tpu.memory_space<vmem_shared>>) offsets(%dma_start3A_91 : memref<128xi32, #tpu.memory_space<vmem>>) semaphore(%arg8 : memref<!tpu.dma_semaphore, #tpu.memory_space<semaphore_mem>>) {add = true}
      %dma_wait3A = arith.constant 0 : i32
      %dma_wait3A_95 = arith.constant 0 : i32
      %dma_wait3A_96 = tpu.memref_slice %arg5[%dma_wait3A, %dma_wait3A_95] : memref<8x128xi32, #tpu.memory_space<vmem>> -> memref<1x128xi32, #tpu.memory_space<vmem>>
      %dma_wait3A_97 = tpu.memref_squeeze %dma_wait3A_96 : memref<1x128xi32, #tpu.memory_space<vmem>> -> memref<128xi32, #tpu.memory_space<vmem>>
      %dma_wait3A_98 = arith.constant 0 : i32
      %dma_wait3A_99 = arith.constant 0 : i32
      %dma_wait3A_100 = tpu.memref_slice %arg4[%dma_wait3A_98, %dma_wait3A_99] : memref<102400x16xf32, #tpu.memory_space<vmem_shared>> -> memref<102400x16xf32, #tpu.memory_space<vmem_shared>>
      tpu.wait_indirect_dma semaphore(%arg8 : memref<!tpu.dma_semaphore, #tpu.memory_space<semaphore_mem>>) src(%arg6 : memref<128x16xf32, #tpu.memory_space<vmem>>) dst(%dma_wait3A_100 : memref<102400x16xf32, #tpu.memory_space<vmem_shared>>)
      %dma_wait3A_101 = arith.constant 1 : i32
      %dma_wait3A_102 = arith.constant 0 : i32
      %dma_wait3A_103 = tpu.memref_slice %arg5[%dma_wait3A_101, %dma_wait3A_102] : memref<8x128xi32, #tpu.memory_space<vmem>> -> memref<1x128xi32, #tpu.memory_space<vmem>>
      %dma_wait3A_104 = tpu.memref_squeeze %dma_wait3A_103 : memref<1x128xi32, #tpu.memory_space<vmem>> -> memref<128xi32, #tpu.memory_space<vmem>>
      %dma_wait3A_105 = arith.constant 0 : i32
      %dma_wait3A_106 = arith.constant 0 : i32
      %dma_wait3A_107 = tpu.memref_slice %arg4[%dma_wait3A_105, %dma_wait3A_106] : memref<102400x16xf32, #tpu.memory_space<vmem_shared>> -> memref<102400x16xf32, #tpu.memory_space<vmem_shared>>
      tpu.wait_indirect_dma semaphore(%arg8 : memref<!tpu.dma_semaphore, #tpu.memory_space<semaphore_mem>>) src(%arg6 : memref<128x16xf32, #tpu.memory_space<vmem>>) dst(%dma_wait3A_107 : memref<102400x16xf32, #tpu.memory_space<vmem_shared>>)
      %dma_wait3A_108 = arith.constant 2 : i32
      %dma_wait3A_109 = arith.constant 0 : i32
      %dma_wait3A_110 = tpu.memref_slice %arg5[%dma_wait3A_108, %dma_wait3A_109] : memref<8x128xi32, #tpu.memory_space<vmem>> -> memref<1x128xi32, #tpu.memory_space<vmem>>
      %dma_wait3A_111 = tpu.memref_squeeze %dma_wait3A_110 : memref<1x128xi32, #tpu.memory_space<vmem>> -> memref<128xi32, #tpu.memory_space<vmem>>
      %dma_wait3A_112 = arith.constant 0 : i32
      %dma_wait3A_113 = arith.constant 0 : i32
      %dma_wait3A_114 = tpu.memref_slice %arg4[%dma_wait3A_112, %dma_wait3A_113] : memref<102400x16xf32, #tpu.memory_space<vmem_shared>> -> memref<102400x16xf32, #tpu.memory_space<vmem_shared>>
      tpu.wait_indirect_dma semaphore(%arg8 : memref<!tpu.dma_semaphore, #tpu.memory_space<semaphore_mem>>) src(%arg6 : memref<128x16xf32, #tpu.memory_space<vmem>>) dst(%dma_wait3A_114 : memref<102400x16xf32, #tpu.memory_space<vmem_shared>>)
      %dma_wait3A_115 = arith.constant 3 : i32
      %dma_wait3A_116 = arith.constant 0 : i32
      %dma_wait3A_117 = tpu.memref_slice %arg5[%dma_wait3A_115, %dma_wait3A_116] : memref<8x128xi32, #tpu.memory_space<vmem>> -> memref<1x128xi32, #tpu.memory_space<vmem>>
      %dma_wait3A_118 = tpu.memref_squeeze %dma_wait3A_117 : memref<1x128xi32, #tpu.memory_space<vmem>> -> memref<128xi32, #tpu.memory_space<vmem>>
      %dma_wait3A_119 = arith.constant 0 : i32
      %dma_wait3A_120 = arith.constant 0 : i32
      %dma_wait3A_121 = tpu.memref_slice %arg4[%dma_wait3A_119, %dma_wait3A_120] : memref<102400x16xf32, #tpu.memory_space<vmem_shared>> -> memref<102400x16xf32, #tpu.memory_space<vmem_shared>>
      tpu.wait_indirect_dma semaphore(%arg8 : memref<!tpu.dma_semaphore, #tpu.memory_space<semaphore_mem>>) src(%arg6 : memref<128x16xf32, #tpu.memory_space<vmem>>) dst(%dma_wait3A_121 : memref<102400x16xf32, #tpu.memory_space<vmem_shared>>)
      %dma_wait3A_122 = arith.constant 4 : i32
      %dma_wait3A_123 = arith.constant 0 : i32
      %dma_wait3A_124 = tpu.memref_slice %arg5[%dma_wait3A_122, %dma_wait3A_123] : memref<8x128xi32, #tpu.memory_space<vmem>> -> memref<1x128xi32, #tpu.memory_space<vmem>>
      %dma_wait3A_125 = tpu.memref_squeeze %dma_wait3A_124 : memref<1x128xi32, #tpu.memory_space<vmem>> -> memref<128xi32, #tpu.memory_space<vmem>>
      %dma_wait3A_126 = arith.constant 0 : i32
      %dma_wait3A_127 = arith.constant 0 : i32
      %dma_wait3A_128 = tpu.memref_slice %arg4[%dma_wait3A_126, %dma_wait3A_127] : memref<102400x16xf32, #tpu.memory_space<vmem_shared>> -> memref<102400x16xf32, #tpu.memory_space<vmem_shared>>
      tpu.wait_indirect_dma semaphore(%arg8 : memref<!tpu.dma_semaphore, #tpu.memory_space<semaphore_mem>>) src(%arg6 : memref<128x16xf32, #tpu.memory_space<vmem>>) dst(%dma_wait3A_128 : memref<102400x16xf32, #tpu.memory_space<vmem_shared>>)
      %dma_wait3A_129 = arith.constant 5 : i32
      %dma_wait3A_130 = arith.constant 0 : i32
      %dma_wait3A_131 = tpu.memref_slice %arg5[%dma_wait3A_129, %dma_wait3A_130] : memref<8x128xi32, #tpu.memory_space<vmem>> -> memref<1x128xi32, #tpu.memory_space<vmem>>
      %dma_wait3A_132 = tpu.memref_squeeze %dma_wait3A_131 : memref<1x128xi32, #tpu.memory_space<vmem>> -> memref<128xi32, #tpu.memory_space<vmem>>
      %dma_wait3A_133 = arith.constant 0 : i32
      %dma_wait3A_134 = arith.constant 0 : i32
      %dma_wait3A_135 = tpu.memref_slice %arg4[%dma_wait3A_133, %dma_wait3A_134] : memref<102400x16xf32, #tpu.memory_space<vmem_shared>> -> memref<102400x16xf32, #tpu.memory_space<vmem_shared>>
      tpu.wait_indirect_dma semaphore(%arg8 : memref<!tpu.dma_semaphore, #tpu.memory_space<semaphore_mem>>) src(%arg6 : memref<128x16xf32, #tpu.memory_space<vmem>>) dst(%dma_wait3A_135 : memref<102400x16xf32, #tpu.memory_space<vmem_shared>>)
      %dma_wait3A_136 = arith.constant 6 : i32
      %dma_wait3A_137 = arith.constant 0 : i32
      %dma_wait3A_138 = tpu.memref_slice %arg5[%dma_wait3A_136, %dma_wait3A_137] : memref<8x128xi32, #tpu.memory_space<vmem>> -> memref<1x128xi32, #tpu.memory_space<vmem>>
      %dma_wait3A_139 = tpu.memref_squeeze %dma_wait3A_138 : memref<1x128xi32, #tpu.memory_space<vmem>> -> memref<128xi32, #tpu.memory_space<vmem>>
      %dma_wait3A_140 = arith.constant 0 : i32
      %dma_wait3A_141 = arith.constant 0 : i32
      %dma_wait3A_142 = tpu.memref_slice %arg4[%dma_wait3A_140, %dma_wait3A_141] : memref<102400x16xf32, #tpu.memory_space<vmem_shared>> -> memref<102400x16xf32, #tpu.memory_space<vmem_shared>>
      tpu.wait_indirect_dma semaphore(%arg8 : memref<!tpu.dma_semaphore, #tpu.memory_space<semaphore_mem>>) src(%arg6 : memref<128x16xf32, #tpu.memory_space<vmem>>) dst(%dma_wait3A_142 : memref<102400x16xf32, #tpu.memory_space<vmem_shared>>)
      %dma_wait3A_143 = arith.constant 7 : i32
      %dma_wait3A_144 = arith.constant 0 : i32
      %dma_wait3A_145 = tpu.memref_slice %arg5[%dma_wait3A_143, %dma_wait3A_144] : memref<8x128xi32, #tpu.memory_space<vmem>> -> memref<1x128xi32, #tpu.memory_space<vmem>>
      %dma_wait3A_146 = tpu.memref_squeeze %dma_wait3A_145 : memref<1x128xi32, #tpu.memory_space<vmem>> -> memref<128xi32, #tpu.memory_space<vmem>>
      %dma_wait3A_147 = arith.constant 0 : i32
      %dma_wait3A_148 = arith.constant 0 : i32
      %dma_wait3A_149 = tpu.memref_slice %arg4[%dma_wait3A_147, %dma_wait3A_148] : memref<102400x16xf32, #tpu.memory_space<vmem_shared>> -> memref<102400x16xf32, #tpu.memory_space<vmem_shared>>
      tpu.wait_indirect_dma semaphore(%arg8 : memref<!tpu.dma_semaphore, #tpu.memory_space<semaphore_mem>>) src(%arg6 : memref<128x16xf32, #tpu.memory_space<vmem>>) dst(%dma_wait3A_149 : memref<102400x16xf32, #tpu.memory_space<vmem_shared>>)
      %scan3A_150 = arith.constant 0 : i32
      scf.yield %scan3A_150 : i32
    }
    %scan3A_29 = arith.constant 196 : i32
    %barrier3A_30 = arith.constant 0 : index
    tpu.barrier barrier_id(%barrier3A_30)
    %mul3A_31 = arith.constant 6400 : i32
    %mul3A_32 = arith.muli %arg1, %mul3A_31 : i32
    %mul3A_33 = arith.constant 6400 : i32
    %mul3A_34 = arith.muli %arg1, %mul3A_33 : i32
    "tpu.region"() ({
      %run_scoped3A = tpu.sem_alloc : memref<!tpu.dma_semaphore, #tpu.memory_space<semaphore_mem>>
      %dma_start3A = arith.constant 0 : i32
      %dma_start3A_35 = arith.constant 0 : i32
      %dma_start3A_36 = tpu.memref_slice %arg3[%arg0, %dma_start3A, %dma_start3A_35] : memref<2x102400x16xf32, #tpu.memory_space<hbm>> -> memref<1x102400x16xf32, #tpu.memory_space<hbm>>
      %dma_start3A_37 = tpu.memref_squeeze %dma_start3A_36 : memref<1x102400x16xf32, #tpu.memory_space<hbm>> -> memref<102400x16xf32, #tpu.memory_space<hbm>>
      %dma_start3A_38 = arith.constant 0 : i32
      %dma_start3A_39 = tpu.memref_slice %dma_start3A_37[%mul3A_34, %dma_start3A_38] : memref<102400x16xf32, #tpu.memory_space<hbm>> -> memref<6400x16xf32, #tpu.memory_space<hbm>>
      %dma_start3A_40 = arith.constant 0 : i32
      %dma_start3A_41 = tpu.memref_slice %arg4[%mul3A_32, %dma_start3A_40] : memref<102400x16xf32, #tpu.memory_space<vmem_shared>> -> memref<6400x16xf32, #tpu.memory_space<vmem_shared>>
      tpu.enqueue_dma source(%dma_start3A_41 : memref<6400x16xf32, #tpu.memory_space<vmem_shared>>) target(%dma_start3A_39 : memref<6400x16xf32, #tpu.memory_space<hbm>>) target_semaphore(%run_scoped3A : memref<!tpu.dma_semaphore, #tpu.memory_space<semaphore_mem>>)
      %dma_wait3A = arith.constant 0 : i32
      %dma_wait3A_42 = arith.constant 0 : i32
      %dma_wait3A_43 = tpu.memref_slice %arg3[%arg0, %dma_wait3A, %dma_wait3A_42] : memref<2x102400x16xf32, #tpu.memory_space<hbm>> -> memref<1x102400x16xf32, #tpu.memory_space<hbm>>
      %dma_wait3A_44 = tpu.memref_squeeze %dma_wait3A_43 : memref<1x102400x16xf32, #tpu.memory_space<hbm>> -> memref<102400x16xf32, #tpu.memory_space<hbm>>
      %dma_wait3A_45 = arith.constant 0 : i32
      %dma_wait3A_46 = tpu.memref_slice %dma_wait3A_44[%mul3A_34, %dma_wait3A_45] : memref<102400x16xf32, #tpu.memory_space<hbm>> -> memref<6400x16xf32, #tpu.memory_space<hbm>>
      %dma_wait3A_47 = arith.constant 0 : i32
      %dma_wait3A_48 = tpu.memref_slice %arg4[%mul3A_32, %dma_wait3A_47] : memref<102400x16xf32, #tpu.memory_space<vmem_shared>> -> memref<6400x16xf32, #tpu.memory_space<vmem_shared>>
      tpu.wait_dma2 semaphore(%run_scoped3A : memref<!tpu.dma_semaphore, #tpu.memory_space<semaphore_mem>>) src(%dma_wait3A_48 : memref<6400x16xf32, #tpu.memory_space<vmem_shared>>) dst(%dma_wait3A_46 : memref<6400x16xf32, #tpu.memory_space<hbm>>)
      tpu.yield
    }) : () -> ()
    return
  }
}

#map = affine_map<(d0, d1) -> (0, 0, 0)>
#map1 = affine_map<(d0, d1) -> (0, 0)>
module attributes {stable_mosaic.version = 14 : i64} {
  func.func @body(%arg0: i32, %arg1: i32, %arg2: memref<2x102400x16xf32, #tpu.memory_space<hbm>>, %arg3: memref<50176x128xi32, #tpu.memory_space<hbm>>, %arg4: memref<50176x128xi32, #tpu.memory_space<hbm>>, %arg5: memref<2x102400x16xf32, #tpu.memory_space<hbm>>, %arg6: memref<102400x16xf32, #tpu.memory_space<vmem_shared>>, %arg7: memref<8x128xi32, #tpu.memory_space<vmem>>, %arg8: memref<8x128xi32, #tpu.memory_space<vmem>>, %arg9: memref<8x128x16xf32, #tpu.memory_space<vmem>>, %arg10: memref<200x16xf32, #tpu.memory_space<vmem>>, %arg11: memref<!tpu.dma_semaphore, #tpu.memory_space<semaphore_mem>>, %arg12: memref<!tpu.dma_semaphore, #tpu.memory_space<semaphore_mem>>) attributes {dimension_semantics = [#tpu.dimension_semantics<core_parallel>, #tpu.dimension_semantics<subcore_parallel>], iteration_bounds = array<i64: 2, 16>, scalar_prefetch = 0 : i64, scratch_operands = 7 : i64, tpu.core_type = #tpu.core_type<sc_vector_subcore>, window_params = [{transform_indices = #map}, {transform_indices = #map1}, {transform_indices = #map1}, {transform_indices = #map}]} {
    %scan3A = arith.constant 0 : i32
    %scan3A_0 = arith.constant 0 : i32
    %scan3A_1 = arith.constant 200 : i32
    %scan3A_2 = arith.addi %scan3A_0, %scan3A_1 : i32
    %scan3A_3 = arith.constant 1 : i32
    %scan3A_4 = scf.for %scan3A_26 = %scan3A_0 to %scan3A_2 step %scan3A_3 iter_args(%scan3A_27 = %scan3A) -> (i32)  : i32 {
      %broadcast_in_dim3A = arith.constant 0.000000e+00 : f32
      %broadcast_in_dim3A_28 = vector.broadcast %broadcast_in_dim3A : f32 to vector<16xf32>
      %swap3A = arith.index_cast %scan3A_26 : i32 to index
      %swap3A_29 = arith.constant 0 : index
      %swap3A_30 = tpu.vector_load %arg10[%swap3A, %swap3A_29] {strides = array<i32>} : memref<200x16xf32, #tpu.memory_space<vmem>>, vector<1x16xf32>,
      %swap3A_31 = vector.shape_cast %swap3A_30 : vector<1x16xf32> to vector<16xf32>
      %swap3A_32 = vector.shape_cast %broadcast_in_dim3A_28 : vector<16xf32> to vector<1x16xf32>
      tpu.vector_store %arg10[%swap3A, %swap3A_29], %swap3A_32 {strides = array<i32>} : memref<200x16xf32, #tpu.memory_space<vmem>>, vector<1x16xf32>,
      %scan3A_33 = arith.constant 0 : i32
      scf.yield %scan3A_33 : i32
    }
    %scan3A_5 = arith.constant 200 : i32
    %scan3A_6 = arith.constant 0 : i32
    %scan3A_7 = arith.constant 0 : i32
    %scan3A_8 = arith.constant 32 : i32
    %scan3A_9 = arith.addi %scan3A_7, %scan3A_8 : i32
    %scan3A_10 = arith.constant 1 : i32
    %scan3A_11 = scf.for %scan3A_26 = %scan3A_7 to %scan3A_9 step %scan3A_10 iter_args(%scan3A_27 = %scan3A_6) -> (i32)  : i32 {
      %mul3A_28 = arith.constant 6400 : i32
      %mul3A_29 = arith.muli %arg1, %mul3A_28 : i32
      %mul3A_30 = arith.constant 200 : i32
      %mul3A_31 = arith.muli %scan3A_26, %mul3A_30 : i32
      %add3A = arith.addi %mul3A_29, %mul3A_31 : i32
      "tpu.region"() ({
        %run_scoped3A = tpu.sem_alloc : memref<!tpu.dma_semaphore, #tpu.memory_space<semaphore_mem>>
        %dma_start3A = arith.constant 0 : i32
        %dma_start3A_33 = tpu.memref_slice %arg6[%add3A, %dma_start3A] : memref<102400x16xf32, #tpu.memory_space<vmem_shared>> -> memref<200x16xf32, #tpu.memory_space<vmem_shared>>
        %dma_start3A_34 = arith.constant 0 : i32
        %dma_start3A_35 = tpu.memref_slice %arg6[%add3A, %dma_start3A_34] : memref<102400x16xf32, #tpu.memory_space<vmem_shared>> -> memref<200x16xf32, #tpu.memory_space<vmem_shared>>
        tpu.enqueue_dma source(%arg10 : memref<200x16xf32, #tpu.memory_space<vmem>>) target(%dma_start3A_35 : memref<200x16xf32, #tpu.memory_space<vmem_shared>>) target_semaphore(%run_scoped3A : memref<!tpu.dma_semaphore, #tpu.memory_space<semaphore_mem>>)
        %dma_wait3A = arith.constant 0 : i32
        %dma_wait3A_36 = tpu.memref_slice %arg6[%add3A, %dma_wait3A] : memref<102400x16xf32, #tpu.memory_space<vmem_shared>> -> memref<200x16xf32, #tpu.memory_space<vmem_shared>>
        %dma_wait3A_37 = arith.constant 0 : i32
        %dma_wait3A_38 = tpu.memref_slice %arg6[%add3A, %dma_wait3A_37] : memref<102400x16xf32, #tpu.memory_space<vmem_shared>> -> memref<200x16xf32, #tpu.memory_space<vmem_shared>>
        tpu.wait_dma2 semaphore(%run_scoped3A : memref<!tpu.dma_semaphore, #tpu.memory_space<semaphore_mem>>) src(%arg10 : memref<200x16xf32, #tpu.memory_space<vmem>>) dst(%dma_wait3A_38 : memref<200x16xf32, #tpu.memory_space<vmem_shared>>)
        tpu.yield
      }) : () -> ()
      %scan3A_32 = arith.constant 0 : i32
      scf.yield %scan3A_32 : i32
    }
    %scan3A_12 = arith.constant 32 : i32
    %barrier3A = arith.constant 0 : index
    tpu.barrier barrier_id(%barrier3A)
    %mul3A = arith.constant 3136 : i32
    %mul3A_13 = arith.muli %arg1, %mul3A : i32
    %scan3A_14 = arith.constant 0 : i32
    %scan3A_15 = arith.constant 0 : i32
    %scan3A_16 = arith.constant 392 : i32
    %scan3A_17 = arith.addi %scan3A_15, %scan3A_16 : i32
    %scan3A_18 = arith.constant 1 : i32
    %scan3A_19 = scf.for %scan3A_26 = %scan3A_15 to %scan3A_17 step %scan3A_18 iter_args(%scan3A_27 = %scan3A_14) -> (i32)  : i32 {
      %mul3A_28 = arith.constant 8 : i32
      %mul3A_29 = arith.muli %scan3A_26, %mul3A_28 : i32
      %add3A = arith.addi %mul3A_13, %mul3A_29 : i32
      "tpu.region"() ({
        %run_scoped3A = tpu.sem_alloc : memref<!tpu.dma_semaphore, #tpu.memory_space<semaphore_mem>>
        %dma_start3A_477 = arith.constant 0 : i32
        %dma_start3A_478 = tpu.memref_slice %arg3[%add3A, %dma_start3A_477] : memref<50176x128xi32, #tpu.memory_space<hbm>> -> memref<8x128xi32, #tpu.memory_space<hbm>>
        %dma_start3A_479 = arith.constant 0 : i32
        %dma_start3A_480 = tpu.memref_slice %arg3[%add3A, %dma_start3A_479] : memref<50176x128xi32, #tpu.memory_space<hbm>> -> memref<8x128xi32, #tpu.memory_space<hbm>>
        tpu.enqueue_dma source(%dma_start3A_480 : memref<8x128xi32, #tpu.memory_space<hbm>>) target(%arg7 : memref<8x128xi32, #tpu.memory_space<vmem>>) target_semaphore(%run_scoped3A : memref<!tpu.dma_semaphore, #tpu.memory_space<semaphore_mem>>)
        %dma_wait3A_481 = arith.constant 0 : i32
        %dma_wait3A_482 = tpu.memref_slice %arg3[%add3A, %dma_wait3A_481] : memref<50176x128xi32, #tpu.memory_space<hbm>> -> memref<8x128xi32, #tpu.memory_space<hbm>>
        %dma_wait3A_483 = arith.constant 0 : i32
        %dma_wait3A_484 = tpu.memref_slice %arg3[%add3A, %dma_wait3A_483] : memref<50176x128xi32, #tpu.memory_space<hbm>> -> memref<8x128xi32, #tpu.memory_space<hbm>>
        tpu.wait_dma2 semaphore(%run_scoped3A : memref<!tpu.dma_semaphore, #tpu.memory_space<semaphore_mem>>) src(%dma_wait3A_484 : memref<8x128xi32, #tpu.memory_space<hbm>>) dst(%arg7 : memref<8x128xi32, #tpu.memory_space<vmem>>)
        tpu.yield
      }) : () -> ()
      "tpu.region"() ({
        %run_scoped3A = tpu.sem_alloc : memref<!tpu.dma_semaphore, #tpu.memory_space<semaphore_mem>>
        %dma_start3A_477 = arith.constant 0 : i32
        %dma_start3A_478 = tpu.memref_slice %arg4[%add3A, %dma_start3A_477] : memref<50176x128xi32, #tpu.memory_space<hbm>> -> memref<8x128xi32, #tpu.memory_space<hbm>>
        %dma_start3A_479 = arith.constant 0 : i32
        %dma_start3A_480 = tpu.memref_slice %arg4[%add3A, %dma_start3A_479] : memref<50176x128xi32, #tpu.memory_space<hbm>> -> memref<8x128xi32, #tpu.memory_space<hbm>>
        tpu.enqueue_dma source(%dma_start3A_480 : memref<8x128xi32, #tpu.memory_space<hbm>>) target(%arg8 : memref<8x128xi32, #tpu.memory_space<vmem>>) target_semaphore(%run_scoped3A : memref<!tpu.dma_semaphore, #tpu.memory_space<semaphore_mem>>)
        %dma_wait3A_481 = arith.constant 0 : i32
        %dma_wait3A_482 = tpu.memref_slice %arg4[%add3A, %dma_wait3A_481] : memref<50176x128xi32, #tpu.memory_space<hbm>> -> memref<8x128xi32, #tpu.memory_space<hbm>>
        %dma_wait3A_483 = arith.constant 0 : i32
        %dma_wait3A_484 = tpu.memref_slice %arg4[%add3A, %dma_wait3A_483] : memref<50176x128xi32, #tpu.memory_space<hbm>> -> memref<8x128xi32, #tpu.memory_space<hbm>>
        tpu.wait_dma2 semaphore(%run_scoped3A : memref<!tpu.dma_semaphore, #tpu.memory_space<semaphore_mem>>) src(%dma_wait3A_484 : memref<8x128xi32, #tpu.memory_space<hbm>>) dst(%arg8 : memref<8x128xi32, #tpu.memory_space<vmem>>)
        tpu.yield
      }) : () -> ()
      %dma_start3A = arith.constant 0 : i32
      %dma_start3A_30 = arith.constant 0 : i32
      %dma_start3A_31 = arith.constant 0 : i32
      %dma_start3A_32 = arith.constant 0 : i32
      %dma_start3A_33 = tpu.memref_slice %arg9[%dma_start3A_30, %dma_start3A_31, %dma_start3A_32] : memref<8x128x16xf32, #tpu.memory_space<vmem>> -> memref<1x128x16xf32, #tpu.memory_space<vmem>>
      %dma_start3A_34 = tpu.memref_squeeze %dma_start3A_33 : memref<1x128x16xf32, #tpu.memory_space<vmem>> -> memref<128x16xf32, #tpu.memory_space<vmem>>
      %dma_start3A_35 = arith.constant 0 : i32
      %dma_start3A_36 = tpu.memref_slice %arg7[%dma_start3A, %dma_start3A_35] : memref<8x128xi32, #tpu.memory_space<vmem>> -> memref<1x128xi32, #tpu.memory_space<vmem>>
      %dma_start3A_37 = tpu.memref_squeeze %dma_start3A_36 : memref<1x128xi32, #tpu.memory_space<vmem>> -> memref<128xi32, #tpu.memory_space<vmem>>
      %dma_start3A_38 = arith.constant 0 : i32
      %dma_start3A_39 = arith.constant 0 : i32
      %dma_start3A_40 = tpu.memref_slice %arg2[%arg0, %dma_start3A_38, %dma_start3A_39] : memref<2x102400x16xf32, #tpu.memory_space<hbm>> -> memref<1x102400x16xf32, #tpu.memory_space<hbm>>
      %dma_start3A_41 = tpu.memref_squeeze %dma_start3A_40 : memref<1x102400x16xf32, #tpu.memory_space<hbm>> -> memref<102400x16xf32, #tpu.memory_space<hbm>>
      %dma_start3A_42 = arith.constant 0 : i32
      %dma_start3A_43 = arith.constant 0 : i32
      %dma_start3A_44 = tpu.memref_slice %dma_start3A_41[%dma_start3A_42, %dma_start3A_43] : memref<102400x16xf32, #tpu.memory_space<hbm>> -> memref<102400x16xf32, #tpu.memory_space<hbm>>
      tpu.enqueue_indirect_dma source(%dma_start3A_44 : memref<102400x16xf32, #tpu.memory_space<hbm>>) target(%dma_start3A_34 : memref<128x16xf32, #tpu.memory_space<vmem>>) offsets(%dma_start3A_37 : memref<128xi32, #tpu.memory_space<vmem>>) semaphore(%arg11 : memref<!tpu.dma_semaphore, #tpu.memory_space<semaphore_mem>>)
      %dma_start3A_45 = arith.constant 1 : i32
      %dma_start3A_46 = arith.constant 1 : i32
      %dma_start3A_47 = arith.constant 0 : i32
      %dma_start3A_48 = arith.constant 0 : i32
      %dma_start3A_49 = tpu.memref_slice %arg9[%dma_start3A_46, %dma_start3A_47, %dma_start3A_48] : memref<8x128x16xf32, #tpu.memory_space<vmem>> -> memref<1x128x16xf32, #tpu.memory_space<vmem>>
      %dma_start3A_50 = tpu.memref_squeeze %dma_start3A_49 : memref<1x128x16xf32, #tpu.memory_space<vmem>> -> memref<128x16xf32, #tpu.memory_space<vmem>>
      %dma_start3A_51 = arith.constant 0 : i32
      %dma_start3A_52 = tpu.memref_slice %arg7[%dma_start3A_45, %dma_start3A_51] : memref<8x128xi32, #tpu.memory_space<vmem>> -> memref<1x128xi32, #tpu.memory_space<vmem>>
      %dma_start3A_53 = tpu.memref_squeeze %dma_start3A_52 : memref<1x128xi32, #tpu.memory_space<vmem>> -> memref<128xi32, #tpu.memory_space<vmem>>
      %dma_start3A_54 = arith.constant 0 : i32
      %dma_start3A_55 = arith.constant 0 : i32
      %dma_start3A_56 = tpu.memref_slice %arg2[%arg0, %dma_start3A_54, %dma_start3A_55] : memref<2x102400x16xf32, #tpu.memory_space<hbm>> -> memref<1x102400x16xf32, #tpu.memory_space<hbm>>
      %dma_start3A_57 = tpu.memref_squeeze %dma_start3A_56 : memref<1x102400x16xf32, #tpu.memory_space<hbm>> -> memref<102400x16xf32, #tpu.memory_space<hbm>>
      %dma_start3A_58 = arith.constant 0 : i32
      %dma_start3A_59 = arith.constant 0 : i32
      %dma_start3A_60 = tpu.memref_slice %dma_start3A_57[%dma_start3A_58, %dma_start3A_59] : memref<102400x16xf32, #tpu.memory_space<hbm>> -> memref<102400x16xf32, #tpu.memory_space<hbm>>
      tpu.enqueue_indirect_dma source(%dma_start3A_60 : memref<102400x16xf32, #tpu.memory_space<hbm>>) target(%dma_start3A_50 : memref<128x16xf32, #tpu.memory_space<vmem>>) offsets(%dma_start3A_53 : memref<128xi32, #tpu.memory_space<vmem>>) semaphore(%arg11 : memref<!tpu.dma_semaphore, #tpu.memory_space<semaphore_mem>>)
      %dma_start3A_61 = arith.constant 2 : i32
      %dma_start3A_62 = arith.constant 2 : i32
      %dma_start3A_63 = arith.constant 0 : i32
      %dma_start3A_64 = arith.constant 0 : i32
      %dma_start3A_65 = tpu.memref_slice %arg9[%dma_start3A_62, %dma_start3A_63, %dma_start3A_64] : memref<8x128x16xf32, #tpu.memory_space<vmem>> -> memref<1x128x16xf32, #tpu.memory_space<vmem>>
      %dma_start3A_66 = tpu.memref_squeeze %dma_start3A_65 : memref<1x128x16xf32, #tpu.memory_space<vmem>> -> memref<128x16xf32, #tpu.memory_space<vmem>>
      %dma_start3A_67 = arith.constant 0 : i32
      %dma_start3A_68 = tpu.memref_slice %arg7[%dma_start3A_61, %dma_start3A_67] : memref<8x128xi32, #tpu.memory_space<vmem>> -> memref<1x128xi32, #tpu.memory_space<vmem>>
      %dma_start3A_69 = tpu.memref_squeeze %dma_start3A_68 : memref<1x128xi32, #tpu.memory_space<vmem>> -> memref<128xi32, #tpu.memory_space<vmem>>
      %dma_start3A_70 = arith.constant 0 : i32
      %dma_start3A_71 = arith.constant 0 : i32
      %dma_start3A_72 = tpu.memref_slice %arg2[%arg0, %dma_start3A_70, %dma_start3A_71] : memref<2x102400x16xf32, #tpu.memory_space<hbm>> -> memref<1x102400x16xf32, #tpu.memory_space<hbm>>
      %dma_start3A_73 = tpu.memref_squeeze %dma_start3A_72 : memref<1x102400x16xf32, #tpu.memory_space<hbm>> -> memref<102400x16xf32, #tpu.memory_space<hbm>>
      %dma_start3A_74 = arith.constant 0 : i32
      %dma_start3A_75 = arith.constant 0 : i32
      %dma_start3A_76 = tpu.memref_slice %dma_start3A_73[%dma_start3A_74, %dma_start3A_75] : memref<102400x16xf32, #tpu.memory_space<hbm>> -> memref<102400x16xf32, #tpu.memory_space<hbm>>
      tpu.enqueue_indirect_dma source(%dma_start3A_76 : memref<102400x16xf32, #tpu.memory_space<hbm>>) target(%dma_start3A_66 : memref<128x16xf32, #tpu.memory_space<vmem>>) offsets(%dma_start3A_69 : memref<128xi32, #tpu.memory_space<vmem>>) semaphore(%arg11 : memref<!tpu.dma_semaphore, #tpu.memory_space<semaphore_mem>>)
      %dma_start3A_77 = arith.constant 3 : i32
      %dma_start3A_78 = arith.constant 3 : i32
      %dma_start3A_79 = arith.constant 0 : i32
      %dma_start3A_80 = arith.constant 0 : i32
      %dma_start3A_81 = tpu.memref_slice %arg9[%dma_start3A_78, %dma_start3A_79, %dma_start3A_80] : memref<8x128x16xf32, #tpu.memory_space<vmem>> -> memref<1x128x16xf32, #tpu.memory_space<vmem>>
      %dma_start3A_82 = tpu.memref_squeeze %dma_start3A_81 : memref<1x128x16xf32, #tpu.memory_space<vmem>> -> memref<128x16xf32, #tpu.memory_space<vmem>>
      %dma_start3A_83 = arith.constant 0 : i32
      %dma_start3A_84 = tpu.memref_slice %arg7[%dma_start3A_77, %dma_start3A_83] : memref<8x128xi32, #tpu.memory_space<vmem>> -> memref<1x128xi32, #tpu.memory_space<vmem>>
      %dma_start3A_85 = tpu.memref_squeeze %dma_start3A_84 : memref<1x128xi32, #tpu.memory_space<vmem>> -> memref<128xi32, #tpu.memory_space<vmem>>
      %dma_start3A_86 = arith.constant 0 : i32
      %dma_start3A_87 = arith.constant 0 : i32
      %dma_start3A_88 = tpu.memref_slice %arg2[%arg0, %dma_start3A_86, %dma_start3A_87] : memref<2x102400x16xf32, #tpu.memory_space<hbm>> -> memref<1x102400x16xf32, #tpu.memory_space<hbm>>
      %dma_start3A_89 = tpu.memref_squeeze %dma_start3A_88 : memref<1x102400x16xf32, #tpu.memory_space<hbm>> -> memref<102400x16xf32, #tpu.memory_space<hbm>>
      %dma_start3A_90 = arith.constant 0 : i32
      %dma_start3A_91 = arith.constant 0 : i32
      %dma_start3A_92 = tpu.memref_slice %dma_start3A_89[%dma_start3A_90, %dma_start3A_91] : memref<102400x16xf32, #tpu.memory_space<hbm>> -> memref<102400x16xf32, #tpu.memory_space<hbm>>
      tpu.enqueue_indirect_dma source(%dma_start3A_92 : memref<102400x16xf32, #tpu.memory_space<hbm>>) target(%dma_start3A_82 : memref<128x16xf32, #tpu.memory_space<vmem>>) offsets(%dma_start3A_85 : memref<128xi32, #tpu.memory_space<vmem>>) semaphore(%arg11 : memref<!tpu.dma_semaphore, #tpu.memory_space<semaphore_mem>>)
      %dma_start3A_93 = arith.constant 4 : i32
      %dma_start3A_94 = arith.constant 4 : i32
      %dma_start3A_95 = arith.constant 0 : i32
      %dma_start3A_96 = arith.constant 0 : i32
      %dma_start3A_97 = tpu.memref_slice %arg9[%dma_start3A_94, %dma_start3A_95, %dma_start3A_96] : memref<8x128x16xf32, #tpu.memory_space<vmem>> -> memref<1x128x16xf32, #tpu.memory_space<vmem>>
      %dma_start3A_98 = tpu.memref_squeeze %dma_start3A_97 : memref<1x128x16xf32, #tpu.memory_space<vmem>> -> memref<128x16xf32, #tpu.memory_space<vmem>>
      %dma_start3A_99 = arith.constant 0 : i32
      %dma_start3A_100 = tpu.memref_slice %arg7[%dma_start3A_93, %dma_start3A_99] : memref<8x128xi32, #tpu.memory_space<vmem>> -> memref<1x128xi32, #tpu.memory_space<vmem>>
      %dma_start3A_101 = tpu.memref_squeeze %dma_start3A_100 : memref<1x128xi32, #tpu.memory_space<vmem>> -> memref<128xi32, #tpu.memory_space<vmem>>
      %dma_start3A_102 = arith.constant 0 : i32
      %dma_start3A_103 = arith.constant 0 : i32
      %dma_start3A_104 = tpu.memref_slice %arg2[%arg0, %dma_start3A_102, %dma_start3A_103] : memref<2x102400x16xf32, #tpu.memory_space<hbm>> -> memref<1x102400x16xf32, #tpu.memory_space<hbm>>
      %dma_start3A_105 = tpu.memref_squeeze %dma_start3A_104 : memref<1x102400x16xf32, #tpu.memory_space<hbm>> -> memref<102400x16xf32, #tpu.memory_space<hbm>>
      %dma_start3A_106 = arith.constant 0 : i32
      %dma_start3A_107 = arith.constant 0 : i32
      %dma_start3A_108 = tpu.memref_slice %dma_start3A_105[%dma_start3A_106, %dma_start3A_107] : memref<102400x16xf32, #tpu.memory_space<hbm>> -> memref<102400x16xf32, #tpu.memory_space<hbm>>
      tpu.enqueue_indirect_dma source(%dma_start3A_108 : memref<102400x16xf32, #tpu.memory_space<hbm>>) target(%dma_start3A_98 : memref<128x16xf32, #tpu.memory_space<vmem>>) offsets(%dma_start3A_101 : memref<128xi32, #tpu.memory_space<vmem>>) semaphore(%arg11 : memref<!tpu.dma_semaphore, #tpu.memory_space<semaphore_mem>>)
      %dma_start3A_109 = arith.constant 5 : i32
      %dma_start3A_110 = arith.constant 5 : i32
      %dma_start3A_111 = arith.constant 0 : i32
      %dma_start3A_112 = arith.constant 0 : i32
      %dma_start3A_113 = tpu.memref_slice %arg9[%dma_start3A_110, %dma_start3A_111, %dma_start3A_112] : memref<8x128x16xf32, #tpu.memory_space<vmem>> -> memref<1x128x16xf32, #tpu.memory_space<vmem>>
      %dma_start3A_114 = tpu.memref_squeeze %dma_start3A_113 : memref<1x128x16xf32, #tpu.memory_space<vmem>> -> memref<128x16xf32, #tpu.memory_space<vmem>>
      %dma_start3A_115 = arith.constant 0 : i32
      %dma_start3A_116 = tpu.memref_slice %arg7[%dma_start3A_109, %dma_start3A_115] : memref<8x128xi32, #tpu.memory_space<vmem>> -> memref<1x128xi32, #tpu.memory_space<vmem>>
      %dma_start3A_117 = tpu.memref_squeeze %dma_start3A_116 : memref<1x128xi32, #tpu.memory_space<vmem>> -> memref<128xi32, #tpu.memory_space<vmem>>
      %dma_start3A_118 = arith.constant 0 : i32
      %dma_start3A_119 = arith.constant 0 : i32
      %dma_start3A_120 = tpu.memref_slice %arg2[%arg0, %dma_start3A_118, %dma_start3A_119] : memref<2x102400x16xf32, #tpu.memory_space<hbm>> -> memref<1x102400x16xf32, #tpu.memory_space<hbm>>
      %dma_start3A_121 = tpu.memref_squeeze %dma_start3A_120 : memref<1x102400x16xf32, #tpu.memory_space<hbm>> -> memref<102400x16xf32, #tpu.memory_space<hbm>>
      %dma_start3A_122 = arith.constant 0 : i32
      %dma_start3A_123 = arith.constant 0 : i32
      %dma_start3A_124 = tpu.memref_slice %dma_start3A_121[%dma_start3A_122, %dma_start3A_123] : memref<102400x16xf32, #tpu.memory_space<hbm>> -> memref<102400x16xf32, #tpu.memory_space<hbm>>
      tpu.enqueue_indirect_dma source(%dma_start3A_124 : memref<102400x16xf32, #tpu.memory_space<hbm>>) target(%dma_start3A_114 : memref<128x16xf32, #tpu.memory_space<vmem>>) offsets(%dma_start3A_117 : memref<128xi32, #tpu.memory_space<vmem>>) semaphore(%arg11 : memref<!tpu.dma_semaphore, #tpu.memory_space<semaphore_mem>>)
      %dma_start3A_125 = arith.constant 6 : i32
      %dma_start3A_126 = arith.constant 6 : i32
      %dma_start3A_127 = arith.constant 0 : i32
      %dma_start3A_128 = arith.constant 0 : i32
      %dma_start3A_129 = tpu.memref_slice %arg9[%dma_start3A_126, %dma_start3A_127, %dma_start3A_128] : memref<8x128x16xf32, #tpu.memory_space<vmem>> -> memref<1x128x16xf32, #tpu.memory_space<vmem>>
      %dma_start3A_130 = tpu.memref_squeeze %dma_start3A_129 : memref<1x128x16xf32, #tpu.memory_space<vmem>> -> memref<128x16xf32, #tpu.memory_space<vmem>>
      %dma_start3A_131 = arith.constant 0 : i32
      %dma_start3A_132 = tpu.memref_slice %arg7[%dma_start3A_125, %dma_start3A_131] : memref<8x128xi32, #tpu.memory_space<vmem>> -> memref<1x128xi32, #tpu.memory_space<vmem>>
      %dma_start3A_133 = tpu.memref_squeeze %dma_start3A_132 : memref<1x128xi32, #tpu.memory_space<vmem>> -> memref<128xi32, #tpu.memory_space<vmem>>
      %dma_start3A_134 = arith.constant 0 : i32
      %dma_start3A_135 = arith.constant 0 : i32
      %dma_start3A_136 = tpu.memref_slice %arg2[%arg0, %dma_start3A_134, %dma_start3A_135] : memref<2x102400x16xf32, #tpu.memory_space<hbm>> -> memref<1x102400x16xf32, #tpu.memory_space<hbm>>
      %dma_start3A_137 = tpu.memref_squeeze %dma_start3A_136 : memref<1x102400x16xf32, #tpu.memory_space<hbm>> -> memref<102400x16xf32, #tpu.memory_space<hbm>>
      %dma_start3A_138 = arith.constant 0 : i32
      %dma_start3A_139 = arith.constant 0 : i32
      %dma_start3A_140 = tpu.memref_slice %dma_start3A_137[%dma_start3A_138, %dma_start3A_139] : memref<102400x16xf32, #tpu.memory_space<hbm>> -> memref<102400x16xf32, #tpu.memory_space<hbm>>
      tpu.enqueue_indirect_dma source(%dma_start3A_140 : memref<102400x16xf32, #tpu.memory_space<hbm>>) target(%dma_start3A_130 : memref<128x16xf32, #tpu.memory_space<vmem>>) offsets(%dma_start3A_133 : memref<128xi32, #tpu.memory_space<vmem>>) semaphore(%arg11 : memref<!tpu.dma_semaphore, #tpu.memory_space<semaphore_mem>>)
      %dma_start3A_141 = arith.constant 7 : i32
      %dma_start3A_142 = arith.constant 7 : i32
      %dma_start3A_143 = arith.constant 0 : i32
      %dma_start3A_144 = arith.constant 0 : i32
      %dma_start3A_145 = tpu.memref_slice %arg9[%dma_start3A_142, %dma_start3A_143, %dma_start3A_144] : memref<8x128x16xf32, #tpu.memory_space<vmem>> -> memref<1x128x16xf32, #tpu.memory_space<vmem>>
      %dma_start3A_146 = tpu.memref_squeeze %dma_start3A_145 : memref<1x128x16xf32, #tpu.memory_space<vmem>> -> memref<128x16xf32, #tpu.memory_space<vmem>>
      %dma_start3A_147 = arith.constant 0 : i32
      %dma_start3A_148 = tpu.memref_slice %arg7[%dma_start3A_141, %dma_start3A_147] : memref<8x128xi32, #tpu.memory_space<vmem>> -> memref<1x128xi32, #tpu.memory_space<vmem>>
      %dma_start3A_149 = tpu.memref_squeeze %dma_start3A_148 : memref<1x128xi32, #tpu.memory_space<vmem>> -> memref<128xi32, #tpu.memory_space<vmem>>
      %dma_start3A_150 = arith.constant 0 : i32
      %dma_start3A_151 = arith.constant 0 : i32
      %dma_start3A_152 = tpu.memref_slice %arg2[%arg0, %dma_start3A_150, %dma_start3A_151] : memref<2x102400x16xf32, #tpu.memory_space<hbm>> -> memref<1x102400x16xf32, #tpu.memory_space<hbm>>
      %dma_start3A_153 = tpu.memref_squeeze %dma_start3A_152 : memref<1x102400x16xf32, #tpu.memory_space<hbm>> -> memref<102400x16xf32, #tpu.memory_space<hbm>>
      %dma_start3A_154 = arith.constant 0 : i32
      %dma_start3A_155 = arith.constant 0 : i32
      %dma_start3A_156 = tpu.memref_slice %dma_start3A_153[%dma_start3A_154, %dma_start3A_155] : memref<102400x16xf32, #tpu.memory_space<hbm>> -> memref<102400x16xf32, #tpu.memory_space<hbm>>
      tpu.enqueue_indirect_dma source(%dma_start3A_156 : memref<102400x16xf32, #tpu.memory_space<hbm>>) target(%dma_start3A_146 : memref<128x16xf32, #tpu.memory_space<vmem>>) offsets(%dma_start3A_149 : memref<128xi32, #tpu.memory_space<vmem>>) semaphore(%arg11 : memref<!tpu.dma_semaphore, #tpu.memory_space<semaphore_mem>>)
      %dma_wait3A = arith.constant 0 : i32
      %dma_wait3A_157 = arith.constant 0 : i32
      %dma_wait3A_158 = arith.constant 0 : i32
      %dma_wait3A_159 = arith.constant 0 : i32
      %dma_wait3A_160 = tpu.memref_slice %arg9[%dma_wait3A_157, %dma_wait3A_158, %dma_wait3A_159] : memref<8x128x16xf32, #tpu.memory_space<vmem>> -> memref<1x128x16xf32, #tpu.memory_space<vmem>>
      %dma_wait3A_161 = tpu.memref_squeeze %dma_wait3A_160 : memref<1x128x16xf32, #tpu.memory_space<vmem>> -> memref<128x16xf32, #tpu.memory_space<vmem>>
      %dma_wait3A_162 = arith.constant 0 : i32
      %dma_wait3A_163 = tpu.memref_slice %arg7[%dma_wait3A, %dma_wait3A_162] : memref<8x128xi32, #tpu.memory_space<vmem>> -> memref<1x128xi32, #tpu.memory_space<vmem>>
      %dma_wait3A_164 = tpu.memref_squeeze %dma_wait3A_163 : memref<1x128xi32, #tpu.memory_space<vmem>> -> memref<128xi32, #tpu.memory_space<vmem>>
      %dma_wait3A_165 = arith.constant 0 : i32
      %dma_wait3A_166 = arith.constant 0 : i32
      %dma_wait3A_167 = tpu.memref_slice %arg2[%arg0, %dma_wait3A_165, %dma_wait3A_166] : memref<2x102400x16xf32, #tpu.memory_space<hbm>> -> memref<1x102400x16xf32, #tpu.memory_space<hbm>>
      %dma_wait3A_168 = tpu.memref_squeeze %dma_wait3A_167 : memref<1x102400x16xf32, #tpu.memory_space<hbm>> -> memref<102400x16xf32, #tpu.memory_space<hbm>>
      %dma_wait3A_169 = arith.constant 0 : i32
      %dma_wait3A_170 = arith.constant 0 : i32
      %dma_wait3A_171 = tpu.memref_slice %dma_wait3A_168[%dma_wait3A_169, %dma_wait3A_170] : memref<102400x16xf32, #tpu.memory_space<hbm>> -> memref<102400x16xf32, #tpu.memory_space<hbm>>
      tpu.wait_indirect_dma semaphore(%arg11 : memref<!tpu.dma_semaphore, #tpu.memory_space<semaphore_mem>>) src(%dma_wait3A_171 : memref<102400x16xf32, #tpu.memory_space<hbm>>) dst(%dma_wait3A_161 : memref<128x16xf32, #tpu.memory_space<vmem>>)
      %dma_wait3A_172 = arith.constant 1 : i32
      %dma_wait3A_173 = arith.constant 1 : i32
      %dma_wait3A_174 = arith.constant 0 : i32
      %dma_wait3A_175 = arith.constant 0 : i32
      %dma_wait3A_176 = tpu.memref_slice %arg9[%dma_wait3A_173, %dma_wait3A_174, %dma_wait3A_175] : memref<8x128x16xf32, #tpu.memory_space<vmem>> -> memref<1x128x16xf32, #tpu.memory_space<vmem>>
      %dma_wait3A_177 = tpu.memref_squeeze %dma_wait3A_176 : memref<1x128x16xf32, #tpu.memory_space<vmem>> -> memref<128x16xf32, #tpu.memory_space<vmem>>
      %dma_wait3A_178 = arith.constant 0 : i32
      %dma_wait3A_179 = tpu.memref_slice %arg7[%dma_wait3A_172, %dma_wait3A_178] : memref<8x128xi32, #tpu.memory_space<vmem>> -> memref<1x128xi32, #tpu.memory_space<vmem>>
      %dma_wait3A_180 = tpu.memref_squeeze %dma_wait3A_179 : memref<1x128xi32, #tpu.memory_space<vmem>> -> memref<128xi32, #tpu.memory_space<vmem>>
      %dma_wait3A_181 = arith.constant 0 : i32
      %dma_wait3A_182 = arith.constant 0 : i32
      %dma_wait3A_183 = tpu.memref_slice %arg2[%arg0, %dma_wait3A_181, %dma_wait3A_182] : memref<2x102400x16xf32, #tpu.memory_space<hbm>> -> memref<1x102400x16xf32, #tpu.memory_space<hbm>>
      %dma_wait3A_184 = tpu.memref_squeeze %dma_wait3A_183 : memref<1x102400x16xf32, #tpu.memory_space<hbm>> -> memref<102400x16xf32, #tpu.memory_space<hbm>>
      %dma_wait3A_185 = arith.constant 0 : i32
      %dma_wait3A_186 = arith.constant 0 : i32
      %dma_wait3A_187 = tpu.memref_slice %dma_wait3A_184[%dma_wait3A_185, %dma_wait3A_186] : memref<102400x16xf32, #tpu.memory_space<hbm>> -> memref<102400x16xf32, #tpu.memory_space<hbm>>
      tpu.wait_indirect_dma semaphore(%arg11 : memref<!tpu.dma_semaphore, #tpu.memory_space<semaphore_mem>>) src(%dma_wait3A_187 : memref<102400x16xf32, #tpu.memory_space<hbm>>) dst(%dma_wait3A_177 : memref<128x16xf32, #tpu.memory_space<vmem>>)
      %dma_wait3A_188 = arith.constant 2 : i32
      %dma_wait3A_189 = arith.constant 2 : i32
      %dma_wait3A_190 = arith.constant 0 : i32
      %dma_wait3A_191 = arith.constant 0 : i32
      %dma_wait3A_192 = tpu.memref_slice %arg9[%dma_wait3A_189, %dma_wait3A_190, %dma_wait3A_191] : memref<8x128x16xf32, #tpu.memory_space<vmem>> -> memref<1x128x16xf32, #tpu.memory_space<vmem>>
      %dma_wait3A_193 = tpu.memref_squeeze %dma_wait3A_192 : memref<1x128x16xf32, #tpu.memory_space<vmem>> -> memref<128x16xf32, #tpu.memory_space<vmem>>
      %dma_wait3A_194 = arith.constant 0 : i32
      %dma_wait3A_195 = tpu.memref_slice %arg7[%dma_wait3A_188, %dma_wait3A_194] : memref<8x128xi32, #tpu.memory_space<vmem>> -> memref<1x128xi32, #tpu.memory_space<vmem>>
      %dma_wait3A_196 = tpu.memref_squeeze %dma_wait3A_195 : memref<1x128xi32, #tpu.memory_space<vmem>> -> memref<128xi32, #tpu.memory_space<vmem>>
      %dma_wait3A_197 = arith.constant 0 : i32
      %dma_wait3A_198 = arith.constant 0 : i32
      %dma_wait3A_199 = tpu.memref_slice %arg2[%arg0, %dma_wait3A_197, %dma_wait3A_198] : memref<2x102400x16xf32, #tpu.memory_space<hbm>> -> memref<1x102400x16xf32, #tpu.memory_space<hbm>>
      %dma_wait3A_200 = tpu.memref_squeeze %dma_wait3A_199 : memref<1x102400x16xf32, #tpu.memory_space<hbm>> -> memref<102400x16xf32, #tpu.memory_space<hbm>>
      %dma_wait3A_201 = arith.constant 0 : i32
      %dma_wait3A_202 = arith.constant 0 : i32
      %dma_wait3A_203 = tpu.memref_slice %dma_wait3A_200[%dma_wait3A_201, %dma_wait3A_202] : memref<102400x16xf32, #tpu.memory_space<hbm>> -> memref<102400x16xf32, #tpu.memory_space<hbm>>
      tpu.wait_indirect_dma semaphore(%arg11 : memref<!tpu.dma_semaphore, #tpu.memory_space<semaphore_mem>>) src(%dma_wait3A_203 : memref<102400x16xf32, #tpu.memory_space<hbm>>) dst(%dma_wait3A_193 : memref<128x16xf32, #tpu.memory_space<vmem>>)
      %dma_wait3A_204 = arith.constant 3 : i32
      %dma_wait3A_205 = arith.constant 3 : i32
      %dma_wait3A_206 = arith.constant 0 : i32
      %dma_wait3A_207 = arith.constant 0 : i32
      %dma_wait3A_208 = tpu.memref_slice %arg9[%dma_wait3A_205, %dma_wait3A_206, %dma_wait3A_207] : memref<8x128x16xf32, #tpu.memory_space<vmem>> -> memref<1x128x16xf32, #tpu.memory_space<vmem>>
      %dma_wait3A_209 = tpu.memref_squeeze %dma_wait3A_208 : memref<1x128x16xf32, #tpu.memory_space<vmem>> -> memref<128x16xf32, #tpu.memory_space<vmem>>
      %dma_wait3A_210 = arith.constant 0 : i32
      %dma_wait3A_211 = tpu.memref_slice %arg7[%dma_wait3A_204, %dma_wait3A_210] : memref<8x128xi32, #tpu.memory_space<vmem>> -> memref<1x128xi32, #tpu.memory_space<vmem>>
      %dma_wait3A_212 = tpu.memref_squeeze %dma_wait3A_211 : memref<1x128xi32, #tpu.memory_space<vmem>> -> memref<128xi32, #tpu.memory_space<vmem>>
      %dma_wait3A_213 = arith.constant 0 : i32
      %dma_wait3A_214 = arith.constant 0 : i32
      %dma_wait3A_215 = tpu.memref_slice %arg2[%arg0, %dma_wait3A_213, %dma_wait3A_214] : memref<2x102400x16xf32, #tpu.memory_space<hbm>> -> memref<1x102400x16xf32, #tpu.memory_space<hbm>>
      %dma_wait3A_216 = tpu.memref_squeeze %dma_wait3A_215 : memref<1x102400x16xf32, #tpu.memory_space<hbm>> -> memref<102400x16xf32, #tpu.memory_space<hbm>>
      %dma_wait3A_217 = arith.constant 0 : i32
      %dma_wait3A_218 = arith.constant 0 : i32
      %dma_wait3A_219 = tpu.memref_slice %dma_wait3A_216[%dma_wait3A_217, %dma_wait3A_218] : memref<102400x16xf32, #tpu.memory_space<hbm>> -> memref<102400x16xf32, #tpu.memory_space<hbm>>
      tpu.wait_indirect_dma semaphore(%arg11 : memref<!tpu.dma_semaphore, #tpu.memory_space<semaphore_mem>>) src(%dma_wait3A_219 : memref<102400x16xf32, #tpu.memory_space<hbm>>) dst(%dma_wait3A_209 : memref<128x16xf32, #tpu.memory_space<vmem>>)
      %dma_wait3A_220 = arith.constant 4 : i32
      %dma_wait3A_221 = arith.constant 4 : i32
      %dma_wait3A_222 = arith.constant 0 : i32
      %dma_wait3A_223 = arith.constant 0 : i32
      %dma_wait3A_224 = tpu.memref_slice %arg9[%dma_wait3A_221, %dma_wait3A_222, %dma_wait3A_223] : memref<8x128x16xf32, #tpu.memory_space<vmem>> -> memref<1x128x16xf32, #tpu.memory_space<vmem>>
      %dma_wait3A_225 = tpu.memref_squeeze %dma_wait3A_224 : memref<1x128x16xf32, #tpu.memory_space<vmem>> -> memref<128x16xf32, #tpu.memory_space<vmem>>
      %dma_wait3A_226 = arith.constant 0 : i32
      %dma_wait3A_227 = tpu.memref_slice %arg7[%dma_wait3A_220, %dma_wait3A_226] : memref<8x128xi32, #tpu.memory_space<vmem>> -> memref<1x128xi32, #tpu.memory_space<vmem>>
      %dma_wait3A_228 = tpu.memref_squeeze %dma_wait3A_227 : memref<1x128xi32, #tpu.memory_space<vmem>> -> memref<128xi32, #tpu.memory_space<vmem>>
      %dma_wait3A_229 = arith.constant 0 : i32
      %dma_wait3A_230 = arith.constant 0 : i32
      %dma_wait3A_231 = tpu.memref_slice %arg2[%arg0, %dma_wait3A_229, %dma_wait3A_230] : memref<2x102400x16xf32, #tpu.memory_space<hbm>> -> memref<1x102400x16xf32, #tpu.memory_space<hbm>>
      %dma_wait3A_232 = tpu.memref_squeeze %dma_wait3A_231 : memref<1x102400x16xf32, #tpu.memory_space<hbm>> -> memref<102400x16xf32, #tpu.memory_space<hbm>>
      %dma_wait3A_233 = arith.constant 0 : i32
      %dma_wait3A_234 = arith.constant 0 : i32
      %dma_wait3A_235 = tpu.memref_slice %dma_wait3A_232[%dma_wait3A_233, %dma_wait3A_234] : memref<102400x16xf32, #tpu.memory_space<hbm>> -> memref<102400x16xf32, #tpu.memory_space<hbm>>
      tpu.wait_indirect_dma semaphore(%arg11 : memref<!tpu.dma_semaphore, #tpu.memory_space<semaphore_mem>>) src(%dma_wait3A_235 : memref<102400x16xf32, #tpu.memory_space<hbm>>) dst(%dma_wait3A_225 : memref<128x16xf32, #tpu.memory_space<vmem>>)
      %dma_wait3A_236 = arith.constant 5 : i32
      %dma_wait3A_237 = arith.constant 5 : i32
      %dma_wait3A_238 = arith.constant 0 : i32
      %dma_wait3A_239 = arith.constant 0 : i32
      %dma_wait3A_240 = tpu.memref_slice %arg9[%dma_wait3A_237, %dma_wait3A_238, %dma_wait3A_239] : memref<8x128x16xf32, #tpu.memory_space<vmem>> -> memref<1x128x16xf32, #tpu.memory_space<vmem>>
      %dma_wait3A_241 = tpu.memref_squeeze %dma_wait3A_240 : memref<1x128x16xf32, #tpu.memory_space<vmem>> -> memref<128x16xf32, #tpu.memory_space<vmem>>
      %dma_wait3A_242 = arith.constant 0 : i32
      %dma_wait3A_243 = tpu.memref_slice %arg7[%dma_wait3A_236, %dma_wait3A_242] : memref<8x128xi32, #tpu.memory_space<vmem>> -> memref<1x128xi32, #tpu.memory_space<vmem>>
      %dma_wait3A_244 = tpu.memref_squeeze %dma_wait3A_243 : memref<1x128xi32, #tpu.memory_space<vmem>> -> memref<128xi32, #tpu.memory_space<vmem>>
      %dma_wait3A_245 = arith.constant 0 : i32
      %dma_wait3A_246 = arith.constant 0 : i32
      %dma_wait3A_247 = tpu.memref_slice %arg2[%arg0, %dma_wait3A_245, %dma_wait3A_246] : memref<2x102400x16xf32, #tpu.memory_space<hbm>> -> memref<1x102400x16xf32, #tpu.memory_space<hbm>>
      %dma_wait3A_248 = tpu.memref_squeeze %dma_wait3A_247 : memref<1x102400x16xf32, #tpu.memory_space<hbm>> -> memref<102400x16xf32, #tpu.memory_space<hbm>>
      %dma_wait3A_249 = arith.constant 0 : i32
      %dma_wait3A_250 = arith.constant 0 : i32
      %dma_wait3A_251 = tpu.memref_slice %dma_wait3A_248[%dma_wait3A_249, %dma_wait3A_250] : memref<102400x16xf32, #tpu.memory_space<hbm>> -> memref<102400x16xf32, #tpu.memory_space<hbm>>
      tpu.wait_indirect_dma semaphore(%arg11 : memref<!tpu.dma_semaphore, #tpu.memory_space<semaphore_mem>>) src(%dma_wait3A_251 : memref<102400x16xf32, #tpu.memory_space<hbm>>) dst(%dma_wait3A_241 : memref<128x16xf32, #tpu.memory_space<vmem>>)
      %dma_wait3A_252 = arith.constant 6 : i32
      %dma_wait3A_253 = arith.constant 6 : i32
      %dma_wait3A_254 = arith.constant 0 : i32
      %dma_wait3A_255 = arith.constant 0 : i32
      %dma_wait3A_256 = tpu.memref_slice %arg9[%dma_wait3A_253, %dma_wait3A_254, %dma_wait3A_255] : memref<8x128x16xf32, #tpu.memory_space<vmem>> -> memref<1x128x16xf32, #tpu.memory_space<vmem>>
      %dma_wait3A_257 = tpu.memref_squeeze %dma_wait3A_256 : memref<1x128x16xf32, #tpu.memory_space<vmem>> -> memref<128x16xf32, #tpu.memory_space<vmem>>
      %dma_wait3A_258 = arith.constant 0 : i32
      %dma_wait3A_259 = tpu.memref_slice %arg7[%dma_wait3A_252, %dma_wait3A_258] : memref<8x128xi32, #tpu.memory_space<vmem>> -> memref<1x128xi32, #tpu.memory_space<vmem>>
      %dma_wait3A_260 = tpu.memref_squeeze %dma_wait3A_259 : memref<1x128xi32, #tpu.memory_space<vmem>> -> memref<128xi32, #tpu.memory_space<vmem>>
      %dma_wait3A_261 = arith.constant 0 : i32
      %dma_wait3A_262 = arith.constant 0 : i32
      %dma_wait3A_263 = tpu.memref_slice %arg2[%arg0, %dma_wait3A_261, %dma_wait3A_262] : memref<2x102400x16xf32, #tpu.memory_space<hbm>> -> memref<1x102400x16xf32, #tpu.memory_space<hbm>>
      %dma_wait3A_264 = tpu.memref_squeeze %dma_wait3A_263 : memref<1x102400x16xf32, #tpu.memory_space<hbm>> -> memref<102400x16xf32, #tpu.memory_space<hbm>>
      %dma_wait3A_265 = arith.constant 0 : i32
      %dma_wait3A_266 = arith.constant 0 : i32
      %dma_wait3A_267 = tpu.memref_slice %dma_wait3A_264[%dma_wait3A_265, %dma_wait3A_266] : memref<102400x16xf32, #tpu.memory_space<hbm>> -> memref<102400x16xf32, #tpu.memory_space<hbm>>
      tpu.wait_indirect_dma semaphore(%arg11 : memref<!tpu.dma_semaphore, #tpu.memory_space<semaphore_mem>>) src(%dma_wait3A_267 : memref<102400x16xf32, #tpu.memory_space<hbm>>) dst(%dma_wait3A_257 : memref<128x16xf32, #tpu.memory_space<vmem>>)
      %dma_wait3A_268 = arith.constant 7 : i32
      %dma_wait3A_269 = arith.constant 7 : i32
      %dma_wait3A_270 = arith.constant 0 : i32
      %dma_wait3A_271 = arith.constant 0 : i32
      %dma_wait3A_272 = tpu.memref_slice %arg9[%dma_wait3A_269, %dma_wait3A_270, %dma_wait3A_271] : memref<8x128x16xf32, #tpu.memory_space<vmem>> -> memref<1x128x16xf32, #tpu.memory_space<vmem>>
      %dma_wait3A_273 = tpu.memref_squeeze %dma_wait3A_272 : memref<1x128x16xf32, #tpu.memory_space<vmem>> -> memref<128x16xf32, #tpu.memory_space<vmem>>
      %dma_wait3A_274 = arith.constant 0 : i32
      %dma_wait3A_275 = tpu.memref_slice %arg7[%dma_wait3A_268, %dma_wait3A_274] : memref<8x128xi32, #tpu.memory_space<vmem>> -> memref<1x128xi32, #tpu.memory_space<vmem>>
      %dma_wait3A_276 = tpu.memref_squeeze %dma_wait3A_275 : memref<1x128xi32, #tpu.memory_space<vmem>> -> memref<128xi32, #tpu.memory_space<vmem>>
      %dma_wait3A_277 = arith.constant 0 : i32
      %dma_wait3A_278 = arith.constant 0 : i32
      %dma_wait3A_279 = tpu.memref_slice %arg2[%arg0, %dma_wait3A_277, %dma_wait3A_278] : memref<2x102400x16xf32, #tpu.memory_space<hbm>> -> memref<1x102400x16xf32, #tpu.memory_space<hbm>>
      %dma_wait3A_280 = tpu.memref_squeeze %dma_wait3A_279 : memref<1x102400x16xf32, #tpu.memory_space<hbm>> -> memref<102400x16xf32, #tpu.memory_space<hbm>>
      %dma_wait3A_281 = arith.constant 0 : i32
      %dma_wait3A_282 = arith.constant 0 : i32
      %dma_wait3A_283 = tpu.memref_slice %dma_wait3A_280[%dma_wait3A_281, %dma_wait3A_282] : memref<102400x16xf32, #tpu.memory_space<hbm>> -> memref<102400x16xf32, #tpu.memory_space<hbm>>
      tpu.wait_indirect_dma semaphore(%arg11 : memref<!tpu.dma_semaphore, #tpu.memory_space<semaphore_mem>>) src(%dma_wait3A_283 : memref<102400x16xf32, #tpu.memory_space<hbm>>) dst(%dma_wait3A_273 : memref<128x16xf32, #tpu.memory_space<vmem>>)
      %dma_start3A_284 = arith.constant 0 : i32
      %dma_start3A_285 = arith.constant 0 : i32
      %dma_start3A_286 = arith.constant 0 : i32
      %dma_start3A_287 = arith.constant 0 : i32
      %dma_start3A_288 = tpu.memref_slice %arg9[%dma_start3A_284, %dma_start3A_286, %dma_start3A_287] : memref<8x128x16xf32, #tpu.memory_space<vmem>> -> memref<1x128x16xf32, #tpu.memory_space<vmem>>
      %dma_start3A_289 = tpu.memref_squeeze %dma_start3A_288 : memref<1x128x16xf32, #tpu.memory_space<vmem>> -> memref<128x16xf32, #tpu.memory_space<vmem>>
      %dma_start3A_290 = arith.constant 0 : i32
      %dma_start3A_291 = tpu.memref_slice %arg8[%dma_start3A_285, %dma_start3A_290] : memref<8x128xi32, #tpu.memory_space<vmem>> -> memref<1x128xi32, #tpu.memory_space<vmem>>
      %dma_start3A_292 = tpu.memref_squeeze %dma_start3A_291 : memref<1x128xi32, #tpu.memory_space<vmem>> -> memref<128xi32, #tpu.memory_space<vmem>>
      %dma_start3A_293 = arith.constant 0 : i32
      %dma_start3A_294 = arith.constant 0 : i32
      %dma_start3A_295 = tpu.memref_slice %arg6[%dma_start3A_293, %dma_start3A_294] : memref<102400x16xf32, #tpu.memory_space<vmem_shared>> -> memref<102400x16xf32, #tpu.memory_space<vmem_shared>>
      tpu.enqueue_indirect_dma source(%dma_start3A_289 : memref<128x16xf32, #tpu.memory_space<vmem>>) target(%dma_start3A_295 : memref<102400x16xf32, #tpu.memory_space<vmem_shared>>) offsets(%dma_start3A_292 : memref<128xi32, #tpu.memory_space<vmem>>) semaphore(%arg12 : memref<!tpu.dma_semaphore, #tpu.memory_space<semaphore_mem>>) {add = true}
      %dma_start3A_296 = arith.constant 1 : i32
      %dma_start3A_297 = arith.constant 1 : i32
      %dma_start3A_298 = arith.constant 0 : i32
      %dma_start3A_299 = arith.constant 0 : i32
      %dma_start3A_300 = tpu.memref_slice %arg9[%dma_start3A_296, %dma_start3A_298, %dma_start3A_299] : memref<8x128x16xf32, #tpu.memory_space<vmem>> -> memref<1x128x16xf32, #tpu.memory_space<vmem>>
      %dma_start3A_301 = tpu.memref_squeeze %dma_start3A_300 : memref<1x128x16xf32, #tpu.memory_space<vmem>> -> memref<128x16xf32, #tpu.memory_space<vmem>>
      %dma_start3A_302 = arith.constant 0 : i32
      %dma_start3A_303 = tpu.memref_slice %arg8[%dma_start3A_297, %dma_start3A_302] : memref<8x128xi32, #tpu.memory_space<vmem>> -> memref<1x128xi32, #tpu.memory_space<vmem>>
      %dma_start3A_304 = tpu.memref_squeeze %dma_start3A_303 : memref<1x128xi32, #tpu.memory_space<vmem>> -> memref<128xi32, #tpu.memory_space<vmem>>
      %dma_start3A_305 = arith.constant 0 : i32
      %dma_start3A_306 = arith.constant 0 : i32
      %dma_start3A_307 = tpu.memref_slice %arg6[%dma_start3A_305, %dma_start3A_306] : memref<102400x16xf32, #tpu.memory_space<vmem_shared>> -> memref<102400x16xf32, #tpu.memory_space<vmem_shared>>
      tpu.enqueue_indirect_dma source(%dma_start3A_301 : memref<128x16xf32, #tpu.memory_space<vmem>>) target(%dma_start3A_307 : memref<102400x16xf32, #tpu.memory_space<vmem_shared>>) offsets(%dma_start3A_304 : memref<128xi32, #tpu.memory_space<vmem>>) semaphore(%arg12 : memref<!tpu.dma_semaphore, #tpu.memory_space<semaphore_mem>>) {add = true}
      %dma_start3A_308 = arith.constant 2 : i32
      %dma_start3A_309 = arith.constant 2 : i32
      %dma_start3A_310 = arith.constant 0 : i32
      %dma_start3A_311 = arith.constant 0 : i32
      %dma_start3A_312 = tpu.memref_slice %arg9[%dma_start3A_308, %dma_start3A_310, %dma_start3A_311] : memref<8x128x16xf32, #tpu.memory_space<vmem>> -> memref<1x128x16xf32, #tpu.memory_space<vmem>>
      %dma_start3A_313 = tpu.memref_squeeze %dma_start3A_312 : memref<1x128x16xf32, #tpu.memory_space<vmem>> -> memref<128x16xf32, #tpu.memory_space<vmem>>
      %dma_start3A_314 = arith.constant 0 : i32
      %dma_start3A_315 = tpu.memref_slice %arg8[%dma_start3A_309, %dma_start3A_314] : memref<8x128xi32, #tpu.memory_space<vmem>> -> memref<1x128xi32, #tpu.memory_space<vmem>>
      %dma_start3A_316 = tpu.memref_squeeze %dma_start3A_315 : memref<1x128xi32, #tpu.memory_space<vmem>> -> memref<128xi32, #tpu.memory_space<vmem>>
      %dma_start3A_317 = arith.constant 0 : i32
      %dma_start3A_318 = arith.constant 0 : i32
      %dma_start3A_319 = tpu.memref_slice %arg6[%dma_start3A_317, %dma_start3A_318] : memref<102400x16xf32, #tpu.memory_space<vmem_shared>> -> memref<102400x16xf32, #tpu.memory_space<vmem_shared>>
      tpu.enqueue_indirect_dma source(%dma_start3A_313 : memref<128x16xf32, #tpu.memory_space<vmem>>) target(%dma_start3A_319 : memref<102400x16xf32, #tpu.memory_space<vmem_shared>>) offsets(%dma_start3A_316 : memref<128xi32, #tpu.memory_space<vmem>>) semaphore(%arg12 : memref<!tpu.dma_semaphore, #tpu.memory_space<semaphore_mem>>) {add = true}
      %dma_start3A_320 = arith.constant 3 : i32
      %dma_start3A_321 = arith.constant 3 : i32
      %dma_start3A_322 = arith.constant 0 : i32
      %dma_start3A_323 = arith.constant 0 : i32
      %dma_start3A_324 = tpu.memref_slice %arg9[%dma_start3A_320, %dma_start3A_322, %dma_start3A_323] : memref<8x128x16xf32, #tpu.memory_space<vmem>> -> memref<1x128x16xf32, #tpu.memory_space<vmem>>
      %dma_start3A_325 = tpu.memref_squeeze %dma_start3A_324 : memref<1x128x16xf32, #tpu.memory_space<vmem>> -> memref<128x16xf32, #tpu.memory_space<vmem>>
      %dma_start3A_326 = arith.constant 0 : i32
      %dma_start3A_327 = tpu.memref_slice %arg8[%dma_start3A_321, %dma_start3A_326] : memref<8x128xi32, #tpu.memory_space<vmem>> -> memref<1x128xi32, #tpu.memory_space<vmem>>
      %dma_start3A_328 = tpu.memref_squeeze %dma_start3A_327 : memref<1x128xi32, #tpu.memory_space<vmem>> -> memref<128xi32, #tpu.memory_space<vmem>>
      %dma_start3A_329 = arith.constant 0 : i32
      %dma_start3A_330 = arith.constant 0 : i32
      %dma_start3A_331 = tpu.memref_slice %arg6[%dma_start3A_329, %dma_start3A_330] : memref<102400x16xf32, #tpu.memory_space<vmem_shared>> -> memref<102400x16xf32, #tpu.memory_space<vmem_shared>>
      tpu.enqueue_indirect_dma source(%dma_start3A_325 : memref<128x16xf32, #tpu.memory_space<vmem>>) target(%dma_start3A_331 : memref<102400x16xf32, #tpu.memory_space<vmem_shared>>) offsets(%dma_start3A_328 : memref<128xi32, #tpu.memory_space<vmem>>) semaphore(%arg12 : memref<!tpu.dma_semaphore, #tpu.memory_space<semaphore_mem>>) {add = true}
      %dma_start3A_332 = arith.constant 4 : i32
      %dma_start3A_333 = arith.constant 4 : i32
      %dma_start3A_334 = arith.constant 0 : i32
      %dma_start3A_335 = arith.constant 0 : i32
      %dma_start3A_336 = tpu.memref_slice %arg9[%dma_start3A_332, %dma_start3A_334, %dma_start3A_335] : memref<8x128x16xf32, #tpu.memory_space<vmem>> -> memref<1x128x16xf32, #tpu.memory_space<vmem>>
      %dma_start3A_337 = tpu.memref_squeeze %dma_start3A_336 : memref<1x128x16xf32, #tpu.memory_space<vmem>> -> memref<128x16xf32, #tpu.memory_space<vmem>>
      %dma_start3A_338 = arith.constant 0 : i32
      %dma_start3A_339 = tpu.memref_slice %arg8[%dma_start3A_333, %dma_start3A_338] : memref<8x128xi32, #tpu.memory_space<vmem>> -> memref<1x128xi32, #tpu.memory_space<vmem>>
      %dma_start3A_340 = tpu.memref_squeeze %dma_start3A_339 : memref<1x128xi32, #tpu.memory_space<vmem>> -> memref<128xi32, #tpu.memory_space<vmem>>
      %dma_start3A_341 = arith.constant 0 : i32
      %dma_start3A_342 = arith.constant 0 : i32
      %dma_start3A_343 = tpu.memref_slice %arg6[%dma_start3A_341, %dma_start3A_342] : memref<102400x16xf32, #tpu.memory_space<vmem_shared>> -> memref<102400x16xf32, #tpu.memory_space<vmem_shared>>
      tpu.enqueue_indirect_dma source(%dma_start3A_337 : memref<128x16xf32, #tpu.memory_space<vmem>>) target(%dma_start3A_343 : memref<102400x16xf32, #tpu.memory_space<vmem_shared>>) offsets(%dma_start3A_340 : memref<128xi32, #tpu.memory_space<vmem>>) semaphore(%arg12 : memref<!tpu.dma_semaphore, #tpu.memory_space<semaphore_mem>>) {add = true}
      %dma_start3A_344 = arith.constant 5 : i32
      %dma_start3A_345 = arith.constant 5 : i32
      %dma_start3A_346 = arith.constant 0 : i32
      %dma_start3A_347 = arith.constant 0 : i32
      %dma_start3A_348 = tpu.memref_slice %arg9[%dma_start3A_344, %dma_start3A_346, %dma_start3A_347] : memref<8x128x16xf32, #tpu.memory_space<vmem>> -> memref<1x128x16xf32, #tpu.memory_space<vmem>>
      %dma_start3A_349 = tpu.memref_squeeze %dma_start3A_348 : memref<1x128x16xf32, #tpu.memory_space<vmem>> -> memref<128x16xf32, #tpu.memory_space<vmem>>
      %dma_start3A_350 = arith.constant 0 : i32
      %dma_start3A_351 = tpu.memref_slice %arg8[%dma_start3A_345, %dma_start3A_350] : memref<8x128xi32, #tpu.memory_space<vmem>> -> memref<1x128xi32, #tpu.memory_space<vmem>>
      %dma_start3A_352 = tpu.memref_squeeze %dma_start3A_351 : memref<1x128xi32, #tpu.memory_space<vmem>> -> memref<128xi32, #tpu.memory_space<vmem>>
      %dma_start3A_353 = arith.constant 0 : i32
      %dma_start3A_354 = arith.constant 0 : i32
      %dma_start3A_355 = tpu.memref_slice %arg6[%dma_start3A_353, %dma_start3A_354] : memref<102400x16xf32, #tpu.memory_space<vmem_shared>> -> memref<102400x16xf32, #tpu.memory_space<vmem_shared>>
      tpu.enqueue_indirect_dma source(%dma_start3A_349 : memref<128x16xf32, #tpu.memory_space<vmem>>) target(%dma_start3A_355 : memref<102400x16xf32, #tpu.memory_space<vmem_shared>>) offsets(%dma_start3A_352 : memref<128xi32, #tpu.memory_space<vmem>>) semaphore(%arg12 : memref<!tpu.dma_semaphore, #tpu.memory_space<semaphore_mem>>) {add = true}
      %dma_start3A_356 = arith.constant 6 : i32
      %dma_start3A_357 = arith.constant 6 : i32
      %dma_start3A_358 = arith.constant 0 : i32
      %dma_start3A_359 = arith.constant 0 : i32
      %dma_start3A_360 = tpu.memref_slice %arg9[%dma_start3A_356, %dma_start3A_358, %dma_start3A_359] : memref<8x128x16xf32, #tpu.memory_space<vmem>> -> memref<1x128x16xf32, #tpu.memory_space<vmem>>
      %dma_start3A_361 = tpu.memref_squeeze %dma_start3A_360 : memref<1x128x16xf32, #tpu.memory_space<vmem>> -> memref<128x16xf32, #tpu.memory_space<vmem>>
      %dma_start3A_362 = arith.constant 0 : i32
      %dma_start3A_363 = tpu.memref_slice %arg8[%dma_start3A_357, %dma_start3A_362] : memref<8x128xi32, #tpu.memory_space<vmem>> -> memref<1x128xi32, #tpu.memory_space<vmem>>
      %dma_start3A_364 = tpu.memref_squeeze %dma_start3A_363 : memref<1x128xi32, #tpu.memory_space<vmem>> -> memref<128xi32, #tpu.memory_space<vmem>>
      %dma_start3A_365 = arith.constant 0 : i32
      %dma_start3A_366 = arith.constant 0 : i32
      %dma_start3A_367 = tpu.memref_slice %arg6[%dma_start3A_365, %dma_start3A_366] : memref<102400x16xf32, #tpu.memory_space<vmem_shared>> -> memref<102400x16xf32, #tpu.memory_space<vmem_shared>>
      tpu.enqueue_indirect_dma source(%dma_start3A_361 : memref<128x16xf32, #tpu.memory_space<vmem>>) target(%dma_start3A_367 : memref<102400x16xf32, #tpu.memory_space<vmem_shared>>) offsets(%dma_start3A_364 : memref<128xi32, #tpu.memory_space<vmem>>) semaphore(%arg12 : memref<!tpu.dma_semaphore, #tpu.memory_space<semaphore_mem>>) {add = true}
      %dma_start3A_368 = arith.constant 7 : i32
      %dma_start3A_369 = arith.constant 7 : i32
      %dma_start3A_370 = arith.constant 0 : i32
      %dma_start3A_371 = arith.constant 0 : i32
      %dma_start3A_372 = tpu.memref_slice %arg9[%dma_start3A_368, %dma_start3A_370, %dma_start3A_371] : memref<8x128x16xf32, #tpu.memory_space<vmem>> -> memref<1x128x16xf32, #tpu.memory_space<vmem>>
      %dma_start3A_373 = tpu.memref_squeeze %dma_start3A_372 : memref<1x128x16xf32, #tpu.memory_space<vmem>> -> memref<128x16xf32, #tpu.memory_space<vmem>>
      %dma_start3A_374 = arith.constant 0 : i32
      %dma_start3A_375 = tpu.memref_slice %arg8[%dma_start3A_369, %dma_start3A_374] : memref<8x128xi32, #tpu.memory_space<vmem>> -> memref<1x128xi32, #tpu.memory_space<vmem>>
      %dma_start3A_376 = tpu.memref_squeeze %dma_start3A_375 : memref<1x128xi32, #tpu.memory_space<vmem>> -> memref<128xi32, #tpu.memory_space<vmem>>
      %dma_start3A_377 = arith.constant 0 : i32
      %dma_start3A_378 = arith.constant 0 : i32
      %dma_start3A_379 = tpu.memref_slice %arg6[%dma_start3A_377, %dma_start3A_378] : memref<102400x16xf32, #tpu.memory_space<vmem_shared>> -> memref<102400x16xf32, #tpu.memory_space<vmem_shared>>
      tpu.enqueue_indirect_dma source(%dma_start3A_373 : memref<128x16xf32, #tpu.memory_space<vmem>>) target(%dma_start3A_379 : memref<102400x16xf32, #tpu.memory_space<vmem_shared>>) offsets(%dma_start3A_376 : memref<128xi32, #tpu.memory_space<vmem>>) semaphore(%arg12 : memref<!tpu.dma_semaphore, #tpu.memory_space<semaphore_mem>>) {add = true}
      %dma_wait3A_380 = arith.constant 0 : i32
      %dma_wait3A_381 = arith.constant 0 : i32
      %dma_wait3A_382 = arith.constant 0 : i32
      %dma_wait3A_383 = arith.constant 0 : i32
      %dma_wait3A_384 = tpu.memref_slice %arg9[%dma_wait3A_380, %dma_wait3A_382, %dma_wait3A_383] : memref<8x128x16xf32, #tpu.memory_space<vmem>> -> memref<1x128x16xf32, #tpu.memory_space<vmem>>
      %dma_wait3A_385 = tpu.memref_squeeze %dma_wait3A_384 : memref<1x128x16xf32, #tpu.memory_space<vmem>> -> memref<128x16xf32, #tpu.memory_space<vmem>>
      %dma_wait3A_386 = arith.constant 0 : i32
      %dma_wait3A_387 = tpu.memref_slice %arg8[%dma_wait3A_381, %dma_wait3A_386] : memref<8x128xi32, #tpu.memory_space<vmem>> -> memref<1x128xi32, #tpu.memory_space<vmem>>
      %dma_wait3A_388 = tpu.memref_squeeze %dma_wait3A_387 : memref<1x128xi32, #tpu.memory_space<vmem>> -> memref<128xi32, #tpu.memory_space<vmem>>
      %dma_wait3A_389 = arith.constant 0 : i32
      %dma_wait3A_390 = arith.constant 0 : i32
      %dma_wait3A_391 = tpu.memref_slice %arg6[%dma_wait3A_389, %dma_wait3A_390] : memref<102400x16xf32, #tpu.memory_space<vmem_shared>> -> memref<102400x16xf32, #tpu.memory_space<vmem_shared>>
      tpu.wait_indirect_dma semaphore(%arg12 : memref<!tpu.dma_semaphore, #tpu.memory_space<semaphore_mem>>) src(%dma_wait3A_385 : memref<128x16xf32, #tpu.memory_space<vmem>>) dst(%dma_wait3A_391 : memref<102400x16xf32, #tpu.memory_space<vmem_shared>>)
      %dma_wait3A_392 = arith.constant 1 : i32
      %dma_wait3A_393 = arith.constant 1 : i32
      %dma_wait3A_394 = arith.constant 0 : i32
      %dma_wait3A_395 = arith.constant 0 : i32
      %dma_wait3A_396 = tpu.memref_slice %arg9[%dma_wait3A_392, %dma_wait3A_394, %dma_wait3A_395] : memref<8x128x16xf32, #tpu.memory_space<vmem>> -> memref<1x128x16xf32, #tpu.memory_space<vmem>>
      %dma_wait3A_397 = tpu.memref_squeeze %dma_wait3A_396 : memref<1x128x16xf32, #tpu.memory_space<vmem>> -> memref<128x16xf32, #tpu.memory_space<vmem>>
      %dma_wait3A_398 = arith.constant 0 : i32
      %dma_wait3A_399 = tpu.memref_slice %arg8[%dma_wait3A_393, %dma_wait3A_398] : memref<8x128xi32, #tpu.memory_space<vmem>> -> memref<1x128xi32, #tpu.memory_space<vmem>>
      %dma_wait3A_400 = tpu.memref_squeeze %dma_wait3A_399 : memref<1x128xi32, #tpu.memory_space<vmem>> -> memref<128xi32, #tpu.memory_space<vmem>>
      %dma_wait3A_401 = arith.constant 0 : i32
      %dma_wait3A_402 = arith.constant 0 : i32
      %dma_wait3A_403 = tpu.memref_slice %arg6[%dma_wait3A_401, %dma_wait3A_402] : memref<102400x16xf32, #tpu.memory_space<vmem_shared>> -> memref<102400x16xf32, #tpu.memory_space<vmem_shared>>
      tpu.wait_indirect_dma semaphore(%arg12 : memref<!tpu.dma_semaphore, #tpu.memory_space<semaphore_mem>>) src(%dma_wait3A_397 : memref<128x16xf32, #tpu.memory_space<vmem>>) dst(%dma_wait3A_403 : memref<102400x16xf32, #tpu.memory_space<vmem_shared>>)
      %dma_wait3A_404 = arith.constant 2 : i32
      %dma_wait3A_405 = arith.constant 2 : i32
      %dma_wait3A_406 = arith.constant 0 : i32
      %dma_wait3A_407 = arith.constant 0 : i32
      %dma_wait3A_408 = tpu.memref_slice %arg9[%dma_wait3A_404, %dma_wait3A_406, %dma_wait3A_407] : memref<8x128x16xf32, #tpu.memory_space<vmem>> -> memref<1x128x16xf32, #tpu.memory_space<vmem>>
      %dma_wait3A_409 = tpu.memref_squeeze %dma_wait3A_408 : memref<1x128x16xf32, #tpu.memory_space<vmem>> -> memref<128x16xf32, #tpu.memory_space<vmem>>
      %dma_wait3A_410 = arith.constant 0 : i32
      %dma_wait3A_411 = tpu.memref_slice %arg8[%dma_wait3A_405, %dma_wait3A_410] : memref<8x128xi32, #tpu.memory_space<vmem>> -> memref<1x128xi32, #tpu.memory_space<vmem>>
      %dma_wait3A_412 = tpu.memref_squeeze %dma_wait3A_411 : memref<1x128xi32, #tpu.memory_space<vmem>> -> memref<128xi32, #tpu.memory_space<vmem>>
      %dma_wait3A_413 = arith.constant 0 : i32
      %dma_wait3A_414 = arith.constant 0 : i32
      %dma_wait3A_415 = tpu.memref_slice %arg6[%dma_wait3A_413, %dma_wait3A_414] : memref<102400x16xf32, #tpu.memory_space<vmem_shared>> -> memref<102400x16xf32, #tpu.memory_space<vmem_shared>>
      tpu.wait_indirect_dma semaphore(%arg12 : memref<!tpu.dma_semaphore, #tpu.memory_space<semaphore_mem>>) src(%dma_wait3A_409 : memref<128x16xf32, #tpu.memory_space<vmem>>) dst(%dma_wait3A_415 : memref<102400x16xf32, #tpu.memory_space<vmem_shared>>)
      %dma_wait3A_416 = arith.constant 3 : i32
      %dma_wait3A_417 = arith.constant 3 : i32
      %dma_wait3A_418 = arith.constant 0 : i32
      %dma_wait3A_419 = arith.constant 0 : i32
      %dma_wait3A_420 = tpu.memref_slice %arg9[%dma_wait3A_416, %dma_wait3A_418, %dma_wait3A_419] : memref<8x128x16xf32, #tpu.memory_space<vmem>> -> memref<1x128x16xf32, #tpu.memory_space<vmem>>
      %dma_wait3A_421 = tpu.memref_squeeze %dma_wait3A_420 : memref<1x128x16xf32, #tpu.memory_space<vmem>> -> memref<128x16xf32, #tpu.memory_space<vmem>>
      %dma_wait3A_422 = arith.constant 0 : i32
      %dma_wait3A_423 = tpu.memref_slice %arg8[%dma_wait3A_417, %dma_wait3A_422] : memref<8x128xi32, #tpu.memory_space<vmem>> -> memref<1x128xi32, #tpu.memory_space<vmem>>
      %dma_wait3A_424 = tpu.memref_squeeze %dma_wait3A_423 : memref<1x128xi32, #tpu.memory_space<vmem>> -> memref<128xi32, #tpu.memory_space<vmem>>
      %dma_wait3A_425 = arith.constant 0 : i32
      %dma_wait3A_426 = arith.constant 0 : i32
      %dma_wait3A_427 = tpu.memref_slice %arg6[%dma_wait3A_425, %dma_wait3A_426] : memref<102400x16xf32, #tpu.memory_space<vmem_shared>> -> memref<102400x16xf32, #tpu.memory_space<vmem_shared>>
      tpu.wait_indirect_dma semaphore(%arg12 : memref<!tpu.dma_semaphore, #tpu.memory_space<semaphore_mem>>) src(%dma_wait3A_421 : memref<128x16xf32, #tpu.memory_space<vmem>>) dst(%dma_wait3A_427 : memref<102400x16xf32, #tpu.memory_space<vmem_shared>>)
      %dma_wait3A_428 = arith.constant 4 : i32
      %dma_wait3A_429 = arith.constant 4 : i32
      %dma_wait3A_430 = arith.constant 0 : i32
      %dma_wait3A_431 = arith.constant 0 : i32
      %dma_wait3A_432 = tpu.memref_slice %arg9[%dma_wait3A_428, %dma_wait3A_430, %dma_wait3A_431] : memref<8x128x16xf32, #tpu.memory_space<vmem>> -> memref<1x128x16xf32, #tpu.memory_space<vmem>>
      %dma_wait3A_433 = tpu.memref_squeeze %dma_wait3A_432 : memref<1x128x16xf32, #tpu.memory_space<vmem>> -> memref<128x16xf32, #tpu.memory_space<vmem>>
      %dma_wait3A_434 = arith.constant 0 : i32
      %dma_wait3A_435 = tpu.memref_slice %arg8[%dma_wait3A_429, %dma_wait3A_434] : memref<8x128xi32, #tpu.memory_space<vmem>> -> memref<1x128xi32, #tpu.memory_space<vmem>>
      %dma_wait3A_436 = tpu.memref_squeeze %dma_wait3A_435 : memref<1x128xi32, #tpu.memory_space<vmem>> -> memref<128xi32, #tpu.memory_space<vmem>>
      %dma_wait3A_437 = arith.constant 0 : i32
      %dma_wait3A_438 = arith.constant 0 : i32
      %dma_wait3A_439 = tpu.memref_slice %arg6[%dma_wait3A_437, %dma_wait3A_438] : memref<102400x16xf32, #tpu.memory_space<vmem_shared>> -> memref<102400x16xf32, #tpu.memory_space<vmem_shared>>
      tpu.wait_indirect_dma semaphore(%arg12 : memref<!tpu.dma_semaphore, #tpu.memory_space<semaphore_mem>>) src(%dma_wait3A_433 : memref<128x16xf32, #tpu.memory_space<vmem>>) dst(%dma_wait3A_439 : memref<102400x16xf32, #tpu.memory_space<vmem_shared>>)
      %dma_wait3A_440 = arith.constant 5 : i32
      %dma_wait3A_441 = arith.constant 5 : i32
      %dma_wait3A_442 = arith.constant 0 : i32
      %dma_wait3A_443 = arith.constant 0 : i32
      %dma_wait3A_444 = tpu.memref_slice %arg9[%dma_wait3A_440, %dma_wait3A_442, %dma_wait3A_443] : memref<8x128x16xf32, #tpu.memory_space<vmem>> -> memref<1x128x16xf32, #tpu.memory_space<vmem>>
      %dma_wait3A_445 = tpu.memref_squeeze %dma_wait3A_444 : memref<1x128x16xf32, #tpu.memory_space<vmem>> -> memref<128x16xf32, #tpu.memory_space<vmem>>
      %dma_wait3A_446 = arith.constant 0 : i32
      %dma_wait3A_447 = tpu.memref_slice %arg8[%dma_wait3A_441, %dma_wait3A_446] : memref<8x128xi32, #tpu.memory_space<vmem>> -> memref<1x128xi32, #tpu.memory_space<vmem>>
      %dma_wait3A_448 = tpu.memref_squeeze %dma_wait3A_447 : memref<1x128xi32, #tpu.memory_space<vmem>> -> memref<128xi32, #tpu.memory_space<vmem>>
      %dma_wait3A_449 = arith.constant 0 : i32
      %dma_wait3A_450 = arith.constant 0 : i32
      %dma_wait3A_451 = tpu.memref_slice %arg6[%dma_wait3A_449, %dma_wait3A_450] : memref<102400x16xf32, #tpu.memory_space<vmem_shared>> -> memref<102400x16xf32, #tpu.memory_space<vmem_shared>>
      tpu.wait_indirect_dma semaphore(%arg12 : memref<!tpu.dma_semaphore, #tpu.memory_space<semaphore_mem>>) src(%dma_wait3A_445 : memref<128x16xf32, #tpu.memory_space<vmem>>) dst(%dma_wait3A_451 : memref<102400x16xf32, #tpu.memory_space<vmem_shared>>)
      %dma_wait3A_452 = arith.constant 6 : i32
      %dma_wait3A_453 = arith.constant 6 : i32
      %dma_wait3A_454 = arith.constant 0 : i32
      %dma_wait3A_455 = arith.constant 0 : i32
      %dma_wait3A_456 = tpu.memref_slice %arg9[%dma_wait3A_452, %dma_wait3A_454, %dma_wait3A_455] : memref<8x128x16xf32, #tpu.memory_space<vmem>> -> memref<1x128x16xf32, #tpu.memory_space<vmem>>
      %dma_wait3A_457 = tpu.memref_squeeze %dma_wait3A_456 : memref<1x128x16xf32, #tpu.memory_space<vmem>> -> memref<128x16xf32, #tpu.memory_space<vmem>>
      %dma_wait3A_458 = arith.constant 0 : i32
      %dma_wait3A_459 = tpu.memref_slice %arg8[%dma_wait3A_453, %dma_wait3A_458] : memref<8x128xi32, #tpu.memory_space<vmem>> -> memref<1x128xi32, #tpu.memory_space<vmem>>
      %dma_wait3A_460 = tpu.memref_squeeze %dma_wait3A_459 : memref<1x128xi32, #tpu.memory_space<vmem>> -> memref<128xi32, #tpu.memory_space<vmem>>
      %dma_wait3A_461 = arith.constant 0 : i32
      %dma_wait3A_462 = arith.constant 0 : i32
      %dma_wait3A_463 = tpu.memref_slice %arg6[%dma_wait3A_461, %dma_wait3A_462] : memref<102400x16xf32, #tpu.memory_space<vmem_shared>> -> memref<102400x16xf32, #tpu.memory_space<vmem_shared>>
      tpu.wait_indirect_dma semaphore(%arg12 : memref<!tpu.dma_semaphore, #tpu.memory_space<semaphore_mem>>) src(%dma_wait3A_457 : memref<128x16xf32, #tpu.memory_space<vmem>>) dst(%dma_wait3A_463 : memref<102400x16xf32, #tpu.memory_space<vmem_shared>>)
      %dma_wait3A_464 = arith.constant 7 : i32
      %dma_wait3A_465 = arith.constant 7 : i32
      %dma_wait3A_466 = arith.constant 0 : i32
      %dma_wait3A_467 = arith.constant 0 : i32
      %dma_wait3A_468 = tpu.memref_slice %arg9[%dma_wait3A_464, %dma_wait3A_466, %dma_wait3A_467] : memref<8x128x16xf32, #tpu.memory_space<vmem>> -> memref<1x128x16xf32, #tpu.memory_space<vmem>>
      %dma_wait3A_469 = tpu.memref_squeeze %dma_wait3A_468 : memref<1x128x16xf32, #tpu.memory_space<vmem>> -> memref<128x16xf32, #tpu.memory_space<vmem>>
      %dma_wait3A_470 = arith.constant 0 : i32
      %dma_wait3A_471 = tpu.memref_slice %arg8[%dma_wait3A_465, %dma_wait3A_470] : memref<8x128xi32, #tpu.memory_space<vmem>> -> memref<1x128xi32, #tpu.memory_space<vmem>>
      %dma_wait3A_472 = tpu.memref_squeeze %dma_wait3A_471 : memref<1x128xi32, #tpu.memory_space<vmem>> -> memref<128xi32, #tpu.memory_space<vmem>>
      %dma_wait3A_473 = arith.constant 0 : i32
      %dma_wait3A_474 = arith.constant 0 : i32
      %dma_wait3A_475 = tpu.memref_slice %arg6[%dma_wait3A_473, %dma_wait3A_474] : memref<102400x16xf32, #tpu.memory_space<vmem_shared>> -> memref<102400x16xf32, #tpu.memory_space<vmem_shared>>
      tpu.wait_indirect_dma semaphore(%arg12 : memref<!tpu.dma_semaphore, #tpu.memory_space<semaphore_mem>>) src(%dma_wait3A_469 : memref<128x16xf32, #tpu.memory_space<vmem>>) dst(%dma_wait3A_475 : memref<102400x16xf32, #tpu.memory_space<vmem_shared>>)
      %scan3A_476 = arith.constant 0 : i32
      scf.yield %scan3A_476 : i32
    }
    %scan3A_20 = arith.constant 392 : i32
    %barrier3A_21 = arith.constant 0 : index
    tpu.barrier barrier_id(%barrier3A_21)
    %mul3A_22 = arith.constant 6400 : i32
    %mul3A_23 = arith.muli %arg1, %mul3A_22 : i32
    %mul3A_24 = arith.constant 6400 : i32
    %mul3A_25 = arith.muli %arg1, %mul3A_24 : i32
    "tpu.region"() ({
      %run_scoped3A = tpu.sem_alloc : memref<!tpu.dma_semaphore, #tpu.memory_space<semaphore_mem>>
      %dma_start3A = arith.constant 0 : i32
      %dma_start3A_26 = arith.constant 0 : i32
      %dma_start3A_27 = tpu.memref_slice %arg5[%arg0, %dma_start3A, %dma_start3A_26] : memref<2x102400x16xf32, #tpu.memory_space<hbm>> -> memref<1x102400x16xf32, #tpu.memory_space<hbm>>
      %dma_start3A_28 = tpu.memref_squeeze %dma_start3A_27 : memref<1x102400x16xf32, #tpu.memory_space<hbm>> -> memref<102400x16xf32, #tpu.memory_space<hbm>>
      %dma_start3A_29 = arith.constant 0 : i32
      %dma_start3A_30 = tpu.memref_slice %dma_start3A_28[%mul3A_25, %dma_start3A_29] : memref<102400x16xf32, #tpu.memory_space<hbm>> -> memref<6400x16xf32, #tpu.memory_space<hbm>>
      %dma_start3A_31 = arith.constant 0 : i32
      %dma_start3A_32 = tpu.memref_slice %arg6[%mul3A_23, %dma_start3A_31] : memref<102400x16xf32, #tpu.memory_space<vmem_shared>> -> memref<6400x16xf32, #tpu.memory_space<vmem_shared>>
      tpu.enqueue_dma source(%dma_start3A_32 : memref<6400x16xf32, #tpu.memory_space<vmem_shared>>) target(%dma_start3A_30 : memref<6400x16xf32, #tpu.memory_space<hbm>>) target_semaphore(%run_scoped3A : memref<!tpu.dma_semaphore, #tpu.memory_space<semaphore_mem>>)
      %dma_wait3A = arith.constant 0 : i32
      %dma_wait3A_33 = arith.constant 0 : i32
      %dma_wait3A_34 = tpu.memref_slice %arg5[%arg0, %dma_wait3A, %dma_wait3A_33] : memref<2x102400x16xf32, #tpu.memory_space<hbm>> -> memref<1x102400x16xf32, #tpu.memory_space<hbm>>
      %dma_wait3A_35 = tpu.memref_squeeze %dma_wait3A_34 : memref<1x102400x16xf32, #tpu.memory_space<hbm>> -> memref<102400x16xf32, #tpu.memory_space<hbm>>
      %dma_wait3A_36 = arith.constant 0 : i32
      %dma_wait3A_37 = tpu.memref_slice %dma_wait3A_35[%mul3A_25, %dma_wait3A_36] : memref<102400x16xf32, #tpu.memory_space<hbm>> -> memref<6400x16xf32, #tpu.memory_space<hbm>>
      %dma_wait3A_38 = arith.constant 0 : i32
      %dma_wait3A_39 = tpu.memref_slice %arg6[%mul3A_23, %dma_wait3A_38] : memref<102400x16xf32, #tpu.memory_space<vmem_shared>> -> memref<6400x16xf32, #tpu.memory_space<vmem_shared>>
      tpu.wait_dma2 semaphore(%run_scoped3A : memref<!tpu.dma_semaphore, #tpu.memory_space<semaphore_mem>>) src(%dma_wait3A_39 : memref<6400x16xf32, #tpu.memory_space<vmem_shared>>) dst(%dma_wait3A_37 : memref<6400x16xf32, #tpu.memory_space<hbm>>)
      tpu.yield
    }) : () -> ()
    return
  }
}

#map = affine_map<(d0, d1) -> (0, 0)>
#map1 = affine_map<(d0, d1) -> (0, 0, 0)>
module attributes {stable_mosaic.version = 14 : i64} {
  func.func @body(%arg0: i32, %arg1: i32, %arg2: memref<102400x16xf32, #tpu.memory_space<hbm>>, %arg3: memref<50176x128xi32, #tpu.memory_space<hbm>>, %arg4: memref<50176x128xi32, #tpu.memory_space<hbm>>, %arg5: memref<2x102400x16xf32, #tpu.memory_space<hbm>>, %arg6: memref<102400x16xf32, #tpu.memory_space<vmem_shared>>, %arg7: memref<8x128xi32, #tpu.memory_space<vmem>>, %arg8: memref<8x128xi32, #tpu.memory_space<vmem>>, %arg9: memref<8x128x16xf32, #tpu.memory_space<vmem>>, %arg10: memref<200x16xf32, #tpu.memory_space<vmem>>, %arg11: memref<!tpu.dma_semaphore, #tpu.memory_space<semaphore_mem>>, %arg12: memref<!tpu.dma_semaphore, #tpu.memory_space<semaphore_mem>>) attributes {dimension_semantics = [#tpu.dimension_semantics<core_parallel>, #tpu.dimension_semantics<subcore_parallel>], iteration_bounds = array<i64: 2, 16>, scalar_prefetch = 0 : i64, scratch_operands = 7 : i64, tpu.core_type = #tpu.core_type<sc_vector_subcore>, window_params = [{transform_indices = #map}, {transform_indices = #map}, {transform_indices = #map}, {transform_indices = #map1}]} {
    %scan3A = arith.constant 0 : i32
    %scan3A_0 = arith.constant 0 : i32
    %scan3A_1 = arith.constant 200 : i32
    %scan3A_2 = arith.addi %scan3A_0, %scan3A_1 : i32
    %scan3A_3 = arith.constant 1 : i32
    %scan3A_4 = scf.for %scan3A_28 = %scan3A_0 to %scan3A_2 step %scan3A_3 iter_args(%scan3A_29 = %scan3A) -> (i32)  : i32 {
      %broadcast_in_dim3A = arith.constant 0.000000e+00 : f32
      %broadcast_in_dim3A_30 = vector.broadcast %broadcast_in_dim3A : f32 to vector<16xf32>
      %swap3A = arith.index_cast %scan3A_28 : i32 to index
      %swap3A_31 = arith.constant 0 : index
      %swap3A_32 = tpu.vector_load %arg10[%swap3A, %swap3A_31] {strides = array<i32>} : memref<200x16xf32, #tpu.memory_space<vmem>>, vector<1x16xf32>,
      %swap3A_33 = vector.shape_cast %swap3A_32 : vector<1x16xf32> to vector<16xf32>
      %swap3A_34 = vector.shape_cast %broadcast_in_dim3A_30 : vector<16xf32> to vector<1x16xf32>
      tpu.vector_store %arg10[%swap3A, %swap3A_31], %swap3A_34 {strides = array<i32>} : memref<200x16xf32, #tpu.memory_space<vmem>>, vector<1x16xf32>,
      %scan3A_35 = arith.constant 0 : i32
      scf.yield %scan3A_35 : i32
    }
    %scan3A_5 = arith.constant 200 : i32
    %scan3A_6 = arith.constant 0 : i32
    %scan3A_7 = arith.constant 0 : i32
    %scan3A_8 = arith.constant 32 : i32
    %scan3A_9 = arith.addi %scan3A_7, %scan3A_8 : i32
    %scan3A_10 = arith.constant 1 : i32
    %scan3A_11 = scf.for %scan3A_28 = %scan3A_7 to %scan3A_9 step %scan3A_10 iter_args(%scan3A_29 = %scan3A_6) -> (i32)  : i32 {
      %mul3A_30 = arith.constant 6400 : i32
      %mul3A_31 = arith.muli %arg1, %mul3A_30 : i32
      %mul3A_32 = arith.constant 200 : i32
      %mul3A_33 = arith.muli %scan3A_28, %mul3A_32 : i32
      %add3A_34 = arith.addi %mul3A_31, %mul3A_33 : i32
      "tpu.region"() ({
        %run_scoped3A = tpu.sem_alloc : memref<!tpu.dma_semaphore, #tpu.memory_space<semaphore_mem>>
        %dma_start3A = arith.constant 0 : i32
        %dma_start3A_36 = tpu.memref_slice %arg6[%add3A_34, %dma_start3A] : memref<102400x16xf32, #tpu.memory_space<vmem_shared>> -> memref<200x16xf32, #tpu.memory_space<vmem_shared>>
        %dma_start3A_37 = arith.constant 0 : i32
        %dma_start3A_38 = tpu.memref_slice %arg6[%add3A_34, %dma_start3A_37] : memref<102400x16xf32, #tpu.memory_space<vmem_shared>> -> memref<200x16xf32, #tpu.memory_space<vmem_shared>>
        tpu.enqueue_dma source(%arg10 : memref<200x16xf32, #tpu.memory_space<vmem>>) target(%dma_start3A_38 : memref<200x16xf32, #tpu.memory_space<vmem_shared>>) target_semaphore(%run_scoped3A : memref<!tpu.dma_semaphore, #tpu.memory_space<semaphore_mem>>)
        %dma_wait3A = arith.constant 0 : i32
        %dma_wait3A_39 = tpu.memref_slice %arg6[%add3A_34, %dma_wait3A] : memref<102400x16xf32, #tpu.memory_space<vmem_shared>> -> memref<200x16xf32, #tpu.memory_space<vmem_shared>>
        %dma_wait3A_40 = arith.constant 0 : i32
        %dma_wait3A_41 = tpu.memref_slice %arg6[%add3A_34, %dma_wait3A_40] : memref<102400x16xf32, #tpu.memory_space<vmem_shared>> -> memref<200x16xf32, #tpu.memory_space<vmem_shared>>
        tpu.wait_dma2 semaphore(%run_scoped3A : memref<!tpu.dma_semaphore, #tpu.memory_space<semaphore_mem>>) src(%arg10 : memref<200x16xf32, #tpu.memory_space<vmem>>) dst(%dma_wait3A_41 : memref<200x16xf32, #tpu.memory_space<vmem_shared>>)
        tpu.yield
      }) : () -> ()
      %scan3A_35 = arith.constant 0 : i32
      scf.yield %scan3A_35 : i32
    }
    %scan3A_12 = arith.constant 32 : i32
    %barrier3A = arith.constant 0 : index
    tpu.barrier barrier_id(%barrier3A)
    %mul3A = arith.constant 16 : i32
    %mul3A_13 = arith.muli %arg0, %mul3A : i32
    %add3A = arith.addi %mul3A_13, %arg1 : i32
    %mul3A_14 = arith.constant 1568 : i32
    %mul3A_15 = arith.muli %add3A, %mul3A_14 : i32
    %scan3A_16 = arith.constant 0 : i32
    %scan3A_17 = arith.constant 0 : i32
    %scan3A_18 = arith.constant 196 : i32
    %scan3A_19 = arith.addi %scan3A_17, %scan3A_18 : i32
    %scan3A_20 = arith.constant 1 : i32
    %scan3A_21 = scf.for %scan3A_28 = %scan3A_17 to %scan3A_19 step %scan3A_20 iter_args(%scan3A_29 = %scan3A_16) -> (i32)  : i32 {
      %mul3A_30 = arith.constant 8 : i32
      %mul3A_31 = arith.muli %scan3A_28, %mul3A_30 : i32
      %add3A_32 = arith.addi %mul3A_15, %mul3A_31 : i32
      "tpu.region"() ({
        %run_scoped3A = tpu.sem_alloc : memref<!tpu.dma_semaphore, #tpu.memory_space<semaphore_mem>>
        %dma_start3A_416 = arith.constant 0 : i32
        %dma_start3A_417 = tpu.memref_slice %arg3[%add3A_32, %dma_start3A_416] : memref<50176x128xi32, #tpu.memory_space<hbm>> -> memref<8x128xi32, #tpu.memory_space<hbm>>
        %dma_start3A_418 = arith.constant 0 : i32
        %dma_start3A_419 = tpu.memref_slice %arg3[%add3A_32, %dma_start3A_418] : memref<50176x128xi32, #tpu.memory_space<hbm>> -> memref<8x128xi32, #tpu.memory_space<hbm>>
        tpu.enqueue_dma source(%dma_start3A_419 : memref<8x128xi32, #tpu.memory_space<hbm>>) target(%arg7 : memref<8x128xi32, #tpu.memory_space<vmem>>) target_semaphore(%run_scoped3A : memref<!tpu.dma_semaphore, #tpu.memory_space<semaphore_mem>>)
        %dma_wait3A_420 = arith.constant 0 : i32
        %dma_wait3A_421 = tpu.memref_slice %arg3[%add3A_32, %dma_wait3A_420] : memref<50176x128xi32, #tpu.memory_space<hbm>> -> memref<8x128xi32, #tpu.memory_space<hbm>>
        %dma_wait3A_422 = arith.constant 0 : i32
        %dma_wait3A_423 = tpu.memref_slice %arg3[%add3A_32, %dma_wait3A_422] : memref<50176x128xi32, #tpu.memory_space<hbm>> -> memref<8x128xi32, #tpu.memory_space<hbm>>
        tpu.wait_dma2 semaphore(%run_scoped3A : memref<!tpu.dma_semaphore, #tpu.memory_space<semaphore_mem>>) src(%dma_wait3A_423 : memref<8x128xi32, #tpu.memory_space<hbm>>) dst(%arg7 : memref<8x128xi32, #tpu.memory_space<vmem>>)
        tpu.yield
      }) : () -> ()
      "tpu.region"() ({
        %run_scoped3A = tpu.sem_alloc : memref<!tpu.dma_semaphore, #tpu.memory_space<semaphore_mem>>
        %dma_start3A_416 = arith.constant 0 : i32
        %dma_start3A_417 = tpu.memref_slice %arg4[%add3A_32, %dma_start3A_416] : memref<50176x128xi32, #tpu.memory_space<hbm>> -> memref<8x128xi32, #tpu.memory_space<hbm>>
        %dma_start3A_418 = arith.constant 0 : i32
        %dma_start3A_419 = tpu.memref_slice %arg4[%add3A_32, %dma_start3A_418] : memref<50176x128xi32, #tpu.memory_space<hbm>> -> memref<8x128xi32, #tpu.memory_space<hbm>>
        tpu.enqueue_dma source(%dma_start3A_419 : memref<8x128xi32, #tpu.memory_space<hbm>>) target(%arg8 : memref<8x128xi32, #tpu.memory_space<vmem>>) target_semaphore(%run_scoped3A : memref<!tpu.dma_semaphore, #tpu.memory_space<semaphore_mem>>)
        %dma_wait3A_420 = arith.constant 0 : i32
        %dma_wait3A_421 = tpu.memref_slice %arg4[%add3A_32, %dma_wait3A_420] : memref<50176x128xi32, #tpu.memory_space<hbm>> -> memref<8x128xi32, #tpu.memory_space<hbm>>
        %dma_wait3A_422 = arith.constant 0 : i32
        %dma_wait3A_423 = tpu.memref_slice %arg4[%add3A_32, %dma_wait3A_422] : memref<50176x128xi32, #tpu.memory_space<hbm>> -> memref<8x128xi32, #tpu.memory_space<hbm>>
        tpu.wait_dma2 semaphore(%run_scoped3A : memref<!tpu.dma_semaphore, #tpu.memory_space<semaphore_mem>>) src(%dma_wait3A_423 : memref<8x128xi32, #tpu.memory_space<hbm>>) dst(%arg8 : memref<8x128xi32, #tpu.memory_space<vmem>>)
        tpu.yield
      }) : () -> ()
      %dma_start3A = arith.constant 0 : i32
      %dma_start3A_33 = arith.constant 0 : i32
      %dma_start3A_34 = arith.constant 0 : i32
      %dma_start3A_35 = arith.constant 0 : i32
      %dma_start3A_36 = tpu.memref_slice %arg9[%dma_start3A_33, %dma_start3A_34, %dma_start3A_35] : memref<8x128x16xf32, #tpu.memory_space<vmem>> -> memref<1x128x16xf32, #tpu.memory_space<vmem>>
      %dma_start3A_37 = tpu.memref_squeeze %dma_start3A_36 : memref<1x128x16xf32, #tpu.memory_space<vmem>> -> memref<128x16xf32, #tpu.memory_space<vmem>>
      %dma_start3A_38 = arith.constant 0 : i32
      %dma_start3A_39 = tpu.memref_slice %arg7[%dma_start3A, %dma_start3A_38] : memref<8x128xi32, #tpu.memory_space<vmem>> -> memref<1x128xi32, #tpu.memory_space<vmem>>
      %dma_start3A_40 = tpu.memref_squeeze %dma_start3A_39 : memref<1x128xi32, #tpu.memory_space<vmem>> -> memref<128xi32, #tpu.memory_space<vmem>>
      %dma_start3A_41 = arith.constant 0 : i32
      %dma_start3A_42 = arith.constant 0 : i32
      %dma_start3A_43 = tpu.memref_slice %arg2[%dma_start3A_41, %dma_start3A_42] : memref<102400x16xf32, #tpu.memory_space<hbm>> -> memref<102400x16xf32, #tpu.memory_space<hbm>>
      tpu.enqueue_indirect_dma source(%dma_start3A_43 : memref<102400x16xf32, #tpu.memory_space<hbm>>) target(%dma_start3A_37 : memref<128x16xf32, #tpu.memory_space<vmem>>) offsets(%dma_start3A_40 : memref<128xi32, #tpu.memory_space<vmem>>) semaphore(%arg11 : memref<!tpu.dma_semaphore, #tpu.memory_space<semaphore_mem>>)
      %dma_start3A_44 = arith.constant 1 : i32
      %dma_start3A_45 = arith.constant 1 : i32
      %dma_start3A_46 = arith.constant 0 : i32
      %dma_start3A_47 = arith.constant 0 : i32
      %dma_start3A_48 = tpu.memref_slice %arg9[%dma_start3A_45, %dma_start3A_46, %dma_start3A_47] : memref<8x128x16xf32, #tpu.memory_space<vmem>> -> memref<1x128x16xf32, #tpu.memory_space<vmem>>
      %dma_start3A_49 = tpu.memref_squeeze %dma_start3A_48 : memref<1x128x16xf32, #tpu.memory_space<vmem>> -> memref<128x16xf32, #tpu.memory_space<vmem>>
      %dma_start3A_50 = arith.constant 0 : i32
      %dma_start3A_51 = tpu.memref_slice %arg7[%dma_start3A_44, %dma_start3A_50] : memref<8x128xi32, #tpu.memory_space<vmem>> -> memref<1x128xi32, #tpu.memory_space<vmem>>
      %dma_start3A_52 = tpu.memref_squeeze %dma_start3A_51 : memref<1x128xi32, #tpu.memory_space<vmem>> -> memref<128xi32, #tpu.memory_space<vmem>>
      %dma_start3A_53 = arith.constant 0 : i32
      %dma_start3A_54 = arith.constant 0 : i32
      %dma_start3A_55 = tpu.memref_slice %arg2[%dma_start3A_53, %dma_start3A_54] : memref<102400x16xf32, #tpu.memory_space<hbm>> -> memref<102400x16xf32, #tpu.memory_space<hbm>>
      tpu.enqueue_indirect_dma source(%dma_start3A_55 : memref<102400x16xf32, #tpu.memory_space<hbm>>) target(%dma_start3A_49 : memref<128x16xf32, #tpu.memory_space<vmem>>) offsets(%dma_start3A_52 : memref<128xi32, #tpu.memory_space<vmem>>) semaphore(%arg11 : memref<!tpu.dma_semaphore, #tpu.memory_space<semaphore_mem>>)
      %dma_start3A_56 = arith.constant 2 : i32
      %dma_start3A_57 = arith.constant 2 : i32
      %dma_start3A_58 = arith.constant 0 : i32
      %dma_start3A_59 = arith.constant 0 : i32
      %dma_start3A_60 = tpu.memref_slice %arg9[%dma_start3A_57, %dma_start3A_58, %dma_start3A_59] : memref<8x128x16xf32, #tpu.memory_space<vmem>> -> memref<1x128x16xf32, #tpu.memory_space<vmem>>
      %dma_start3A_61 = tpu.memref_squeeze %dma_start3A_60 : memref<1x128x16xf32, #tpu.memory_space<vmem>> -> memref<128x16xf32, #tpu.memory_space<vmem>>
      %dma_start3A_62 = arith.constant 0 : i32
      %dma_start3A_63 = tpu.memref_slice %arg7[%dma_start3A_56, %dma_start3A_62] : memref<8x128xi32, #tpu.memory_space<vmem>> -> memref<1x128xi32, #tpu.memory_space<vmem>>
      %dma_start3A_64 = tpu.memref_squeeze %dma_start3A_63 : memref<1x128xi32, #tpu.memory_space<vmem>> -> memref<128xi32, #tpu.memory_space<vmem>>
      %dma_start3A_65 = arith.constant 0 : i32
      %dma_start3A_66 = arith.constant 0 : i32
      %dma_start3A_67 = tpu.memref_slice %arg2[%dma_start3A_65, %dma_start3A_66] : memref<102400x16xf32, #tpu.memory_space<hbm>> -> memref<102400x16xf32, #tpu.memory_space<hbm>>
      tpu.enqueue_indirect_dma source(%dma_start3A_67 : memref<102400x16xf32, #tpu.memory_space<hbm>>) target(%dma_start3A_61 : memref<128x16xf32, #tpu.memory_space<vmem>>) offsets(%dma_start3A_64 : memref<128xi32, #tpu.memory_space<vmem>>) semaphore(%arg11 : memref<!tpu.dma_semaphore, #tpu.memory_space<semaphore_mem>>)
      %dma_start3A_68 = arith.constant 3 : i32
      %dma_start3A_69 = arith.constant 3 : i32
      %dma_start3A_70 = arith.constant 0 : i32
      %dma_start3A_71 = arith.constant 0 : i32
      %dma_start3A_72 = tpu.memref_slice %arg9[%dma_start3A_69, %dma_start3A_70, %dma_start3A_71] : memref<8x128x16xf32, #tpu.memory_space<vmem>> -> memref<1x128x16xf32, #tpu.memory_space<vmem>>
      %dma_start3A_73 = tpu.memref_squeeze %dma_start3A_72 : memref<1x128x16xf32, #tpu.memory_space<vmem>> -> memref<128x16xf32, #tpu.memory_space<vmem>>
      %dma_start3A_74 = arith.constant 0 : i32
      %dma_start3A_75 = tpu.memref_slice %arg7[%dma_start3A_68, %dma_start3A_74] : memref<8x128xi32, #tpu.memory_space<vmem>> -> memref<1x128xi32, #tpu.memory_space<vmem>>
      %dma_start3A_76 = tpu.memref_squeeze %dma_start3A_75 : memref<1x128xi32, #tpu.memory_space<vmem>> -> memref<128xi32, #tpu.memory_space<vmem>>
      %dma_start3A_77 = arith.constant 0 : i32
      %dma_start3A_78 = arith.constant 0 : i32
      %dma_start3A_79 = tpu.memref_slice %arg2[%dma_start3A_77, %dma_start3A_78] : memref<102400x16xf32, #tpu.memory_space<hbm>> -> memref<102400x16xf32, #tpu.memory_space<hbm>>
      tpu.enqueue_indirect_dma source(%dma_start3A_79 : memref<102400x16xf32, #tpu.memory_space<hbm>>) target(%dma_start3A_73 : memref<128x16xf32, #tpu.memory_space<vmem>>) offsets(%dma_start3A_76 : memref<128xi32, #tpu.memory_space<vmem>>) semaphore(%arg11 : memref<!tpu.dma_semaphore, #tpu.memory_space<semaphore_mem>>)
      %dma_start3A_80 = arith.constant 4 : i32
      %dma_start3A_81 = arith.constant 4 : i32
      %dma_start3A_82 = arith.constant 0 : i32
      %dma_start3A_83 = arith.constant 0 : i32
      %dma_start3A_84 = tpu.memref_slice %arg9[%dma_start3A_81, %dma_start3A_82, %dma_start3A_83] : memref<8x128x16xf32, #tpu.memory_space<vmem>> -> memref<1x128x16xf32, #tpu.memory_space<vmem>>
      %dma_start3A_85 = tpu.memref_squeeze %dma_start3A_84 : memref<1x128x16xf32, #tpu.memory_space<vmem>> -> memref<128x16xf32, #tpu.memory_space<vmem>>
      %dma_start3A_86 = arith.constant 0 : i32
      %dma_start3A_87 = tpu.memref_slice %arg7[%dma_start3A_80, %dma_start3A_86] : memref<8x128xi32, #tpu.memory_space<vmem>> -> memref<1x128xi32, #tpu.memory_space<vmem>>
      %dma_start3A_88 = tpu.memref_squeeze %dma_start3A_87 : memref<1x128xi32, #tpu.memory_space<vmem>> -> memref<128xi32, #tpu.memory_space<vmem>>
      %dma_start3A_89 = arith.constant 0 : i32
      %dma_start3A_90 = arith.constant 0 : i32
      %dma_start3A_91 = tpu.memref_slice %arg2[%dma_start3A_89, %dma_start3A_90] : memref<102400x16xf32, #tpu.memory_space<hbm>> -> memref<102400x16xf32, #tpu.memory_space<hbm>>
      tpu.enqueue_indirect_dma source(%dma_start3A_91 : memref<102400x16xf32, #tpu.memory_space<hbm>>) target(%dma_start3A_85 : memref<128x16xf32, #tpu.memory_space<vmem>>) offsets(%dma_start3A_88 : memref<128xi32, #tpu.memory_space<vmem>>) semaphore(%arg11 : memref<!tpu.dma_semaphore, #tpu.memory_space<semaphore_mem>>)
      %dma_start3A_92 = arith.constant 5 : i32
      %dma_start3A_93 = arith.constant 5 : i32
      %dma_start3A_94 = arith.constant 0 : i32
      %dma_start3A_95 = arith.constant 0 : i32
      %dma_start3A_96 = tpu.memref_slice %arg9[%dma_start3A_93, %dma_start3A_94, %dma_start3A_95] : memref<8x128x16xf32, #tpu.memory_space<vmem>> -> memref<1x128x16xf32, #tpu.memory_space<vmem>>
      %dma_start3A_97 = tpu.memref_squeeze %dma_start3A_96 : memref<1x128x16xf32, #tpu.memory_space<vmem>> -> memref<128x16xf32, #tpu.memory_space<vmem>>
      %dma_start3A_98 = arith.constant 0 : i32
      %dma_start3A_99 = tpu.memref_slice %arg7[%dma_start3A_92, %dma_start3A_98] : memref<8x128xi32, #tpu.memory_space<vmem>> -> memref<1x128xi32, #tpu.memory_space<vmem>>
      %dma_start3A_100 = tpu.memref_squeeze %dma_start3A_99 : memref<1x128xi32, #tpu.memory_space<vmem>> -> memref<128xi32, #tpu.memory_space<vmem>>
      %dma_start3A_101 = arith.constant 0 : i32
      %dma_start3A_102 = arith.constant 0 : i32
      %dma_start3A_103 = tpu.memref_slice %arg2[%dma_start3A_101, %dma_start3A_102] : memref<102400x16xf32, #tpu.memory_space<hbm>> -> memref<102400x16xf32, #tpu.memory_space<hbm>>
      tpu.enqueue_indirect_dma source(%dma_start3A_103 : memref<102400x16xf32, #tpu.memory_space<hbm>>) target(%dma_start3A_97 : memref<128x16xf32, #tpu.memory_space<vmem>>) offsets(%dma_start3A_100 : memref<128xi32, #tpu.memory_space<vmem>>) semaphore(%arg11 : memref<!tpu.dma_semaphore, #tpu.memory_space<semaphore_mem>>)
      %dma_start3A_104 = arith.constant 6 : i32
      %dma_start3A_105 = arith.constant 6 : i32
      %dma_start3A_106 = arith.constant 0 : i32
      %dma_start3A_107 = arith.constant 0 : i32
      %dma_start3A_108 = tpu.memref_slice %arg9[%dma_start3A_105, %dma_start3A_106, %dma_start3A_107] : memref<8x128x16xf32, #tpu.memory_space<vmem>> -> memref<1x128x16xf32, #tpu.memory_space<vmem>>
      %dma_start3A_109 = tpu.memref_squeeze %dma_start3A_108 : memref<1x128x16xf32, #tpu.memory_space<vmem>> -> memref<128x16xf32, #tpu.memory_space<vmem>>
      %dma_start3A_110 = arith.constant 0 : i32
      %dma_start3A_111 = tpu.memref_slice %arg7[%dma_start3A_104, %dma_start3A_110] : memref<8x128xi32, #tpu.memory_space<vmem>> -> memref<1x128xi32, #tpu.memory_space<vmem>>
      %dma_start3A_112 = tpu.memref_squeeze %dma_start3A_111 : memref<1x128xi32, #tpu.memory_space<vmem>> -> memref<128xi32, #tpu.memory_space<vmem>>
      %dma_start3A_113 = arith.constant 0 : i32
      %dma_start3A_114 = arith.constant 0 : i32
      %dma_start3A_115 = tpu.memref_slice %arg2[%dma_start3A_113, %dma_start3A_114] : memref<102400x16xf32, #tpu.memory_space<hbm>> -> memref<102400x16xf32, #tpu.memory_space<hbm>>
      tpu.enqueue_indirect_dma source(%dma_start3A_115 : memref<102400x16xf32, #tpu.memory_space<hbm>>) target(%dma_start3A_109 : memref<128x16xf32, #tpu.memory_space<vmem>>) offsets(%dma_start3A_112 : memref<128xi32, #tpu.memory_space<vmem>>) semaphore(%arg11 : memref<!tpu.dma_semaphore, #tpu.memory_space<semaphore_mem>>)
      %dma_start3A_116 = arith.constant 7 : i32
      %dma_start3A_117 = arith.constant 7 : i32
      %dma_start3A_118 = arith.constant 0 : i32
      %dma_start3A_119 = arith.constant 0 : i32
      %dma_start3A_120 = tpu.memref_slice %arg9[%dma_start3A_117, %dma_start3A_118, %dma_start3A_119] : memref<8x128x16xf32, #tpu.memory_space<vmem>> -> memref<1x128x16xf32, #tpu.memory_space<vmem>>
      %dma_start3A_121 = tpu.memref_squeeze %dma_start3A_120 : memref<1x128x16xf32, #tpu.memory_space<vmem>> -> memref<128x16xf32, #tpu.memory_space<vmem>>
      %dma_start3A_122 = arith.constant 0 : i32
      %dma_start3A_123 = tpu.memref_slice %arg7[%dma_start3A_116, %dma_start3A_122] : memref<8x128xi32, #tpu.memory_space<vmem>> -> memref<1x128xi32, #tpu.memory_space<vmem>>
      %dma_start3A_124 = tpu.memref_squeeze %dma_start3A_123 : memref<1x128xi32, #tpu.memory_space<vmem>> -> memref<128xi32, #tpu.memory_space<vmem>>
      %dma_start3A_125 = arith.constant 0 : i32
      %dma_start3A_126 = arith.constant 0 : i32
      %dma_start3A_127 = tpu.memref_slice %arg2[%dma_start3A_125, %dma_start3A_126] : memref<102400x16xf32, #tpu.memory_space<hbm>> -> memref<102400x16xf32, #tpu.memory_space<hbm>>
      tpu.enqueue_indirect_dma source(%dma_start3A_127 : memref<102400x16xf32, #tpu.memory_space<hbm>>) target(%dma_start3A_121 : memref<128x16xf32, #tpu.memory_space<vmem>>) offsets(%dma_start3A_124 : memref<128xi32, #tpu.memory_space<vmem>>) semaphore(%arg11 : memref<!tpu.dma_semaphore, #tpu.memory_space<semaphore_mem>>)
      %dma_wait3A = arith.constant 0 : i32
      %dma_wait3A_128 = arith.constant 0 : i32
      %dma_wait3A_129 = arith.constant 0 : i32
      %dma_wait3A_130 = arith.constant 0 : i32
      %dma_wait3A_131 = tpu.memref_slice %arg9[%dma_wait3A_128, %dma_wait3A_129, %dma_wait3A_130] : memref<8x128x16xf32, #tpu.memory_space<vmem>> -> memref<1x128x16xf32, #tpu.memory_space<vmem>>
      %dma_wait3A_132 = tpu.memref_squeeze %dma_wait3A_131 : memref<1x128x16xf32, #tpu.memory_space<vmem>> -> memref<128x16xf32, #tpu.memory_space<vmem>>
      %dma_wait3A_133 = arith.constant 0 : i32
      %dma_wait3A_134 = tpu.memref_slice %arg7[%dma_wait3A, %dma_wait3A_133] : memref<8x128xi32, #tpu.memory_space<vmem>> -> memref<1x128xi32, #tpu.memory_space<vmem>>
      %dma_wait3A_135 = tpu.memref_squeeze %dma_wait3A_134 : memref<1x128xi32, #tpu.memory_space<vmem>> -> memref<128xi32, #tpu.memory_space<vmem>>
      %dma_wait3A_136 = arith.constant 0 : i32
      %dma_wait3A_137 = arith.constant 0 : i32
      %dma_wait3A_138 = tpu.memref_slice %arg2[%dma_wait3A_136, %dma_wait3A_137] : memref<102400x16xf32, #tpu.memory_space<hbm>> -> memref<102400x16xf32, #tpu.memory_space<hbm>>
      tpu.wait_indirect_dma semaphore(%arg11 : memref<!tpu.dma_semaphore, #tpu.memory_space<semaphore_mem>>) src(%dma_wait3A_138 : memref<102400x16xf32, #tpu.memory_space<hbm>>) dst(%dma_wait3A_132 : memref<128x16xf32, #tpu.memory_space<vmem>>)
      %dma_wait3A_139 = arith.constant 1 : i32
      %dma_wait3A_140 = arith.constant 1 : i32
      %dma_wait3A_141 = arith.constant 0 : i32
      %dma_wait3A_142 = arith.constant 0 : i32
      %dma_wait3A_143 = tpu.memref_slice %arg9[%dma_wait3A_140, %dma_wait3A_141, %dma_wait3A_142] : memref<8x128x16xf32, #tpu.memory_space<vmem>> -> memref<1x128x16xf32, #tpu.memory_space<vmem>>
      %dma_wait3A_144 = tpu.memref_squeeze %dma_wait3A_143 : memref<1x128x16xf32, #tpu.memory_space<vmem>> -> memref<128x16xf32, #tpu.memory_space<vmem>>
      %dma_wait3A_145 = arith.constant 0 : i32
      %dma_wait3A_146 = tpu.memref_slice %arg7[%dma_wait3A_139, %dma_wait3A_145] : memref<8x128xi32, #tpu.memory_space<vmem>> -> memref<1x128xi32, #tpu.memory_space<vmem>>
      %dma_wait3A_147 = tpu.memref_squeeze %dma_wait3A_146 : memref<1x128xi32, #tpu.memory_space<vmem>> -> memref<128xi32, #tpu.memory_space<vmem>>
      %dma_wait3A_148 = arith.constant 0 : i32
      %dma_wait3A_149 = arith.constant 0 : i32
      %dma_wait3A_150 = tpu.memref_slice %arg2[%dma_wait3A_148, %dma_wait3A_149] : memref<102400x16xf32, #tpu.memory_space<hbm>> -> memref<102400x16xf32, #tpu.memory_space<hbm>>
      tpu.wait_indirect_dma semaphore(%arg11 : memref<!tpu.dma_semaphore, #tpu.memory_space<semaphore_mem>>) src(%dma_wait3A_150 : memref<102400x16xf32, #tpu.memory_space<hbm>>) dst(%dma_wait3A_144 : memref<128x16xf32, #tpu.memory_space<vmem>>)
      %dma_wait3A_151 = arith.constant 2 : i32
      %dma_wait3A_152 = arith.constant 2 : i32
      %dma_wait3A_153 = arith.constant 0 : i32
      %dma_wait3A_154 = arith.constant 0 : i32
      %dma_wait3A_155 = tpu.memref_slice %arg9[%dma_wait3A_152, %dma_wait3A_153, %dma_wait3A_154] : memref<8x128x16xf32, #tpu.memory_space<vmem>> -> memref<1x128x16xf32, #tpu.memory_space<vmem>>
      %dma_wait3A_156 = tpu.memref_squeeze %dma_wait3A_155 : memref<1x128x16xf32, #tpu.memory_space<vmem>> -> memref<128x16xf32, #tpu.memory_space<vmem>>
      %dma_wait3A_157 = arith.constant 0 : i32
      %dma_wait3A_158 = tpu.memref_slice %arg7[%dma_wait3A_151, %dma_wait3A_157] : memref<8x128xi32, #tpu.memory_space<vmem>> -> memref<1x128xi32, #tpu.memory_space<vmem>>
      %dma_wait3A_159 = tpu.memref_squeeze %dma_wait3A_158 : memref<1x128xi32, #tpu.memory_space<vmem>> -> memref<128xi32, #tpu.memory_space<vmem>>
      %dma_wait3A_160 = arith.constant 0 : i32
      %dma_wait3A_161 = arith.constant 0 : i32
      %dma_wait3A_162 = tpu.memref_slice %arg2[%dma_wait3A_160, %dma_wait3A_161] : memref<102400x16xf32, #tpu.memory_space<hbm>> -> memref<102400x16xf32, #tpu.memory_space<hbm>>
      tpu.wait_indirect_dma semaphore(%arg11 : memref<!tpu.dma_semaphore, #tpu.memory_space<semaphore_mem>>) src(%dma_wait3A_162 : memref<102400x16xf32, #tpu.memory_space<hbm>>) dst(%dma_wait3A_156 : memref<128x16xf32, #tpu.memory_space<vmem>>)
      %dma_wait3A_163 = arith.constant 3 : i32
      %dma_wait3A_164 = arith.constant 3 : i32
      %dma_wait3A_165 = arith.constant 0 : i32
      %dma_wait3A_166 = arith.constant 0 : i32
      %dma_wait3A_167 = tpu.memref_slice %arg9[%dma_wait3A_164, %dma_wait3A_165, %dma_wait3A_166] : memref<8x128x16xf32, #tpu.memory_space<vmem>> -> memref<1x128x16xf32, #tpu.memory_space<vmem>>
      %dma_wait3A_168 = tpu.memref_squeeze %dma_wait3A_167 : memref<1x128x16xf32, #tpu.memory_space<vmem>> -> memref<128x16xf32, #tpu.memory_space<vmem>>
      %dma_wait3A_169 = arith.constant 0 : i32
      %dma_wait3A_170 = tpu.memref_slice %arg7[%dma_wait3A_163, %dma_wait3A_169] : memref<8x128xi32, #tpu.memory_space<vmem>> -> memref<1x128xi32, #tpu.memory_space<vmem>>
      %dma_wait3A_171 = tpu.memref_squeeze %dma_wait3A_170 : memref<1x128xi32, #tpu.memory_space<vmem>> -> memref<128xi32, #tpu.memory_space<vmem>>
      %dma_wait3A_172 = arith.constant 0 : i32
      %dma_wait3A_173 = arith.constant 0 : i32
      %dma_wait3A_174 = tpu.memref_slice %arg2[%dma_wait3A_172, %dma_wait3A_173] : memref<102400x16xf32, #tpu.memory_space<hbm>> -> memref<102400x16xf32, #tpu.memory_space<hbm>>
      tpu.wait_indirect_dma semaphore(%arg11 : memref<!tpu.dma_semaphore, #tpu.memory_space<semaphore_mem>>) src(%dma_wait3A_174 : memref<102400x16xf32, #tpu.memory_space<hbm>>) dst(%dma_wait3A_168 : memref<128x16xf32, #tpu.memory_space<vmem>>)
      %dma_wait3A_175 = arith.constant 4 : i32
      %dma_wait3A_176 = arith.constant 4 : i32
      %dma_wait3A_177 = arith.constant 0 : i32
      %dma_wait3A_178 = arith.constant 0 : i32
      %dma_wait3A_179 = tpu.memref_slice %arg9[%dma_wait3A_176, %dma_wait3A_177, %dma_wait3A_178] : memref<8x128x16xf32, #tpu.memory_space<vmem>> -> memref<1x128x16xf32, #tpu.memory_space<vmem>>
      %dma_wait3A_180 = tpu.memref_squeeze %dma_wait3A_179 : memref<1x128x16xf32, #tpu.memory_space<vmem>> -> memref<128x16xf32, #tpu.memory_space<vmem>>
      %dma_wait3A_181 = arith.constant 0 : i32
      %dma_wait3A_182 = tpu.memref_slice %arg7[%dma_wait3A_175, %dma_wait3A_181] : memref<8x128xi32, #tpu.memory_space<vmem>> -> memref<1x128xi32, #tpu.memory_space<vmem>>
      %dma_wait3A_183 = tpu.memref_squeeze %dma_wait3A_182 : memref<1x128xi32, #tpu.memory_space<vmem>> -> memref<128xi32, #tpu.memory_space<vmem>>
      %dma_wait3A_184 = arith.constant 0 : i32
      %dma_wait3A_185 = arith.constant 0 : i32
      %dma_wait3A_186 = tpu.memref_slice %arg2[%dma_wait3A_184, %dma_wait3A_185] : memref<102400x16xf32, #tpu.memory_space<hbm>> -> memref<102400x16xf32, #tpu.memory_space<hbm>>
      tpu.wait_indirect_dma semaphore(%arg11 : memref<!tpu.dma_semaphore, #tpu.memory_space<semaphore_mem>>) src(%dma_wait3A_186 : memref<102400x16xf32, #tpu.memory_space<hbm>>) dst(%dma_wait3A_180 : memref<128x16xf32, #tpu.memory_space<vmem>>)
      %dma_wait3A_187 = arith.constant 5 : i32
      %dma_wait3A_188 = arith.constant 5 : i32
      %dma_wait3A_189 = arith.constant 0 : i32
      %dma_wait3A_190 = arith.constant 0 : i32
      %dma_wait3A_191 = tpu.memref_slice %arg9[%dma_wait3A_188, %dma_wait3A_189, %dma_wait3A_190] : memref<8x128x16xf32, #tpu.memory_space<vmem>> -> memref<1x128x16xf32, #tpu.memory_space<vmem>>
      %dma_wait3A_192 = tpu.memref_squeeze %dma_wait3A_191 : memref<1x128x16xf32, #tpu.memory_space<vmem>> -> memref<128x16xf32, #tpu.memory_space<vmem>>
      %dma_wait3A_193 = arith.constant 0 : i32
      %dma_wait3A_194 = tpu.memref_slice %arg7[%dma_wait3A_187, %dma_wait3A_193] : memref<8x128xi32, #tpu.memory_space<vmem>> -> memref<1x128xi32, #tpu.memory_space<vmem>>
      %dma_wait3A_195 = tpu.memref_squeeze %dma_wait3A_194 : memref<1x128xi32, #tpu.memory_space<vmem>> -> memref<128xi32, #tpu.memory_space<vmem>>
      %dma_wait3A_196 = arith.constant 0 : i32
      %dma_wait3A_197 = arith.constant 0 : i32
      %dma_wait3A_198 = tpu.memref_slice %arg2[%dma_wait3A_196, %dma_wait3A_197] : memref<102400x16xf32, #tpu.memory_space<hbm>> -> memref<102400x16xf32, #tpu.memory_space<hbm>>
      tpu.wait_indirect_dma semaphore(%arg11 : memref<!tpu.dma_semaphore, #tpu.memory_space<semaphore_mem>>) src(%dma_wait3A_198 : memref<102400x16xf32, #tpu.memory_space<hbm>>) dst(%dma_wait3A_192 : memref<128x16xf32, #tpu.memory_space<vmem>>)
      %dma_wait3A_199 = arith.constant 6 : i32
      %dma_wait3A_200 = arith.constant 6 : i32
      %dma_wait3A_201 = arith.constant 0 : i32
      %dma_wait3A_202 = arith.constant 0 : i32
      %dma_wait3A_203 = tpu.memref_slice %arg9[%dma_wait3A_200, %dma_wait3A_201, %dma_wait3A_202] : memref<8x128x16xf32, #tpu.memory_space<vmem>> -> memref<1x128x16xf32, #tpu.memory_space<vmem>>
      %dma_wait3A_204 = tpu.memref_squeeze %dma_wait3A_203 : memref<1x128x16xf32, #tpu.memory_space<vmem>> -> memref<128x16xf32, #tpu.memory_space<vmem>>
      %dma_wait3A_205 = arith.constant 0 : i32
      %dma_wait3A_206 = tpu.memref_slice %arg7[%dma_wait3A_199, %dma_wait3A_205] : memref<8x128xi32, #tpu.memory_space<vmem>> -> memref<1x128xi32, #tpu.memory_space<vmem>>
      %dma_wait3A_207 = tpu.memref_squeeze %dma_wait3A_206 : memref<1x128xi32, #tpu.memory_space<vmem>> -> memref<128xi32, #tpu.memory_space<vmem>>
      %dma_wait3A_208 = arith.constant 0 : i32
      %dma_wait3A_209 = arith.constant 0 : i32
      %dma_wait3A_210 = tpu.memref_slice %arg2[%dma_wait3A_208, %dma_wait3A_209] : memref<102400x16xf32, #tpu.memory_space<hbm>> -> memref<102400x16xf32, #tpu.memory_space<hbm>>
      tpu.wait_indirect_dma semaphore(%arg11 : memref<!tpu.dma_semaphore, #tpu.memory_space<semaphore_mem>>) src(%dma_wait3A_210 : memref<102400x16xf32, #tpu.memory_space<hbm>>) dst(%dma_wait3A_204 : memref<128x16xf32, #tpu.memory_space<vmem>>)
      %dma_wait3A_211 = arith.constant 7 : i32
      %dma_wait3A_212 = arith.constant 7 : i32
      %dma_wait3A_213 = arith.constant 0 : i32
      %dma_wait3A_214 = arith.constant 0 : i32
      %dma_wait3A_215 = tpu.memref_slice %arg9[%dma_wait3A_212, %dma_wait3A_213, %dma_wait3A_214] : memref<8x128x16xf32, #tpu.memory_space<vmem>> -> memref<1x128x16xf32, #tpu.memory_space<vmem>>
      %dma_wait3A_216 = tpu.memref_squeeze %dma_wait3A_215 : memref<1x128x16xf32, #tpu.memory_space<vmem>> -> memref<128x16xf32, #tpu.memory_space<vmem>>
      %dma_wait3A_217 = arith.constant 0 : i32
      %dma_wait3A_218 = tpu.memref_slice %arg7[%dma_wait3A_211, %dma_wait3A_217] : memref<8x128xi32, #tpu.memory_space<vmem>> -> memref<1x128xi32, #tpu.memory_space<vmem>>
      %dma_wait3A_219 = tpu.memref_squeeze %dma_wait3A_218 : memref<1x128xi32, #tpu.memory_space<vmem>> -> memref<128xi32, #tpu.memory_space<vmem>>
      %dma_wait3A_220 = arith.constant 0 : i32
      %dma_wait3A_221 = arith.constant 0 : i32
      %dma_wait3A_222 = tpu.memref_slice %arg2[%dma_wait3A_220, %dma_wait3A_221] : memref<102400x16xf32, #tpu.memory_space<hbm>> -> memref<102400x16xf32, #tpu.memory_space<hbm>>
      tpu.wait_indirect_dma semaphore(%arg11 : memref<!tpu.dma_semaphore, #tpu.memory_space<semaphore_mem>>) src(%dma_wait3A_222 : memref<102400x16xf32, #tpu.memory_space<hbm>>) dst(%dma_wait3A_216 : memref<128x16xf32, #tpu.memory_space<vmem>>)
      %dma_start3A_223 = arith.constant 0 : i32
      %dma_start3A_224 = arith.constant 0 : i32
      %dma_start3A_225 = arith.constant 0 : i32
      %dma_start3A_226 = arith.constant 0 : i32
      %dma_start3A_227 = tpu.memref_slice %arg9[%dma_start3A_223, %dma_start3A_225, %dma_start3A_226] : memref<8x128x16xf32, #tpu.memory_space<vmem>> -> memref<1x128x16xf32, #tpu.memory_space<vmem>>
      %dma_start3A_228 = tpu.memref_squeeze %dma_start3A_227 : memref<1x128x16xf32, #tpu.memory_space<vmem>> -> memref<128x16xf32, #tpu.memory_space<vmem>>
      %dma_start3A_229 = arith.constant 0 : i32
      %dma_start3A_230 = tpu.memref_slice %arg8[%dma_start3A_224, %dma_start3A_229] : memref<8x128xi32, #tpu.memory_space<vmem>> -> memref<1x128xi32, #tpu.memory_space<vmem>>
      %dma_start3A_231 = tpu.memref_squeeze %dma_start3A_230 : memref<1x128xi32, #tpu.memory_space<vmem>> -> memref<128xi32, #tpu.memory_space<vmem>>
      %dma_start3A_232 = arith.constant 0 : i32
      %dma_start3A_233 = arith.constant 0 : i32
      %dma_start3A_234 = tpu.memref_slice %arg6[%dma_start3A_232, %dma_start3A_233] : memref<102400x16xf32, #tpu.memory_space<vmem_shared>> -> memref<102400x16xf32, #tpu.memory_space<vmem_shared>>
      tpu.enqueue_indirect_dma source(%dma_start3A_228 : memref<128x16xf32, #tpu.memory_space<vmem>>) target(%dma_start3A_234 : memref<102400x16xf32, #tpu.memory_space<vmem_shared>>) offsets(%dma_start3A_231 : memref<128xi32, #tpu.memory_space<vmem>>) semaphore(%arg12 : memref<!tpu.dma_semaphore, #tpu.memory_space<semaphore_mem>>) {add = true}
      %dma_start3A_235 = arith.constant 1 : i32
      %dma_start3A_236 = arith.constant 1 : i32
      %dma_start3A_237 = arith.constant 0 : i32
      %dma_start3A_238 = arith.constant 0 : i32
      %dma_start3A_239 = tpu.memref_slice %arg9[%dma_start3A_235, %dma_start3A_237, %dma_start3A_238] : memref<8x128x16xf32, #tpu.memory_space<vmem>> -> memref<1x128x16xf32, #tpu.memory_space<vmem>>
      %dma_start3A_240 = tpu.memref_squeeze %dma_start3A_239 : memref<1x128x16xf32, #tpu.memory_space<vmem>> -> memref<128x16xf32, #tpu.memory_space<vmem>>
      %dma_start3A_241 = arith.constant 0 : i32
      %dma_start3A_242 = tpu.memref_slice %arg8[%dma_start3A_236, %dma_start3A_241] : memref<8x128xi32, #tpu.memory_space<vmem>> -> memref<1x128xi32, #tpu.memory_space<vmem>>
      %dma_start3A_243 = tpu.memref_squeeze %dma_start3A_242 : memref<1x128xi32, #tpu.memory_space<vmem>> -> memref<128xi32, #tpu.memory_space<vmem>>
      %dma_start3A_244 = arith.constant 0 : i32
      %dma_start3A_245 = arith.constant 0 : i32
      %dma_start3A_246 = tpu.memref_slice %arg6[%dma_start3A_244, %dma_start3A_245] : memref<102400x16xf32, #tpu.memory_space<vmem_shared>> -> memref<102400x16xf32, #tpu.memory_space<vmem_shared>>
      tpu.enqueue_indirect_dma source(%dma_start3A_240 : memref<128x16xf32, #tpu.memory_space<vmem>>) target(%dma_start3A_246 : memref<102400x16xf32, #tpu.memory_space<vmem_shared>>) offsets(%dma_start3A_243 : memref<128xi32, #tpu.memory_space<vmem>>) semaphore(%arg12 : memref<!tpu.dma_semaphore, #tpu.memory_space<semaphore_mem>>) {add = true}
      %dma_start3A_247 = arith.constant 2 : i32
      %dma_start3A_248 = arith.constant 2 : i32
      %dma_start3A_249 = arith.constant 0 : i32
      %dma_start3A_250 = arith.constant 0 : i32
      %dma_start3A_251 = tpu.memref_slice %arg9[%dma_start3A_247, %dma_start3A_249, %dma_start3A_250] : memref<8x128x16xf32, #tpu.memory_space<vmem>> -> memref<1x128x16xf32, #tpu.memory_space<vmem>>
      %dma_start3A_252 = tpu.memref_squeeze %dma_start3A_251 : memref<1x128x16xf32, #tpu.memory_space<vmem>> -> memref<128x16xf32, #tpu.memory_space<vmem>>
      %dma_start3A_253 = arith.constant 0 : i32
      %dma_start3A_254 = tpu.memref_slice %arg8[%dma_start3A_248, %dma_start3A_253] : memref<8x128xi32, #tpu.memory_space<vmem>> -> memref<1x128xi32, #tpu.memory_space<vmem>>
      %dma_start3A_255 = tpu.memref_squeeze %dma_start3A_254 : memref<1x128xi32, #tpu.memory_space<vmem>> -> memref<128xi32, #tpu.memory_space<vmem>>
      %dma_start3A_256 = arith.constant 0 : i32
      %dma_start3A_257 = arith.constant 0 : i32
      %dma_start3A_258 = tpu.memref_slice %arg6[%dma_start3A_256, %dma_start3A_257] : memref<102400x16xf32, #tpu.memory_space<vmem_shared>> -> memref<102400x16xf32, #tpu.memory_space<vmem_shared>>
      tpu.enqueue_indirect_dma source(%dma_start3A_252 : memref<128x16xf32, #tpu.memory_space<vmem>>) target(%dma_start3A_258 : memref<102400x16xf32, #tpu.memory_space<vmem_shared>>) offsets(%dma_start3A_255 : memref<128xi32, #tpu.memory_space<vmem>>) semaphore(%arg12 : memref<!tpu.dma_semaphore, #tpu.memory_space<semaphore_mem>>) {add = true}
      %dma_start3A_259 = arith.constant 3 : i32
      %dma_start3A_260 = arith.constant 3 : i32
      %dma_start3A_261 = arith.constant 0 : i32
      %dma_start3A_262 = arith.constant 0 : i32
      %dma_start3A_263 = tpu.memref_slice %arg9[%dma_start3A_259, %dma_start3A_261, %dma_start3A_262] : memref<8x128x16xf32, #tpu.memory_space<vmem>> -> memref<1x128x16xf32, #tpu.memory_space<vmem>>
      %dma_start3A_264 = tpu.memref_squeeze %dma_start3A_263 : memref<1x128x16xf32, #tpu.memory_space<vmem>> -> memref<128x16xf32, #tpu.memory_space<vmem>>
      %dma_start3A_265 = arith.constant 0 : i32
      %dma_start3A_266 = tpu.memref_slice %arg8[%dma_start3A_260, %dma_start3A_265] : memref<8x128xi32, #tpu.memory_space<vmem>> -> memref<1x128xi32, #tpu.memory_space<vmem>>
      %dma_start3A_267 = tpu.memref_squeeze %dma_start3A_266 : memref<1x128xi32, #tpu.memory_space<vmem>> -> memref<128xi32, #tpu.memory_space<vmem>>
      %dma_start3A_268 = arith.constant 0 : i32
      %dma_start3A_269 = arith.constant 0 : i32
      %dma_start3A_270 = tpu.memref_slice %arg6[%dma_start3A_268, %dma_start3A_269] : memref<102400x16xf32, #tpu.memory_space<vmem_shared>> -> memref<102400x16xf32, #tpu.memory_space<vmem_shared>>
      tpu.enqueue_indirect_dma source(%dma_start3A_264 : memref<128x16xf32, #tpu.memory_space<vmem>>) target(%dma_start3A_270 : memref<102400x16xf32, #tpu.memory_space<vmem_shared>>) offsets(%dma_start3A_267 : memref<128xi32, #tpu.memory_space<vmem>>) semaphore(%arg12 : memref<!tpu.dma_semaphore, #tpu.memory_space<semaphore_mem>>) {add = true}
      %dma_start3A_271 = arith.constant 4 : i32
      %dma_start3A_272 = arith.constant 4 : i32
      %dma_start3A_273 = arith.constant 0 : i32
      %dma_start3A_274 = arith.constant 0 : i32
      %dma_start3A_275 = tpu.memref_slice %arg9[%dma_start3A_271, %dma_start3A_273, %dma_start3A_274] : memref<8x128x16xf32, #tpu.memory_space<vmem>> -> memref<1x128x16xf32, #tpu.memory_space<vmem>>
      %dma_start3A_276 = tpu.memref_squeeze %dma_start3A_275 : memref<1x128x16xf32, #tpu.memory_space<vmem>> -> memref<128x16xf32, #tpu.memory_space<vmem>>
      %dma_start3A_277 = arith.constant 0 : i32
      %dma_start3A_278 = tpu.memref_slice %arg8[%dma_start3A_272, %dma_start3A_277] : memref<8x128xi32, #tpu.memory_space<vmem>> -> memref<1x128xi32, #tpu.memory_space<vmem>>
      %dma_start3A_279 = tpu.memref_squeeze %dma_start3A_278 : memref<1x128xi32, #tpu.memory_space<vmem>> -> memref<128xi32, #tpu.memory_space<vmem>>
      %dma_start3A_280 = arith.constant 0 : i32
      %dma_start3A_281 = arith.constant 0 : i32
      %dma_start3A_282 = tpu.memref_slice %arg6[%dma_start3A_280, %dma_start3A_281] : memref<102400x16xf32, #tpu.memory_space<vmem_shared>> -> memref<102400x16xf32, #tpu.memory_space<vmem_shared>>
      tpu.enqueue_indirect_dma source(%dma_start3A_276 : memref<128x16xf32, #tpu.memory_space<vmem>>) target(%dma_start3A_282 : memref<102400x16xf32, #tpu.memory_space<vmem_shared>>) offsets(%dma_start3A_279 : memref<128xi32, #tpu.memory_space<vmem>>) semaphore(%arg12 : memref<!tpu.dma_semaphore, #tpu.memory_space<semaphore_mem>>) {add = true}
      %dma_start3A_283 = arith.constant 5 : i32
      %dma_start3A_284 = arith.constant 5 : i32
      %dma_start3A_285 = arith.constant 0 : i32
      %dma_start3A_286 = arith.constant 0 : i32
      %dma_start3A_287 = tpu.memref_slice %arg9[%dma_start3A_283, %dma_start3A_285, %dma_start3A_286] : memref<8x128x16xf32, #tpu.memory_space<vmem>> -> memref<1x128x16xf32, #tpu.memory_space<vmem>>
      %dma_start3A_288 = tpu.memref_squeeze %dma_start3A_287 : memref<1x128x16xf32, #tpu.memory_space<vmem>> -> memref<128x16xf32, #tpu.memory_space<vmem>>
      %dma_start3A_289 = arith.constant 0 : i32
      %dma_start3A_290 = tpu.memref_slice %arg8[%dma_start3A_284, %dma_start3A_289] : memref<8x128xi32, #tpu.memory_space<vmem>> -> memref<1x128xi32, #tpu.memory_space<vmem>>
      %dma_start3A_291 = tpu.memref_squeeze %dma_start3A_290 : memref<1x128xi32, #tpu.memory_space<vmem>> -> memref<128xi32, #tpu.memory_space<vmem>>
      %dma_start3A_292 = arith.constant 0 : i32
      %dma_start3A_293 = arith.constant 0 : i32
      %dma_start3A_294 = tpu.memref_slice %arg6[%dma_start3A_292, %dma_start3A_293] : memref<102400x16xf32, #tpu.memory_space<vmem_shared>> -> memref<102400x16xf32, #tpu.memory_space<vmem_shared>>
      tpu.enqueue_indirect_dma source(%dma_start3A_288 : memref<128x16xf32, #tpu.memory_space<vmem>>) target(%dma_start3A_294 : memref<102400x16xf32, #tpu.memory_space<vmem_shared>>) offsets(%dma_start3A_291 : memref<128xi32, #tpu.memory_space<vmem>>) semaphore(%arg12 : memref<!tpu.dma_semaphore, #tpu.memory_space<semaphore_mem>>) {add = true}
      %dma_start3A_295 = arith.constant 6 : i32
      %dma_start3A_296 = arith.constant 6 : i32
      %dma_start3A_297 = arith.constant 0 : i32
      %dma_start3A_298 = arith.constant 0 : i32
      %dma_start3A_299 = tpu.memref_slice %arg9[%dma_start3A_295, %dma_start3A_297, %dma_start3A_298] : memref<8x128x16xf32, #tpu.memory_space<vmem>> -> memref<1x128x16xf32, #tpu.memory_space<vmem>>
      %dma_start3A_300 = tpu.memref_squeeze %dma_start3A_299 : memref<1x128x16xf32, #tpu.memory_space<vmem>> -> memref<128x16xf32, #tpu.memory_space<vmem>>
      %dma_start3A_301 = arith.constant 0 : i32
      %dma_start3A_302 = tpu.memref_slice %arg8[%dma_start3A_296, %dma_start3A_301] : memref<8x128xi32, #tpu.memory_space<vmem>> -> memref<1x128xi32, #tpu.memory_space<vmem>>
      %dma_start3A_303 = tpu.memref_squeeze %dma_start3A_302 : memref<1x128xi32, #tpu.memory_space<vmem>> -> memref<128xi32, #tpu.memory_space<vmem>>
      %dma_start3A_304 = arith.constant 0 : i32
      %dma_start3A_305 = arith.constant 0 : i32
      %dma_start3A_306 = tpu.memref_slice %arg6[%dma_start3A_304, %dma_start3A_305] : memref<102400x16xf32, #tpu.memory_space<vmem_shared>> -> memref<102400x16xf32, #tpu.memory_space<vmem_shared>>
      tpu.enqueue_indirect_dma source(%dma_start3A_300 : memref<128x16xf32, #tpu.memory_space<vmem>>) target(%dma_start3A_306 : memref<102400x16xf32, #tpu.memory_space<vmem_shared>>) offsets(%dma_start3A_303 : memref<128xi32, #tpu.memory_space<vmem>>) semaphore(%arg12 : memref<!tpu.dma_semaphore, #tpu.memory_space<semaphore_mem>>) {add = true}
      %dma_start3A_307 = arith.constant 7 : i32
      %dma_start3A_308 = arith.constant 7 : i32
      %dma_start3A_309 = arith.constant 0 : i32
      %dma_start3A_310 = arith.constant 0 : i32
      %dma_start3A_311 = tpu.memref_slice %arg9[%dma_start3A_307, %dma_start3A_309, %dma_start3A_310] : memref<8x128x16xf32, #tpu.memory_space<vmem>> -> memref<1x128x16xf32, #tpu.memory_space<vmem>>
      %dma_start3A_312 = tpu.memref_squeeze %dma_start3A_311 : memref<1x128x16xf32, #tpu.memory_space<vmem>> -> memref<128x16xf32, #tpu.memory_space<vmem>>
      %dma_start3A_313 = arith.constant 0 : i32
      %dma_start3A_314 = tpu.memref_slice %arg8[%dma_start3A_308, %dma_start3A_313] : memref<8x128xi32, #tpu.memory_space<vmem>> -> memref<1x128xi32, #tpu.memory_space<vmem>>
      %dma_start3A_315 = tpu.memref_squeeze %dma_start3A_314 : memref<1x128xi32, #tpu.memory_space<vmem>> -> memref<128xi32, #tpu.memory_space<vmem>>
      %dma_start3A_316 = arith.constant 0 : i32
      %dma_start3A_317 = arith.constant 0 : i32
      %dma_start3A_318 = tpu.memref_slice %arg6[%dma_start3A_316, %dma_start3A_317] : memref<102400x16xf32, #tpu.memory_space<vmem_shared>> -> memref<102400x16xf32, #tpu.memory_space<vmem_shared>>
      tpu.enqueue_indirect_dma source(%dma_start3A_312 : memref<128x16xf32, #tpu.memory_space<vmem>>) target(%dma_start3A_318 : memref<102400x16xf32, #tpu.memory_space<vmem_shared>>) offsets(%dma_start3A_315 : memref<128xi32, #tpu.memory_space<vmem>>) semaphore(%arg12 : memref<!tpu.dma_semaphore, #tpu.memory_space<semaphore_mem>>) {add = true}
      %dma_wait3A_319 = arith.constant 0 : i32
      %dma_wait3A_320 = arith.constant 0 : i32
      %dma_wait3A_321 = arith.constant 0 : i32
      %dma_wait3A_322 = arith.constant 0 : i32
      %dma_wait3A_323 = tpu.memref_slice %arg9[%dma_wait3A_319, %dma_wait3A_321, %dma_wait3A_322] : memref<8x128x16xf32, #tpu.memory_space<vmem>> -> memref<1x128x16xf32, #tpu.memory_space<vmem>>
      %dma_wait3A_324 = tpu.memref_squeeze %dma_wait3A_323 : memref<1x128x16xf32, #tpu.memory_space<vmem>> -> memref<128x16xf32, #tpu.memory_space<vmem>>
      %dma_wait3A_325 = arith.constant 0 : i32
      %dma_wait3A_326 = tpu.memref_slice %arg8[%dma_wait3A_320, %dma_wait3A_325] : memref<8x128xi32, #tpu.memory_space<vmem>> -> memref<1x128xi32, #tpu.memory_space<vmem>>
      %dma_wait3A_327 = tpu.memref_squeeze %dma_wait3A_326 : memref<1x128xi32, #tpu.memory_space<vmem>> -> memref<128xi32, #tpu.memory_space<vmem>>
      %dma_wait3A_328 = arith.constant 0 : i32
      %dma_wait3A_329 = arith.constant 0 : i32
      %dma_wait3A_330 = tpu.memref_slice %arg6[%dma_wait3A_328, %dma_wait3A_329] : memref<102400x16xf32, #tpu.memory_space<vmem_shared>> -> memref<102400x16xf32, #tpu.memory_space<vmem_shared>>
      tpu.wait_indirect_dma semaphore(%arg12 : memref<!tpu.dma_semaphore, #tpu.memory_space<semaphore_mem>>) src(%dma_wait3A_324 : memref<128x16xf32, #tpu.memory_space<vmem>>) dst(%dma_wait3A_330 : memref<102400x16xf32, #tpu.memory_space<vmem_shared>>)
      %dma_wait3A_331 = arith.constant 1 : i32
      %dma_wait3A_332 = arith.constant 1 : i32
      %dma_wait3A_333 = arith.constant 0 : i32
      %dma_wait3A_334 = arith.constant 0 : i32
      %dma_wait3A_335 = tpu.memref_slice %arg9[%dma_wait3A_331, %dma_wait3A_333, %dma_wait3A_334] : memref<8x128x16xf32, #tpu.memory_space<vmem>> -> memref<1x128x16xf32, #tpu.memory_space<vmem>>
      %dma_wait3A_336 = tpu.memref_squeeze %dma_wait3A_335 : memref<1x128x16xf32, #tpu.memory_space<vmem>> -> memref<128x16xf32, #tpu.memory_space<vmem>>
      %dma_wait3A_337 = arith.constant 0 : i32
      %dma_wait3A_338 = tpu.memref_slice %arg8[%dma_wait3A_332, %dma_wait3A_337] : memref<8x128xi32, #tpu.memory_space<vmem>> -> memref<1x128xi32, #tpu.memory_space<vmem>>
      %dma_wait3A_339 = tpu.memref_squeeze %dma_wait3A_338 : memref<1x128xi32, #tpu.memory_space<vmem>> -> memref<128xi32, #tpu.memory_space<vmem>>
      %dma_wait3A_340 = arith.constant 0 : i32
      %dma_wait3A_341 = arith.constant 0 : i32
      %dma_wait3A_342 = tpu.memref_slice %arg6[%dma_wait3A_340, %dma_wait3A_341] : memref<102400x16xf32, #tpu.memory_space<vmem_shared>> -> memref<102400x16xf32, #tpu.memory_space<vmem_shared>>
      tpu.wait_indirect_dma semaphore(%arg12 : memref<!tpu.dma_semaphore, #tpu.memory_space<semaphore_mem>>) src(%dma_wait3A_336 : memref<128x16xf32, #tpu.memory_space<vmem>>) dst(%dma_wait3A_342 : memref<102400x16xf32, #tpu.memory_space<vmem_shared>>)
      %dma_wait3A_343 = arith.constant 2 : i32
      %dma_wait3A_344 = arith.constant 2 : i32
      %dma_wait3A_345 = arith.constant 0 : i32
      %dma_wait3A_346 = arith.constant 0 : i32
      %dma_wait3A_347 = tpu.memref_slice %arg9[%dma_wait3A_343, %dma_wait3A_345, %dma_wait3A_346] : memref<8x128x16xf32, #tpu.memory_space<vmem>> -> memref<1x128x16xf32, #tpu.memory_space<vmem>>
      %dma_wait3A_348 = tpu.memref_squeeze %dma_wait3A_347 : memref<1x128x16xf32, #tpu.memory_space<vmem>> -> memref<128x16xf32, #tpu.memory_space<vmem>>
      %dma_wait3A_349 = arith.constant 0 : i32
      %dma_wait3A_350 = tpu.memref_slice %arg8[%dma_wait3A_344, %dma_wait3A_349] : memref<8x128xi32, #tpu.memory_space<vmem>> -> memref<1x128xi32, #tpu.memory_space<vmem>>
      %dma_wait3A_351 = tpu.memref_squeeze %dma_wait3A_350 : memref<1x128xi32, #tpu.memory_space<vmem>> -> memref<128xi32, #tpu.memory_space<vmem>>
      %dma_wait3A_352 = arith.constant 0 : i32
      %dma_wait3A_353 = arith.constant 0 : i32
      %dma_wait3A_354 = tpu.memref_slice %arg6[%dma_wait3A_352, %dma_wait3A_353] : memref<102400x16xf32, #tpu.memory_space<vmem_shared>> -> memref<102400x16xf32, #tpu.memory_space<vmem_shared>>
      tpu.wait_indirect_dma semaphore(%arg12 : memref<!tpu.dma_semaphore, #tpu.memory_space<semaphore_mem>>) src(%dma_wait3A_348 : memref<128x16xf32, #tpu.memory_space<vmem>>) dst(%dma_wait3A_354 : memref<102400x16xf32, #tpu.memory_space<vmem_shared>>)
      %dma_wait3A_355 = arith.constant 3 : i32
      %dma_wait3A_356 = arith.constant 3 : i32
      %dma_wait3A_357 = arith.constant 0 : i32
      %dma_wait3A_358 = arith.constant 0 : i32
      %dma_wait3A_359 = tpu.memref_slice %arg9[%dma_wait3A_355, %dma_wait3A_357, %dma_wait3A_358] : memref<8x128x16xf32, #tpu.memory_space<vmem>> -> memref<1x128x16xf32, #tpu.memory_space<vmem>>
      %dma_wait3A_360 = tpu.memref_squeeze %dma_wait3A_359 : memref<1x128x16xf32, #tpu.memory_space<vmem>> -> memref<128x16xf32, #tpu.memory_space<vmem>>
      %dma_wait3A_361 = arith.constant 0 : i32
      %dma_wait3A_362 = tpu.memref_slice %arg8[%dma_wait3A_356, %dma_wait3A_361] : memref<8x128xi32, #tpu.memory_space<vmem>> -> memref<1x128xi32, #tpu.memory_space<vmem>>
      %dma_wait3A_363 = tpu.memref_squeeze %dma_wait3A_362 : memref<1x128xi32, #tpu.memory_space<vmem>> -> memref<128xi32, #tpu.memory_space<vmem>>
      %dma_wait3A_364 = arith.constant 0 : i32
      %dma_wait3A_365 = arith.constant 0 : i32
      %dma_wait3A_366 = tpu.memref_slice %arg6[%dma_wait3A_364, %dma_wait3A_365] : memref<102400x16xf32, #tpu.memory_space<vmem_shared>> -> memref<102400x16xf32, #tpu.memory_space<vmem_shared>>
      tpu.wait_indirect_dma semaphore(%arg12 : memref<!tpu.dma_semaphore, #tpu.memory_space<semaphore_mem>>) src(%dma_wait3A_360 : memref<128x16xf32, #tpu.memory_space<vmem>>) dst(%dma_wait3A_366 : memref<102400x16xf32, #tpu.memory_space<vmem_shared>>)
      %dma_wait3A_367 = arith.constant 4 : i32
      %dma_wait3A_368 = arith.constant 4 : i32
      %dma_wait3A_369 = arith.constant 0 : i32
      %dma_wait3A_370 = arith.constant 0 : i32
      %dma_wait3A_371 = tpu.memref_slice %arg9[%dma_wait3A_367, %dma_wait3A_369, %dma_wait3A_370] : memref<8x128x16xf32, #tpu.memory_space<vmem>> -> memref<1x128x16xf32, #tpu.memory_space<vmem>>
      %dma_wait3A_372 = tpu.memref_squeeze %dma_wait3A_371 : memref<1x128x16xf32, #tpu.memory_space<vmem>> -> memref<128x16xf32, #tpu.memory_space<vmem>>
      %dma_wait3A_373 = arith.constant 0 : i32
      %dma_wait3A_374 = tpu.memref_slice %arg8[%dma_wait3A_368, %dma_wait3A_373] : memref<8x128xi32, #tpu.memory_space<vmem>> -> memref<1x128xi32, #tpu.memory_space<vmem>>
      %dma_wait3A_375 = tpu.memref_squeeze %dma_wait3A_374 : memref<1x128xi32, #tpu.memory_space<vmem>> -> memref<128xi32, #tpu.memory_space<vmem>>
      %dma_wait3A_376 = arith.constant 0 : i32
      %dma_wait3A_377 = arith.constant 0 : i32
      %dma_wait3A_378 = tpu.memref_slice %arg6[%dma_wait3A_376, %dma_wait3A_377] : memref<102400x16xf32, #tpu.memory_space<vmem_shared>> -> memref<102400x16xf32, #tpu.memory_space<vmem_shared>>
      tpu.wait_indirect_dma semaphore(%arg12 : memref<!tpu.dma_semaphore, #tpu.memory_space<semaphore_mem>>) src(%dma_wait3A_372 : memref<128x16xf32, #tpu.memory_space<vmem>>) dst(%dma_wait3A_378 : memref<102400x16xf32, #tpu.memory_space<vmem_shared>>)
      %dma_wait3A_379 = arith.constant 5 : i32
      %dma_wait3A_380 = arith.constant 5 : i32
      %dma_wait3A_381 = arith.constant 0 : i32
      %dma_wait3A_382 = arith.constant 0 : i32
      %dma_wait3A_383 = tpu.memref_slice %arg9[%dma_wait3A_379, %dma_wait3A_381, %dma_wait3A_382] : memref<8x128x16xf32, #tpu.memory_space<vmem>> -> memref<1x128x16xf32, #tpu.memory_space<vmem>>
      %dma_wait3A_384 = tpu.memref_squeeze %dma_wait3A_383 : memref<1x128x16xf32, #tpu.memory_space<vmem>> -> memref<128x16xf32, #tpu.memory_space<vmem>>
      %dma_wait3A_385 = arith.constant 0 : i32
      %dma_wait3A_386 = tpu.memref_slice %arg8[%dma_wait3A_380, %dma_wait3A_385] : memref<8x128xi32, #tpu.memory_space<vmem>> -> memref<1x128xi32, #tpu.memory_space<vmem>>
      %dma_wait3A_387 = tpu.memref_squeeze %dma_wait3A_386 : memref<1x128xi32, #tpu.memory_space<vmem>> -> memref<128xi32, #tpu.memory_space<vmem>>
      %dma_wait3A_388 = arith.constant 0 : i32
      %dma_wait3A_389 = arith.constant 0 : i32
      %dma_wait3A_390 = tpu.memref_slice %arg6[%dma_wait3A_388, %dma_wait3A_389] : memref<102400x16xf32, #tpu.memory_space<vmem_shared>> -> memref<102400x16xf32, #tpu.memory_space<vmem_shared>>
      tpu.wait_indirect_dma semaphore(%arg12 : memref<!tpu.dma_semaphore, #tpu.memory_space<semaphore_mem>>) src(%dma_wait3A_384 : memref<128x16xf32, #tpu.memory_space<vmem>>) dst(%dma_wait3A_390 : memref<102400x16xf32, #tpu.memory_space<vmem_shared>>)
      %dma_wait3A_391 = arith.constant 6 : i32
      %dma_wait3A_392 = arith.constant 6 : i32
      %dma_wait3A_393 = arith.constant 0 : i32
      %dma_wait3A_394 = arith.constant 0 : i32
      %dma_wait3A_395 = tpu.memref_slice %arg9[%dma_wait3A_391, %dma_wait3A_393, %dma_wait3A_394] : memref<8x128x16xf32, #tpu.memory_space<vmem>> -> memref<1x128x16xf32, #tpu.memory_space<vmem>>
      %dma_wait3A_396 = tpu.memref_squeeze %dma_wait3A_395 : memref<1x128x16xf32, #tpu.memory_space<vmem>> -> memref<128x16xf32, #tpu.memory_space<vmem>>
      %dma_wait3A_397 = arith.constant 0 : i32
      %dma_wait3A_398 = tpu.memref_slice %arg8[%dma_wait3A_392, %dma_wait3A_397] : memref<8x128xi32, #tpu.memory_space<vmem>> -> memref<1x128xi32, #tpu.memory_space<vmem>>
      %dma_wait3A_399 = tpu.memref_squeeze %dma_wait3A_398 : memref<1x128xi32, #tpu.memory_space<vmem>> -> memref<128xi32, #tpu.memory_space<vmem>>
      %dma_wait3A_400 = arith.constant 0 : i32
      %dma_wait3A_401 = arith.constant 0 : i32
      %dma_wait3A_402 = tpu.memref_slice %arg6[%dma_wait3A_400, %dma_wait3A_401] : memref<102400x16xf32, #tpu.memory_space<vmem_shared>> -> memref<102400x16xf32, #tpu.memory_space<vmem_shared>>
      tpu.wait_indirect_dma semaphore(%arg12 : memref<!tpu.dma_semaphore, #tpu.memory_space<semaphore_mem>>) src(%dma_wait3A_396 : memref<128x16xf32, #tpu.memory_space<vmem>>) dst(%dma_wait3A_402 : memref<102400x16xf32, #tpu.memory_space<vmem_shared>>)
      %dma_wait3A_403 = arith.constant 7 : i32
      %dma_wait3A_404 = arith.constant 7 : i32
      %dma_wait3A_405 = arith.constant 0 : i32
      %dma_wait3A_406 = arith.constant 0 : i32
      %dma_wait3A_407 = tpu.memref_slice %arg9[%dma_wait3A_403, %dma_wait3A_405, %dma_wait3A_406] : memref<8x128x16xf32, #tpu.memory_space<vmem>> -> memref<1x128x16xf32, #tpu.memory_space<vmem>>
      %dma_wait3A_408 = tpu.memref_squeeze %dma_wait3A_407 : memref<1x128x16xf32, #tpu.memory_space<vmem>> -> memref<128x16xf32, #tpu.memory_space<vmem>>
      %dma_wait3A_409 = arith.constant 0 : i32
      %dma_wait3A_410 = tpu.memref_slice %arg8[%dma_wait3A_404, %dma_wait3A_409] : memref<8x128xi32, #tpu.memory_space<vmem>> -> memref<1x128xi32, #tpu.memory_space<vmem>>
      %dma_wait3A_411 = tpu.memref_squeeze %dma_wait3A_410 : memref<1x128xi32, #tpu.memory_space<vmem>> -> memref<128xi32, #tpu.memory_space<vmem>>
      %dma_wait3A_412 = arith.constant 0 : i32
      %dma_wait3A_413 = arith.constant 0 : i32
      %dma_wait3A_414 = tpu.memref_slice %arg6[%dma_wait3A_412, %dma_wait3A_413] : memref<102400x16xf32, #tpu.memory_space<vmem_shared>> -> memref<102400x16xf32, #tpu.memory_space<vmem_shared>>
      tpu.wait_indirect_dma semaphore(%arg12 : memref<!tpu.dma_semaphore, #tpu.memory_space<semaphore_mem>>) src(%dma_wait3A_408 : memref<128x16xf32, #tpu.memory_space<vmem>>) dst(%dma_wait3A_414 : memref<102400x16xf32, #tpu.memory_space<vmem_shared>>)
      %scan3A_415 = arith.constant 0 : i32
      scf.yield %scan3A_415 : i32
    }
    %scan3A_22 = arith.constant 196 : i32
    %barrier3A_23 = arith.constant 0 : index
    tpu.barrier barrier_id(%barrier3A_23)
    %mul3A_24 = arith.constant 6400 : i32
    %mul3A_25 = arith.muli %arg1, %mul3A_24 : i32
    %mul3A_26 = arith.constant 6400 : i32
    %mul3A_27 = arith.muli %arg1, %mul3A_26 : i32
    "tpu.region"() ({
      %run_scoped3A = tpu.sem_alloc : memref<!tpu.dma_semaphore, #tpu.memory_space<semaphore_mem>>
      %dma_start3A = arith.constant 0 : i32
      %dma_start3A_28 = arith.constant 0 : i32
      %dma_start3A_29 = tpu.memref_slice %arg5[%arg0, %dma_start3A, %dma_start3A_28] : memref<2x102400x16xf32, #tpu.memory_space<hbm>> -> memref<1x102400x16xf32, #tpu.memory_space<hbm>>
      %dma_start3A_30 = tpu.memref_squeeze %dma_start3A_29 : memref<1x102400x16xf32, #tpu.memory_space<hbm>> -> memref<102400x16xf32, #tpu.memory_space<hbm>>
      %dma_start3A_31 = arith.constant 0 : i32
      %dma_start3A_32 = tpu.memref_slice %dma_start3A_30[%mul3A_27, %dma_start3A_31] : memref<102400x16xf32, #tpu.memory_space<hbm>> -> memref<6400x16xf32, #tpu.memory_space<hbm>>
      %dma_start3A_33 = arith.constant 0 : i32
      %dma_start3A_34 = tpu.memref_slice %arg6[%mul3A_25, %dma_start3A_33] : memref<102400x16xf32, #tpu.memory_space<vmem_shared>> -> memref<6400x16xf32, #tpu.memory_space<vmem_shared>>
      tpu.enqueue_dma source(%dma_start3A_34 : memref<6400x16xf32, #tpu.memory_space<vmem_shared>>) target(%dma_start3A_32 : memref<6400x16xf32, #tpu.memory_space<hbm>>) target_semaphore(%run_scoped3A : memref<!tpu.dma_semaphore, #tpu.memory_space<semaphore_mem>>)
      %dma_wait3A = arith.constant 0 : i32
      %dma_wait3A_35 = arith.constant 0 : i32
      %dma_wait3A_36 = tpu.memref_slice %arg5[%arg0, %dma_wait3A, %dma_wait3A_35] : memref<2x102400x16xf32, #tpu.memory_space<hbm>> -> memref<1x102400x16xf32, #tpu.memory_space<hbm>>
      %dma_wait3A_37 = tpu.memref_squeeze %dma_wait3A_36 : memref<1x102400x16xf32, #tpu.memory_space<hbm>> -> memref<102400x16xf32, #tpu.memory_space<hbm>>
      %dma_wait3A_38 = arith.constant 0 : i32
      %dma_wait3A_39 = tpu.memref_slice %dma_wait3A_37[%mul3A_27, %dma_wait3A_38] : memref<102400x16xf32, #tpu.memory_space<hbm>> -> memref<6400x16xf32, #tpu.memory_space<hbm>>
      %dma_wait3A_40 = arith.constant 0 : i32
      %dma_wait3A_41 = tpu.memref_slice %arg6[%mul3A_25, %dma_wait3A_40] : memref<102400x16xf32, #tpu.memory_space<vmem_shared>> -> memref<6400x16xf32, #tpu.memory_space<vmem_shared>>
      tpu.wait_dma2 semaphore(%run_scoped3A : memref<!tpu.dma_semaphore, #tpu.memory_space<semaphore_mem>>) src(%dma_wait3A_41 : memref<6400x16xf32, #tpu.memory_space<vmem_shared>>) dst(%dma_wait3A_39 : memref<6400x16xf32, #tpu.memory_space<hbm>>)
      tpu.yield
    }) : () -> ()
    return
  }
}

#map = affine_map<(d0, d1) -> (0, 0)>
#map1 = affine_map<(d0, d1) -> (0, 0, 0)>
module attributes {stable_mosaic.version = 14 : i64} {
  func.func @body(%arg0: i32, %arg1: i32, %arg2: memref<102400x32xf32, #tpu.memory_space<hbm>>, %arg3: memref<800x128xi32, #tpu.memory_space<hbm>>, %arg4: memref<2x144x32xf32, #tpu.memory_space<hbm>>, %arg5: memref<2x144x16xf32, #tpu.memory_space<hbm>>, %arg6: memref<144x32xf32, #tpu.memory_space<vmem_shared>>, %arg7: memref<144x16xf32, #tpu.memory_space<vmem_shared>>, %arg8: memref<25x128xi32, #tpu.memory_space<vmem>>, %arg9: memref<128x32xf32, #tpu.memory_space<vmem>>, %arg10: memref<128x16xf32, #tpu.memory_space<vmem>>, %arg11: memref<144x32xf32, #tpu.memory_space<vmem>>, %arg12: memref<144x16xf32, #tpu.memory_space<vmem>>, %arg13: memref<!tpu.dma_semaphore, #tpu.memory_space<semaphore_mem>>) attributes {dimension_semantics = [#tpu.dimension_semantics<core_parallel>, #tpu.dimension_semantics<subcore_parallel>], iteration_bounds = array<i64: 2, 16>, scalar_prefetch = 0 : i64, scratch_operands = 8 : i64, tpu.core_type = #tpu.core_type<sc_vector_subcore>, window_params = [{transform_indices = #map}, {transform_indices = #map}, {transform_indices = #map1}, {transform_indices = #map1}]} {
    %scan3A = arith.constant 0 : i32
    %scan3A_0 = arith.constant 0 : i32
    %scan3A_1 = arith.constant 128 : i32
    %scan3A_2 = arith.addi %scan3A_0, %scan3A_1 : i32
    %scan3A_3 = arith.constant 1 : i32
    %scan3A_4 = scf.for %scan3A_24 = %scan3A_0 to %scan3A_2 step %scan3A_3 iter_args(%scan3A_25 = %scan3A) -> (i32)  : i32 {
      %broadcast_in_dim3A = arith.constant 1.000000e+00 : f32
      %broadcast_in_dim3A_26 = vector.broadcast %broadcast_in_dim3A : f32 to vector<16xf32>
      %swap3A = arith.index_cast %scan3A_24 : i32 to index
      %swap3A_27 = arith.constant 0 : index
      %swap3A_28 = tpu.vector_load %arg10[%swap3A, %swap3A_27] {strides = array<i32>} : memref<128x16xf32, #tpu.memory_space<vmem>>, vector<1x16xf32>,
      %swap3A_29 = vector.shape_cast %swap3A_28 : vector<1x16xf32> to vector<16xf32>
      %swap3A_30 = vector.shape_cast %broadcast_in_dim3A_26 : vector<16xf32> to vector<1x16xf32>
      tpu.vector_store %arg10[%swap3A, %swap3A_27], %swap3A_30 {strides = array<i32>} : memref<128x16xf32, #tpu.memory_space<vmem>>, vector<1x16xf32>,
      %scan3A_31 = arith.constant 0 : i32
      scf.yield %scan3A_31 : i32
    }
    %scan3A_5 = arith.constant 128 : i32
    %eq3A = arith.constant 0 : i32
    %eq3A_6 = arith.cmpi eq, %arg1, %eq3A : i32
    %convert_element_type3A = arith.extui %eq3A_6 : i1 to i32
    %cond3A = arith.constant 0 : i32
    %cond3A_7 = arith.cmpi ne, %convert_element_type3A, %cond3A : i32
    scf.if %cond3A_7 {
      %scan3A_24 = arith.constant 0 : i32
      %scan3A_25 = arith.constant 0 : i32
      %scan3A_26 = arith.constant 144 : i32
      %scan3A_27 = arith.addi %scan3A_25, %scan3A_26 : i32
      %scan3A_28 = arith.constant 1 : i32
      %scan3A_29 = scf.for %scan3A_38 = %scan3A_25 to %scan3A_27 step %scan3A_28 iter_args(%scan3A_39 = %scan3A_24) -> (i32)  : i32 {
        %broadcast_in_dim3A = arith.constant 0.000000e+00 : f32
        %broadcast_in_dim3A_40 = vector.broadcast %broadcast_in_dim3A : f32 to vector<16xf32>
        %swap3A = arith.index_cast %scan3A_38 : i32 to index
        %swap3A_41 = arith.constant 0 : index
        %swap3A_42 = tpu.vector_load %arg11[%swap3A, %swap3A_41] {strides = array<i32>} : memref<144x32xf32, #tpu.memory_space<vmem>>, vector<1x16xf32>,
        %swap3A_43 = vector.shape_cast %swap3A_42 : vector<1x16xf32> to vector<16xf32>
        %swap3A_44 = vector.shape_cast %broadcast_in_dim3A_40 : vector<16xf32> to vector<1x16xf32>
        tpu.vector_store %arg11[%swap3A, %swap3A_41], %swap3A_44 {strides = array<i32>} : memref<144x32xf32, #tpu.memory_space<vmem>>, vector<1x16xf32>,
        %broadcast_in_dim3A_45 = arith.constant 0.000000e+00 : f32
        %broadcast_in_dim3A_46 = vector.broadcast %broadcast_in_dim3A_45 : f32 to vector<16xf32>
        %swap3A_47 = arith.index_cast %scan3A_38 : i32 to index
        %swap3A_48 = arith.constant 16 : index
        %swap3A_49 = tpu.vector_load %arg11[%swap3A_47, %swap3A_48] {strides = array<i32>} : memref<144x32xf32, #tpu.memory_space<vmem>>, vector<1x16xf32>,
        %swap3A_50 = vector.shape_cast %swap3A_49 : vector<1x16xf32> to vector<16xf32>
        %swap3A_51 = vector.shape_cast %broadcast_in_dim3A_46 : vector<16xf32> to vector<1x16xf32>
        tpu.vector_store %arg11[%swap3A_47, %swap3A_48], %swap3A_51 {strides = array<i32>} : memref<144x32xf32, #tpu.memory_space<vmem>>, vector<1x16xf32>,
        %scan3A_52 = arith.constant 0 : i32
        scf.yield %scan3A_52 : i32
      }
      %scan3A_30 = arith.constant 144 : i32
      %scan3A_31 = arith.constant 0 : i32
      %scan3A_32 = arith.constant 0 : i32
      %scan3A_33 = arith.constant 144 : i32
      %scan3A_34 = arith.addi %scan3A_32, %scan3A_33 : i32
      %scan3A_35 = arith.constant 1 : i32
      %scan3A_36 = scf.for %scan3A_38 = %scan3A_32 to %scan3A_34 step %scan3A_35 iter_args(%scan3A_39 = %scan3A_31) -> (i32)  : i32 {
        %broadcast_in_dim3A = arith.constant 0.000000e+00 : f32
        %broadcast_in_dim3A_40 = vector.broadcast %broadcast_in_dim3A : f32 to vector<16xf32>
        %swap3A = arith.index_cast %scan3A_38 : i32 to index
        %swap3A_41 = arith.constant 0 : index
        %swap3A_42 = tpu.vector_load %arg12[%swap3A, %swap3A_41] {strides = array<i32>} : memref<144x16xf32, #tpu.memory_space<vmem>>, vector<1x16xf32>,
        %swap3A_43 = vector.shape_cast %swap3A_42 : vector<1x16xf32> to vector<16xf32>
        %swap3A_44 = vector.shape_cast %broadcast_in_dim3A_40 : vector<16xf32> to vector<1x16xf32>
        tpu.vector_store %arg12[%swap3A, %swap3A_41], %swap3A_44 {strides = array<i32>} : memref<144x16xf32, #tpu.memory_space<vmem>>, vector<1x16xf32>,
        %scan3A_45 = arith.constant 0 : i32
        scf.yield %scan3A_45 : i32
      }
      %scan3A_37 = arith.constant 144 : i32
      "tpu.region"() ({
        %run_scoped3A = tpu.sem_alloc : memref<!tpu.dma_semaphore, #tpu.memory_space<semaphore_mem>>
        tpu.enqueue_dma source(%arg11 : memref<144x32xf32, #tpu.memory_space<vmem>>) target(%arg6 : memref<144x32xf32, #tpu.memory_space<vmem_shared>>) target_semaphore(%run_scoped3A : memref<!tpu.dma_semaphore, #tpu.memory_space<semaphore_mem>>)
        tpu.wait_dma2 semaphore(%run_scoped3A : memref<!tpu.dma_semaphore, #tpu.memory_space<semaphore_mem>>) src(%arg11 : memref<144x32xf32, #tpu.memory_space<vmem>>) dst(%arg6 : memref<144x32xf32, #tpu.memory_space<vmem_shared>>)
        tpu.yield
      }) : () -> ()
      "tpu.region"() ({
        %run_scoped3A = tpu.sem_alloc : memref<!tpu.dma_semaphore, #tpu.memory_space<semaphore_mem>>
        tpu.enqueue_dma source(%arg12 : memref<144x16xf32, #tpu.memory_space<vmem>>) target(%arg7 : memref<144x16xf32, #tpu.memory_space<vmem_shared>>) target_semaphore(%run_scoped3A : memref<!tpu.dma_semaphore, #tpu.memory_space<semaphore_mem>>)
        tpu.wait_dma2 semaphore(%run_scoped3A : memref<!tpu.dma_semaphore, #tpu.memory_space<semaphore_mem>>) src(%arg12 : memref<144x16xf32, #tpu.memory_space<vmem>>) dst(%arg7 : memref<144x16xf32, #tpu.memory_space<vmem_shared>>)
        tpu.yield
      }) : () -> ()
    } else {
    }
    %barrier3A = arith.constant 0 : index
    tpu.barrier barrier_id(%barrier3A)
    %mul3A = arith.constant 16 : i32
    %mul3A_8 = arith.muli %arg0, %mul3A : i32
    %add3A = arith.addi %mul3A_8, %arg1 : i32
    %mul3A_9 = arith.constant 25 : i32
    %mul3A_10 = arith.muli %add3A, %mul3A_9 : i32
    "tpu.region"() ({
      %run_scoped3A = tpu.sem_alloc : memref<!tpu.dma_semaphore, #tpu.memory_space<semaphore_mem>>
      %dma_start3A = arith.constant 0 : i32
      %dma_start3A_24 = tpu.memref_slice %arg3[%mul3A_10, %dma_start3A] : memref<800x128xi32, #tpu.memory_space<hbm>> -> memref<25x128xi32, #tpu.memory_space<hbm>>
      %dma_start3A_25 = arith.constant 0 : i32
      %dma_start3A_26 = tpu.memref_slice %arg3[%mul3A_10, %dma_start3A_25] : memref<800x128xi32, #tpu.memory_space<hbm>> -> memref<25x128xi32, #tpu.memory_space<hbm>>
      tpu.enqueue_dma source(%dma_start3A_26 : memref<25x128xi32, #tpu.memory_space<hbm>>) target(%arg8 : memref<25x128xi32, #tpu.memory_space<vmem>>) target_semaphore(%run_scoped3A : memref<!tpu.dma_semaphore, #tpu.memory_space<semaphore_mem>>)
      %dma_wait3A = arith.constant 0 : i32
      %dma_wait3A_27 = tpu.memref_slice %arg3[%mul3A_10, %dma_wait3A] : memref<800x128xi32, #tpu.memory_space<hbm>> -> memref<25x128xi32, #tpu.memory_space<hbm>>
      %dma_wait3A_28 = arith.constant 0 : i32
      %dma_wait3A_29 = tpu.memref_slice %arg3[%mul3A_10, %dma_wait3A_28] : memref<800x128xi32, #tpu.memory_space<hbm>> -> memref<25x128xi32, #tpu.memory_space<hbm>>
      tpu.wait_dma2 semaphore(%run_scoped3A : memref<!tpu.dma_semaphore, #tpu.memory_space<semaphore_mem>>) src(%dma_wait3A_29 : memref<25x128xi32, #tpu.memory_space<hbm>>) dst(%arg8 : memref<25x128xi32, #tpu.memory_space<vmem>>)
      tpu.yield
    }) : () -> ()
    %scan3A_11 = arith.constant 0 : i32
    %scan3A_12 = arith.constant 0 : i32
    %scan3A_13 = arith.constant 25 : i32
    %scan3A_14 = arith.addi %scan3A_12, %scan3A_13 : i32
    %scan3A_15 = arith.constant 1 : i32
    %scan3A_16 = scf.for %scan3A_24 = %scan3A_12 to %scan3A_14 step %scan3A_15 iter_args(%scan3A_25 = %scan3A_11) -> (i32)  : i32 {
      %add3A_26 = arith.addi %mul3A_10, %scan3A_24 : i32
      %mul3A_27 = arith.constant 128 : i32
      %mul3A_28 = arith.muli %add3A_26, %mul3A_27 : i32
      "tpu.region"() ({
        %run_scoped3A = tpu.sem_alloc : memref<!tpu.dma_semaphore, #tpu.memory_space<semaphore_mem>>
        %dma_start3A_40 = arith.constant 0 : i32
        %dma_start3A_41 = tpu.memref_slice %arg2[%mul3A_28, %dma_start3A_40] : memref<102400x32xf32, #tpu.memory_space<hbm>> -> memref<128x32xf32, #tpu.memory_space<hbm>>
        %dma_start3A_42 = arith.constant 0 : i32
        %dma_start3A_43 = tpu.memref_slice %arg2[%mul3A_28, %dma_start3A_42] : memref<102400x32xf32, #tpu.memory_space<hbm>> -> memref<128x32xf32, #tpu.memory_space<hbm>>
        tpu.enqueue_dma source(%dma_start3A_43 : memref<128x32xf32, #tpu.memory_space<hbm>>) target(%arg9 : memref<128x32xf32, #tpu.memory_space<vmem>>) target_semaphore(%run_scoped3A : memref<!tpu.dma_semaphore, #tpu.memory_space<semaphore_mem>>)
        %dma_wait3A_44 = arith.constant 0 : i32
        %dma_wait3A_45 = tpu.memref_slice %arg2[%mul3A_28, %dma_wait3A_44] : memref<102400x32xf32, #tpu.memory_space<hbm>> -> memref<128x32xf32, #tpu.memory_space<hbm>>
        %dma_wait3A_46 = arith.constant 0 : i32
        %dma_wait3A_47 = tpu.memref_slice %arg2[%mul3A_28, %dma_wait3A_46] : memref<102400x32xf32, #tpu.memory_space<hbm>> -> memref<128x32xf32, #tpu.memory_space<hbm>>
        tpu.wait_dma2 semaphore(%run_scoped3A : memref<!tpu.dma_semaphore, #tpu.memory_space<semaphore_mem>>) src(%dma_wait3A_47 : memref<128x32xf32, #tpu.memory_space<hbm>>) dst(%arg9 : memref<128x32xf32, #tpu.memory_space<vmem>>)
        tpu.yield
      }) : () -> ()
      "tpu.region"() ({
        %run_scoped3A = tpu.sem_alloc : memref<!tpu.dma_semaphore, #tpu.memory_space<semaphore_mem>>
        %dma_start3A_40 = arith.constant 0 : i32
        %dma_start3A_41 = tpu.memref_slice %arg8[%scan3A_24, %dma_start3A_40] : memref<25x128xi32, #tpu.memory_space<vmem>> -> memref<1x128xi32, #tpu.memory_space<vmem>>
        %dma_start3A_42 = tpu.memref_squeeze %dma_start3A_41 : memref<1x128xi32, #tpu.memory_space<vmem>> -> memref<128xi32, #tpu.memory_space<vmem>>
        %dma_start3A_43 = arith.constant 0 : i32
        %dma_start3A_44 = arith.constant 0 : i32
        %dma_start3A_45 = tpu.memref_slice %arg6[%dma_start3A_43, %dma_start3A_44] : memref<144x32xf32, #tpu.memory_space<vmem_shared>> -> memref<144x32xf32, #tpu.memory_space<vmem_shared>>
        tpu.enqueue_indirect_dma source(%arg9 : memref<128x32xf32, #tpu.memory_space<vmem>>) target(%dma_start3A_45 : memref<144x32xf32, #tpu.memory_space<vmem_shared>>) offsets(%dma_start3A_42 : memref<128xi32, #tpu.memory_space<vmem>>) semaphore(%run_scoped3A : memref<!tpu.dma_semaphore, #tpu.memory_space<semaphore_mem>>) {add = true}
        %dma_wait3A_46 = arith.constant 0 : i32
        %dma_wait3A_47 = tpu.memref_slice %arg8[%scan3A_24, %dma_wait3A_46] : memref<25x128xi32, #tpu.memory_space<vmem>> -> memref<1x128xi32, #tpu.memory_space<vmem>>
        %dma_wait3A_48 = tpu.memref_squeeze %dma_wait3A_47 : memref<1x128xi32, #tpu.memory_space<vmem>> -> memref<128xi32, #tpu.memory_space<vmem>>
        %dma_wait3A_49 = arith.constant 0 : i32
        %dma_wait3A_50 = arith.constant 0 : i32
        %dma_wait3A_51 = tpu.memref_slice %arg6[%dma_wait3A_49, %dma_wait3A_50] : memref<144x32xf32, #tpu.memory_space<vmem_shared>> -> memref<144x32xf32, #tpu.memory_space<vmem_shared>>
        tpu.wait_indirect_dma semaphore(%run_scoped3A : memref<!tpu.dma_semaphore, #tpu.memory_space<semaphore_mem>>) src(%arg9 : memref<128x32xf32, #tpu.memory_space<vmem>>) dst(%dma_wait3A_51 : memref<144x32xf32, #tpu.memory_space<vmem_shared>>)
        tpu.yield
      }) : () -> ()
      %dma_start3A = arith.constant 0 : i32
      %dma_start3A_29 = tpu.memref_slice %arg8[%scan3A_24, %dma_start3A] : memref<25x128xi32, #tpu.memory_space<vmem>> -> memref<1x128xi32, #tpu.memory_space<vmem>>
      %dma_start3A_30 = tpu.memref_squeeze %dma_start3A_29 : memref<1x128xi32, #tpu.memory_space<vmem>> -> memref<128xi32, #tpu.memory_space<vmem>>
      %dma_start3A_31 = arith.constant 0 : i32
      %dma_start3A_32 = arith.constant 0 : i32
      %dma_start3A_33 = tpu.memref_slice %arg7[%dma_start3A_31, %dma_start3A_32] : memref<144x16xf32, #tpu.memory_space<vmem_shared>> -> memref<144x16xf32, #tpu.memory_space<vmem_shared>>
      tpu.enqueue_indirect_dma source(%arg10 : memref<128x16xf32, #tpu.memory_space<vmem>>) target(%dma_start3A_33 : memref<144x16xf32, #tpu.memory_space<vmem_shared>>) offsets(%dma_start3A_30 : memref<128xi32, #tpu.memory_space<vmem>>) semaphore(%arg13 : memref<!tpu.dma_semaphore, #tpu.memory_space<semaphore_mem>>) {add = true}
      %dma_wait3A = arith.constant 0 : i32
      %dma_wait3A_34 = tpu.memref_slice %arg8[%scan3A_24, %dma_wait3A] : memref<25x128xi32, #tpu.memory_space<vmem>> -> memref<1x128xi32, #tpu.memory_space<vmem>>
      %dma_wait3A_35 = tpu.memref_squeeze %dma_wait3A_34 : memref<1x128xi32, #tpu.memory_space<vmem>> -> memref<128xi32, #tpu.memory_space<vmem>>
      %dma_wait3A_36 = arith.constant 0 : i32
      %dma_wait3A_37 = arith.constant 0 : i32
      %dma_wait3A_38 = tpu.memref_slice %arg7[%dma_wait3A_36, %dma_wait3A_37] : memref<144x16xf32, #tpu.memory_space<vmem_shared>> -> memref<144x16xf32, #tpu.memory_space<vmem_shared>>
      tpu.wait_indirect_dma semaphore(%arg13 : memref<!tpu.dma_semaphore, #tpu.memory_space<semaphore_mem>>) src(%arg10 : memref<128x16xf32, #tpu.memory_space<vmem>>) dst(%dma_wait3A_38 : memref<144x16xf32, #tpu.memory_space<vmem_shared>>)
      %scan3A_39 = arith.constant 0 : i32
      scf.yield %scan3A_39 : i32
    }
    %scan3A_17 = arith.constant 25 : i32
    %barrier3A_18 = arith.constant 0 : index
    tpu.barrier barrier_id(%barrier3A_18)
    %eq3A_19 = arith.constant 0 : i32
    %eq3A_20 = arith.cmpi eq, %arg1, %eq3A_19 : i32
    %convert_element_type3A_21 = arith.extui %eq3A_20 : i1 to i32
    %cond3A_22 = arith.constant 0 : i32
    %cond3A_23 = arith.cmpi ne, %convert_element_type3A_21, %cond3A_22 : i32
    scf.if %cond3A_23 {
      "tpu.region"() ({
        %run_scoped3A = tpu.sem_alloc : memref<!tpu.dma_semaphore, #tpu.memory_space<semaphore_mem>>
        %dma_start3A = arith.constant 0 : i32
        %dma_start3A_24 = arith.constant 0 : i32
        %dma_start3A_25 = tpu.memref_slice %arg4[%arg0, %dma_start3A, %dma_start3A_24] : memref<2x144x32xf32, #tpu.memory_space<hbm>> -> memref<1x144x32xf32, #tpu.memory_space<hbm>>
        %dma_start3A_26 = tpu.memref_squeeze %dma_start3A_25 : memref<1x144x32xf32, #tpu.memory_space<hbm>> -> memref<144x32xf32, #tpu.memory_space<hbm>>
        tpu.enqueue_dma source(%arg6 : memref<144x32xf32, #tpu.memory_space<vmem_shared>>) target(%dma_start3A_26 : memref<144x32xf32, #tpu.memory_space<hbm>>) target_semaphore(%run_scoped3A : memref<!tpu.dma_semaphore, #tpu.memory_space<semaphore_mem>>)
        %dma_wait3A = arith.constant 0 : i32
        %dma_wait3A_27 = arith.constant 0 : i32
        %dma_wait3A_28 = tpu.memref_slice %arg4[%arg0, %dma_wait3A, %dma_wait3A_27] : memref<2x144x32xf32, #tpu.memory_space<hbm>> -> memref<1x144x32xf32, #tpu.memory_space<hbm>>
        %dma_wait3A_29 = tpu.memref_squeeze %dma_wait3A_28 : memref<1x144x32xf32, #tpu.memory_space<hbm>> -> memref<144x32xf32, #tpu.memory_space<hbm>>
        tpu.wait_dma2 semaphore(%run_scoped3A : memref<!tpu.dma_semaphore, #tpu.memory_space<semaphore_mem>>) src(%arg6 : memref<144x32xf32, #tpu.memory_space<vmem_shared>>) dst(%dma_wait3A_29 : memref<144x32xf32, #tpu.memory_space<hbm>>)
        tpu.yield
      }) : () -> ()
      "tpu.region"() ({
        %run_scoped3A = tpu.sem_alloc : memref<!tpu.dma_semaphore, #tpu.memory_space<semaphore_mem>>
        %dma_start3A = arith.constant 0 : i32
        %dma_start3A_24 = arith.constant 0 : i32
        %dma_start3A_25 = tpu.memref_slice %arg5[%arg0, %dma_start3A, %dma_start3A_24] : memref<2x144x16xf32, #tpu.memory_space<hbm>> -> memref<1x144x16xf32, #tpu.memory_space<hbm>>
        %dma_start3A_26 = tpu.memref_squeeze %dma_start3A_25 : memref<1x144x16xf32, #tpu.memory_space<hbm>> -> memref<144x16xf32, #tpu.memory_space<hbm>>
        tpu.enqueue_dma source(%arg7 : memref<144x16xf32, #tpu.memory_space<vmem_shared>>) target(%dma_start3A_26 : memref<144x16xf32, #tpu.memory_space<hbm>>) target_semaphore(%run_scoped3A : memref<!tpu.dma_semaphore, #tpu.memory_space<semaphore_mem>>)
        %dma_wait3A = arith.constant 0 : i32
        %dma_wait3A_27 = arith.constant 0 : i32
        %dma_wait3A_28 = tpu.memref_slice %arg5[%arg0, %dma_wait3A, %dma_wait3A_27] : memref<2x144x16xf32, #tpu.memory_space<hbm>> -> memref<1x144x16xf32, #tpu.memory_space<hbm>>
        %dma_wait3A_29 = tpu.memref_squeeze %dma_wait3A_28 : memref<1x144x16xf32, #tpu.memory_space<hbm>> -> memref<144x16xf32, #tpu.memory_space<hbm>>
        tpu.wait_dma2 semaphore(%run_scoped3A : memref<!tpu.dma_semaphore, #tpu.memory_space<semaphore_mem>>) src(%arg7 : memref<144x16xf32, #tpu.memory_space<vmem_shared>>) dst(%dma_wait3A_29 : memref<144x16xf32, #tpu.memory_space<hbm>>)
        tpu.yield
      }) : () -> ()
    } else {
    }
    return
  }
}

module attributes {stable_mosaic.version = 14 : i64} {
  func.func @_b1_body(%arg0: i32, %arg1: memref<2x2048x16xf32, #tpu.memory_space<vmem>>, %arg2: memref<2048x9xf32, #tpu.memory_space<vmem>>, %arg3: memref<9x8xf32, #tpu.memory_space<vmem>>, %arg4: memref<2048x16xf32, #tpu.memory_space<vmem>>, %arg5: memref<2048x1xf32, #tpu.memory_space<vmem>>) attributes {dimension_semantics = [#tpu.dimension_semantics<arbitrary>], iteration_bounds = array<i64: 50>, scalar_prefetch = 0 : i64, scratch_operands = 0 : i64, tpu.core_type = #tpu.core_type<tc>, window_params = [{transform_indices = @transform_0, window_bounds = array<i64: 2, 2048, 16>}, {transform_indices = @transform_1, window_bounds = array<i64: 2048, 9>}, {pipeline_mode = #tpu.pipeline_mode<synchronous>, transform_indices = @transform_2, window_bounds = array<i64: 9, 8>}, {transform_indices = @transform_3, window_bounds = array<i64: 2048, 16>}, {transform_indices = @transform_4, window_bounds = array<i64: 2048, 1>}]} {
    %get3A = arith.constant 0 : index
    %get3A_0 = arith.constant 0 : index
    %get3A_1 = arith.constant 0 : index
    %get3A_2 = vector.load %arg1[%get3A, %get3A_0, %get3A_1] : memref<2x2048x16xf32, #tpu.memory_space<vmem>>, vector<1x2048x1xf32>
    %get3A_3 = vector.shape_cast %get3A_2 : vector<1x2048x1xf32> to vector<2048x1xf32>
    %get3A_4 = arith.constant 1 : index
    %get3A_5 = arith.constant 0 : index
    %get3A_6 = arith.constant 0 : index
    %get3A_7 = vector.load %arg1[%get3A_4, %get3A_5, %get3A_6] : memref<2x2048x16xf32, #tpu.memory_space<vmem>>, vector<1x2048x1xf32>
    %get3A_8 = vector.shape_cast %get3A_7 : vector<1x2048x1xf32> to vector<2048x1xf32>
    %add3A = arith.addf %get3A_3, %get3A_8 : vector<2048x1xf32>
    %add3A_9 = arith.constant 1.000000e+00 : f32
    %add3A_10 = vector.broadcast %add3A_9 : f32 to vector<2048x1xf32>
    %add3A_11 = arith.addf %add3A, %add3A_10 : vector<2048x1xf32>
    %rsqrt3A = math.rsqrt %add3A_11 : vector<2048x1xf32>
    %get3A_12 = arith.constant 0 : index
    %get3A_13 = arith.constant 0 : index
    %get3A_14 = vector.load %arg2[%get3A_12, %get3A_13] : memref<2048x9xf32, #tpu.memory_space<vmem>>, vector<2048x9xf32>
    %get3A_15 = arith.constant 0 : index
    %get3A_16 = arith.constant 0 : index
    %get3A_17 = vector.load %arg3[%get3A_15, %get3A_16] : memref<9x8xf32, #tpu.memory_space<vmem>>, vector<9x8xf32>
    %dot_general3A = arith.constant dense<0.000000e+00> : vector<2048x8xf32>
    %dot_general3A_18 = tpu.matmul %get3A_14, %get3A_17, %dot_general3A {dimension_numbers = #tpu.dot_dimension_numbers<[1], [0], [0], [1], [0, 0, 1, 1], [], []>, transpose_lhs_hint = false} : vector<2048x9xf32>, vector<9x8xf32>, vector<2048x8xf32> -> vector<2048x8xf32>
    %mul3A = vector.broadcast %rsqrt3A : vector<2048x1xf32> to vector<2048x8xf32>
    %mul3A_19 = arith.mulf %dot_general3A_18, %mul3A : vector<2048x8xf32>
    %broadcast_in_dim3A = arith.constant 0.000000e+00 : f32
    %broadcast_in_dim3A_20 = vector.broadcast %broadcast_in_dim3A : f32 to vector<2048x8xf32>
    %concatenate3A = tpu.concatenate %mul3A_19, %broadcast_in_dim3A_20 in 1 : vector<2048x8xf32>, vector<2048x8xf32> -> vector<2048x16xf32>
    %swap3A = arith.constant 0 : index
    %swap3A_21 = arith.constant 0 : index
    %swap3A_22 = vector.load %arg4[%swap3A, %swap3A_21] : memref<2048x16xf32, #tpu.memory_space<vmem>>, vector<2048x16xf32>
    tpu.vector_store %arg4[%swap3A, %swap3A_21], %concatenate3A {strides = array<i32>} : memref<2048x16xf32, #tpu.memory_space<vmem>>, vector<2048x16xf32>,
    %swap3A_23 = arith.constant 0 : index
    %swap3A_24 = arith.constant 0 : index
    %swap3A_25 = vector.load %arg5[%swap3A_23, %swap3A_24] : memref<2048x1xf32, #tpu.memory_space<vmem>>, vector<2048x1xf32>
    tpu.vector_store %arg5[%swap3A_23, %swap3A_24], %rsqrt3A {strides = array<i32>} : memref<2048x1xf32, #tpu.memory_space<vmem>>, vector<2048x1xf32>,
    return
  }
  func.func @transform_0(%arg0: i32) -> (i32, i32, i32) {
    %c0_i32 = arith.constant 0 : i32
    %c0_i32_0 = arith.constant 0 : i32
    %c0_i32_1 = arith.constant 0 : i32
    return %c0_i32, %arg0, %c0_i32_0 : i32, i32, i32
  }
  func.func @transform_1(%arg0: i32) -> (i32, i32) {
    %c0_i32 = arith.constant 0 : i32
    %c0_i32_0 = arith.constant 0 : i32
    return %arg0, %c0_i32 : i32, i32
  }
  func.func @transform_2(%arg0: i32) -> (i32, i32) {
    %c0_i32 = arith.constant 0 : i32
    %c0_i32_0 = arith.constant 0 : i32
    %c0_i32_1 = arith.constant 0 : i32
    return %c0_i32, %c0_i32_0 : i32, i32
  }
  func.func @transform_3(%arg0: i32) -> (i32, i32) {
    %c0_i32 = arith.constant 0 : i32
    %c0_i32_0 = arith.constant 0 : i32
    return %arg0, %c0_i32 : i32, i32
  }
  func.func @transform_4(%arg0: i32) -> (i32, i32) {
    %c0_i32 = arith.constant 0 : i32
    %c0_i32_0 = arith.constant 0 : i32
    return %arg0, %c0_i32 : i32, i32
  }
}

module attributes {stable_mosaic.version = 14 : i64} {
  func.func @_mid_body(%arg0: i32, %arg1: memref<2x2048x16xf32, #tpu.memory_space<vmem>>, %arg2: memref<2048x16xf32, #tpu.memory_space<vmem>>, %arg3: memref<2048x1xf32, #tpu.memory_space<vmem>>, %arg4: memref<8x16xf32, #tpu.memory_space<vmem>>, %arg5: memref<1x8xf32, #tpu.memory_space<vmem>>, %arg6: memref<2048x16xf32, #tpu.memory_space<vmem>>) attributes {dimension_semantics = [#tpu.dimension_semantics<arbitrary>], iteration_bounds = array<i64: 50>, scalar_prefetch = 0 : i64, scratch_operands = 0 : i64, tpu.core_type = #tpu.core_type<tc>, window_params = [{transform_indices = @transform_0, window_bounds = array<i64: 2, 2048, 16>}, {transform_indices = @transform_1, window_bounds = array<i64: 2048, 16>}, {transform_indices = @transform_2, window_bounds = array<i64: 2048, 1>}, {pipeline_mode = #tpu.pipeline_mode<synchronous>, transform_indices = @transform_3, window_bounds = array<i64: 8, 16>}, {pipeline_mode = #tpu.pipeline_mode<synchronous>, transform_indices = @transform_4, window_bounds = array<i64: 1, 8>}, {transform_indices = @transform_5, window_bounds = array<i64: 2048, 16>}]} {
    %get3A = arith.constant 0 : index
    %get3A_0 = arith.constant 0 : index
    %get3A_1 = vector.load %arg3[%get3A, %get3A_0] : memref<2048x1xf32, #tpu.memory_space<vmem>>, vector<2048x1xf32>
    %get3A_2 = arith.constant 0 : index
    %get3A_3 = arith.constant 0 : index
    %get3A_4 = arith.constant 0 : index
    %get3A_5 = vector.load %arg1[%get3A_2, %get3A_3, %get3A_4] : memref<2x2048x16xf32, #tpu.memory_space<vmem>>, vector<1x2048x8xf32>
    %get3A_6 = vector.shape_cast %get3A_5 : vector<1x2048x8xf32> to vector<2048x8xf32>
    %get3A_7 = arith.constant 1 : index
    %get3A_8 = arith.constant 0 : index
    %get3A_9 = arith.constant 0 : index
    %get3A_10 = vector.load %arg1[%get3A_7, %get3A_8, %get3A_9] : memref<2x2048x16xf32, #tpu.memory_space<vmem>>, vector<1x2048x8xf32>
    %get3A_11 = vector.shape_cast %get3A_10 : vector<1x2048x8xf32> to vector<2048x8xf32>
    %add3A = arith.addf %get3A_6, %get3A_11 : vector<2048x8xf32>
    %get3A_12 = arith.constant 0 : index
    %get3A_13 = arith.constant 0 : index
    %get3A_14 = vector.load %arg2[%get3A_12, %get3A_13] : memref<2048x16xf32, #tpu.memory_space<vmem>>, vector<2048x8xf32>
    %add3A_15 = arith.addf %add3A, %get3A_14 : vector<2048x8xf32>
    %mul3A = vector.broadcast %get3A_1 : vector<2048x1xf32> to vector<2048x8xf32>
    %mul3A_16 = arith.mulf %mul3A, %add3A_15 : vector<2048x8xf32>
    %get3A_17 = arith.constant 0 : index
    %get3A_18 = arith.constant 0 : index
    %get3A_19 = vector.load %arg5[%get3A_17, %get3A_18] : memref<1x8xf32, #tpu.memory_space<vmem>>, vector<1x8xf32>
    %add3A_20 = vector.broadcast %get3A_19 : vector<1x8xf32> to vector<2048x8xf32>
    %add3A_21 = arith.addf %mul3A_16, %add3A_20 : vector<2048x8xf32>
    %max3A = arith.constant 0.000000e+00 : f32
    %max3A_22 = vector.broadcast %max3A : f32 to vector<2048x8xf32>
    %max3A_23 = arith.maximumf %add3A_21, %max3A_22 : vector<2048x8xf32>
    %get3A_24 = arith.constant 0 : index
    %get3A_25 = arith.constant 0 : index
    %get3A_26 = vector.load %arg4[%get3A_24, %get3A_25] : memref<8x16xf32, #tpu.memory_space<vmem>>, vector<8x16xf32>
    %dot_general3A = arith.constant dense<0.000000e+00> : vector<2048x16xf32>
    %dot_general3A_27 = tpu.matmul %max3A_23, %get3A_26, %dot_general3A {dimension_numbers = #tpu.dot_dimension_numbers<[1], [0], [0], [1], [0, 0, 1, 1], [], []>, transpose_lhs_hint = false} : vector<2048x8xf32>, vector<8x16xf32>, vector<2048x16xf32> -> vector<2048x16xf32>
    %mul3A_28 = vector.broadcast %get3A_1 : vector<2048x1xf32> to vector<2048x16xf32>
    %mul3A_29 = arith.mulf %dot_general3A_27, %mul3A_28 : vector<2048x16xf32>
    %swap3A = arith.constant 0 : index
    %swap3A_30 = arith.constant 0 : index
    %swap3A_31 = vector.load %arg6[%swap3A, %swap3A_30] : memref<2048x16xf32, #tpu.memory_space<vmem>>, vector<2048x16xf32>
    tpu.vector_store %arg6[%swap3A, %swap3A_30], %mul3A_29 {strides = array<i32>} : memref<2048x16xf32, #tpu.memory_space<vmem>>, vector<2048x16xf32>,
    return
  }
  func.func @transform_0(%arg0: i32) -> (i32, i32, i32) {
    %c0_i32 = arith.constant 0 : i32
    %c0_i32_0 = arith.constant 0 : i32
    %c0_i32_1 = arith.constant 0 : i32
    return %c0_i32, %arg0, %c0_i32_0 : i32, i32, i32
  }
  func.func @transform_1(%arg0: i32) -> (i32, i32) {
    %c0_i32 = arith.constant 0 : i32
    %c0_i32_0 = arith.constant 0 : i32
    return %arg0, %c0_i32 : i32, i32
  }
  func.func @transform_2(%arg0: i32) -> (i32, i32) {
    %c0_i32 = arith.constant 0 : i32
    %c0_i32_0 = arith.constant 0 : i32
    return %arg0, %c0_i32 : i32, i32
  }
  func.func @transform_3(%arg0: i32) -> (i32, i32) {
    %c0_i32 = arith.constant 0 : i32
    %c0_i32_0 = arith.constant 0 : i32
    %c0_i32_1 = arith.constant 0 : i32
    return %c0_i32, %c0_i32_0 : i32, i32
  }
  func.func @transform_4(%arg0: i32) -> (i32, i32) {
    %c0_i32 = arith.constant 0 : i32
    %c0_i32_0 = arith.constant 0 : i32
    %c0_i32_1 = arith.constant 0 : i32
    return %c0_i32, %c0_i32_0 : i32, i32
  }
  func.func @transform_5(%arg0: i32) -> (i32, i32) {
    %c0_i32 = arith.constant 0 : i32
    %c0_i32_0 = arith.constant 0 : i32
    return %arg0, %c0_i32 : i32, i32
  }
}

module attributes {stable_mosaic.version = 14 : i64} {
  func.func @_b3_body(%arg0: i32, %arg1: memref<2x2048x16xf32, #tpu.memory_space<vmem>>, %arg2: memref<2048x16xf32, #tpu.memory_space<vmem>>, %arg3: memref<2048x1xf32, #tpu.memory_space<vmem>>, %arg4: memref<16x32xf32, #tpu.memory_space<vmem>>, %arg5: memref<1x16xf32, #tpu.memory_space<vmem>>, %arg6: memref<2x2048x16xf32, #tpu.memory_space<vmem>>) attributes {dimension_semantics = [#tpu.dimension_semantics<arbitrary>], iteration_bounds = array<i64: 50>, scalar_prefetch = 0 : i64, scratch_operands = 0 : i64, tpu.core_type = #tpu.core_type<tc>, window_params = [{transform_indices = @transform_0, window_bounds = array<i64: 2, 2048, 16>}, {transform_indices = @transform_1, window_bounds = array<i64: 2048, 16>}, {transform_indices = @transform_2, window_bounds = array<i64: 2048, 1>}, {pipeline_mode = #tpu.pipeline_mode<synchronous>, transform_indices = @transform_3, window_bounds = array<i64: 16, 32>}, {pipeline_mode = #tpu.pipeline_mode<synchronous>, transform_indices = @transform_4, window_bounds = array<i64: 1, 16>}, {transform_indices = @transform_5, window_bounds = array<i64: 2, 2048, 16>}]} {
    %get3A = arith.constant 0 : index
    %get3A_0 = arith.constant 0 : index
    %get3A_1 = vector.load %arg3[%get3A, %get3A_0] : memref<2048x1xf32, #tpu.memory_space<vmem>>, vector<2048x1xf32>
    %get3A_2 = arith.constant 0 : index
    %get3A_3 = arith.constant 0 : index
    %get3A_4 = arith.constant 0 : index
    %get3A_5 = vector.load %arg1[%get3A_2, %get3A_3, %get3A_4] : memref<2x2048x16xf32, #tpu.memory_space<vmem>>, vector<1x2048x16xf32>
    %get3A_6 = vector.shape_cast %get3A_5 : vector<1x2048x16xf32> to vector<2048x16xf32>
    %get3A_7 = arith.constant 1 : index
    %get3A_8 = arith.constant 0 : index
    %get3A_9 = arith.constant 0 : index
    %get3A_10 = vector.load %arg1[%get3A_7, %get3A_8, %get3A_9] : memref<2x2048x16xf32, #tpu.memory_space<vmem>>, vector<1x2048x16xf32>
    %get3A_11 = vector.shape_cast %get3A_10 : vector<1x2048x16xf32> to vector<2048x16xf32>
    %add3A = arith.addf %get3A_6, %get3A_11 : vector<2048x16xf32>
    %get3A_12 = arith.constant 0 : index
    %get3A_13 = arith.constant 0 : index
    %get3A_14 = vector.load %arg2[%get3A_12, %get3A_13] : memref<2048x16xf32, #tpu.memory_space<vmem>>, vector<2048x16xf32>
    %add3A_15 = arith.addf %add3A, %get3A_14 : vector<2048x16xf32>
    %mul3A = vector.broadcast %get3A_1 : vector<2048x1xf32> to vector<2048x16xf32>
    %mul3A_16 = arith.mulf %mul3A, %add3A_15 : vector<2048x16xf32>
    %get3A_17 = arith.constant 0 : index
    %get3A_18 = arith.constant 0 : index
    %get3A_19 = vector.load %arg5[%get3A_17, %get3A_18] : memref<1x16xf32, #tpu.memory_space<vmem>>, vector<1x16xf32>
    %add3A_20 = vector.broadcast %get3A_19 : vector<1x16xf32> to vector<2048x16xf32>
    %add3A_21 = arith.addf %mul3A_16, %add3A_20 : vector<2048x16xf32>
    %max3A = arith.constant 0.000000e+00 : f32
    %max3A_22 = vector.broadcast %max3A : f32 to vector<2048x16xf32>
    %max3A_23 = arith.maximumf %add3A_21, %max3A_22 : vector<2048x16xf32>
    %get3A_24 = arith.constant 0 : index
    %get3A_25 = arith.constant 0 : index
    %get3A_26 = vector.load %arg4[%get3A_24, %get3A_25] : memref<16x32xf32, #tpu.memory_space<vmem>>, vector<16x32xf32>
    %dot_general3A = arith.constant dense<0.000000e+00> : vector<2048x32xf32>
    %dot_general3A_27 = tpu.matmul %max3A_23, %get3A_26, %dot_general3A {dimension_numbers = #tpu.dot_dimension_numbers<[1], [0], [0], [1], [0, 0, 1, 1], [], []>, transpose_lhs_hint = false} : vector<2048x16xf32>, vector<16x32xf32>, vector<2048x32xf32> -> vector<2048x32xf32>
    %mul3A_28 = vector.broadcast %get3A_1 : vector<2048x1xf32> to vector<2048x32xf32>
    %mul3A_29 = arith.mulf %dot_general3A_27, %mul3A_28 : vector<2048x32xf32>
    %slice3A = vector.extract_strided_slice %mul3A_29 {offsets = [0, 0], sizes = [2048, 16], strides = [1, 1]} : vector<2048x32xf32> to vector<2048x16xf32>
    %swap3A = arith.constant 0 : index
    %swap3A_30 = arith.constant 0 : index
    %swap3A_31 = arith.constant 0 : index
    %swap3A_32 = vector.load %arg6[%swap3A, %swap3A_30, %swap3A_31] : memref<2x2048x16xf32, #tpu.memory_space<vmem>>, vector<1x2048x16xf32>
    %swap3A_33 = vector.shape_cast %swap3A_32 : vector<1x2048x16xf32> to vector<2048x16xf32>
    %swap3A_34 = vector.shape_cast %slice3A : vector<2048x16xf32> to vector<1x2048x16xf32>
    tpu.vector_store %arg6[%swap3A, %swap3A_30, %swap3A_31], %swap3A_34 {strides = array<i32>} : memref<2x2048x16xf32, #tpu.memory_space<vmem>>, vector<1x2048x16xf32>,
    %slice3A_35 = vector.extract_strided_slice %mul3A_29 {offsets = [0, 16], sizes = [2048, 16], strides = [1, 1]} : vector<2048x32xf32> to vector<2048x16xf32>
    %swap3A_36 = arith.constant 1 : index
    %swap3A_37 = arith.constant 0 : index
    %swap3A_38 = arith.constant 0 : index
    %swap3A_39 = vector.load %arg6[%swap3A_36, %swap3A_37, %swap3A_38] : memref<2x2048x16xf32, #tpu.memory_space<vmem>>, vector<1x2048x16xf32>
    %swap3A_40 = vector.shape_cast %swap3A_39 : vector<1x2048x16xf32> to vector<2048x16xf32>
    %swap3A_41 = vector.shape_cast %slice3A_35 : vector<2048x16xf32> to vector<1x2048x16xf32>
    tpu.vector_store %arg6[%swap3A_36, %swap3A_37, %swap3A_38], %swap3A_41 {strides = array<i32>} : memref<2x2048x16xf32, #tpu.memory_space<vmem>>, vector<1x2048x16xf32>,
    return
  }
  func.func @transform_0(%arg0: i32) -> (i32, i32, i32) {
    %c0_i32 = arith.constant 0 : i32
    %c0_i32_0 = arith.constant 0 : i32
    %c0_i32_1 = arith.constant 0 : i32
    return %c0_i32, %arg0, %c0_i32_0 : i32, i32, i32
  }
  func.func @transform_1(%arg0: i32) -> (i32, i32) {
    %c0_i32 = arith.constant 0 : i32
    %c0_i32_0 = arith.constant 0 : i32
    return %arg0, %c0_i32 : i32, i32
  }
  func.func @transform_2(%arg0: i32) -> (i32, i32) {
    %c0_i32 = arith.constant 0 : i32
    %c0_i32_0 = arith.constant 0 : i32
    return %arg0, %c0_i32 : i32, i32
  }
  func.func @transform_3(%arg0: i32) -> (i32, i32) {
    %c0_i32 = arith.constant 0 : i32
    %c0_i32_0 = arith.constant 0 : i32
    %c0_i32_1 = arith.constant 0 : i32
    return %c0_i32, %c0_i32_0 : i32, i32
  }
  func.func @transform_4(%arg0: i32) -> (i32, i32) {
    %c0_i32 = arith.constant 0 : i32
    %c0_i32_0 = arith.constant 0 : i32
    %c0_i32_1 = arith.constant 0 : i32
    return %c0_i32, %c0_i32_0 : i32, i32
  }
  func.func @transform_5(%arg0: i32) -> (i32, i32, i32) {
    %c0_i32 = arith.constant 0 : i32
    %c0_i32_0 = arith.constant 0 : i32
    %c0_i32_1 = arith.constant 0 : i32
    return %c0_i32, %arg0, %c0_i32_0 : i32, i32, i32
  }
}

module attributes {stable_mosaic.version = 14 : i64} {
  func.func @_b4_body(%arg0: i32, %arg1: memref<2x2048x16xf32, #tpu.memory_space<vmem>>, %arg2: memref<2x2048x16xf32, #tpu.memory_space<vmem>>, %arg3: memref<2048x1xf32, #tpu.memory_space<vmem>>, %arg4: memref<1x32xf32, #tpu.memory_space<vmem>>, %arg5: memref<2048x32xf32, #tpu.memory_space<vmem>>) attributes {dimension_semantics = [#tpu.dimension_semantics<arbitrary>], iteration_bounds = array<i64: 50>, scalar_prefetch = 0 : i64, scratch_operands = 0 : i64, tpu.core_type = #tpu.core_type<tc>, window_params = [{transform_indices = @transform_0, window_bounds = array<i64: 2, 2048, 16>}, {transform_indices = @transform_1, window_bounds = array<i64: 2, 2048, 16>}, {transform_indices = @transform_2, window_bounds = array<i64: 2048, 1>}, {pipeline_mode = #tpu.pipeline_mode<synchronous>, transform_indices = @transform_3, window_bounds = array<i64: 1, 32>}, {transform_indices = @transform_4, window_bounds = array<i64: 2048, 32>}]} {
    %get3A = arith.constant 0 : index
    %get3A_0 = arith.constant 0 : index
    %get3A_1 = vector.load %arg3[%get3A, %get3A_0] : memref<2048x1xf32, #tpu.memory_space<vmem>>, vector<2048x1xf32>
    %get3A_2 = arith.constant 0 : index
    %get3A_3 = arith.constant 0 : index
    %get3A_4 = arith.constant 0 : index
    %get3A_5 = vector.load %arg1[%get3A_2, %get3A_3, %get3A_4] : memref<2x2048x16xf32, #tpu.memory_space<vmem>>, vector<1x2048x16xf32>
    %get3A_6 = vector.shape_cast %get3A_5 : vector<1x2048x16xf32> to vector<2048x16xf32>
    %get3A_7 = arith.constant 0 : index
    %get3A_8 = arith.constant 0 : index
    %get3A_9 = arith.constant 0 : index
    %get3A_10 = vector.load %arg2[%get3A_7, %get3A_8, %get3A_9] : memref<2x2048x16xf32, #tpu.memory_space<vmem>>, vector<1x2048x16xf32>
    %get3A_11 = vector.shape_cast %get3A_10 : vector<1x2048x16xf32> to vector<2048x16xf32>
    %add3A = arith.addf %get3A_6, %get3A_11 : vector<2048x16xf32>
    %mul3A = vector.broadcast %get3A_1 : vector<2048x1xf32> to vector<2048x16xf32>
    %mul3A_12 = arith.mulf %mul3A, %add3A : vector<2048x16xf32>
    %get3A_13 = arith.constant 1 : index
    %get3A_14 = arith.constant 0 : index
    %get3A_15 = arith.constant 0 : index
    %get3A_16 = vector.load %arg1[%get3A_13, %get3A_14, %get3A_15] : memref<2x2048x16xf32, #tpu.memory_space<vmem>>, vector<1x2048x16xf32>
    %get3A_17 = vector.shape_cast %get3A_16 : vector<1x2048x16xf32> to vector<2048x16xf32>
    %get3A_18 = arith.constant 1 : index
    %get3A_19 = arith.constant 0 : index
    %get3A_20 = arith.constant 0 : index
    %get3A_21 = vector.load %arg2[%get3A_18, %get3A_19, %get3A_20] : memref<2x2048x16xf32, #tpu.memory_space<vmem>>, vector<1x2048x16xf32>
    %get3A_22 = vector.shape_cast %get3A_21 : vector<1x2048x16xf32> to vector<2048x16xf32>
    %add3A_23 = arith.addf %get3A_17, %get3A_22 : vector<2048x16xf32>
    %mul3A_24 = vector.broadcast %get3A_1 : vector<2048x1xf32> to vector<2048x16xf32>
    %mul3A_25 = arith.mulf %mul3A_24, %add3A_23 : vector<2048x16xf32>
    %concatenate3A = tpu.concatenate %mul3A_12, %mul3A_25 in 1 : vector<2048x16xf32>, vector<2048x16xf32> -> vector<2048x32xf32>
    %get3A_26 = arith.constant 0 : index
    %get3A_27 = arith.constant 0 : index
    %get3A_28 = vector.load %arg4[%get3A_26, %get3A_27] : memref<1x32xf32, #tpu.memory_space<vmem>>, vector<1x32xf32>
    %add3A_29 = vector.broadcast %get3A_28 : vector<1x32xf32> to vector<2048x32xf32>
    %add3A_30 = arith.addf %concatenate3A, %add3A_29 : vector<2048x32xf32>
    %swap3A = arith.constant 0 : index
    %swap3A_31 = arith.constant 0 : index
    %swap3A_32 = vector.load %arg5[%swap3A, %swap3A_31] : memref<2048x32xf32, #tpu.memory_space<vmem>>, vector<2048x32xf32>
    tpu.vector_store %arg5[%swap3A, %swap3A_31], %add3A_30 {strides = array<i32>} : memref<2048x32xf32, #tpu.memory_space<vmem>>, vector<2048x32xf32>,
    return
  }
  func.func @transform_0(%arg0: i32) -> (i32, i32, i32) {
    %c0_i32 = arith.constant 0 : i32
    %c0_i32_0 = arith.constant 0 : i32
    %c0_i32_1 = arith.constant 0 : i32
    return %c0_i32, %arg0, %c0_i32_0 : i32, i32, i32
  }
  func.func @transform_1(%arg0: i32) -> (i32, i32, i32) {
    %c0_i32 = arith.constant 0 : i32
    %c0_i32_0 = arith.constant 0 : i32
    %c0_i32_1 = arith.constant 0 : i32
    return %c0_i32, %arg0, %c0_i32_0 : i32, i32, i32
  }
  func.func @transform_2(%arg0: i32) -> (i32, i32) {
    %c0_i32 = arith.constant 0 : i32
    %c0_i32_0 = arith.constant 0 : i32
    return %arg0, %c0_i32 : i32, i32
  }
  func.func @transform_3(%arg0: i32) -> (i32, i32) {
    %c0_i32 = arith.constant 0 : i32
    %c0_i32_0 = arith.constant 0 : i32
    %c0_i32_1 = arith.constant 0 : i32
    return %c0_i32, %c0_i32_0 : i32, i32
  }
  func.func @transform_4(%arg0: i32) -> (i32, i32) {
    %c0_i32 = arith.constant 0 : i32
    %c0_i32_0 = arith.constant 0 : i32
    return %arg0, %c0_i32 : i32, i32
  }
}

module attributes {stable_mosaic.version = 14 : i64} {
  func.func @_head_body(%arg0: memref<2x144x32xf32, #tpu.memory_space<vmem>>, %arg1: memref<2x144x16xf32, #tpu.memory_space<vmem>>, %arg2: memref<32x2xf32, #tpu.memory_space<vmem>>, %arg3: memref<1x2xf32, #tpu.memory_space<vmem>>, %arg4: memref<128x2xf32, #tpu.memory_space<vmem>>) attributes {dimension_semantics = [], scalar_prefetch = 0 : i64, scratch_operands = 0 : i64, tpu.core_type = #tpu.core_type<tc>} {
    %get3A = arith.constant 0 : index
    %get3A_0 = arith.constant 0 : index
    %get3A_1 = arith.constant 0 : index
    %get3A_2 = vector.load %arg0[%get3A, %get3A_0, %get3A_1] : memref<2x144x32xf32, #tpu.memory_space<vmem>>, vector<1x144x32xf32>
    %get3A_3 = vector.shape_cast %get3A_2 : vector<1x144x32xf32> to vector<144x32xf32>
    %get3A_4 = arith.constant 1 : index
    %get3A_5 = arith.constant 0 : index
    %get3A_6 = arith.constant 0 : index
    %get3A_7 = vector.load %arg0[%get3A_4, %get3A_5, %get3A_6] : memref<2x144x32xf32, #tpu.memory_space<vmem>>, vector<1x144x32xf32>
    %get3A_8 = vector.shape_cast %get3A_7 : vector<1x144x32xf32> to vector<144x32xf32>
    %add3A = arith.addf %get3A_3, %get3A_8 : vector<144x32xf32>
    %get3A_9 = arith.constant 0 : index
    %get3A_10 = arith.constant 0 : index
    %get3A_11 = arith.constant 0 : index
    %get3A_12 = vector.load %arg1[%get3A_9, %get3A_10, %get3A_11] : memref<2x144x16xf32, #tpu.memory_space<vmem>>, vector<1x144x1xf32>
    %get3A_13 = vector.shape_cast %get3A_12 : vector<1x144x1xf32> to vector<144x1xf32>
    %get3A_14 = arith.constant 1 : index
    %get3A_15 = arith.constant 0 : index
    %get3A_16 = arith.constant 0 : index
    %get3A_17 = vector.load %arg1[%get3A_14, %get3A_15, %get3A_16] : memref<2x144x16xf32, #tpu.memory_space<vmem>>, vector<1x144x1xf32>
    %get3A_18 = vector.shape_cast %get3A_17 : vector<1x144x1xf32> to vector<144x1xf32>
    %add3A_19 = arith.addf %get3A_13, %get3A_18 : vector<144x1xf32>
    %max3A = arith.constant 1.000000e+00 : f32
    %max3A_20 = vector.broadcast %max3A : f32 to vector<144x1xf32>
    %max3A_21 = arith.maximumf %add3A_19, %max3A_20 : vector<144x1xf32>
    %div3A = vector.broadcast %max3A_21 : vector<144x1xf32> to vector<144x32xf32>
    %div3A_22 = arith.divf %add3A, %div3A : vector<144x32xf32>
    %get3A_23 = arith.constant 0 : index
    %get3A_24 = arith.constant 0 : index
    %get3A_25 = vector.load %arg2[%get3A_23, %get3A_24] : memref<32x2xf32, #tpu.memory_space<vmem>>, vector<32x2xf32>
    %dot_general3A = arith.constant dense<0.000000e+00> : vector<144x2xf32>
    %dot_general3A_26 = tpu.matmul %div3A_22, %get3A_25, %dot_general3A {dimension_numbers = #tpu.dot_dimension_numbers<[1], [0], [0], [1], [0, 0, 1, 1], [], []>, transpose_lhs_hint = false} : vector<144x32xf32>, vector<32x2xf32>, vector<144x2xf32> -> vector<144x2xf32>
    %get3A_27 = arith.constant 0 : index
    %get3A_28 = arith.constant 0 : index
    %get3A_29 = vector.load %arg3[%get3A_27, %get3A_28] : memref<1x2xf32, #tpu.memory_space<vmem>>, vector<1x2xf32>
    %add3A_30 = vector.broadcast %get3A_29 : vector<1x2xf32> to vector<144x2xf32>
    %add3A_31 = arith.addf %dot_general3A_26, %add3A_30 : vector<144x2xf32>
    %slice3A = vector.extract_strided_slice %add3A_31 {offsets = [0, 0], sizes = [128, 2], strides = [1, 1]} : vector<144x2xf32> to vector<128x2xf32>
    %swap3A = arith.constant 0 : index
    %swap3A_32 = arith.constant 0 : index
    %swap3A_33 = vector.load %arg4[%swap3A, %swap3A_32] : memref<128x2xf32, #tpu.memory_space<vmem>>, vector<128x2xf32>
    tpu.vector_store %arg4[%swap3A, %swap3A_32], %slice3A {strides = array<i32>} : memref<128x2xf32, #tpu.memory_space<vmem>>, vector<128x2xf32>,
    return
  }
}

</mosaic_0001>

<sc_bundles>
// kernel: kernel.12.cloned.1.call-start
scs
__scs_entry_jumppad:
0x0: {  	(pc) =	sbr.rel $0x88, $3  }
0x1: {  	(tag) =	ssettag $0x0;
	lr =	simm.s32 $0x1  }
0x2: {  	[smem:$0x3F96] =	sst lr;
	_ =	strace $0xD0000000  }
0x3: {  	_ = 	snop  }
0x4: {  	_ = 	snop  }
0x5: {  	_ = 	snop  }
0x6: {  	_ = 	snop  }
0x7: {  	_ = 	snop  }
__scs_overlays_trampoline_lowered:
0x8: {  	[smem:$0x3FA5] =	sst s0  }
0x9: {  	[smem:$0x3FA6] =	sst s1  }
0xa: {  	[smem:$0x3FA7] =	sst s2  }
0xb: {  	[smem:$0x3FA8] =	sst s3  }
0xc: {  	[smem:$0x3FA9] =	sst s4  }
0xd: {  	[smem:$0x3FAA] =	sst s5  }
0xe: {  	[smem:$0x3FAB] =	sst s6  }
0xf: {  	[smem:$0x3FAC] =	sst s7  }
0x10: {  	[smem:$0x3FAD] =	sst s8  }
0x11: {  	[smem:$0x3FAE] =	sst s9;
	s0 =	simm.s32 @!p0 $0x0  }
0x12: {  	s1 =	sld [smem:$0x3F94];
	s0 =	simm.s32 @p0 $0x1  }
0x13: {  	[smem:$0x3FAF] =	sst s0;
	s0 =	simm.s32 @!p1 $0x0  }
0x14: {  	s2 =	sld [smem:$0x3F93];
	s0 =	simm.s32 @p1 $0x1  }
0x15: {  	[smem:$0x3FB0] =	sst s0;
	s0 =	simm.s32 @!p2 $0x0  }
0x16: {  	s3 =	sld [smem:$0x3FDB];
	s0 =	simm.s32 @p2 $0x1  }
0x17: {  	s4 =	simm.s32 $0x1BF5;
	[smem:$0x3FB2] =	sst s0  }
0x18: {  	s0 =	sld [smem:$0x3F95];
	_ =	swait.ge [sflag:s4], $0x0  }
0x19: {  	s7 =	sld [smem:$0x3F96]  }
0x1a: {  	s8 =	sadd.s32 $0xFFFFE003, lr  }
0x1b: {  	s9 =	sadd.s32 $0xFFFFFEF7, lr;
	s5 =	simm.s32 $0xFFFFFFFF;
	p2 =	slt.u32 s8, $0xFFFFF086  }
0x1c: {  	p1 =	slt.u32 s9, $0xF7A;
	s5 =	simm.s32 @!p2 $0x0  }
0x1d: {  	s5 =	simm.s32 @p1 $0x1;
	p0 =	seq.s32 s7, s2  }
0x1e: {  	s7 =	smul.u32 @!p0 $0xF7A, s2;
	p2 =	seq.s32 @!p0 s5, $0x0  }
0x1f: {  	s9 =	smul.u32 $0xF7A, s1;
	s8 =	simm.s32 @!p0 $0x1BF5;
	p2 =	por !p2, p0  }
0x20: {  	[sflag:s8] =	ssyncset.s32 @!p0 $0xFFFFF086;
	s6 =	sadd.s32 @!p0 s3, s7;
	s7 =	simm.s32 @!p0 $0x108  }
0x21: {  	s3 =	sadd.s32 s3, s9;
	s6 =	sadd.s32 @!p0 $0x88, s6;
	s7 =	simm.s32 @p2 $0x1082  }
0x22: {  	[simem:s7], [sflag:s8] =	dma.local @!p0 [hbm:s6], $0xF7A  }
0x23: {  	s9 =	sor.u32 $0xD0000000, s2;
	s6 =	simm.s32 $0x108;
	_ =	swait.ge @!p0 [sflag:s8], $0x0  }
0x24: {  	s3 =	sadd.s32 $0x88, s3;
	s6 =	simm.s32 @!p1 $0x1082;
	[sflag:s4] =	ssyncset.s32 $0xFFFFF086  }
0x25: {  	[simem:s6], [sflag:s4] =	dma.local [hbm:s3], $0xF7A  }
0x26: {  	[smem:$0x3F96] =	sst s1;
	(tag) =	ssettag s2;
	_ =	strace s9  }
0x27: {  	s1 =	sld [smem:$0x3FA6]  }
0x28: {  	s2 =	sld [smem:$0x3FA7]  }
0x29: {  	s4 =	sld [smem:$0x3FA9]  }
0x2a: {  	p0 =	seq.s32 s5, $0x0;
	s5 =	sld [smem:$0x3FAA]  }
0x2b: {  	s6 =	sld [smem:$0x3FAB]  }
0x2c: {  	s7 =	sld [smem:$0x3FAC]  }
0x2d: {  	s3 =	simm.s32 $0x108;
	s8 =	sld [smem:$0x3FAD]  }
0x2e: {  	s3 =	simm.s32 @!p0 $0x1082;
	s9 =	sld [smem:$0x3FAE]  }
0x2f: {  	lr =	sadd.s32 s0, s3;
	s0 =	sld [smem:$0x3FA5]  }
0x30: {  	s3 =	sld [smem:$0x3FA8]  }
0x31: {  	[smem:$0x3FB1] =	sst s10  }
0x32: {  	s10 =	sld [smem:$0x3FAF];
	_ =	sdelay $0x3  }
0x33: {  	p0 =	seq.s32 s10, $0x1;
	s10 =	sld [smem:$0x3FB1];
	_ =	sdelay $0x3  }
0x34: {  	[smem:$0x3FB1] =	sst s10  }
0x35: {  	s10 =	sld [smem:$0x3FB0];
	_ =	sdelay $0x3  }
0x36: {  	p1 =	seq.s32 s10, $0x1;
	s10 =	sld [smem:$0x3FB1];
	_ =	sdelay $0x3  }
0x37: {  	[smem:$0x3FB1] =	sst s10  }
0x38: {  	s10 =	sld [smem:$0x3FB2]  }
0x39: {  	_ = 	snop;
	(pc) =	sbr.ind lr, $3  }
0x3a: {  	_ = 	snop  }
0x3b: {  	_ = 	snop  }
0x3c: {  	p2 =	seq.s32 s10, $0x1;
	s10 =	sld [smem:$0x3FB1]  }
0x3d: {  	_ =	shalt  }
0x3e: {  	_ =	shalt  }
0x3f: {  	_ =	shalt  }
0x40: {  	_ =	shalt  }
0x41: {  	_ =	shalt  }
0x42: {  	_ =	shalt  }
0x43: {  	_ =	shalt  }
0x44: {  	_ =	shalt  }
0x45: {  	_ =	shalt  }
0x46: {  	_ =	shalt  }
0x47: {  	_ =	shalt  }
0x48: {  	_ =	shalt  }
0x49: {  	_ =	shalt  }
0x4a: {  	_ =	shalt  }
0x4b: {  	_ =	shalt  }
0x4c: {  	_ =	shalt  }
0x4d: {  	_ =	shalt  }
0x4e: {  	_ =	shalt  }
0x4f: {  	_ =	shalt  }
0x50: {  	_ =	shalt  }
0x51: {  	_ =	shalt  }
0x52: {  	_ =	shalt  }
0x53: {  	_ =	shalt  }
0x54: {  	_ =	shalt  }
0x55: {  	_ =	shalt  }
0x56: {  	_ =	shalt  }
0x57: {  	_ =	shalt  }
0x58: {  	_ =	shalt  }
0x59: {  	_ =	shalt  }
0x5a: {  	_ =	shalt  }
0x5b: {  	_ =	shalt  }
0x5c: {  	_ =	shalt  }
0x5d: {  	_ =	shalt  }
0x5e: {  	_ =	shalt  }
0x5f: {  	_ =	shalt  }
0x60: {  	_ =	shalt  }
0x61: {  	_ =	shalt  }
0x62: {  	_ =	shalt  }
0x63: {  	_ =	shalt  }
0x64: {  	_ =	shalt  }
0x65: {  	_ =	shalt  }
0x66: {  	_ =	shalt  }
0x67: {  	_ =	shalt  }
0x68: {  	_ =	shalt  }
0x69: {  	_ =	shalt  }
0x6a: {  	_ =	shalt  }
0x6b: {  	_ =	shalt  }
0x6c: {  	_ =	shalt  }
0x6d: {  	_ =	shalt  }
0x6e: {  	_ =	shalt  }
0x6f: {  	_ =	shalt  }
0x70: {  	_ =	shalt  }
0x71: {  	_ =	shalt  }
0x72: {  	_ =	shalt  }
0x73: {  	_ =	shalt  }
0x74: {  	_ =	shalt  }
0x75: {  	_ =	shalt  }
0x76: {  	_ =	shalt  }
0x77: {  	_ =	shalt  }
0x78: {  	_ =	shalt  }
0x79: {  	_ =	shalt  }
0x7a: {  	_ =	shalt  }
0x7b: {  	_ =	shalt  }
0x7c: {  	_ =	shalt  }
0x7d: {  	_ =	shalt  }
0x7e: {  	_ =	shalt  }
0x7f: {  	_ =	shalt  }
0x80: {  	_ =	shalt  }
0x81: {  	_ =	shalt  }
0x82: {  	_ =	shalt  }
0x83: {  	_ =	shalt  }
0x84: {  	_ =	shalt  }
0x85: {  	_ =	shalt  }
0x86: {  	_ =	shalt  }
0x87: {  	_ =	shalt  }
.Lfunc_end0:
.L_simem_size_0:
called_computation_lowered:
.L_overlay_start_0:
0x88: {  	s2 =	sld [smem:$0x3FD9]  }
0x89: {  	s3 =	sld [smem:$0x3FFE];
	_ =	sdelay $0x1  }
0x8a: {  	s1 =	srdreg.scid  }
0x8b: {  	s0 =	sand.u32 $0x1, s1  }
0x8c: {  	s16 =	sshll.u32 s0, $0xA;
	s2 =	sadd.s32 s3, s2  }
0x8d: {  	s2 =	sadd.s32 s2, s16  }
0x8e: {  	[smem:$0x3FBD] =	sst s2  }
0x8f: {  	_ = 	snop  }
0x90: {  	(tm) =	ssettm $0x1  }
0x91: {  	s17 =	sld [smem:$0x3FFB];
	_ =	sdelay $0x3  }
0x92: {  	_ =	strace s17  }
0x93: {  	s2 =	sld [smem:$0x3FFC];
	_ =	sdelay $0x3  }
0x94: {  	_ =	strace s2  }
0x95: {  	s2 =	sld [smem:$0x3FFD];
	_ =	sdelay $0x3  }
0x96: {  	_ =	strace s2  }
0x97: {  	_ =	strace $0x8FFFFFFF  }
0x98: {  	s18 =	sld [smem:$0x3FDB];
	_ =	sdelay $0x1  }
0x99: {  	s19 =	simm.s32 $_scs_section_size  }
0x9a: {  	s4 =	simm.s32 $_size__tile_overlayer_lowered;
	s5 =	simm.s32 $_tile_overlayer_lowered  }
0x9b: {  	s22 =	simm.s32 $0x1BFF;
	s21 =	sshll.u32 s5, $0x1;
	s2 =	sadd.s32 s19, s18  }
0x9c: {  	s6 =	simm.s32 $0x0;
	s20 =	sshll.u32 s4, $0x1;
	s4 =	sadd.s32 s21, s2  }
0x9d: {  	[timem:s6], [sflag:s22] =	dma.local [hbm:s4], s20  }
0x9e: {  	_ =	swait.ge [sflag:s22], s20  }
0x9f: {  	s3 =	ssub.s32 $0x0, s20;
	[sflag:s22] =	ssyncset.done $0x0  }
0xa0: {  	[sflag:s22] =	ssyncadd.s32 s3;
	_ =	sdelay $0x1  }
0xa1: {  	s23 =	simm.s32 $0x1B8B  }
0xa2: {  	_ =	swait.ge [sflag:s23], $0x1  }
0xa3: {  	[sflag:s23] =	ssyncset.done $0x0  }
0xa4: {  	s25 =	simm.s32 $0x1B8E;
	s24 =	sld [smem:$0x3FFE];
	[sflag:s23] =	ssyncadd.s32 $0xFFFFFFFF  }
0xa5: {  	s26 =	simm.s32 $execute0_lowered;
	[smem:$0x3FD2] =	sst s25  }
0xa6: {  	s4 =	sshll.u32 s26, $0x1;
	_ =	strace $0x80000046;
	[dreg:$0x1] =	wrdreg $0xFFFFFFFF  }
0xa7: {  	s28 =	simm.s32 $_size_execute0_lowered;
	s2 =	sadd.s32 s2, s4;
	[dreg:$0x0] =	wrdreg $0x0  }
0xa8: {  	s4 =	sshll.u32 s28, $0x1;
	[dreg:$0x2] =	wrdreg s2  }
0xa9: {  	[dreg:$0x3] =	wrdreg s4  }
0xaa: {  	[dreg:$0x4] =	wrdreg $0xC0  }
0xab: {  	_ =	task [dreg:s6], $0x5FFFF  }
0xac: {  	[dreg:$0x1] =	wrdreg $0xFFFFFFFF  }
0xad: {  	[dreg:$0x0] =	wrdreg $0x60  }
0xae: {  	[dreg:$0x2] =	wrdreg s24  }
0xaf: {  	[dreg:$0x3] =	wrdreg $0x0  }
0xb0: {  	[dreg:$0x4] =	wrdreg $0x9  }
0xb1: {  	_ =	task.clear_ibuf [dreg:s6], $0x5FFFF;
	_ =	strace $0x90000046  }
0xb2: {  	s29 =	simm.s32 $0x9;
	_ =	strace $0x80000048  }
0xb3: {  	_ =	swait.ge [sflag:s29], $0x1  }
0xb4: {  	[sflag:s29] =	ssyncadd.s32 $0xFFFFFFFF  }
0xb5: {  	_ =	strace $0x90000048  }
0xb6: {  	_ =	sfence  }
0xb7: {  	s30 =	sld [smem:$0x0];
	_ =	sdelay $0x2  }
0xb8: {  	s31 =	sshll.u32 s1, $0xD;
	s1 =	sshrl.u32 s1, $0x2  }
0xb9: {  	s3 =	sand.u32 $0x4000, s31;
	s1 =	sadd.s32 s1, s30  }
0xba: {  	s0 =	sor.u32 s3, s0;
	s1 =	sshll.u32 s1, $0x11  }
0xbb: {  	s0 =	sor.u32 s1, s0  }
0xbc: {  	s0 =	sadd.s32 $0x8F2B, s0  }
0xbd: {  	[sflag:s0] =	ssyncadd.remote.s32 $0x1  }
0xbe: {  	_ =	sfence.sel $0xFFFF  }
0xbf: {  	[dreg:$0x0] =	wrdreg $0xFFFFFFFF;
	(pc) =	sbr.abs _section_cstart, $3  }
0xc0: {  	[dreg:$0x1] =	wrdreg $0xFFFFFFFF  }
0xc1: {  	_ =	task.clear_ibuf [dreg:s6], $0x2FFFF;
	_ =	strace $0x9FFFFFFF  }
0xc2: {  	(tm) =	ssettm $0x7FFFFFFF  }
0xc3: {  	_ =	shalt  }
tec
execute0_lowered:
.L_overlay_start_1:
0x0: {  	(tag) =	ssettag $0x1  }
0x1: {  	s4 =	rddreg [dreg:$0x0]  }
0x2: {  	s2 =	rddreg [dreg:$0x1]  }
0x3: {  	s0 =	srdreg.scid;
	s1 =	rddreg [dreg:$0x2];
	s3 =	simm.s32 $0x0  }
0x4: {  	s10 =	simm.s32 $0x80;
	s11 =	simm.s32 $0x19400;
	s12 =	simm.s32 $0x19080  }
0x5: {  	s13 =	simm.s32 $0x19100;
	s14 =	simm.s32 $0x19180;
	s5 =	sand.u32 $0x1, s0  }
0x6: {  	s15 =	simm.s32 $0x19200;
	s0 =	stileid.u32;
	s6 =	smul.u32 $0x310000, s5  }
0x7: {  	s16 =	simm.s32 $0x19280;
	s17 =	simm.s32 $0x19300;
	s7 =	smul.u32 $0x31000, s0  }
0x8: {  	s18 =	simm.s32 $0x19380;
	s19 =	simm.s32 $0x1;
	s29 =	smul.u32 $0x32000, s5  }
0x9: {  	[smem:$0x7FF] =	sst s3;
	s5 =	ssub.s32 $0x2, s5;
	s8 =	smul.u32 $0x19000, s0  }
0xa: {  	_ =	strace $0x80000047;
	s9 =	smul.u32 $0x64000, s0;
	s30 =	sshrl.u32 s5, $0x1  }
0xb: {  	s6 =	sadd.s32 s7, s6;
	s5 =	ssub.s32 s5, s30;
	s21 =	sshrl.u32 s8, $0x3  }
0xc: {  	s22 =	sadd.s32 s8, s2;
	s31 =	sshrl.u32 s9, $0x2;
	s6 =	sshrl.u32 s6, $0x3  }
0xd: {  	s7 =	simm.s32 $0x19C00;
	s6 =	sadd.s32 s6, s4;
	s4 =	sadd.s32 s29, s4  }
0xe: {  	s8 =	simm.s32 $0x2;
	s9 =	simm.s32 $0x19000;
	s20 =	sadd.s32 $0x3600, s4  }
0xf: {  	s4 =	smax.u32 s5, $0x1;
	s5 =	sadd.s32 s31, s2;
	s6 =	sadd.s32 $0xC6C00, s6  }
0x10: {  	v0 =	vimm.f32 $1.000000000e+00;
	v1 =	vimm.f32 $0.0e+00;
	s20 =	sadd.s32 s21, s20;
	s21 =	sshrl.u32 s22, $0x3;
	s22 =	simm.s32 $0x0  }
.LBB2_1:
0x11: {  	s23 =	simm.s32 $0x40;
	s24 =	simm.s32 $0x0  }
.LBB2_2:
0x12: {  	p0 =	sne.s32 s23, $0x1FC0;
	[tilespmem:s24+$0x19400] =	vst v0;
	s24 =	smov.u32 s23;
	s23 =	sadd.s32 $0x40, s23  }
.Ltmp0:
0x13: {  	(pc) =	sbr.rel @p0 .LBB2_2-.Ltmp0, $2  }
0x14: {  	_ =	sdelay $0x2  }
0x15: {  	s24 =	sshra.s32 s24, $0x2  }
0x16: {  	[tilespmem:s24+$0x19400] =	vst v0;
	s23 =	simm.s32 $0x40;
	s24 =	simm.s32 $0x0  }
.LBB2_4:
0x17: {  	p0 =	sne.s32 s23, $0x31C0;
	[tilespmem:s24+$0x19C00] =	vst v1;
	s24 =	smov.u32 s23;
	s23 =	sadd.s32 $0x40, s23  }
.Ltmp1:
0x18: {  	(pc) =	sbr.rel @p0 .LBB2_4-.Ltmp1, $2  }
0x19: {  	_ =	sdelay $0x2  }
0x1a: {  	s24 =	sshra.s32 s24, $0x2  }
0x1b: {  	[tilespmem:s24+$0x19C00] =	vst v1;
	s23 =	sadd.s32 $0x0, s5  }
0x1c: {  	[spmem:s23] =	stream.linear.scatter [tilespmem:s7], [sflag:$0x2], $0xC80, $0x38;
	[tilespmem:$0x1A880] =	vst v63  }
0x1d: {  	s23 =	simm.s32 $0x3200;
	_ =	swait.ge [sflag:s8], $0xC80  }
.LBB2_6:
0x1e: {  	s24 =	sshra.s32 s23, $0x2;
	[sflag:s8] =	ssyncset.done $0x0;
	p0 =	sne.s32 s23, $0x60E00  }
.Ltmp2:
0x1f: {  	s24 =	sadd.s32 s24, s5;
	[sflag:s8] =	ssyncadd.s32 $0xFFFFF380;
	(pc) =	sbr.rel @p0 .LBB2_6-.Ltmp2, $3  }
0x20: {  	[spmem:s24] =	stream.linear.scatter [tilespmem:s7], [sflag:$0x2], $0xC80, $0x38;
	[tilespmem:$0x1A880] =	vst v63  }
0x21: {  	s23 =	sadd.s32 $0x3200, s23;
	_ =	sdelay $0x1  }
0x22: {  	_ =	swait.ge [sflag:s8], $0xC80  }
0x23: {  	[sflag:s8] =	ssyncset.done $0x0  }
0x24: {  	[sflag:s8] =	ssyncadd.s32 $0xFFFFF380  }
0x25: {  	s23 =	sadd.s32 $0x0, s6;
	[bflag:$0x0] =	sbarrier.arrive $0xFFFF  }
0x26: {  	[tilespmem:s9], [sflag:$0x2] =	stream.linear.gather [hbm4b:s23+s3], $0x400, $0x38;
	[tilespmem:$0x1A880] =	vst v63  }
0x27: {  	_ =	swait.ge [sflag:s8], $0x400  }
0x28: {  	[sflag:s8] =	ssyncset.done $0x0  }
0x29: {  	[sflag:s8] =	ssyncadd.s32 $0xFFFFFC00  }
0x2a: {  	[spmem:s2] =	stream.indirect.scatter.add.f32 [tilespmem:s11], [sflag:$0x1], $0x10, s9, s10, $0xb8;
	[tilespmem:$0x1A880] =	vst v63  }
0x2b: {  	_ = 	snop  }
0x2c: {  	[spmem:s2] =	stream.indirect.scatter.add.f32 [tilespmem:s11], [sflag:$0x1], $0x10, s12, s10, $0xb8;
	[tilespmem:$0x1A880] =	vst v63  }
0x2d: {  	_ = 	snop  }
0x2e: {  	[spmem:s2] =	stream.indirect.scatter.add.f32 [tilespmem:s11], [sflag:$0x1], $0x10, s13, s10, $0xb8;
	[tilespmem:$0x1A880] =	vst v63  }
0x2f: {  	_ = 	snop  }
0x30: {  	[spmem:s2] =	stream.indirect.scatter.add.f32 [tilespmem:s11], [sflag:$0x1], $0x10, s14, s10, $0xb8;
	[tilespmem:$0x1A880] =	vst v63  }
0x31: {  	_ = 	snop  }
0x32: {  	[spmem:s2] =	stream.indirect.scatter.add.f32 [tilespmem:s11], [sflag:$0x1], $0x10, s15, s10, $0xb8;
	[tilespmem:$0x1A880] =	vst v63  }
0x33: {  	_ = 	snop  }
0x34: {  	[spmem:s2] =	stream.indirect.scatter.add.f32 [tilespmem:s11], [sflag:$0x1], $0x10, s16, s10, $0xb8;
	[tilespmem:$0x1A880] =	vst v63  }
0x35: {  	_ = 	snop  }
0x36: {  	[spmem:s2] =	stream.indirect.scatter.add.f32 [tilespmem:s11], [sflag:$0x1], $0x10, s17, s10, $0xb8;
	[tilespmem:$0x1A880] =	vst v63  }
0x37: {  	_ = 	snop  }
0x38: {  	[spmem:s2] =	stream.indirect.scatter.add.f32 [tilespmem:s11], [sflag:$0x1], $0x10, s18, s10, $0xb8;
	[tilespmem:$0x1A880] =	vst v63  }
0x39: {  	_ =	swait.ge [sflag:s19], $0x800  }
0x3a: {  	[sflag:s19] =	ssyncset.done $0x0  }
0x3b: {  	[sflag:s19] =	ssyncadd.s32 $0xFFFFF800  }
0x3c: {  	_ =	swait.ge [sflag:s19], $0x800  }
0x3d: {  	[sflag:s19] =	ssyncset.done $0x0  }
0x3e: {  	[sflag:s19] =	ssyncadd.s32 $0xFFFFF800  }
0x3f: {  	_ =	swait.ge [sflag:s19], $0x800  }
0x40: {  	[sflag:s19] =	ssyncset.done $0x0  }
0x41: {  	[sflag:s19] =	ssyncadd.s32 $0xFFFFF800  }
0x42: {  	_ =	swait.ge [sflag:s19], $0x800  }
0x43: {  	[sflag:s19] =	ssyncset.done $0x0  }
0x44: {  	[sflag:s19] =	ssyncadd.s32 $0xFFFFF800  }
0x45: {  	_ =	swait.ge [sflag:s19], $0x800  }
0x46: {  	[sflag:s19] =	ssyncset.done $0x0  }
0x47: {  	[sflag:s19] =	ssyncadd.s32 $0xFFFFF800  }
0x48: {  	_ =	swait.ge [sflag:s19], $0x800  }
0x49: {  	[sflag:s19] =	ssyncset.done $0x0  }
0x4a: {  	[sflag:s19] =	ssyncadd.s32 $0xFFFFF800  }
0x4b: {  	_ =	swait.ge [sflag:s19], $0x800  }
0x4c: {  	[sflag:s19] =	ssyncset.done $0x0  }
0x4d: {  	[sflag:s19] =	ssyncadd.s32 $0xFFFFF800  }
0x4e: {  	_ =	swait.ge [sflag:s19], $0x800  }
0x4f: {  	s25 =	simm.s32 $0x100;
	s23 =	simm.s32 $0x80;
	[sflag:s19] =	ssyncset.done $0x0  }
.LBB2_8:
0x50: {  	s26 =	sadd.s32 s23, s6  }
0x51: {  	[sflag:s19] =	ssyncadd.s32 $0xFFFFF800;
	s23 =	smov.u32 s25;
	s24 =	sadd.s32 $0x80, s25  }
0x52: {  	[tilespmem:s9], [sflag:$0x2] =	stream.linear.gather [hbm4b:s26+s3], $0x400, $0x38;
	[tilespmem:$0x1A880] =	vst v63  }
0x53: {  	p0 =	sne.s32 s25, $0x6180;
	_ =	swait.ge [sflag:s8], $0x400  }
0x54: {  	[sflag:s8] =	ssyncset.done $0x0  }
0x55: {  	[sflag:s8] =	ssyncadd.s32 $0xFFFFFC00  }
0x56: {  	[spmem:s2] =	stream.indirect.scatter.add.f32 [tilespmem:s11], [sflag:$0x1], $0x10, s9, s10, $0xb8;
	[tilespmem:$0x1A880] =	vst v63  }
0x57: {  	_ = 	snop  }
0x58: {  	[spmem:s2] =	stream.indirect.scatter.add.f32 [tilespmem:s11], [sflag:$0x1], $0x10, s12, s10, $0xb8;
	[tilespmem:$0x1A880] =	vst v63  }
0x59: {  	_ = 	snop  }
0x5a: {  	[spmem:s2] =	stream.indirect.scatter.add.f32 [tilespmem:s11], [sflag:$0x1], $0x10, s13, s10, $0xb8;
	[tilespmem:$0x1A880] =	vst v63  }
0x5b: {  	_ = 	snop  }
0x5c: {  	[spmem:s2] =	stream.indirect.scatter.add.f32 [tilespmem:s11], [sflag:$0x1], $0x10, s14, s10, $0xb8;
	[tilespmem:$0x1A880] =	vst v63  }
0x5d: {  	_ = 	snop  }
0x5e: {  	[spmem:s2] =	stream.indirect.scatter.add.f32 [tilespmem:s11], [sflag:$0x1], $0x10, s15, s10, $0xb8;
	[tilespmem:$0x1A880] =	vst v63  }
0x5f: {  	_ = 	snop  }
0x60: {  	[spmem:s2] =	stream.indirect.scatter.add.f32 [tilespmem:s11], [sflag:$0x1], $0x10, s16, s10, $0xb8;
	[tilespmem:$0x1A880] =	vst v63  }
0x61: {  	_ = 	snop  }
0x62: {  	[spmem:s2] =	stream.indirect.scatter.add.f32 [tilespmem:s11], [sflag:$0x1], $0x10, s17, s10, $0xb8;
	[tilespmem:$0x1A880] =	vst v63  }
0x63: {  	_ = 	snop  }
0x64: {  	[spmem:s2] =	stream.indirect.scatter.add.f32 [tilespmem:s11], [sflag:$0x1], $0x10, s18, s10, $0xb8;
	[tilespmem:$0x1A880] =	vst v63  }
0x65: {  	_ =	swait.ge [sflag:s19], $0x800  }
0x66: {  	[sflag:s19] =	ssyncset.done $0x0  }
0x67: {  	[sflag:s19] =	ssyncadd.s32 $0xFFFFF800  }
0x68: {  	_ =	swait.ge [sflag:s19], $0x800  }
0x69: {  	[sflag:s19] =	ssyncset.done $0x0  }
0x6a: {  	[sflag:s19] =	ssyncadd.s32 $0xFFFFF800  }
0x6b: {  	_ =	swait.ge [sflag:s19], $0x800  }
0x6c: {  	[sflag:s19] =	ssyncset.done $0x0  }
0x6d: {  	[sflag:s19] =	ssyncadd.s32 $0xFFFFF800  }
0x6e: {  	_ =	swait.ge [sflag:s19], $0x800  }
0x6f: {  	[sflag:s19] =	ssyncset.done $0x0  }
0x70: {  	[sflag:s19] =	ssyncadd.s32 $0xFFFFF800  }
0x71: {  	_ =	swait.ge [sflag:s19], $0x800  }
0x72: {  	[sflag:s19] =	ssyncset.done $0x0  }
0x73: {  	[sflag:s19] =	ssyncadd.s32 $0xFFFFF800  }
0x74: {  	_ =	swait.ge [sflag:s19], $0x800  }
0x75: {  	[sflag:s19] =	ssyncset.done $0x0  }
0x76: {  	[sflag:s19] =	ssyncadd.s32 $0xFFFFF800  }
.Ltmp3:
0x77: {  	_ =	swait.ge [sflag:s19], $0x800;
	(pc) =	sbr.rel @p0 .LBB2_8-.Ltmp3, $4  }
0x78: {  	[sflag:s19] =	ssyncset.done $0x0  }
0x79: {  	[sflag:s19] =	ssyncadd.s32 $0xFFFFF800  }
0x7a: {  	_ =	swait.ge [sflag:s19], $0x800  }
0x7b: {  	s25 =	smov.u32 s24;
	[sflag:s19] =	ssyncset.done $0x0  }
0x7c: {  	s23 =	sadd.s32 s23, s6;
	[sflag:s19] =	ssyncadd.s32 $0xFFFFF800  }
0x7d: {  	[tilespmem:s9], [sflag:$0x2] =	stream.linear.gather [hbm4b:s23+s3], $0x400, $0x38;
	[tilespmem:$0x1A880] =	vst v63  }
0x7e: {  	_ =	swait.ge [sflag:s8], $0x400  }
0x7f: {  	[sflag:s8] =	ssyncset.done $0x0  }
0x80: {  	[sflag:s8] =	ssyncadd.s32 $0xFFFFFC00  }
0x81: {  	[spmem:s2] =	stream.indirect.scatter.add.f32 [tilespmem:s11], [sflag:$0x1], $0x10, s9, s10, $0xb8;
	[tilespmem:$0x1A880] =	vst v63  }
0x82: {  	_ = 	snop  }
0x83: {  	[spmem:s2] =	stream.indirect.scatter.add.f32 [tilespmem:s11], [sflag:$0x1], $0x10, s12, s10, $0xb8;
	[tilespmem:$0x1A880] =	vst v63  }
0x84: {  	_ = 	snop  }
0x85: {  	[spmem:s2] =	stream.indirect.scatter.add.f32 [tilespmem:s11], [sflag:$0x1], $0x10, s13, s10, $0xb8;
	[tilespmem:$0x1A880] =	vst v63  }
0x86: {  	_ = 	snop  }
0x87: {  	[spmem:s2] =	stream.indirect.scatter.add.f32 [tilespmem:s11], [sflag:$0x1], $0x10, s14, s10, $0xb8;
	[tilespmem:$0x1A880] =	vst v63  }
0x88: {  	_ = 	snop  }
0x89: {  	[spmem:s2] =	stream.indirect.scatter.add.f32 [tilespmem:s11], [sflag:$0x1], $0x10, s15, s10, $0xb8;
	[tilespmem:$0x1A880] =	vst v63  }
0x8a: {  	_ = 	snop  }
0x8b: {  	[spmem:s2] =	stream.indirect.scatter.add.f32 [tilespmem:s11], [sflag:$0x1], $0x10, s16, s10, $0xb8;
	[tilespmem:$0x1A880] =	vst v63  }
0x8c: {  	_ = 	snop  }
0x8d: {  	[spmem:s2] =	stream.indirect.scatter.add.f32 [tilespmem:s11], [sflag:$0x1], $0x10, s17, s10, $0xb8;
	[tilespmem:$0x1A880] =	vst v63  }
0x8e: {  	_ = 	snop  }
0x8f: {  	[spmem:s2] =	stream.indirect.scatter.add.f32 [tilespmem:s11], [sflag:$0x1], $0x10, s18, s10, $0xb8;
	[tilespmem:$0x1A880] =	vst v63  }
0x90: {  	_ =	swait.ge [sflag:s19], $0x800  }
0x91: {  	[sflag:s19] =	ssyncset.done $0x0  }
0x92: {  	[sflag:s19] =	ssyncadd.s32 $0xFFFFF800  }
0x93: {  	_ =	swait.ge [sflag:s19], $0x800  }
0x94: {  	[sflag:s19] =	ssyncset.done $0x0  }
0x95: {  	[sflag:s19] =	ssyncadd.s32 $0xFFFFF800  }
0x96: {  	_ =	swait.ge [sflag:s19], $0x800  }
0x97: {  	[sflag:s19] =	ssyncset.done $0x0  }
0x98: {  	[sflag:s19] =	ssyncadd.s32 $0xFFFFF800  }
0x99: {  	_ =	swait.ge [sflag:s19], $0x800  }
0x9a: {  	[sflag:s19] =	ssyncset.done $0x0  }
0x9b: {  	[sflag:s19] =	ssyncadd.s32 $0xFFFFF800  }
0x9c: {  	_ =	swait.ge [sflag:s19], $0x800  }
0x9d: {  	[sflag:s19] =	ssyncset.done $0x0  }
0x9e: {  	[sflag:s19] =	ssyncadd.s32 $0xFFFFF800  }
0x9f: {  	_ =	swait.ge [sflag:s19], $0x800  }
0xa0: {  	[sflag:s19] =	ssyncset.done $0x0  }
0xa1: {  	[sflag:s19] =	ssyncadd.s32 $0xFFFFF800  }
0xa2: {  	_ =	swait.ge [sflag:s19], $0x800  }
0xa3: {  	[sflag:s19] =	ssyncset.done $0x0  }
0xa4: {  	[sflag:s19] =	ssyncadd.s32 $0xFFFFF800  }
0xa5: {  	_ =	swait.ge [sflag:s19], $0x800  }
0xa6: {  	s22 =	sadd.s32 $0x1, s22;
	[sflag:s19] =	ssyncset.done $0x0  }
0xa7: {  	s31 =	sshll.u32 s0, $0x6;
	p0 =	sne.s32 s22, s4;
	[sflag:s19] =	ssyncadd.s32 $0xFFFFF800  }
.Ltmp4:
0xa8: {  	s23 =	sor.u32 $0x1C02, s31;
	[bflag:$0x0] =	sbarrier.arrive $0xFFFF;
	(pc) =	sbr.rel @p0 .LBB2_1-.Ltmp4, $4  }
0xa9: {  	[hbm:s20], [sflag:s23] =	dma.local [spmem:s21], $0x3200  }
0xaa: {  	_ =	swait.ge [sflag:s8], $0x3200  }
0xab: {  	[sflag:s8] =	ssyncset.done $0x0  }
0xac: {  	[sflag:s8] =	ssyncadd.s32 $0xFFFFCE00  }
0xad: {  	_ =	sfence.sel $0x180000  }
0xae: {  	[bflag:$0x0] =	sbarrier.arrive $0xFFFF  }
0xaf: {  	p0 =	sne.s32 s0, $0x0;
	_ =	strace $0x90000047  }
0xb0: {  	s0 =	sadd.s32 @!p0 $0x100000, s1;
	[bflag:$0x2] =	sbarrier.arrive $0xFFFF  }
0xb1: {  	[sflag:s0] =	ssyncadd.tile.s32 @!p0 $0x1;
	_ =	shalt  }
.Lfunc_end2:
_tile_overlayer_lowered:
.L_overlay_start_2:
0xb2: {  	(tag) =	ssettag $0x2  }
0xb3: {  	s0 =	rddreg [dreg:$0x0];
	s2 =	stileid.u32  }
0xb4: {  	s1 =	rddreg [dreg:$0x1];
	p0 =	sne.s32 s2, $0x0  }
0xb5: {  	s3 =	rddreg [dreg:$0x2];
	[bflag:$0x3] =	sbarrier.arrive $0xFFFF;
	s2 =	simm.s32 @!p0 $0x1C02  }
0xb6: {  	[timem:s3], [sflag:s2] =	dma.local @!p0 [hbm:s0], s1  }
0xb7: {  	s0 =	simm.s32 @!p0 $0x2  }
0xb8: {  	_ =	swait.ge @!p0 [sflag:s0], s1  }
0xb9: {  	s1 =	ssub.s32 @!p0 $0x0, s1;
	[sflag:s0] =	ssyncset.done @!p0 $0x0  }
0xba: {  	[sflag:s0] =	ssyncadd.s32 @!p0 s1  }
0xbb: {  	[bflag:$0x3] =	sbarrier.arrive $0xFFFF  }
0xbc: {  	_ =	shalt  }

// kernel: kernel.15.cloned.1.call-start
scs
__scs_entry_jumppad:
0x0: {  	(pc) =	sbr.rel $0x88, $3  }
0x1: {  	(tag) =	ssettag $0x0;
	lr =	simm.s32 $0x1  }
0x2: {  	[smem:$0x3F96] =	sst lr;
	_ =	strace $0xD0000000  }
0x3: {  	_ = 	snop  }
0x4: {  	_ = 	snop  }
0x5: {  	_ = 	snop  }
0x6: {  	_ = 	snop  }
0x7: {  	_ = 	snop  }
__scs_overlays_trampoline_lowered:
0x8: {  	[smem:$0x3FA5] =	sst s0  }
0x9: {  	[smem:$0x3FA6] =	sst s1  }
0xa: {  	[smem:$0x3FA7] =	sst s2  }
0xb: {  	[smem:$0x3FA8] =	sst s3  }
0xc: {  	[smem:$0x3FA9] =	sst s4  }
0xd: {  	[smem:$0x3FAA] =	sst s5  }
0xe: {  	[smem:$0x3FAB] =	sst s6  }
0xf: {  	[smem:$0x3FAC] =	sst s7  }
0x10: {  	[smem:$0x3FAD] =	sst s8  }
0x11: {  	[smem:$0x3FAE] =	sst s9;
	s0 =	simm.s32 @!p0 $0x0  }
0x12: {  	s1 =	sld [smem:$0x3F94];
	s0 =	simm.s32 @p0 $0x1  }
0x13: {  	[smem:$0x3FAF] =	sst s0;
	s0 =	simm.s32 @!p1 $0x0  }
0x14: {  	s2 =	sld [smem:$0x3F93];
	s0 =	simm.s32 @p1 $0x1  }
0x15: {  	[smem:$0x3FB0] =	sst s0;
	s0 =	simm.s32 @!p2 $0x0  }
0x16: {  	s3 =	sld [smem:$0x3FDB];
	s0 =	simm.s32 @p2 $0x1  }
0x17: {  	s4 =	simm.s32 $0x1BF5;
	[smem:$0x3FB2] =	sst s0  }
0x18: {  	s0 =	sld [smem:$0x3F95];
	_ =	swait.ge [sflag:s4], $0x0  }
0x19: {  	s7 =	sld [smem:$0x3F96]  }
0x1a: {  	s8 =	sadd.s32 $0xFFFFE003, lr  }
0x1b: {  	s9 =	sadd.s32 $0xFFFFFEF7, lr;
	s5 =	simm.s32 $0xFFFFFFFF;
	p2 =	slt.u32 s8, $0xFFFFF086  }
0x1c: {  	p1 =	slt.u32 s9, $0xF7A;
	s5 =	simm.s32 @!p2 $0x0  }
0x1d: {  	s5 =	simm.s32 @p1 $0x1;
	p0 =	seq.s32 s7, s2  }
0x1e: {  	s7 =	smul.u32 @!p0 $0xF7A, s2;
	p2 =	seq.s32 @!p0 s5, $0x0  }
0x1f: {  	s9 =	smul.u32 $0xF7A, s1;
	s8 =	simm.s32 @!p0 $0x1BF5;
	p2 =	por !p2, p0  }
0x20: {  	[sflag:s8] =	ssyncset.s32 @!p0 $0xFFFFF086;
	s6 =	sadd.s32 @!p0 s3, s7;
	s7 =	simm.s32 @!p0 $0x108  }
0x21: {  	s3 =	sadd.s32 s3, s9;
	s6 =	sadd.s32 @!p0 $0x88, s6;
	s7 =	simm.s32 @p2 $0x1082  }
0x22: {  	[simem:s7], [sflag:s8] =	dma.local @!p0 [hbm:s6], $0xF7A  }
0x23: {  	s9 =	sor.u32 $0xD0000000, s2;
	s6 =	simm.s32 $0x108;
	_ =	swait.ge @!p0 [sflag:s8], $0x0  }
0x24: {  	s3 =	sadd.s32 $0x88, s3;
	s6 =	simm.s32 @!p1 $0x1082;
	[sflag:s4] =	ssyncset.s32 $0xFFFFF086  }
0x25: {  	[simem:s6], [sflag:s4] =	dma.local [hbm:s3], $0xF7A  }
0x26: {  	[smem:$0x3F96] =	sst s1;
	(tag) =	ssettag s2;
	_ =	strace s9  }
0x27: {  	s1 =	sld [smem:$0x3FA6]  }
0x28: {  	s2 =	sld [smem:$0x3FA7]  }
0x29: {  	s4 =	sld [smem:$0x3FA9]  }
0x2a: {  	p0 =	seq.s32 s5, $0x0;
	s5 =	sld [smem:$0x3FAA]  }
0x2b: {  	s6 =	sld [smem:$0x3FAB]  }
0x2c: {  	s7 =	sld [smem:$0x3FAC]  }
0x2d: {  	s3 =	simm.s32 $0x108;
	s8 =	sld [smem:$0x3FAD]  }
0x2e: {  	s3 =	simm.s32 @!p0 $0x1082;
	s9 =	sld [smem:$0x3FAE]  }
0x2f: {  	lr =	sadd.s32 s0, s3;
	s0 =	sld [smem:$0x3FA5]  }
0x30: {  	s3 =	sld [smem:$0x3FA8]  }
0x31: {  	[smem:$0x3FB1] =	sst s10  }
0x32: {  	s10 =	sld [smem:$0x3FAF];
	_ =	sdelay $0x3  }
0x33: {  	p0 =	seq.s32 s10, $0x1;
	s10 =	sld [smem:$0x3FB1];
	_ =	sdelay $0x3  }
0x34: {  	[smem:$0x3FB1] =	sst s10  }
0x35: {  	s10 =	sld [smem:$0x3FB0];
	_ =	sdelay $0x3  }
0x36: {  	p1 =	seq.s32 s10, $0x1;
	s10 =	sld [smem:$0x3FB1];
	_ =	sdelay $0x3  }
0x37: {  	[smem:$0x3FB1] =	sst s10  }
0x38: {  	s10 =	sld [smem:$0x3FB2]  }
0x39: {  	_ = 	snop;
	(pc) =	sbr.ind lr, $3  }
0x3a: {  	_ = 	snop  }
0x3b: {  	_ = 	snop  }
0x3c: {  	p2 =	seq.s32 s10, $0x1;
	s10 =	sld [smem:$0x3FB1]  }
0x3d: {  	_ =	shalt  }
0x3e: {  	_ =	shalt  }
0x3f: {  	_ =	shalt  }
0x40: {  	_ =	shalt  }
0x41: {  	_ =	shalt  }
0x42: {  	_ =	shalt  }
0x43: {  	_ =	shalt  }
0x44: {  	_ =	shalt  }
0x45: {  	_ =	shalt  }
0x46: {  	_ =	shalt  }
0x47: {  	_ =	shalt  }
0x48: {  	_ =	shalt  }
0x49: {  	_ =	shalt  }
0x4a: {  	_ =	shalt  }
0x4b: {  	_ =	shalt  }
0x4c: {  	_ =	shalt  }
0x4d: {  	_ =	shalt  }
0x4e: {  	_ =	shalt  }
0x4f: {  	_ =	shalt  }
0x50: {  	_ =	shalt  }
0x51: {  	_ =	shalt  }
0x52: {  	_ =	shalt  }
0x53: {  	_ =	shalt  }
0x54: {  	_ =	shalt  }
0x55: {  	_ =	shalt  }
0x56: {  	_ =	shalt  }
0x57: {  	_ =	shalt  }
0x58: {  	_ =	shalt  }
0x59: {  	_ =	shalt  }
0x5a: {  	_ =	shalt  }
0x5b: {  	_ =	shalt  }
0x5c: {  	_ =	shalt  }
0x5d: {  	_ =	shalt  }
0x5e: {  	_ =	shalt  }
0x5f: {  	_ =	shalt  }
0x60: {  	_ =	shalt  }
0x61: {  	_ =	shalt  }
0x62: {  	_ =	shalt  }
0x63: {  	_ =	shalt  }
0x64: {  	_ =	shalt  }
0x65: {  	_ =	shalt  }
0x66: {  	_ =	shalt  }
0x67: {  	_ =	shalt  }
0x68: {  	_ =	shalt  }
0x69: {  	_ =	shalt  }
0x6a: {  	_ =	shalt  }
0x6b: {  	_ =	shalt  }
0x6c: {  	_ =	shalt  }
0x6d: {  	_ =	shalt  }
0x6e: {  	_ =	shalt  }
0x6f: {  	_ =	shalt  }
0x70: {  	_ =	shalt  }
0x71: {  	_ =	shalt  }
0x72: {  	_ =	shalt  }
0x73: {  	_ =	shalt  }
0x74: {  	_ =	shalt  }
0x75: {  	_ =	shalt  }
0x76: {  	_ =	shalt  }
0x77: {  	_ =	shalt  }
0x78: {  	_ =	shalt  }
0x79: {  	_ =	shalt  }
0x7a: {  	_ =	shalt  }
0x7b: {  	_ =	shalt  }
0x7c: {  	_ =	shalt  }
0x7d: {  	_ =	shalt  }
0x7e: {  	_ =	shalt  }
0x7f: {  	_ =	shalt  }
0x80: {  	_ =	shalt  }
0x81: {  	_ =	shalt  }
0x82: {  	_ =	shalt  }
0x83: {  	_ =	shalt  }
0x84: {  	_ =	shalt  }
0x85: {  	_ =	shalt  }
0x86: {  	_ =	shalt  }
0x87: {  	_ =	shalt  }
.Lfunc_end0:
.L_simem_size_0:
called_computation.1_lowered:
.L_overlay_start_0:
0x88: {  	s2 =	sld [smem:$0x3FD9]  }
0x89: {  	s3 =	sld [smem:$0x3FFE];
	_ =	sdelay $0x1  }
0x8a: {  	s1 =	srdreg.scid  }
0x8b: {  	s0 =	sand.u32 $0x1, s1  }
0x8c: {  	s16 =	sshll.u32 s0, $0xA;
	s2 =	sadd.s32 s3, s2  }
0x8d: {  	s2 =	sadd.s32 s2, s16  }
0x8e: {  	[smem:$0x3FBD] =	sst s2  }
0x8f: {  	_ = 	snop  }
0x90: {  	(tm) =	ssettm $0x1  }
0x91: {  	s17 =	sld [smem:$0x3FFB];
	_ =	sdelay $0x3  }
0x92: {  	_ =	strace s17  }
0x93: {  	s2 =	sld [smem:$0x3FFC];
	_ =	sdelay $0x3  }
0x94: {  	_ =	strace s2  }
0x95: {  	s2 =	sld [smem:$0x3FFD];
	_ =	sdelay $0x3  }
0x96: {  	_ =	strace s2  }
0x97: {  	_ =	strace $0x8FFFFFFF  }
0x98: {  	s18 =	sld [smem:$0x3FDB];
	_ =	sdelay $0x1  }
0x99: {  	s19 =	simm.s32 $_scs_section_size  }
0x9a: {  	s4 =	simm.s32 $_size__tile_overlayer_lowered;
	s5 =	simm.s32 $_tile_overlayer_lowered  }
0x9b: {  	s22 =	simm.s32 $0x1BFF;
	s21 =	sshll.u32 s5, $0x1;
	s2 =	sadd.s32 s19, s18  }
0x9c: {  	s6 =	simm.s32 $0x0;
	s20 =	sshll.u32 s4, $0x1;
	s4 =	sadd.s32 s21, s2  }
0x9d: {  	[timem:s6], [sflag:s22] =	dma.local [hbm:s4], s20  }
0x9e: {  	_ =	swait.ge [sflag:s22], s20  }
0x9f: {  	s3 =	ssub.s32 $0x0, s20;
	[sflag:s22] =	ssyncset.done $0x0  }
0xa0: {  	[sflag:s22] =	ssyncadd.s32 s3;
	_ =	sdelay $0x1  }
0xa1: {  	s23 =	simm.s32 $0x1B8B  }
0xa2: {  	_ =	swait.ge [sflag:s23], $0x1  }
0xa3: {  	[sflag:s23] =	ssyncset.done $0x0  }
0xa4: {  	s25 =	simm.s32 $0x1B8E;
	s24 =	sld [smem:$0x3FFE];
	[sflag:s23] =	ssyncadd.s32 $0xFFFFFFFF  }
0xa5: {  	s26 =	simm.s32 $execute0_lowered;
	[smem:$0x3FD2] =	sst s25  }
0xa6: {  	s4 =	sshll.u32 s26, $0x1;
	_ =	strace $0x80000049;
	[dreg:$0x1] =	wrdreg $0xFFFFFFFF  }
0xa7: {  	s28 =	simm.s32 $_size_execute0_lowered;
	s2 =	sadd.s32 s2, s4;
	[dreg:$0x0] =	wrdreg $0x0  }
0xa8: {  	s4 =	sshll.u32 s28, $0x1;
	[dreg:$0x2] =	wrdreg s2  }
0xa9: {  	[dreg:$0x3] =	wrdreg s4  }
0xaa: {  	[dreg:$0x4] =	wrdreg $0xC0  }
0xab: {  	_ =	task [dreg:s6], $0x5FFFF  }
0xac: {  	[dreg:$0x1] =	wrdreg $0xFFFFFFFF  }
0xad: {  	[dreg:$0x0] =	wrdreg $0x60  }
0xae: {  	[dreg:$0x2] =	wrdreg s24  }
0xaf: {  	[dreg:$0x3] =	wrdreg $0x0  }
0xb0: {  	[dreg:$0x4] =	wrdreg $0x9  }
0xb1: {  	_ =	task.clear_ibuf [dreg:s6], $0x5FFFF;
	_ =	strace $0x90000049  }
0xb2: {  	s29 =	simm.s32 $0x9;
	_ =	strace $0x8000004B  }
0xb3: {  	_ =	swait.ge [sflag:s29], $0x1  }
0xb4: {  	[sflag:s29] =	ssyncadd.s32 $0xFFFFFFFF  }
0xb5: {  	_ =	strace $0x9000004B  }
0xb6: {  	_ =	sfence  }
0xb7: {  	s30 =	sld [smem:$0x0];
	_ =	sdelay $0x2  }
0xb8: {  	s31 =	sshll.u32 s1, $0xD;
	s1 =	sshrl.u32 s1, $0x2  }
0xb9: {  	s3 =	sand.u32 $0x4000, s31;
	s1 =	sadd.s32 s1, s30  }
0xba: {  	s0 =	sor.u32 s3, s0;
	s1 =	sshll.u32 s1, $0x11  }
0xbb: {  	s0 =	sor.u32 s1, s0  }
0xbc: {  	s0 =	sadd.s32 $0x8F2B, s0  }
0xbd: {  	[sflag:s0] =	ssyncadd.remote.s32 $0x1  }
0xbe: {  	_ =	sfence.sel $0xFFFF  }
0xbf: {  	[dreg:$0x0] =	wrdreg $0xFFFFFFFF;
	(pc) =	sbr.abs _section_cstart, $3  }
0xc0: {  	[dreg:$0x1] =	wrdreg $0xFFFFFFFF  }
0xc1: {  	_ =	task.clear_ibuf [dreg:s6], $0x2FFFF;
	_ =	strace $0x9FFFFFFF  }
0xc2: {  	(tm) =	ssettm $0x7FFFFFFF  }
0xc3: {  	_ =	shalt  }
tec
execute0_lowered:
.L_overlay_start_1:
0x0: {  	(tag) =	ssettag $0x1  }
0x1: {  	s0 =	srdreg.scid;
	s1 =	rddreg [dreg:$0x0]  }
0x2: {  	s8 =	stileid.u32;
	s2 =	rddreg [dreg:$0x1]  }
0x3: {  	s3 =	simm.s32 $0x0;
	s9 =	simm.s32 $0x19000;
	s10 =	simm.s32 $0x19400  }
0x4: {  	s11 =	simm.s32 $0x80;
	s19 =	simm.s32 $0x19080;
	s12 =	simm.s32 $0x19800  }
0x5: {  	s20 =	simm.s32 $0x19100;
	s13 =	simm.s32 $0x1A000;
	s21 =	simm.s32 $0x19180  }
0x6: {  	s14 =	simm.s32 $0x1A800;
	s22 =	simm.s32 $0x19200;
	s15 =	simm.s32 $0x1B000  }
0x7: {  	s25 =	simm.s32 $0x19380;
	s28 =	simm.s32 $0x19500;
	s29 =	simm.s32 $0x19580  }
0x8: {  	s30 =	simm.s32 $0x19600;
	s31 =	simm.s32 $0x19780;
	s5 =	smul.u32 $0x31000, s8  }
0x9: {  	s0 =	sand.u32 $0x1, s0;
	[smem:$0x7FF] =	sst s3;
	s7 =	smul.u32 $0x19000, s8  }
0xa: {  	s17 =	smul.u32 $0x64000, s8;
	_ =	strace $0x8000004A;
	[dreg:$0x5] =	wrdreg s19  }
0xb: {  	s8 =	simm.s32 $0x3;
	s4 =	smul.u32 $0x310000, s0;
	[dreg:$0x6] =	wrdreg s20  }
0xc: {  	s6 =	smul.u32 $0x32000, s0;
	s0 =	ssub.s32 $0x2, s0;
	[dreg:$0x7] =	wrdreg s21  }
0xd: {  	[dreg:$0x8] =	wrdreg s22;
	s19 =	simm.s32 $0x19280;
	s21 =	simm.s32 $0x19300  }
0xe: {  	s20 =	simm.s32 $0x1C800;
	s22 =	simm.s32 $0x1D000;
	s16 =	sshrl.u32 s0, $0x1  }
0xf: {  	s23 =	sshrl.u32 s7, $0x3;
	s7 =	sadd.s32 s7, s2;
	s4 =	sadd.s32 s5, s4  }
0x10: {  	s0 =	ssub.s32 s0, s16;
	s16 =	simm.s32 $0x1B800;
	s26 =	sshrl.u32 s7, $0x3  }
0x11: {  	s5 =	sshrl.u32 s4, $0x3;
	s4 =	sadd.s32 $0x3600, s1;
	s0 =	smax.u32 s0, $0x1  }
0x12: {  	[dreg:$0xb] =	wrdreg s26;
	s26 =	simm.s32 $0x19480;
	s5 =	sadd.s32 s5, s1  }
0x13: {  	s1 =	sadd.s32 s6, s1;
	s6 =	sshrl.u32 s17, $0x2;
	[dreg:$0x9] =	wrdreg s0  }
0x14: {  	s17 =	simm.s32 $0x1D800;
	s0 =	simm.s32 $0x19700;
	s18 =	sadd.s32 $0xC6C00, s5  }
0x15: {  	s1 =	sadd.s32 $0x35600, s1;
	s5 =	sadd.s32 $0x311600, s5;
	[dreg:$0x3] =	wrdreg s18  }
0x16: {  	s6 =	sadd.s32 s6, s2;
	[dreg:$0x4] =	wrdreg s5;
	s18 =	simm.s32 $0x1C000  }
0x17: {  	s24 =	sadd.s32 s23, s1;
	s1 =	simm.s32 $0x19680;
	s5 =	simm.s32 $0x2  }
0x18: {  	v0 =	vimm.f32 $0.0e+00;
	s23 =	simm.s32 $0x0;
	[dreg:$0xa] =	wrdreg s24;
	s24 =	simm.s32 $0x1  }
.LBB2_1:
0x19: {  	[dreg:$0xc] =	wrdreg s23;
	s7 =	simm.s32 $0x0  }
.LBB2_2:
0x1a: {  	p0 =	sne.s32 s7, $0x31C0  }
.Ltmp0:
0x1b: {  	_ = 	snop;
	(pc) =	sbr.rel @p0 .LBB2_2-.Ltmp0, $3  }
0x1c: {  	_ =	sdelay $0x1  }
0x1d: {  	s23 =	sshra.s32 s7, $0x2  }
0x1e: {  	s7 =	sadd.s32 $0x40, s7;
	[tilespmem:s23+$0x1D800] =	vst v0  }
0x1f: {  	s7 =	sadd.s32 $0x0, s6  }
0x20: {  	[spmem:s7] =	stream.linear.scatter [tilespmem:s17], [sflag:$0x3], $0xC80, $0x38;
	[tilespmem:$0x1E480] =	vst v63  }
0x21: {  	s23 =	simm.s32 $0x3200;
	_ =	swait.ge [sflag:s8], $0xC80  }
.LBB2_4:
0x22: {  	s7 =	sshra.s32 s23, $0x2;
	[sflag:s8] =	ssyncset.done $0x0;
	p0 =	sne.s32 s23, $0x60E00  }
.Ltmp1:
0x23: {  	s7 =	sadd.s32 s7, s6;
	[sflag:s8] =	ssyncadd.s32 $0xFFFFF380;
	(pc) =	sbr.rel @p0 .LBB2_4-.Ltmp1, $3  }
0x24: {  	[spmem:s7] =	stream.linear.scatter [tilespmem:s17], [sflag:$0x3], $0xC80, $0x38;
	[tilespmem:$0x1E480] =	vst v63  }
0x25: {  	s23 =	sadd.s32 $0x3200, s23;
	_ =	sdelay $0x1  }
0x26: {  	_ =	swait.ge [sflag:s8], $0xC80  }
0x27: {  	[sflag:s8] =	ssyncset.done $0x0  }
0x28: {  	[sflag:s8] =	ssyncadd.s32 $0xFFFFF380  }
0x29: {  	[bflag:$0x0] =	sbarrier.arrive $0xFFFF  }
0x2a: {  	s7 =	rddreg [dreg:$0x4]  }
0x2b: {  	s7 =	sadd.s32 $0x0, s7  }
0x2c: {  	[tilespmem:s9], [sflag:$0x3] =	stream.linear.gather [hbm4b:s7+s3], $0x400, $0x38;
	[tilespmem:$0x1E480] =	vst v63  }
0x2d: {  	_ =	swait.ge [sflag:s8], $0x400  }
0x2e: {  	s23 =	rddreg [dreg:$0x3];
	[sflag:s8] =	ssyncset.done $0x0  }
0x2f: {  	[sflag:s8] =	ssyncadd.s32 $0xFFFFFC00;
	s7 =	sadd.s32 $0x0, s23  }
0x30: {  	[tilespmem:s10], [sflag:$0x3] =	stream.linear.gather [hbm4b:s7+s3], $0x400, $0x38;
	[tilespmem:$0x1E480] =	vst v63  }
0x31: {  	_ =	swait.ge [sflag:s8], $0x400  }
0x32: {  	[sflag:s8] =	ssyncset.done $0x0  }
0x33: {  	[sflag:s8] =	ssyncadd.s32 $0xFFFFFC00  }
0x34: {  	[tilespmem:s12], [sflag:$0x1] =	stream.indirect.gather [hbm4b:s4+s11], $0x10, s9, s11, $0xb8;
	[tilespmem:$0x1E480] =	vst v63  }
0x35: {  	s17 =	rddreg [dreg:$0x5]  }
0x36: {  	[tilespmem:s13], [sflag:$0x1] =	stream.indirect.gather [hbm4b:s4+s11], $0x10, s17, s11, $0xb8;
	[tilespmem:$0x1E480] =	vst v63  }
0x37: {  	s23 =	rddreg [dreg:$0x6]  }
0x38: {  	[tilespmem:s14], [sflag:$0x1] =	stream.indirect.gather [hbm4b:s4+s11], $0x10, s23, s11, $0xb8;
	[tilespmem:$0x1E480] =	vst v63  }
0x39: {  	s7 =	rddreg [dreg:$0x7]  }
0x3a: {  	[tilespmem:s15], [sflag:$0x1] =	stream.indirect.gather [hbm4b:s4+s11], $0x10, s7, s11, $0xb8;
	[tilespmem:$0x1E480] =	vst v63  }
0x3b: {  	s17 =	rddreg [dreg:$0x8]  }
0x3c: {  	[tilespmem:s16], [sflag:$0x1] =	stream.indirect.gather [hbm4b:s4+s11], $0x10, s17, s11, $0xb8;
	[tilespmem:$0x1E480] =	vst v63  }
0x3d: {  	_ = 	snop  }
0x3e: {  	[tilespmem:s18], [sflag:$0x1] =	stream.indirect.gather [hbm4b:s4+s11], $0x10, s19, s11, $0xb8;
	[tilespmem:$0x1E480] =	vst v63  }
0x3f: {  	_ = 	snop  }
0x40: {  	[tilespmem:s20], [sflag:$0x1] =	stream.indirect.gather [hbm4b:s4+s11], $0x10, s21, s11, $0xb8;
	[tilespmem:$0x1E480] =	vst v63  }
0x41: {  	_ = 	snop  }
0x42: {  	[tilespmem:s22], [sflag:$0x1] =	stream.indirect.gather [hbm4b:s4+s11], $0x10, s25, s11, $0xb8;
	[tilespmem:$0x1E480] =	vst v63  }
0x43: {  	_ =	swait.ge [sflag:s24], $0x800  }
0x44: {  	[sflag:s24] =	ssyncset.done $0x0  }
0x45: {  	[sflag:s24] =	ssyncadd.s32 $0xFFFFF800  }
0x46: {  	_ =	swait.ge [sflag:s24], $0x800  }
0x47: {  	[sflag:s24] =	ssyncset.done $0x0  }
0x48: {  	[sflag:s24] =	ssyncadd.s32 $0xFFFFF800  }
0x49: {  	_ =	swait.ge [sflag:s24], $0x800  }
0x4a: {  	[sflag:s24] =	ssyncset.done $0x0  }
0x4b: {  	[sflag:s24] =	ssyncadd.s32 $0xFFFFF800  }
0x4c: {  	_ =	swait.ge [sflag:s24], $0x800  }
0x4d: {  	[sflag:s24] =	ssyncset.done $0x0  }
0x4e: {  	[sflag:s24] =	ssyncadd.s32 $0xFFFFF800  }
0x4f: {  	_ =	swait.ge [sflag:s24], $0x800  }
0x50: {  	[sflag:s24] =	ssyncset.done $0x0  }
0x51: {  	[sflag:s24] =	ssyncadd.s32 $0xFFFFF800  }
0x52: {  	_ =	swait.ge [sflag:s24], $0x800  }
0x53: {  	[sflag:s24] =	ssyncset.done $0x0  }
0x54: {  	[sflag:s24] =	ssyncadd.s32 $0xFFFFF800  }
0x55: {  	_ =	swait.ge [sflag:s24], $0x800  }
0x56: {  	[sflag:s24] =	ssyncset.done $0x0  }
0x57: {  	[sflag:s24] =	ssyncadd.s32 $0xFFFFF800  }
0x58: {  	_ =	swait.ge [sflag:s24], $0x800  }
0x59: {  	[sflag:s24] =	ssyncset.done $0x0  }
0x5a: {  	[sflag:s24] =	ssyncadd.s32 $0xFFFFF800  }
0x5b: {  	[spmem:s2] =	stream.indirect.scatter.add.f32 [tilespmem:s12], [sflag:$0x2], $0x10, s10, s11, $0xb8;
	[tilespmem:$0x1E480] =	vst v63  }
0x5c: {  	_ = 	snop  }
0x5d: {  	[spmem:s2] =	stream.indirect.scatter.add.f32 [tilespmem:s13], [sflag:$0x2], $0x10, s26, s11, $0xb8;
	[tilespmem:$0x1E480] =	vst v63  }
0x5e: {  	_ = 	snop  }
0x5f: {  	[spmem:s2] =	stream.indirect.scatter.add.f32 [tilespmem:s14], [sflag:$0x2], $0x10, s28, s11, $0xb8;
	[tilespmem:$0x1E480] =	vst v63  }
0x60: {  	_ = 	snop  }
0x61: {  	[spmem:s2] =	stream.indirect.scatter.add.f32 [tilespmem:s15], [sflag:$0x2], $0x10, s29, s11, $0xb8;
	[tilespmem:$0x1E480] =	vst v63  }
0x62: {  	_ = 	snop  }
0x63: {  	[spmem:s2] =	stream.indirect.scatter.add.f32 [tilespmem:s16], [sflag:$0x2], $0x10, s30, s11, $0xb8;
	[tilespmem:$0x1E480] =	vst v63  }
0x64: {  	_ = 	snop  }
0x65: {  	[spmem:s2] =	stream.indirect.scatter.add.f32 [tilespmem:s18], [sflag:$0x2], $0x10, s1, s11, $0xb8;
	[tilespmem:$0x1E480] =	vst v63  }
0x66: {  	_ = 	snop  }
0x67: {  	[spmem:s2] =	stream.indirect.scatter.add.f32 [tilespmem:s20], [sflag:$0x2], $0x10, s0, s11, $0xb8;
	[tilespmem:$0x1E480] =	vst v63  }
0x68: {  	_ = 	snop  }
0x69: {  	[spmem:s2] =	stream.indirect.scatter.add.f32 [tilespmem:s22], [sflag:$0x2], $0x10, s31, s11, $0xb8;
	[tilespmem:$0x1E480] =	vst v63  }
0x6a: {  	_ =	swait.ge [sflag:s5], $0x800  }
0x6b: {  	[sflag:s5] =	ssyncset.done $0x0  }
0x6c: {  	[sflag:s5] =	ssyncadd.s32 $0xFFFFF800  }
0x6d: {  	_ =	swait.ge [sflag:s5], $0x800  }
0x6e: {  	[sflag:s5] =	ssyncset.done $0x0  }
0x6f: {  	[sflag:s5] =	ssyncadd.s32 $0xFFFFF800  }
0x70: {  	_ =	swait.ge [sflag:s5], $0x800  }
0x71: {  	[sflag:s5] =	ssyncset.done $0x0  }
0x72: {  	[sflag:s5] =	ssyncadd.s32 $0xFFFFF800  }
0x73: {  	_ =	swait.ge [sflag:s5], $0x800  }
0x74: {  	[sflag:s5] =	ssyncset.done $0x0  }
0x75: {  	[sflag:s5] =	ssyncadd.s32 $0xFFFFF800  }
0x76: {  	_ =	swait.ge [sflag:s5], $0x800  }
0x77: {  	[sflag:s5] =	ssyncset.done $0x0  }
0x78: {  	[sflag:s5] =	ssyncadd.s32 $0xFFFFF800  }
0x79: {  	_ =	swait.ge [sflag:s5], $0x800  }
0x7a: {  	[sflag:s5] =	ssyncset.done $0x0  }
0x7b: {  	s23 =	simm.s32 $0x100;
	s19 =	simm.s32 $0x19280;
	[sflag:s5] =	ssyncadd.s32 $0xFFFFF800  }
0x7c: {  	s21 =	simm.s32 $0x19300;
	s25 =	simm.s32 $0x80;
	_ =	swait.ge [sflag:s5], $0x800  }
0x7d: {  	s26 =	simm.s32 $0x19380;
	s28 =	simm.s32 $0x19480;
	[sflag:s5] =	ssyncset.done $0x0  }
0x7e: {  	s29 =	simm.s32 $0x19500;
	s30 =	simm.s32 $0x19580;
	[sflag:s5] =	ssyncadd.s32 $0xFFFFF800  }
0x7f: {  	s1 =	simm.s32 $0x19680;
	s0 =	simm.s32 $0x19700;
	_ =	swait.ge [sflag:s5], $0x800  }
0x80: {  	s31 =	simm.s32 $0x19600;
	s7 =	rddreg [dreg:$0x4];
	[sflag:s5] =	ssyncset.done $0x0  }
.LBB2_6:
0x81: {  	[sflag:s5] =	ssyncadd.s32 $0xFFFFF800;
	s7 =	sadd.s32 s25, s7  }
0x82: {  	[tilespmem:s9], [sflag:$0x3] =	stream.linear.gather [hbm4b:s7+s3], $0x400, $0x38;
	[tilespmem:$0x1E480] =	vst v63  }
0x83: {  	_ =	swait.ge [sflag:s8], $0x400  }
0x84: {  	s7 =	rddreg [dreg:$0x3];
	[sflag:s8] =	ssyncset.done $0x0  }
0x85: {  	[sflag:s8] =	ssyncadd.s32 $0xFFFFFC00;
	s7 =	sadd.s32 s25, s7  }
0x86: {  	[tilespmem:s10], [sflag:$0x3] =	stream.linear.gather [hbm4b:s7+s3], $0x400, $0x38;
	[tilespmem:$0x1E480] =	vst v63  }
0x87: {  	_ =	swait.ge [sflag:s8], $0x400  }
0x88: {  	[sflag:s8] =	ssyncset.done $0x0  }
0x89: {  	[sflag:s8] =	ssyncadd.s32 $0xFFFFFC00  }
0x8a: {  	[tilespmem:s12], [sflag:$0x1] =	stream.indirect.gather [hbm4b:s4+s11], $0x10, s9, s11, $0xb8;
	[tilespmem:$0x1E480] =	vst v63  }
0x8b: {  	s17 =	smov.u32 s23;
	s7 =	rddreg [dreg:$0x5]  }
0x8c: {  	[tilespmem:s13], [sflag:$0x1] =	stream.indirect.gather [hbm4b:s4+s11], $0x10, s7, s11, $0xb8;
	[tilespmem:$0x1E480] =	vst v63  }
0x8d: {  	s25 =	smov.u32 s17;
	s17 =	rddreg [dreg:$0x6]  }
0x8e: {  	[tilespmem:s14], [sflag:$0x1] =	stream.indirect.gather [hbm4b:s4+s11], $0x10, s17, s11, $0xb8;
	[tilespmem:$0x1E480] =	vst v63  }
0x8f: {  	s7 =	rddreg [dreg:$0x7]  }
0x90: {  	[tilespmem:s15], [sflag:$0x1] =	stream.indirect.gather [hbm4b:s4+s11], $0x10, s7, s11, $0xb8;
	[tilespmem:$0x1E480] =	vst v63  }
0x91: {  	s17 =	rddreg [dreg:$0x8]  }
0x92: {  	[tilespmem:s16], [sflag:$0x1] =	stream.indirect.gather [hbm4b:s4+s11], $0x10, s17, s11, $0xb8;
	[tilespmem:$0x1E480] =	vst v63  }
0x93: {  	_ = 	snop  }
0x94: {  	[tilespmem:s18], [sflag:$0x1] =	stream.indirect.gather [hbm4b:s4+s11], $0x10, s19, s11, $0xb8;
	[tilespmem:$0x1E480] =	vst v63  }
0x95: {  	_ = 	snop  }
0x96: {  	[tilespmem:s20], [sflag:$0x1] =	stream.indirect.gather [hbm4b:s4+s11], $0x10, s21, s11, $0xb8;
	[tilespmem:$0x1E480] =	vst v63  }
0x97: {  	_ = 	snop  }
0x98: {  	[tilespmem:s22], [sflag:$0x1] =	stream.indirect.gather [hbm4b:s4+s11], $0x10, s26, s11, $0xb8;
	[tilespmem:$0x1E480] =	vst v63  }
0x99: {  	_ =	swait.ge [sflag:s24], $0x800  }
0x9a: {  	[sflag:s24] =	ssyncset.done $0x0  }
0x9b: {  	[sflag:s24] =	ssyncadd.s32 $0xFFFFF800  }
0x9c: {  	_ =	swait.ge [sflag:s24], $0x800  }
0x9d: {  	[sflag:s24] =	ssyncset.done $0x0  }
0x9e: {  	[sflag:s24] =	ssyncadd.s32 $0xFFFFF800  }
0x9f: {  	_ =	swait.ge [sflag:s24], $0x800  }
0xa0: {  	[sflag:s24] =	ssyncset.done $0x0  }
0xa1: {  	[sflag:s24] =	ssyncadd.s32 $0xFFFFF800  }
0xa2: {  	_ =	swait.ge [sflag:s24], $0x800  }
0xa3: {  	[sflag:s24] =	ssyncset.done $0x0  }
0xa4: {  	[sflag:s24] =	ssyncadd.s32 $0xFFFFF800  }
0xa5: {  	_ =	swait.ge [sflag:s24], $0x800  }
0xa6: {  	[sflag:s24] =	ssyncset.done $0x0  }
0xa7: {  	[sflag:s24] =	ssyncadd.s32 $0xFFFFF800  }
0xa8: {  	_ =	swait.ge [sflag:s24], $0x800  }
0xa9: {  	[sflag:s24] =	ssyncset.done $0x0  }
0xaa: {  	[sflag:s24] =	ssyncadd.s32 $0xFFFFF800  }
0xab: {  	_ =	swait.ge [sflag:s24], $0x800  }
0xac: {  	[sflag:s24] =	ssyncset.done $0x0  }
0xad: {  	[sflag:s24] =	ssyncadd.s32 $0xFFFFF800  }
0xae: {  	_ =	swait.ge [sflag:s24], $0x800  }
0xaf: {  	[sflag:s24] =	ssyncset.done $0x0  }
0xb0: {  	[sflag:s24] =	ssyncadd.s32 $0xFFFFF800  }
0xb1: {  	[spmem:s2] =	stream.indirect.scatter.add.f32 [tilespmem:s12], [sflag:$0x2], $0x10, s10, s11, $0xb8;
	[tilespmem:$0x1E480] =	vst v63  }
0xb2: {  	_ = 	snop  }
0xb3: {  	[spmem:s2] =	stream.indirect.scatter.add.f32 [tilespmem:s13], [sflag:$0x2], $0x10, s28, s11, $0xb8;
	[tilespmem:$0x1E480] =	vst v63  }
0xb4: {  	_ = 	snop  }
0xb5: {  	[spmem:s2] =	stream.indirect.scatter.add.f32 [tilespmem:s14], [sflag:$0x2], $0x10, s29, s11, $0xb8;
	[tilespmem:$0x1E480] =	vst v63  }
0xb6: {  	_ = 	snop  }
0xb7: {  	[spmem:s2] =	stream.indirect.scatter.add.f32 [tilespmem:s15], [sflag:$0x2], $0x10, s30, s11, $0xb8;
	[tilespmem:$0x1E480] =	vst v63  }
0xb8: {  	_ = 	snop  }
0xb9: {  	[spmem:s2] =	stream.indirect.scatter.add.f32 [tilespmem:s16], [sflag:$0x2], $0x10, s31, s11, $0xb8;
	[tilespmem:$0x1E480] =	vst v63  }
0xba: {  	_ = 	snop  }
0xbb: {  	[spmem:s2] =	stream.indirect.scatter.add.f32 [tilespmem:s18], [sflag:$0x2], $0x10, s1, s11, $0xb8;
	[tilespmem:$0x1E480] =	vst v63  }
0xbc: {  	_ = 	snop  }
0xbd: {  	[spmem:s2] =	stream.indirect.scatter.add.f32 [tilespmem:s20], [sflag:$0x2], $0x10, s0, s11, $0xb8;
	[tilespmem:$0x1E480] =	vst v63  }
0xbe: {  	s17 =	simm.s32 $0x19780  }
0xbf: {  	[spmem:s2] =	stream.indirect.scatter.add.f32 [tilespmem:s22], [sflag:$0x2], $0x10, s17, s11, $0xb8;
	[tilespmem:$0x1E480] =	vst v63  }
0xc0: {  	_ =	swait.ge [sflag:s5], $0x800  }
0xc1: {  	[sflag:s5] =	ssyncset.done $0x0  }
0xc2: {  	[sflag:s5] =	ssyncadd.s32 $0xFFFFF800  }
0xc3: {  	_ =	swait.ge [sflag:s5], $0x800  }
0xc4: {  	[sflag:s5] =	ssyncset.done $0x0  }
0xc5: {  	[sflag:s5] =	ssyncadd.s32 $0xFFFFF800  }
0xc6: {  	_ =	swait.ge [sflag:s5], $0x800  }
0xc7: {  	[sflag:s5] =	ssyncset.done $0x0  }
0xc8: {  	[sflag:s5] =	ssyncadd.s32 $0xFFFFF800  }
0xc9: {  	_ =	swait.ge [sflag:s5], $0x800  }
0xca: {  	[sflag:s5] =	ssyncset.done $0x0  }
0xcb: {  	[sflag:s5] =	ssyncadd.s32 $0xFFFFF800  }
0xcc: {  	_ =	swait.ge [sflag:s5], $0x800  }
0xcd: {  	[sflag:s5] =	ssyncset.done $0x0  }
0xce: {  	[sflag:s5] =	ssyncadd.s32 $0xFFFFF800  }
0xcf: {  	_ =	swait.ge [sflag:s5], $0x800  }
0xd0: {  	[sflag:s5] =	ssyncset.done $0x0  }
0xd1: {  	p0 =	sne.s32 s23, $0x6180;
	[sflag:s5] =	ssyncadd.s32 $0xFFFFF800  }
.Ltmp2:
0xd2: {  	_ =	swait.ge [sflag:s5], $0x800;
	(pc) =	sbr.rel @p0 .LBB2_6-.Ltmp2, $4  }
0xd3: {  	[sflag:s5] =	ssyncset.done $0x0  }
0xd4: {  	[sflag:s5] =	ssyncadd.s32 $0xFFFFF800  }
0xd5: {  	_ =	swait.ge [sflag:s5], $0x800  }
0xd6: {  	s23 =	sadd.s32 $0x80, s23;
	s7 =	rddreg [dreg:$0x4];
	[sflag:s5] =	ssyncset.done $0x0  }
0xd7: {  	[sflag:s5] =	ssyncadd.s32 $0xFFFFF800;
	s7 =	sadd.s32 s25, s7  }
0xd8: {  	[tilespmem:s9], [sflag:$0x3] =	stream.linear.gather [hbm4b:s7+s3], $0x400, $0x38;
	[tilespmem:$0x1E480] =	vst v63  }
0xd9: {  	_ =	swait.ge [sflag:s8], $0x400  }
0xda: {  	s23 =	rddreg [dreg:$0x3];
	[sflag:s8] =	ssyncset.done $0x0  }
0xdb: {  	[sflag:s8] =	ssyncadd.s32 $0xFFFFFC00;
	s7 =	sadd.s32 s25, s23  }
0xdc: {  	[tilespmem:s10], [sflag:$0x3] =	stream.linear.gather [hbm4b:s7+s3], $0x400, $0x38;
	[tilespmem:$0x1E480] =	vst v63  }
0xdd: {  	_ =	swait.ge [sflag:s8], $0x400  }
0xde: {  	[sflag:s8] =	ssyncset.done $0x0  }
0xdf: {  	[sflag:s8] =	ssyncadd.s32 $0xFFFFFC00  }
0xe0: {  	[tilespmem:s12], [sflag:$0x1] =	stream.indirect.gather [hbm4b:s4+s11], $0x10, s9, s11, $0xb8;
	[tilespmem:$0x1E480] =	vst v63  }
0xe1: {  	s25 =	rddreg [dreg:$0x5]  }
0xe2: {  	[tilespmem:s13], [sflag:$0x1] =	stream.indirect.gather [hbm4b:s4+s11], $0x10, s25, s11, $0xb8;
	[tilespmem:$0x1E480] =	vst v63  }
0xe3: {  	s17 =	rddreg [dreg:$0x6]  }
0xe4: {  	[tilespmem:s14], [sflag:$0x1] =	stream.indirect.gather [hbm4b:s4+s11], $0x10, s17, s11, $0xb8;
	[tilespmem:$0x1E480] =	vst v63  }
0xe5: {  	s23 =	rddreg [dreg:$0x7]  }
0xe6: {  	[tilespmem:s15], [sflag:$0x1] =	stream.indirect.gather [hbm4b:s4+s11], $0x10, s23, s11, $0xb8;
	[tilespmem:$0x1E480] =	vst v63  }
0xe7: {  	s25 =	rddreg [dreg:$0x8]  }
0xe8: {  	[tilespmem:s16], [sflag:$0x1] =	stream.indirect.gather [hbm4b:s4+s11], $0x10, s25, s11, $0xb8;
	[tilespmem:$0x1E480] =	vst v63  }
0xe9: {  	_ = 	snop  }
0xea: {  	[tilespmem:s18], [sflag:$0x1] =	stream.indirect.gather [hbm4b:s4+s11], $0x10, s19, s11, $0xb8;
	[tilespmem:$0x1E480] =	vst v63  }
0xeb: {  	_ = 	snop  }
0xec: {  	[tilespmem:s20], [sflag:$0x1] =	stream.indirect.gather [hbm4b:s4+s11], $0x10, s21, s11, $0xb8;
	[tilespmem:$0x1E480] =	vst v63  }
0xed: {  	_ = 	snop  }
0xee: {  	[tilespmem:s22], [sflag:$0x1] =	stream.indirect.gather [hbm4b:s4+s11], $0x10, s26, s11, $0xb8;
	[tilespmem:$0x1E480] =	vst v63  }
0xef: {  	_ =	swait.ge [sflag:s24], $0x800  }
0xf0: {  	[sflag:s24] =	ssyncset.done $0x0  }
0xf1: {  	[sflag:s24] =	ssyncadd.s32 $0xFFFFF800  }
0xf2: {  	_ =	swait.ge [sflag:s24], $0x800  }
0xf3: {  	[sflag:s24] =	ssyncset.done $0x0  }
0xf4: {  	[sflag:s24] =	ssyncadd.s32 $0xFFFFF800  }
0xf5: {  	_ =	swait.ge [sflag:s24], $0x800  }
0xf6: {  	[sflag:s24] =	ssyncset.done $0x0  }
0xf7: {  	[sflag:s24] =	ssyncadd.s32 $0xFFFFF800  }
0xf8: {  	_ =	swait.ge [sflag:s24], $0x800  }
0xf9: {  	[sflag:s24] =	ssyncset.done $0x0  }
0xfa: {  	[sflag:s24] =	ssyncadd.s32 $0xFFFFF800  }
0xfb: {  	_ =	swait.ge [sflag:s24], $0x800  }
0xfc: {  	[sflag:s24] =	ssyncset.done $0x0  }
0xfd: {  	[sflag:s24] =	ssyncadd.s32 $0xFFFFF800  }
0xfe: {  	_ =	swait.ge [sflag:s24], $0x800  }
0xff: {  	[sflag:s24] =	ssyncset.done $0x0  }
0x100: {  	[sflag:s24] =	ssyncadd.s32 $0xFFFFF800  }
0x101: {  	_ =	swait.ge [sflag:s24], $0x800  }
0x102: {  	[sflag:s24] =	ssyncset.done $0x0  }
0x103: {  	[sflag:s24] =	ssyncadd.s32 $0xFFFFF800  }
0x104: {  	_ =	swait.ge [sflag:s24], $0x800  }
0x105: {  	[sflag:s24] =	ssyncset.done $0x0  }
0x106: {  	[sflag:s24] =	ssyncadd.s32 $0xFFFFF800  }
0x107: {  	[spmem:s2] =	stream.indirect.scatter.add.f32 [tilespmem:s12], [sflag:$0x2], $0x10, s10, s11, $0xb8;
	[tilespmem:$0x1E480] =	vst v63  }
0x108: {  	_ = 	snop  }
0x109: {  	[spmem:s2] =	stream.indirect.scatter.add.f32 [tilespmem:s13], [sflag:$0x2], $0x10, s28, s11, $0xb8;
	[tilespmem:$0x1E480] =	vst v63  }
0x10a: {  	_ = 	snop  }
0x10b: {  	[spmem:s2] =	stream.indirect.scatter.add.f32 [tilespmem:s14], [sflag:$0x2], $0x10, s29, s11, $0xb8;
	[tilespmem:$0x1E480] =	vst v63  }
0x10c: {  	_ = 	snop  }
0x10d: {  	[spmem:s2] =	stream.indirect.scatter.add.f32 [tilespmem:s15], [sflag:$0x2], $0x10, s30, s11, $0xb8;
	[tilespmem:$0x1E480] =	vst v63  }
0x10e: {  	_ = 	snop  }
0x10f: {  	[spmem:s2] =	stream.indirect.scatter.add.f32 [tilespmem:s16], [sflag:$0x2], $0x10, s31, s11, $0xb8;
	[tilespmem:$0x1E480] =	vst v63  }
0x110: {  	_ = 	snop  }
0x111: {  	[spmem:s2] =	stream.indirect.scatter.add.f32 [tilespmem:s18], [sflag:$0x2], $0x10, s1, s11, $0xb8;
	[tilespmem:$0x1E480] =	vst v63  }
0x112: {  	_ = 	snop  }
0x113: {  	[spmem:s2] =	stream.indirect.scatter.add.f32 [tilespmem:s20], [sflag:$0x2], $0x10, s0, s11, $0xb8;
	[tilespmem:$0x1E480] =	vst v63  }
0x114: {  	s19 =	simm.s32 $0x19780  }
0x115: {  	[spmem:s2] =	stream.indirect.scatter.add.f32 [tilespmem:s22], [sflag:$0x2], $0x10, s19, s11, $0xb8;
	[tilespmem:$0x1E480] =	vst v63  }
0x116: {  	_ =	swait.ge [sflag:s5], $0x800  }
0x117: {  	[sflag:s5] =	ssyncset.done $0x0  }
0x118: {  	[sflag:s5] =	ssyncadd.s32 $0xFFFFF800  }
0x119: {  	_ =	swait.ge [sflag:s5], $0x800  }
0x11a: {  	[sflag:s5] =	ssyncset.done $0x0  }
0x11b: {  	[sflag:s5] =	ssyncadd.s32 $0xFFFFF800  }
0x11c: {  	_ =	swait.ge [sflag:s5], $0x800  }
0x11d: {  	[sflag:s5] =	ssyncset.done $0x0  }
0x11e: {  	[sflag:s5] =	ssyncadd.s32 $0xFFFFF800  }
0x11f: {  	_ =	swait.ge [sflag:s5], $0x800  }
0x120: {  	[sflag:s5] =	ssyncset.done $0x0  }
0x121: {  	[sflag:s5] =	ssyncadd.s32 $0xFFFFF800  }
0x122: {  	_ =	swait.ge [sflag:s5], $0x800  }
0x123: {  	[sflag:s5] =	ssyncset.done $0x0  }
0x124: {  	[sflag:s5] =	ssyncadd.s32 $0xFFFFF800  }
0x125: {  	_ =	swait.ge [sflag:s5], $0x800  }
0x126: {  	[sflag:s5] =	ssyncset.done $0x0  }
0x127: {  	[sflag:s5] =	ssyncadd.s32 $0xFFFFF800  }
0x128: {  	_ =	swait.ge [sflag:s5], $0x800  }
0x129: {  	[sflag:s5] =	ssyncset.done $0x0  }
0x12a: {  	[sflag:s5] =	ssyncadd.s32 $0xFFFFF800  }
0x12b: {  	_ =	swait.ge [sflag:s5], $0x800  }
0x12c: {  	[sflag:s5] =	ssyncset.done $0x0  }
0x12d: {  	[sflag:s5] =	ssyncadd.s32 $0xFFFFF800  }
0x12e: {  	s21 =	stileid.u32;
	[bflag:$0x0] =	sbarrier.arrive $0xFFFF  }
0x12f: {  	s7 =	sshll.u32 s21, $0x6;
	s23 =	rddreg [dreg:$0xa]  }
0x130: {  	s7 =	sor.u32 $0x1C03, s7;
	s25 =	rddreg [dreg:$0xb]  }
0x131: {  	[hbm:s23], [sflag:s7] =	dma.local [spmem:s25], $0x3200  }
0x132: {  	_ =	swait.ge [sflag:s8], $0x3200  }
0x133: {  	s23 =	rddreg [dreg:$0xc]  }
0x134: {  	s26 =	rddreg [dreg:$0x9];
	s23 =	sadd.s32 $0x1, s23  }
0x135: {  	p0 =	sne.s32 s23, s26  }
.Ltmp3:
0x136: {  	s17 =	simm.s32 $0x1D800;
	(pc) =	sbr.rel @p0 .LBB2_1-.Ltmp3, $4  }
0x137: {  	s21 =	simm.s32 $0x19300;
	s28 =	simm.s32 $0x19500;
	s29 =	simm.s32 $0x19580  }
0x138: {  	s30 =	simm.s32 $0x19600;
	s31 =	simm.s32 $0x19780;
	s1 =	simm.s32 $0x19680  }
0x139: {  	s0 =	simm.s32 $0x19700;
	s19 =	simm.s32 $0x19280;
	[sflag:s8] =	ssyncset.done $0x0  }
0x13a: {  	s25 =	simm.s32 $0x19380;
	[sflag:s8] =	ssyncadd.s32 $0xFFFFCE00;
	s26 =	simm.s32 $0x19480  }
0x13b: {  	_ =	sfence.sel $0x180000  }
0x13c: {  	[bflag:$0x0] =	sbarrier.arrive $0xFFFF  }
0x13d: {  	_ =	strace $0x9000004A  }
0x13e: {  	s0 =	stileid.u32;
	[bflag:$0x2] =	sbarrier.arrive $0xFFFF  }
0x13f: {  	p0 =	sne.s32 s0, $0x0;
	s0 =	rddreg [dreg:$0x2]  }
0x140: {  	s0 =	sadd.s32 @!p0 $0x100000, s0  }
0x141: {  	[sflag:s0] =	ssyncadd.tile.s32 @!p0 $0x1;
	_ =	shalt  }
.Lfunc_end2:
_tile_overlayer_lowered:
.L_overlay_start_2:
0x142: {  	(tag) =	ssettag $0x2  }
0x143: {  	s0 =	rddreg [dreg:$0x0];
	s2 =	stileid.u32  }
0x144: {  	s1 =	rddreg [dreg:$0x1];
	p0 =	sne.s32 s2, $0x0  }
0x145: {  	s3 =	rddreg [dreg:$0x2];
	[bflag:$0x3] =	sbarrier.arrive $0xFFFF;
	s2 =	simm.s32 @!p0 $0x1C03  }
0x146: {  	[timem:s3], [sflag:s2] =	dma.local @!p0 [hbm:s0], s1  }
0x147: {  	s0 =	simm.s32 @!p0 $0x3  }
0x148: {  	_ =	swait.ge @!p0 [sflag:s0], s1  }
0x149: {  	s1 =	ssub.s32 @!p0 $0x0, s1;
	[sflag:s0] =	ssyncset.done @!p0 $0x0  }
0x14a: {  	[sflag:s0] =	ssyncadd.s32 @!p0 s1  }
0x14b: {  	[bflag:$0x3] =	sbarrier.arrive $0xFFFF  }
0x14c: {  	_ =	shalt  }

// kernel: kernel.18.cloned.1.call-start
scs
__scs_entry_jumppad:
0x0: {  	(pc) =	sbr.rel $0x88, $3  }
0x1: {  	(tag) =	ssettag $0x0;
	lr =	simm.s32 $0x1  }
0x2: {  	[smem:$0x3F96] =	sst lr;
	_ =	strace $0xD0000000  }
0x3: {  	_ = 	snop  }
0x4: {  	_ = 	snop  }
0x5: {  	_ = 	snop  }
0x6: {  	_ = 	snop  }
0x7: {  	_ = 	snop  }
__scs_overlays_trampoline_lowered:
0x8: {  	[smem:$0x3FA5] =	sst s0  }
0x9: {  	[smem:$0x3FA6] =	sst s1  }
0xa: {  	[smem:$0x3FA7] =	sst s2  }
0xb: {  	[smem:$0x3FA8] =	sst s3  }
0xc: {  	[smem:$0x3FA9] =	sst s4  }
0xd: {  	[smem:$0x3FAA] =	sst s5  }
0xe: {  	[smem:$0x3FAB] =	sst s6  }
0xf: {  	[smem:$0x3FAC] =	sst s7  }
0x10: {  	[smem:$0x3FAD] =	sst s8  }
0x11: {  	[smem:$0x3FAE] =	sst s9;
	s0 =	simm.s32 @!p0 $0x0  }
0x12: {  	s1 =	sld [smem:$0x3F94];
	s0 =	simm.s32 @p0 $0x1  }
0x13: {  	[smem:$0x3FAF] =	sst s0;
	s0 =	simm.s32 @!p1 $0x0  }
0x14: {  	s2 =	sld [smem:$0x3F93];
	s0 =	simm.s32 @p1 $0x1  }
0x15: {  	[smem:$0x3FB0] =	sst s0;
	s0 =	simm.s32 @!p2 $0x0  }
0x16: {  	s3 =	sld [smem:$0x3FDB];
	s0 =	simm.s32 @p2 $0x1  }
0x17: {  	s4 =	simm.s32 $0x1BF5;
	[smem:$0x3FB2] =	sst s0  }
0x18: {  	s0 =	sld [smem:$0x3F95];
	_ =	swait.ge [sflag:s4], $0x0  }
0x19: {  	s7 =	sld [smem:$0x3F96]  }
0x1a: {  	s8 =	sadd.s32 $0xFFFFE003, lr  }
0x1b: {  	s9 =	sadd.s32 $0xFFFFFEF7, lr;
	s5 =	simm.s32 $0xFFFFFFFF;
	p2 =	slt.u32 s8, $0xFFFFF086  }
0x1c: {  	p1 =	slt.u32 s9, $0xF7A;
	s5 =	simm.s32 @!p2 $0x0  }
0x1d: {  	s5 =	simm.s32 @p1 $0x1;
	p0 =	seq.s32 s7, s2  }
0x1e: {  	s7 =	smul.u32 @!p0 $0xF7A, s2;
	p2 =	seq.s32 @!p0 s5, $0x0  }
0x1f: {  	s9 =	smul.u32 $0xF7A, s1;
	s8 =	simm.s32 @!p0 $0x1BF5;
	p2 =	por !p2, p0  }
0x20: {  	[sflag:s8] =	ssyncset.s32 @!p0 $0xFFFFF086;
	s6 =	sadd.s32 @!p0 s3, s7;
	s7 =	simm.s32 @!p0 $0x108  }
0x21: {  	s3 =	sadd.s32 s3, s9;
	s6 =	sadd.s32 @!p0 $0x88, s6;
	s7 =	simm.s32 @p2 $0x1082  }
0x22: {  	[simem:s7], [sflag:s8] =	dma.local @!p0 [hbm:s6], $0xF7A  }
0x23: {  	s9 =	sor.u32 $0xD0000000, s2;
	s6 =	simm.s32 $0x108;
	_ =	swait.ge @!p0 [sflag:s8], $0x0  }
0x24: {  	s3 =	sadd.s32 $0x88, s3;
	s6 =	simm.s32 @!p1 $0x1082;
	[sflag:s4] =	ssyncset.s32 $0xFFFFF086  }
0x25: {  	[simem:s6], [sflag:s4] =	dma.local [hbm:s3], $0xF7A  }
0x26: {  	[smem:$0x3F96] =	sst s1;
	(tag) =	ssettag s2;
	_ =	strace s9  }
0x27: {  	s1 =	sld [smem:$0x3FA6]  }
0x28: {  	s2 =	sld [smem:$0x3FA7]  }
0x29: {  	s4 =	sld [smem:$0x3FA9]  }
0x2a: {  	p0 =	seq.s32 s5, $0x0;
	s5 =	sld [smem:$0x3FAA]  }
0x2b: {  	s6 =	sld [smem:$0x3FAB]  }
0x2c: {  	s7 =	sld [smem:$0x3FAC]  }
0x2d: {  	s3 =	simm.s32 $0x108;
	s8 =	sld [smem:$0x3FAD]  }
0x2e: {  	s3 =	simm.s32 @!p0 $0x1082;
	s9 =	sld [smem:$0x3FAE]  }
0x2f: {  	lr =	sadd.s32 s0, s3;
	s0 =	sld [smem:$0x3FA5]  }
0x30: {  	s3 =	sld [smem:$0x3FA8]  }
0x31: {  	[smem:$0x3FB1] =	sst s10  }
0x32: {  	s10 =	sld [smem:$0x3FAF];
	_ =	sdelay $0x3  }
0x33: {  	p0 =	seq.s32 s10, $0x1;
	s10 =	sld [smem:$0x3FB1];
	_ =	sdelay $0x3  }
0x34: {  	[smem:$0x3FB1] =	sst s10  }
0x35: {  	s10 =	sld [smem:$0x3FB0];
	_ =	sdelay $0x3  }
0x36: {  	p1 =	seq.s32 s10, $0x1;
	s10 =	sld [smem:$0x3FB1];
	_ =	sdelay $0x3  }
0x37: {  	[smem:$0x3FB1] =	sst s10  }
0x38: {  	s10 =	sld [smem:$0x3FB2]  }
0x39: {  	_ = 	snop;
	(pc) =	sbr.ind lr, $3  }
0x3a: {  	_ = 	snop  }
0x3b: {  	_ = 	snop  }
0x3c: {  	p2 =	seq.s32 s10, $0x1;
	s10 =	sld [smem:$0x3FB1]  }
0x3d: {  	_ =	shalt  }
0x3e: {  	_ =	shalt  }
0x3f: {  	_ =	shalt  }
0x40: {  	_ =	shalt  }
0x41: {  	_ =	shalt  }
0x42: {  	_ =	shalt  }
0x43: {  	_ =	shalt  }
0x44: {  	_ =	shalt  }
0x45: {  	_ =	shalt  }
0x46: {  	_ =	shalt  }
0x47: {  	_ =	shalt  }
0x48: {  	_ =	shalt  }
0x49: {  	_ =	shalt  }
0x4a: {  	_ =	shalt  }
0x4b: {  	_ =	shalt  }
0x4c: {  	_ =	shalt  }
0x4d: {  	_ =	shalt  }
0x4e: {  	_ =	shalt  }
0x4f: {  	_ =	shalt  }
0x50: {  	_ =	shalt  }
0x51: {  	_ =	shalt  }
0x52: {  	_ =	shalt  }
0x53: {  	_ =	shalt  }
0x54: {  	_ =	shalt  }
0x55: {  	_ =	shalt  }
0x56: {  	_ =	shalt  }
0x57: {  	_ =	shalt  }
0x58: {  	_ =	shalt  }
0x59: {  	_ =	shalt  }
0x5a: {  	_ =	shalt  }
0x5b: {  	_ =	shalt  }
0x5c: {  	_ =	shalt  }
0x5d: {  	_ =	shalt  }
0x5e: {  	_ =	shalt  }
0x5f: {  	_ =	shalt  }
0x60: {  	_ =	shalt  }
0x61: {  	_ =	shalt  }
0x62: {  	_ =	shalt  }
0x63: {  	_ =	shalt  }
0x64: {  	_ =	shalt  }
0x65: {  	_ =	shalt  }
0x66: {  	_ =	shalt  }
0x67: {  	_ =	shalt  }
0x68: {  	_ =	shalt  }
0x69: {  	_ =	shalt  }
0x6a: {  	_ =	shalt  }
0x6b: {  	_ =	shalt  }
0x6c: {  	_ =	shalt  }
0x6d: {  	_ =	shalt  }
0x6e: {  	_ =	shalt  }
0x6f: {  	_ =	shalt  }
0x70: {  	_ =	shalt  }
0x71: {  	_ =	shalt  }
0x72: {  	_ =	shalt  }
0x73: {  	_ =	shalt  }
0x74: {  	_ =	shalt  }
0x75: {  	_ =	shalt  }
0x76: {  	_ =	shalt  }
0x77: {  	_ =	shalt  }
0x78: {  	_ =	shalt  }
0x79: {  	_ =	shalt  }
0x7a: {  	_ =	shalt  }
0x7b: {  	_ =	shalt  }
0x7c: {  	_ =	shalt  }
0x7d: {  	_ =	shalt  }
0x7e: {  	_ =	shalt  }
0x7f: {  	_ =	shalt  }
0x80: {  	_ =	shalt  }
0x81: {  	_ =	shalt  }
0x82: {  	_ =	shalt  }
0x83: {  	_ =	shalt  }
0x84: {  	_ =	shalt  }
0x85: {  	_ =	shalt  }
0x86: {  	_ =	shalt  }
0x87: {  	_ =	shalt  }
.Lfunc_end0:
.L_simem_size_0:
called_computation.2_lowered:
.L_overlay_start_0:
0x88: {  	s2 =	sld [smem:$0x3FD9]  }
0x89: {  	s3 =	sld [smem:$0x3FFE];
	_ =	sdelay $0x1  }
0x8a: {  	s1 =	srdreg.scid  }
0x8b: {  	s0 =	sand.u32 $0x1, s1  }
0x8c: {  	s16 =	sshll.u32 s0, $0xA;
	s2 =	sadd.s32 s3, s2  }
0x8d: {  	s2 =	sadd.s32 s2, s16  }
0x8e: {  	[smem:$0x3FBD] =	sst s2  }
0x8f: {  	_ = 	snop  }
0x90: {  	(tm) =	ssettm $0x1  }
0x91: {  	s17 =	sld [smem:$0x3FFB];
	_ =	sdelay $0x3  }
0x92: {  	_ =	strace s17  }
0x93: {  	s2 =	sld [smem:$0x3FFC];
	_ =	sdelay $0x3  }
0x94: {  	_ =	strace s2  }
0x95: {  	s2 =	sld [smem:$0x3FFD];
	_ =	sdelay $0x3  }
0x96: {  	_ =	strace s2  }
0x97: {  	_ =	strace $0x8FFFFFFF  }
0x98: {  	s18 =	sld [smem:$0x3FDB];
	_ =	sdelay $0x1  }
0x99: {  	s19 =	simm.s32 $_scs_section_size  }
0x9a: {  	s4 =	simm.s32 $_size__tile_overlayer_lowered;
	s5 =	simm.s32 $_tile_overlayer_lowered  }
0x9b: {  	s22 =	simm.s32 $0x1BFF;
	s21 =	sshll.u32 s5, $0x1;
	s2 =	sadd.s32 s19, s18  }
0x9c: {  	s6 =	simm.s32 $0x0;
	s20 =	sshll.u32 s4, $0x1;
	s4 =	sadd.s32 s21, s2  }
0x9d: {  	[timem:s6], [sflag:s22] =	dma.local [hbm:s4], s20  }
0x9e: {  	_ =	swait.ge [sflag:s22], s20  }
0x9f: {  	s3 =	ssub.s32 $0x0, s20;
	[sflag:s22] =	ssyncset.done $0x0  }
0xa0: {  	[sflag:s22] =	ssyncadd.s32 s3;
	_ =	sdelay $0x1  }
0xa1: {  	s23 =	simm.s32 $0x1B8B  }
0xa2: {  	_ =	swait.ge [sflag:s23], $0x1  }
0xa3: {  	[sflag:s23] =	ssyncset.done $0x0  }
0xa4: {  	s25 =	simm.s32 $0x1B8E;
	s24 =	sld [smem:$0x3FFE];
	[sflag:s23] =	ssyncadd.s32 $0xFFFFFFFF  }
0xa5: {  	s26 =	simm.s32 $execute0_lowered;
	[smem:$0x3FD2] =	sst s25  }
0xa6: {  	s4 =	sshll.u32 s26, $0x1;
	_ =	strace $0x8000004C;
	[dreg:$0x1] =	wrdreg $0xFFFFFFFF  }
0xa7: {  	s28 =	simm.s32 $_size_execute0_lowered;
	s2 =	sadd.s32 s2, s4;
	[dreg:$0x0] =	wrdreg $0x0  }
0xa8: {  	s4 =	sshll.u32 s28, $0x1;
	[dreg:$0x2] =	wrdreg s2  }
0xa9: {  	[dreg:$0x3] =	wrdreg s4  }
0xaa: {  	[dreg:$0x4] =	wrdreg $0xC0  }
0xab: {  	_ =	task [dreg:s6], $0x5FFFF  }
0xac: {  	[dreg:$0x1] =	wrdreg $0xFFFFFFFF  }
0xad: {  	[dreg:$0x0] =	wrdreg $0x60  }
0xae: {  	[dreg:$0x2] =	wrdreg s24  }
0xaf: {  	[dreg:$0x3] =	wrdreg $0x0  }
0xb0: {  	[dreg:$0x4] =	wrdreg $0x9  }
0xb1: {  	_ =	task.clear_ibuf [dreg:s6], $0x5FFFF;
	_ =	strace $0x9000004C  }
0xb2: {  	s29 =	simm.s32 $0x9;
	_ =	strace $0x8000004E  }
0xb3: {  	_ =	swait.ge [sflag:s29], $0x1  }
0xb4: {  	[sflag:s29] =	ssyncadd.s32 $0xFFFFFFFF  }
0xb5: {  	_ =	strace $0x9000004E  }
0xb6: {  	_ =	sfence  }
0xb7: {  	s30 =	sld [smem:$0x0];
	_ =	sdelay $0x2  }
0xb8: {  	s31 =	sshll.u32 s1, $0xD;
	s1 =	sshrl.u32 s1, $0x2  }
0xb9: {  	s3 =	sand.u32 $0x4000, s31;
	s1 =	sadd.s32 s1, s30  }
0xba: {  	s0 =	sor.u32 s3, s0;
	s1 =	sshll.u32 s1, $0x11  }
0xbb: {  	s0 =	sor.u32 s1, s0  }
0xbc: {  	s0 =	sadd.s32 $0x8F2B, s0  }
0xbd: {  	[sflag:s0] =	ssyncadd.remote.s32 $0x1  }
0xbe: {  	_ =	sfence.sel $0xFFFF  }
0xbf: {  	[dreg:$0x0] =	wrdreg $0xFFFFFFFF;
	(pc) =	sbr.abs _section_cstart, $3  }
0xc0: {  	[dreg:$0x1] =	wrdreg $0xFFFFFFFF  }
0xc1: {  	_ =	task.clear_ibuf [dreg:s6], $0x2FFFF;
	_ =	strace $0x9FFFFFFF  }
0xc2: {  	(tm) =	ssettm $0x7FFFFFFF  }
0xc3: {  	_ =	shalt  }
tec
execute0_lowered:
.L_overlay_start_1:
0x0: {  	(tag) =	ssettag $0x1  }
0x1: {  	s0 =	srdreg.scid;
	s1 =	rddreg [dreg:$0x0]  }
0x2: {  	s8 =	stileid.u32;
	s2 =	rddreg [dreg:$0x1]  }
0x3: {  	s3 =	simm.s32 $0x0;
	s9 =	simm.s32 $0x19000;
	s10 =	simm.s32 $0x19400  }
0x4: {  	s11 =	simm.s32 $0x80;
	s19 =	simm.s32 $0x19080;
	s12 =	simm.s32 $0x19800  }
0x5: {  	s20 =	simm.s32 $0x19100;
	s13 =	simm.s32 $0x1A000;
	s21 =	simm.s32 $0x19180  }
0x6: {  	s14 =	simm.s32 $0x1A800;
	s22 =	simm.s32 $0x19200;
	s15 =	simm.s32 $0x1B000  }
0x7: {  	s25 =	simm.s32 $0x19380;
	s28 =	simm.s32 $0x19500;
	s29 =	simm.s32 $0x19580  }
0x8: {  	s30 =	simm.s32 $0x19600;
	s31 =	simm.s32 $0x19780;
	s5 =	smul.u32 $0x31000, s8  }
0x9: {  	s0 =	sand.u32 $0x1, s0;
	[smem:$0x7FF] =	sst s3;
	s7 =	smul.u32 $0x19000, s8  }
0xa: {  	s17 =	smul.u32 $0x64000, s8;
	_ =	strace $0x8000004D;
	[dreg:$0x5] =	wrdreg s19  }
0xb: {  	s8 =	simm.s32 $0x3;
	s4 =	smul.u32 $0x310000, s0;
	[dreg:$0x6] =	wrdreg s20  }
0xc: {  	s6 =	smul.u32 $0x32000, s0;
	s0 =	ssub.s32 $0x2, s0;
	[dreg:$0x7] =	wrdreg s21  }
0xd: {  	[dreg:$0x8] =	wrdreg s22;
	s19 =	simm.s32 $0x19280;
	s21 =	simm.s32 $0x19300  }
0xe: {  	s20 =	simm.s32 $0x1C800;
	s22 =	simm.s32 $0x1D000;
	s16 =	sshrl.u32 s0, $0x1  }
0xf: {  	s23 =	sshrl.u32 s7, $0x3;
	s7 =	sadd.s32 s7, s2;
	s4 =	sadd.s32 s5, s4  }
0x10: {  	s0 =	ssub.s32 s0, s16;
	s16 =	simm.s32 $0x1B800;
	s26 =	sshrl.u32 s7, $0x3  }
0x11: {  	s5 =	sshrl.u32 s4, $0x3;
	s4 =	sadd.s32 $0x3600, s1;
	s0 =	smax.u32 s0, $0x1  }
0x12: {  	[dreg:$0xb] =	wrdreg s26;
	s26 =	simm.s32 $0x19480;
	s5 =	sadd.s32 s5, s1  }
0x13: {  	s1 =	sadd.s32 s6, s1;
	s6 =	sshrl.u32 s17, $0x2;
	[dreg:$0x9] =	wrdreg s0  }
0x14: {  	s17 =	simm.s32 $0x1D800;
	s0 =	simm.s32 $0x19700;
	s18 =	sadd.s32 $0xC6C00, s5  }
0x15: {  	s1 =	sadd.s32 $0x35600, s1;
	s5 =	sadd.s32 $0x311600, s5;
	[dreg:$0x3] =	wrdreg s18  }
0x16: {  	s6 =	sadd.s32 s6, s2;
	[dreg:$0x4] =	wrdreg s5;
	s18 =	simm.s32 $0x1C000  }
0x17: {  	s24 =	sadd.s32 s23, s1;
	s1 =	simm.s32 $0x19680;
	s5 =	simm.s32 $0x2  }
0x18: {  	v0 =	vimm.f32 $0.0e+00;
	s23 =	simm.s32 $0x0;
	[dreg:$0xa] =	wrdreg s24;
	s24 =	simm.s32 $0x1  }
.LBB2_1:
0x19: {  	[dreg:$0xc] =	wrdreg s23;
	s7 =	simm.s32 $0x0  }
.LBB2_2:
0x1a: {  	p0 =	sne.s32 s7, $0x31C0  }
.Ltmp0:
0x1b: {  	_ = 	snop;
	(pc) =	sbr.rel @p0 .LBB2_2-.Ltmp0, $3  }
0x1c: {  	_ =	sdelay $0x1  }
0x1d: {  	s23 =	sshra.s32 s7, $0x2  }
0x1e: {  	s7 =	sadd.s32 $0x40, s7;
	[tilespmem:s23+$0x1D800] =	vst v0  }
0x1f: {  	s7 =	sadd.s32 $0x0, s6  }
0x20: {  	[spmem:s7] =	stream.linear.scatter [tilespmem:s17], [sflag:$0x3], $0xC80, $0x38;
	[tilespmem:$0x1E480] =	vst v63  }
0x21: {  	s23 =	simm.s32 $0x3200;
	_ =	swait.ge [sflag:s8], $0xC80  }
.LBB2_4:
0x22: {  	s7 =	sshra.s32 s23, $0x2;
	[sflag:s8] =	ssyncset.done $0x0;
	p0 =	sne.s32 s23, $0x60E00  }
.Ltmp1:
0x23: {  	s7 =	sadd.s32 s7, s6;
	[sflag:s8] =	ssyncadd.s32 $0xFFFFF380;
	(pc) =	sbr.rel @p0 .LBB2_4-.Ltmp1, $3  }
0x24: {  	[spmem:s7] =	stream.linear.scatter [tilespmem:s17], [sflag:$0x3], $0xC80, $0x38;
	[tilespmem:$0x1E480] =	vst v63  }
0x25: {  	s23 =	sadd.s32 $0x3200, s23;
	_ =	sdelay $0x1  }
0x26: {  	_ =	swait.ge [sflag:s8], $0xC80  }
0x27: {  	[sflag:s8] =	ssyncset.done $0x0  }
0x28: {  	[sflag:s8] =	ssyncadd.s32 $0xFFFFF380  }
0x29: {  	[bflag:$0x0] =	sbarrier.arrive $0xFFFF  }
0x2a: {  	s7 =	rddreg [dreg:$0x4]  }
0x2b: {  	s7 =	sadd.s32 $0x0, s7  }
0x2c: {  	[tilespmem:s9], [sflag:$0x3] =	stream.linear.gather [hbm4b:s7+s3], $0x400, $0x38;
	[tilespmem:$0x1E480] =	vst v63  }
0x2d: {  	_ =	swait.ge [sflag:s8], $0x400  }
0x2e: {  	s23 =	rddreg [dreg:$0x3];
	[sflag:s8] =	ssyncset.done $0x0  }
0x2f: {  	[sflag:s8] =	ssyncadd.s32 $0xFFFFFC00;
	s7 =	sadd.s32 $0x0, s23  }
0x30: {  	[tilespmem:s10], [sflag:$0x3] =	stream.linear.gather [hbm4b:s7+s3], $0x400, $0x38;
	[tilespmem:$0x1E480] =	vst v63  }
0x31: {  	_ =	swait.ge [sflag:s8], $0x400  }
0x32: {  	[sflag:s8] =	ssyncset.done $0x0  }
0x33: {  	[sflag:s8] =	ssyncadd.s32 $0xFFFFFC00  }
0x34: {  	[tilespmem:s12], [sflag:$0x1] =	stream.indirect.gather [hbm4b:s4+s11], $0x10, s9, s11, $0xb8;
	[tilespmem:$0x1E480] =	vst v63  }
0x35: {  	s17 =	rddreg [dreg:$0x5]  }
0x36: {  	[tilespmem:s13], [sflag:$0x1] =	stream.indirect.gather [hbm4b:s4+s11], $0x10, s17, s11, $0xb8;
	[tilespmem:$0x1E480] =	vst v63  }
0x37: {  	s23 =	rddreg [dreg:$0x6]  }
0x38: {  	[tilespmem:s14], [sflag:$0x1] =	stream.indirect.gather [hbm4b:s4+s11], $0x10, s23, s11, $0xb8;
	[tilespmem:$0x1E480] =	vst v63  }
0x39: {  	s7 =	rddreg [dreg:$0x7]  }
0x3a: {  	[tilespmem:s15], [sflag:$0x1] =	stream.indirect.gather [hbm4b:s4+s11], $0x10, s7, s11, $0xb8;
	[tilespmem:$0x1E480] =	vst v63  }
0x3b: {  	s17 =	rddreg [dreg:$0x8]  }
0x3c: {  	[tilespmem:s16], [sflag:$0x1] =	stream.indirect.gather [hbm4b:s4+s11], $0x10, s17, s11, $0xb8;
	[tilespmem:$0x1E480] =	vst v63  }
0x3d: {  	_ = 	snop  }
0x3e: {  	[tilespmem:s18], [sflag:$0x1] =	stream.indirect.gather [hbm4b:s4+s11], $0x10, s19, s11, $0xb8;
	[tilespmem:$0x1E480] =	vst v63  }
0x3f: {  	_ = 	snop  }
0x40: {  	[tilespmem:s20], [sflag:$0x1] =	stream.indirect.gather [hbm4b:s4+s11], $0x10, s21, s11, $0xb8;
	[tilespmem:$0x1E480] =	vst v63  }
0x41: {  	_ = 	snop  }
0x42: {  	[tilespmem:s22], [sflag:$0x1] =	stream.indirect.gather [hbm4b:s4+s11], $0x10, s25, s11, $0xb8;
	[tilespmem:$0x1E480] =	vst v63  }
0x43: {  	_ =	swait.ge [sflag:s24], $0x800  }
0x44: {  	[sflag:s24] =	ssyncset.done $0x0  }
0x45: {  	[sflag:s24] =	ssyncadd.s32 $0xFFFFF800  }
0x46: {  	_ =	swait.ge [sflag:s24], $0x800  }
0x47: {  	[sflag:s24] =	ssyncset.done $0x0  }
0x48: {  	[sflag:s24] =	ssyncadd.s32 $0xFFFFF800  }
0x49: {  	_ =	swait.ge [sflag:s24], $0x800  }
0x4a: {  	[sflag:s24] =	ssyncset.done $0x0  }
0x4b: {  	[sflag:s24] =	ssyncadd.s32 $0xFFFFF800  }
0x4c: {  	_ =	swait.ge [sflag:s24], $0x800  }
0x4d: {  	[sflag:s24] =	ssyncset.done $0x0  }
0x4e: {  	[sflag:s24] =	ssyncadd.s32 $0xFFFFF800  }
0x4f: {  	_ =	swait.ge [sflag:s24], $0x800  }
0x50: {  	[sflag:s24] =	ssyncset.done $0x0  }
0x51: {  	[sflag:s24] =	ssyncadd.s32 $0xFFFFF800  }
0x52: {  	_ =	swait.ge [sflag:s24], $0x800  }
0x53: {  	[sflag:s24] =	ssyncset.done $0x0  }
0x54: {  	[sflag:s24] =	ssyncadd.s32 $0xFFFFF800  }
0x55: {  	_ =	swait.ge [sflag:s24], $0x800  }
0x56: {  	[sflag:s24] =	ssyncset.done $0x0  }
0x57: {  	[sflag:s24] =	ssyncadd.s32 $0xFFFFF800  }
0x58: {  	_ =	swait.ge [sflag:s24], $0x800  }
0x59: {  	[sflag:s24] =	ssyncset.done $0x0  }
0x5a: {  	[sflag:s24] =	ssyncadd.s32 $0xFFFFF800  }
0x5b: {  	[spmem:s2] =	stream.indirect.scatter.add.f32 [tilespmem:s12], [sflag:$0x2], $0x10, s10, s11, $0xb8;
	[tilespmem:$0x1E480] =	vst v63  }
0x5c: {  	_ = 	snop  }
0x5d: {  	[spmem:s2] =	stream.indirect.scatter.add.f32 [tilespmem:s13], [sflag:$0x2], $0x10, s26, s11, $0xb8;
	[tilespmem:$0x1E480] =	vst v63  }
0x5e: {  	_ = 	snop  }
0x5f: {  	[spmem:s2] =	stream.indirect.scatter.add.f32 [tilespmem:s14], [sflag:$0x2], $0x10, s28, s11, $0xb8;
	[tilespmem:$0x1E480] =	vst v63  }
0x60: {  	_ = 	snop  }
0x61: {  	[spmem:s2] =	stream.indirect.scatter.add.f32 [tilespmem:s15], [sflag:$0x2], $0x10, s29, s11, $0xb8;
	[tilespmem:$0x1E480] =	vst v63  }
0x62: {  	_ = 	snop  }
0x63: {  	[spmem:s2] =	stream.indirect.scatter.add.f32 [tilespmem:s16], [sflag:$0x2], $0x10, s30, s11, $0xb8;
	[tilespmem:$0x1E480] =	vst v63  }
0x64: {  	_ = 	snop  }
0x65: {  	[spmem:s2] =	stream.indirect.scatter.add.f32 [tilespmem:s18], [sflag:$0x2], $0x10, s1, s11, $0xb8;
	[tilespmem:$0x1E480] =	vst v63  }
0x66: {  	_ = 	snop  }
0x67: {  	[spmem:s2] =	stream.indirect.scatter.add.f32 [tilespmem:s20], [sflag:$0x2], $0x10, s0, s11, $0xb8;
	[tilespmem:$0x1E480] =	vst v63  }
0x68: {  	_ = 	snop  }
0x69: {  	[spmem:s2] =	stream.indirect.scatter.add.f32 [tilespmem:s22], [sflag:$0x2], $0x10, s31, s11, $0xb8;
	[tilespmem:$0x1E480] =	vst v63  }
0x6a: {  	_ =	swait.ge [sflag:s5], $0x800  }
0x6b: {  	[sflag:s5] =	ssyncset.done $0x0  }
0x6c: {  	[sflag:s5] =	ssyncadd.s32 $0xFFFFF800  }
0x6d: {  	_ =	swait.ge [sflag:s5], $0x800  }
0x6e: {  	[sflag:s5] =	ssyncset.done $0x0  }
0x6f: {  	[sflag:s5] =	ssyncadd.s32 $0xFFFFF800  }
0x70: {  	_ =	swait.ge [sflag:s5], $0x800  }
0x71: {  	[sflag:s5] =	ssyncset.done $0x0  }
0x72: {  	[sflag:s5] =	ssyncadd.s32 $0xFFFFF800  }
0x73: {  	_ =	swait.ge [sflag:s5], $0x800  }
0x74: {  	[sflag:s5] =	ssyncset.done $0x0  }
0x75: {  	[sflag:s5] =	ssyncadd.s32 $0xFFFFF800  }
0x76: {  	_ =	swait.ge [sflag:s5], $0x800  }
0x77: {  	[sflag:s5] =	ssyncset.done $0x0  }
0x78: {  	[sflag:s5] =	ssyncadd.s32 $0xFFFFF800  }
0x79: {  	_ =	swait.ge [sflag:s5], $0x800  }
0x7a: {  	[sflag:s5] =	ssyncset.done $0x0  }
0x7b: {  	s23 =	simm.s32 $0x100;
	s19 =	simm.s32 $0x19280;
	[sflag:s5] =	ssyncadd.s32 $0xFFFFF800  }
0x7c: {  	s21 =	simm.s32 $0x19300;
	s25 =	simm.s32 $0x80;
	_ =	swait.ge [sflag:s5], $0x800  }
0x7d: {  	s26 =	simm.s32 $0x19380;
	s28 =	simm.s32 $0x19480;
	[sflag:s5] =	ssyncset.done $0x0  }
0x7e: {  	s29 =	simm.s32 $0x19500;
	s30 =	simm.s32 $0x19580;
	[sflag:s5] =	ssyncadd.s32 $0xFFFFF800  }
0x7f: {  	s1 =	simm.s32 $0x19680;
	s0 =	simm.s32 $0x19700;
	_ =	swait.ge [sflag:s5], $0x800  }
0x80: {  	s31 =	simm.s32 $0x19600;
	s7 =	rddreg [dreg:$0x4];
	[sflag:s5] =	ssyncset.done $0x0  }
.LBB2_6:
0x81: {  	[sflag:s5] =	ssyncadd.s32 $0xFFFFF800;
	s7 =	sadd.s32 s25, s7  }
0x82: {  	[tilespmem:s9], [sflag:$0x3] =	stream.linear.gather [hbm4b:s7+s3], $0x400, $0x38;
	[tilespmem:$0x1E480] =	vst v63  }
0x83: {  	_ =	swait.ge [sflag:s8], $0x400  }
0x84: {  	s7 =	rddreg [dreg:$0x3];
	[sflag:s8] =	ssyncset.done $0x0  }
0x85: {  	[sflag:s8] =	ssyncadd.s32 $0xFFFFFC00;
	s7 =	sadd.s32 s25, s7  }
0x86: {  	[tilespmem:s10], [sflag:$0x3] =	stream.linear.gather [hbm4b:s7+s3], $0x400, $0x38;
	[tilespmem:$0x1E480] =	vst v63  }
0x87: {  	_ =	swait.ge [sflag:s8], $0x400  }
0x88: {  	[sflag:s8] =	ssyncset.done $0x0  }
0x89: {  	[sflag:s8] =	ssyncadd.s32 $0xFFFFFC00  }
0x8a: {  	[tilespmem:s12], [sflag:$0x1] =	stream.indirect.gather [hbm4b:s4+s11], $0x10, s9, s11, $0xb8;
	[tilespmem:$0x1E480] =	vst v63  }
0x8b: {  	s17 =	smov.u32 s23;
	s7 =	rddreg [dreg:$0x5]  }
0x8c: {  	[tilespmem:s13], [sflag:$0x1] =	stream.indirect.gather [hbm4b:s4+s11], $0x10, s7, s11, $0xb8;
	[tilespmem:$0x1E480] =	vst v63  }
0x8d: {  	s25 =	smov.u32 s17;
	s17 =	rddreg [dreg:$0x6]  }
0x8e: {  	[tilespmem:s14], [sflag:$0x1] =	stream.indirect.gather [hbm4b:s4+s11], $0x10, s17, s11, $0xb8;
	[tilespmem:$0x1E480] =	vst v63  }
0x8f: {  	s7 =	rddreg [dreg:$0x7]  }
0x90: {  	[tilespmem:s15], [sflag:$0x1] =	stream.indirect.gather [hbm4b:s4+s11], $0x10, s7, s11, $0xb8;
	[tilespmem:$0x1E480] =	vst v63  }
0x91: {  	s17 =	rddreg [dreg:$0x8]  }
0x92: {  	[tilespmem:s16], [sflag:$0x1] =	stream.indirect.gather [hbm4b:s4+s11], $0x10, s17, s11, $0xb8;
	[tilespmem:$0x1E480] =	vst v63  }
0x93: {  	_ = 	snop  }
0x94: {  	[tilespmem:s18], [sflag:$0x1] =	stream.indirect.gather [hbm4b:s4+s11], $0x10, s19, s11, $0xb8;
	[tilespmem:$0x1E480] =	vst v63  }
0x95: {  	_ = 	snop  }
0x96: {  	[tilespmem:s20], [sflag:$0x1] =	stream.indirect.gather [hbm4b:s4+s11], $0x10, s21, s11, $0xb8;
	[tilespmem:$0x1E480] =	vst v63  }
0x97: {  	_ = 	snop  }
0x98: {  	[tilespmem:s22], [sflag:$0x1] =	stream.indirect.gather [hbm4b:s4+s11], $0x10, s26, s11, $0xb8;
	[tilespmem:$0x1E480] =	vst v63  }
0x99: {  	_ =	swait.ge [sflag:s24], $0x800  }
0x9a: {  	[sflag:s24] =	ssyncset.done $0x0  }
0x9b: {  	[sflag:s24] =	ssyncadd.s32 $0xFFFFF800  }
0x9c: {  	_ =	swait.ge [sflag:s24], $0x800  }
0x9d: {  	[sflag:s24] =	ssyncset.done $0x0  }
0x9e: {  	[sflag:s24] =	ssyncadd.s32 $0xFFFFF800  }
0x9f: {  	_ =	swait.ge [sflag:s24], $0x800  }
0xa0: {  	[sflag:s24] =	ssyncset.done $0x0  }
0xa1: {  	[sflag:s24] =	ssyncadd.s32 $0xFFFFF800  }
0xa2: {  	_ =	swait.ge [sflag:s24], $0x800  }
0xa3: {  	[sflag:s24] =	ssyncset.done $0x0  }
0xa4: {  	[sflag:s24] =	ssyncadd.s32 $0xFFFFF800  }
0xa5: {  	_ =	swait.ge [sflag:s24], $0x800  }
0xa6: {  	[sflag:s24] =	ssyncset.done $0x0  }
0xa7: {  	[sflag:s24] =	ssyncadd.s32 $0xFFFFF800  }
0xa8: {  	_ =	swait.ge [sflag:s24], $0x800  }
0xa9: {  	[sflag:s24] =	ssyncset.done $0x0  }
0xaa: {  	[sflag:s24] =	ssyncadd.s32 $0xFFFFF800  }
0xab: {  	_ =	swait.ge [sflag:s24], $0x800  }
0xac: {  	[sflag:s24] =	ssyncset.done $0x0  }
0xad: {  	[sflag:s24] =	ssyncadd.s32 $0xFFFFF800  }
0xae: {  	_ =	swait.ge [sflag:s24], $0x800  }
0xaf: {  	[sflag:s24] =	ssyncset.done $0x0  }
0xb0: {  	[sflag:s24] =	ssyncadd.s32 $0xFFFFF800  }
0xb1: {  	[spmem:s2] =	stream.indirect.scatter.add.f32 [tilespmem:s12], [sflag:$0x2], $0x10, s10, s11, $0xb8;
	[tilespmem:$0x1E480] =	vst v63  }
0xb2: {  	_ = 	snop  }
0xb3: {  	[spmem:s2] =	stream.indirect.scatter.add.f32 [tilespmem:s13], [sflag:$0x2], $0x10, s28, s11, $0xb8;
	[tilespmem:$0x1E480] =	vst v63  }
0xb4: {  	_ = 	snop  }
0xb5: {  	[spmem:s2] =	stream.indirect.scatter.add.f32 [tilespmem:s14], [sflag:$0x2], $0x10, s29, s11, $0xb8;
	[tilespmem:$0x1E480] =	vst v63  }
0xb6: {  	_ = 	snop  }
0xb7: {  	[spmem:s2] =	stream.indirect.scatter.add.f32 [tilespmem:s15], [sflag:$0x2], $0x10, s30, s11, $0xb8;
	[tilespmem:$0x1E480] =	vst v63  }
0xb8: {  	_ = 	snop  }
0xb9: {  	[spmem:s2] =	stream.indirect.scatter.add.f32 [tilespmem:s16], [sflag:$0x2], $0x10, s31, s11, $0xb8;
	[tilespmem:$0x1E480] =	vst v63  }
0xba: {  	_ = 	snop  }
0xbb: {  	[spmem:s2] =	stream.indirect.scatter.add.f32 [tilespmem:s18], [sflag:$0x2], $0x10, s1, s11, $0xb8;
	[tilespmem:$0x1E480] =	vst v63  }
0xbc: {  	_ = 	snop  }
0xbd: {  	[spmem:s2] =	stream.indirect.scatter.add.f32 [tilespmem:s20], [sflag:$0x2], $0x10, s0, s11, $0xb8;
	[tilespmem:$0x1E480] =	vst v63  }
0xbe: {  	s17 =	simm.s32 $0x19780  }
0xbf: {  	[spmem:s2] =	stream.indirect.scatter.add.f32 [tilespmem:s22], [sflag:$0x2], $0x10, s17, s11, $0xb8;
	[tilespmem:$0x1E480] =	vst v63  }
0xc0: {  	_ =	swait.ge [sflag:s5], $0x800  }
0xc1: {  	[sflag:s5] =	ssyncset.done $0x0  }
0xc2: {  	[sflag:s5] =	ssyncadd.s32 $0xFFFFF800  }
0xc3: {  	_ =	swait.ge [sflag:s5], $0x800  }
0xc4: {  	[sflag:s5] =	ssyncset.done $0x0  }
0xc5: {  	[sflag:s5] =	ssyncadd.s32 $0xFFFFF800  }
0xc6: {  	_ =	swait.ge [sflag:s5], $0x800  }
0xc7: {  	[sflag:s5] =	ssyncset.done $0x0  }
0xc8: {  	[sflag:s5] =	ssyncadd.s32 $0xFFFFF800  }
0xc9: {  	_ =	swait.ge [sflag:s5], $0x800  }
0xca: {  	[sflag:s5] =	ssyncset.done $0x0  }
0xcb: {  	[sflag:s5] =	ssyncadd.s32 $0xFFFFF800  }
0xcc: {  	_ =	swait.ge [sflag:s5], $0x800  }
0xcd: {  	[sflag:s5] =	ssyncset.done $0x0  }
0xce: {  	[sflag:s5] =	ssyncadd.s32 $0xFFFFF800  }
0xcf: {  	_ =	swait.ge [sflag:s5], $0x800  }
0xd0: {  	[sflag:s5] =	ssyncset.done $0x0  }
0xd1: {  	p0 =	sne.s32 s23, $0x6180;
	[sflag:s5] =	ssyncadd.s32 $0xFFFFF800  }
.Ltmp2:
0xd2: {  	_ =	swait.ge [sflag:s5], $0x800;
	(pc) =	sbr.rel @p0 .LBB2_6-.Ltmp2, $4  }
0xd3: {  	[sflag:s5] =	ssyncset.done $0x0  }
0xd4: {  	[sflag:s5] =	ssyncadd.s32 $0xFFFFF800  }
0xd5: {  	_ =	swait.ge [sflag:s5], $0x800  }
0xd6: {  	s23 =	sadd.s32 $0x80, s23;
	s7 =	rddreg [dreg:$0x4];
	[sflag:s5] =	ssyncset.done $0x0  }
0xd7: {  	[sflag:s5] =	ssyncadd.s32 $0xFFFFF800;
	s7 =	sadd.s32 s25, s7  }
0xd8: {  	[tilespmem:s9], [sflag:$0x3] =	stream.linear.gather [hbm4b:s7+s3], $0x400, $0x38;
	[tilespmem:$0x1E480] =	vst v63  }
0xd9: {  	_ =	swait.ge [sflag:s8], $0x400  }
0xda: {  	s23 =	rddreg [dreg:$0x3];
	[sflag:s8] =	ssyncset.done $0x0  }
0xdb: {  	[sflag:s8] =	ssyncadd.s32 $0xFFFFFC00;
	s7 =	sadd.s32 s25, s23  }
0xdc: {  	[tilespmem:s10], [sflag:$0x3] =	stream.linear.gather [hbm4b:s7+s3], $0x400, $0x38;
	[tilespmem:$0x1E480] =	vst v63  }
0xdd: {  	_ =	swait.ge [sflag:s8], $0x400  }
0xde: {  	[sflag:s8] =	ssyncset.done $0x0  }
0xdf: {  	[sflag:s8] =	ssyncadd.s32 $0xFFFFFC00  }
0xe0: {  	[tilespmem:s12], [sflag:$0x1] =	stream.indirect.gather [hbm4b:s4+s11], $0x10, s9, s11, $0xb8;
	[tilespmem:$0x1E480] =	vst v63  }
0xe1: {  	s25 =	rddreg [dreg:$0x5]  }
0xe2: {  	[tilespmem:s13], [sflag:$0x1] =	stream.indirect.gather [hbm4b:s4+s11], $0x10, s25, s11, $0xb8;
	[tilespmem:$0x1E480] =	vst v63  }
0xe3: {  	s17 =	rddreg [dreg:$0x6]  }
0xe4: {  	[tilespmem:s14], [sflag:$0x1] =	stream.indirect.gather [hbm4b:s4+s11], $0x10, s17, s11, $0xb8;
	[tilespmem:$0x1E480] =	vst v63  }
0xe5: {  	s23 =	rddreg [dreg:$0x7]  }
0xe6: {  	[tilespmem:s15], [sflag:$0x1] =	stream.indirect.gather [hbm4b:s4+s11], $0x10, s23, s11, $0xb8;
	[tilespmem:$0x1E480] =	vst v63  }
0xe7: {  	s25 =	rddreg [dreg:$0x8]  }
0xe8: {  	[tilespmem:s16], [sflag:$0x1] =	stream.indirect.gather [hbm4b:s4+s11], $0x10, s25, s11, $0xb8;
	[tilespmem:$0x1E480] =	vst v63  }
0xe9: {  	_ = 	snop  }
0xea: {  	[tilespmem:s18], [sflag:$0x1] =	stream.indirect.gather [hbm4b:s4+s11], $0x10, s19, s11, $0xb8;
	[tilespmem:$0x1E480] =	vst v63  }
0xeb: {  	_ = 	snop  }
0xec: {  	[tilespmem:s20], [sflag:$0x1] =	stream.indirect.gather [hbm4b:s4+s11], $0x10, s21, s11, $0xb8;
	[tilespmem:$0x1E480] =	vst v63  }
0xed: {  	_ = 	snop  }
0xee: {  	[tilespmem:s22], [sflag:$0x1] =	stream.indirect.gather [hbm4b:s4+s11], $0x10, s26, s11, $0xb8;
	[tilespmem:$0x1E480] =	vst v63  }
0xef: {  	_ =	swait.ge [sflag:s24], $0x800  }
0xf0: {  	[sflag:s24] =	ssyncset.done $0x0  }
0xf1: {  	[sflag:s24] =	ssyncadd.s32 $0xFFFFF800  }
0xf2: {  	_ =	swait.ge [sflag:s24], $0x800  }
0xf3: {  	[sflag:s24] =	ssyncset.done $0x0  }
0xf4: {  	[sflag:s24] =	ssyncadd.s32 $0xFFFFF800  }
0xf5: {  	_ =	swait.ge [sflag:s24], $0x800  }
0xf6: {  	[sflag:s24] =	ssyncset.done $0x0  }
0xf7: {  	[sflag:s24] =	ssyncadd.s32 $0xFFFFF800  }
0xf8: {  	_ =	swait.ge [sflag:s24], $0x800  }
0xf9: {  	[sflag:s24] =	ssyncset.done $0x0  }
0xfa: {  	[sflag:s24] =	ssyncadd.s32 $0xFFFFF800  }
0xfb: {  	_ =	swait.ge [sflag:s24], $0x800  }
0xfc: {  	[sflag:s24] =	ssyncset.done $0x0  }
0xfd: {  	[sflag:s24] =	ssyncadd.s32 $0xFFFFF800  }
0xfe: {  	_ =	swait.ge [sflag:s24], $0x800  }
0xff: {  	[sflag:s24] =	ssyncset.done $0x0  }
0x100: {  	[sflag:s24] =	ssyncadd.s32 $0xFFFFF800  }
0x101: {  	_ =	swait.ge [sflag:s24], $0x800  }
0x102: {  	[sflag:s24] =	ssyncset.done $0x0  }
0x103: {  	[sflag:s24] =	ssyncadd.s32 $0xFFFFF800  }
0x104: {  	_ =	swait.ge [sflag:s24], $0x800  }
0x105: {  	[sflag:s24] =	ssyncset.done $0x0  }
0x106: {  	[sflag:s24] =	ssyncadd.s32 $0xFFFFF800  }
0x107: {  	[spmem:s2] =	stream.indirect.scatter.add.f32 [tilespmem:s12], [sflag:$0x2], $0x10, s10, s11, $0xb8;
	[tilespmem:$0x1E480] =	vst v63  }
0x108: {  	_ = 	snop  }
0x109: {  	[spmem:s2] =	stream.indirect.scatter.add.f32 [tilespmem:s13], [sflag:$0x2], $0x10, s28, s11, $0xb8;
	[tilespmem:$0x1E480] =	vst v63  }
0x10a: {  	_ = 	snop  }
0x10b: {  	[spmem:s2] =	stream.indirect.scatter.add.f32 [tilespmem:s14], [sflag:$0x2], $0x10, s29, s11, $0xb8;
	[tilespmem:$0x1E480] =	vst v63  }
0x10c: {  	_ = 	snop  }
0x10d: {  	[spmem:s2] =	stream.indirect.scatter.add.f32 [tilespmem:s15], [sflag:$0x2], $0x10, s30, s11, $0xb8;
	[tilespmem:$0x1E480] =	vst v63  }
0x10e: {  	_ = 	snop  }
0x10f: {  	[spmem:s2] =	stream.indirect.scatter.add.f32 [tilespmem:s16], [sflag:$0x2], $0x10, s31, s11, $0xb8;
	[tilespmem:$0x1E480] =	vst v63  }
0x110: {  	_ = 	snop  }
0x111: {  	[spmem:s2] =	stream.indirect.scatter.add.f32 [tilespmem:s18], [sflag:$0x2], $0x10, s1, s11, $0xb8;
	[tilespmem:$0x1E480] =	vst v63  }
0x112: {  	_ = 	snop  }
0x113: {  	[spmem:s2] =	stream.indirect.scatter.add.f32 [tilespmem:s20], [sflag:$0x2], $0x10, s0, s11, $0xb8;
	[tilespmem:$0x1E480] =	vst v63  }
0x114: {  	s19 =	simm.s32 $0x19780  }
0x115: {  	[spmem:s2] =	stream.indirect.scatter.add.f32 [tilespmem:s22], [sflag:$0x2], $0x10, s19, s11, $0xb8;
	[tilespmem:$0x1E480] =	vst v63  }
0x116: {  	_ =	swait.ge [sflag:s5], $0x800  }
0x117: {  	[sflag:s5] =	ssyncset.done $0x0  }
0x118: {  	[sflag:s5] =	ssyncadd.s32 $0xFFFFF800  }
0x119: {  	_ =	swait.ge [sflag:s5], $0x800  }
0x11a: {  	[sflag:s5] =	ssyncset.done $0x0  }
0x11b: {  	[sflag:s5] =	ssyncadd.s32 $0xFFFFF800  }
0x11c: {  	_ =	swait.ge [sflag:s5], $0x800  }
0x11d: {  	[sflag:s5] =	ssyncset.done $0x0  }
0x11e: {  	[sflag:s5] =	ssyncadd.s32 $0xFFFFF800  }
0x11f: {  	_ =	swait.ge [sflag:s5], $0x800  }
0x120: {  	[sflag:s5] =	ssyncset.done $0x0  }
0x121: {  	[sflag:s5] =	ssyncadd.s32 $0xFFFFF800  }
0x122: {  	_ =	swait.ge [sflag:s5], $0x800  }
0x123: {  	[sflag:s5] =	ssyncset.done $0x0  }
0x124: {  	[sflag:s5] =	ssyncadd.s32 $0xFFFFF800  }
0x125: {  	_ =	swait.ge [sflag:s5], $0x800  }
0x126: {  	[sflag:s5] =	ssyncset.done $0x0  }
0x127: {  	[sflag:s5] =	ssyncadd.s32 $0xFFFFF800  }
0x128: {  	_ =	swait.ge [sflag:s5], $0x800  }
0x129: {  	[sflag:s5] =	ssyncset.done $0x0  }
0x12a: {  	[sflag:s5] =	ssyncadd.s32 $0xFFFFF800  }
0x12b: {  	_ =	swait.ge [sflag:s5], $0x800  }
0x12c: {  	[sflag:s5] =	ssyncset.done $0x0  }
0x12d: {  	[sflag:s5] =	ssyncadd.s32 $0xFFFFF800  }
0x12e: {  	s21 =	stileid.u32;
	[bflag:$0x0] =	sbarrier.arrive $0xFFFF  }
0x12f: {  	s7 =	sshll.u32 s21, $0x6;
	s23 =	rddreg [dreg:$0xa]  }
0x130: {  	s7 =	sor.u32 $0x1C03, s7;
	s25 =	rddreg [dreg:$0xb]  }
0x131: {  	[hbm:s23], [sflag:s7] =	dma.local [spmem:s25], $0x3200  }
0x132: {  	_ =	swait.ge [sflag:s8], $0x3200  }
0x133: {  	s23 =	rddreg [dreg:$0xc]  }
0x134: {  	s26 =	rddreg [dreg:$0x9];
	s23 =	sadd.s32 $0x1, s23  }
0x135: {  	p0 =	sne.s32 s23, s26  }
.Ltmp3:
0x136: {  	s17 =	simm.s32 $0x1D800;
	(pc) =	sbr.rel @p0 .LBB2_1-.Ltmp3, $4  }
0x137: {  	s21 =	simm.s32 $0x19300;
	s28 =	simm.s32 $0x19500;
	s29 =	simm.s32 $0x19580  }
0x138: {  	s30 =	simm.s32 $0x19600;
	s31 =	simm.s32 $0x19780;
	s1 =	simm.s32 $0x19680  }
0x139: {  	s0 =	simm.s32 $0x19700;
	s19 =	simm.s32 $0x19280;
	[sflag:s8] =	ssyncset.done $0x0  }
0x13a: {  	s25 =	simm.s32 $0x19380;
	[sflag:s8] =	ssyncadd.s32 $0xFFFFCE00;
	s26 =	simm.s32 $0x19480  }
0x13b: {  	_ =	sfence.sel $0x180000  }
0x13c: {  	[bflag:$0x0] =	sbarrier.arrive $0xFFFF  }
0x13d: {  	_ =	strace $0x9000004D  }
0x13e: {  	s0 =	stileid.u32;
	[bflag:$0x2] =	sbarrier.arrive $0xFFFF  }
0x13f: {  	p0 =	sne.s32 s0, $0x0;
	s0 =	rddreg [dreg:$0x2]  }
0x140: {  	s0 =	sadd.s32 @!p0 $0x100000, s0  }
0x141: {  	[sflag:s0] =	ssyncadd.tile.s32 @!p0 $0x1;
	_ =	shalt  }
.Lfunc_end2:
_tile_overlayer_lowered:
.L_overlay_start_2:
0x142: {  	(tag) =	ssettag $0x2  }
0x143: {  	s0 =	rddreg [dreg:$0x0];
	s2 =	stileid.u32  }
0x144: {  	s1 =	rddreg [dreg:$0x1];
	p0 =	sne.s32 s2, $0x0  }
0x145: {  	s3 =	rddreg [dreg:$0x2];
	[bflag:$0x3] =	sbarrier.arrive $0xFFFF;
	s2 =	simm.s32 @!p0 $0x1C03  }
0x146: {  	[timem:s3], [sflag:s2] =	dma.local @!p0 [hbm:s0], s1  }
0x147: {  	s0 =	simm.s32 @!p0 $0x3  }
0x148: {  	_ =	swait.ge @!p0 [sflag:s0], s1  }
0x149: {  	s1 =	ssub.s32 @!p0 $0x0, s1;
	[sflag:s0] =	ssyncset.done @!p0 $0x0  }
0x14a: {  	[sflag:s0] =	ssyncadd.s32 @!p0 s1  }
0x14b: {  	[bflag:$0x3] =	sbarrier.arrive $0xFFFF  }
0x14c: {  	_ =	shalt  }

// kernel: kernel.21.cloned.1.call-start
scs
__scs_entry_jumppad:
0x0: {  	(pc) =	sbr.rel $0x88, $3  }
0x1: {  	(tag) =	ssettag $0x0;
	lr =	simm.s32 $0x1  }
0x2: {  	[smem:$0x3F96] =	sst lr;
	_ =	strace $0xD0000000  }
0x3: {  	_ = 	snop  }
0x4: {  	_ = 	snop  }
0x5: {  	_ = 	snop  }
0x6: {  	_ = 	snop  }
0x7: {  	_ = 	snop  }
__scs_overlays_trampoline_lowered:
0x8: {  	[smem:$0x3FA5] =	sst s0  }
0x9: {  	[smem:$0x3FA6] =	sst s1  }
0xa: {  	[smem:$0x3FA7] =	sst s2  }
0xb: {  	[smem:$0x3FA8] =	sst s3  }
0xc: {  	[smem:$0x3FA9] =	sst s4  }
0xd: {  	[smem:$0x3FAA] =	sst s5  }
0xe: {  	[smem:$0x3FAB] =	sst s6  }
0xf: {  	[smem:$0x3FAC] =	sst s7  }
0x10: {  	[smem:$0x3FAD] =	sst s8  }
0x11: {  	[smem:$0x3FAE] =	sst s9;
	s0 =	simm.s32 @!p0 $0x0  }
0x12: {  	s1 =	sld [smem:$0x3F94];
	s0 =	simm.s32 @p0 $0x1  }
0x13: {  	[smem:$0x3FAF] =	sst s0;
	s0 =	simm.s32 @!p1 $0x0  }
0x14: {  	s2 =	sld [smem:$0x3F93];
	s0 =	simm.s32 @p1 $0x1  }
0x15: {  	[smem:$0x3FB0] =	sst s0;
	s0 =	simm.s32 @!p2 $0x0  }
0x16: {  	s3 =	sld [smem:$0x3FDB];
	s0 =	simm.s32 @p2 $0x1  }
0x17: {  	s4 =	simm.s32 $0x1BF5;
	[smem:$0x3FB2] =	sst s0  }
0x18: {  	s0 =	sld [smem:$0x3F95];
	_ =	swait.ge [sflag:s4], $0x0  }
0x19: {  	s7 =	sld [smem:$0x3F96]  }
0x1a: {  	s8 =	sadd.s32 $0xFFFFE003, lr  }
0x1b: {  	s9 =	sadd.s32 $0xFFFFFEF7, lr;
	s5 =	simm.s32 $0xFFFFFFFF;
	p2 =	slt.u32 s8, $0xFFFFF086  }
0x1c: {  	p1 =	slt.u32 s9, $0xF7A;
	s5 =	simm.s32 @!p2 $0x0  }
0x1d: {  	s5 =	simm.s32 @p1 $0x1;
	p0 =	seq.s32 s7, s2  }
0x1e: {  	s7 =	smul.u32 @!p0 $0xF7A, s2;
	p2 =	seq.s32 @!p0 s5, $0x0  }
0x1f: {  	s9 =	smul.u32 $0xF7A, s1;
	s8 =	simm.s32 @!p0 $0x1BF5;
	p2 =	por !p2, p0  }
0x20: {  	[sflag:s8] =	ssyncset.s32 @!p0 $0xFFFFF086;
	s6 =	sadd.s32 @!p0 s3, s7;
	s7 =	simm.s32 @!p0 $0x108  }
0x21: {  	s3 =	sadd.s32 s3, s9;
	s6 =	sadd.s32 @!p0 $0x88, s6;
	s7 =	simm.s32 @p2 $0x1082  }
0x22: {  	[simem:s7], [sflag:s8] =	dma.local @!p0 [hbm:s6], $0xF7A  }
0x23: {  	s9 =	sor.u32 $0xD0000000, s2;
	s6 =	simm.s32 $0x108;
	_ =	swait.ge @!p0 [sflag:s8], $0x0  }
0x24: {  	s3 =	sadd.s32 $0x88, s3;
	s6 =	simm.s32 @!p1 $0x1082;
	[sflag:s4] =	ssyncset.s32 $0xFFFFF086  }
0x25: {  	[simem:s6], [sflag:s4] =	dma.local [hbm:s3], $0xF7A  }
0x26: {  	[smem:$0x3F96] =	sst s1;
	(tag) =	ssettag s2;
	_ =	strace s9  }
0x27: {  	s1 =	sld [smem:$0x3FA6]  }
0x28: {  	s2 =	sld [smem:$0x3FA7]  }
0x29: {  	s4 =	sld [smem:$0x3FA9]  }
0x2a: {  	p0 =	seq.s32 s5, $0x0;
	s5 =	sld [smem:$0x3FAA]  }
0x2b: {  	s6 =	sld [smem:$0x3FAB]  }
0x2c: {  	s7 =	sld [smem:$0x3FAC]  }
0x2d: {  	s3 =	simm.s32 $0x108;
	s8 =	sld [smem:$0x3FAD]  }
0x2e: {  	s3 =	simm.s32 @!p0 $0x1082;
	s9 =	sld [smem:$0x3FAE]  }
0x2f: {  	lr =	sadd.s32 s0, s3;
	s0 =	sld [smem:$0x3FA5]  }
0x30: {  	s3 =	sld [smem:$0x3FA8]  }
0x31: {  	[smem:$0x3FB1] =	sst s10  }
0x32: {  	s10 =	sld [smem:$0x3FAF];
	_ =	sdelay $0x3  }
0x33: {  	p0 =	seq.s32 s10, $0x1;
	s10 =	sld [smem:$0x3FB1];
	_ =	sdelay $0x3  }
0x34: {  	[smem:$0x3FB1] =	sst s10  }
0x35: {  	s10 =	sld [smem:$0x3FB0];
	_ =	sdelay $0x3  }
0x36: {  	p1 =	seq.s32 s10, $0x1;
	s10 =	sld [smem:$0x3FB1];
	_ =	sdelay $0x3  }
0x37: {  	[smem:$0x3FB1] =	sst s10  }
0x38: {  	s10 =	sld [smem:$0x3FB2]  }
0x39: {  	_ = 	snop;
	(pc) =	sbr.ind lr, $3  }
0x3a: {  	_ = 	snop  }
0x3b: {  	_ = 	snop  }
0x3c: {  	p2 =	seq.s32 s10, $0x1;
	s10 =	sld [smem:$0x3FB1]  }
0x3d: {  	_ =	shalt  }
0x3e: {  	_ =	shalt  }
0x3f: {  	_ =	shalt  }
0x40: {  	_ =	shalt  }
0x41: {  	_ =	shalt  }
0x42: {  	_ =	shalt  }
0x43: {  	_ =	shalt  }
0x44: {  	_ =	shalt  }
0x45: {  	_ =	shalt  }
0x46: {  	_ =	shalt  }
0x47: {  	_ =	shalt  }
0x48: {  	_ =	shalt  }
0x49: {  	_ =	shalt  }
0x4a: {  	_ =	shalt  }
0x4b: {  	_ =	shalt  }
0x4c: {  	_ =	shalt  }
0x4d: {  	_ =	shalt  }
0x4e: {  	_ =	shalt  }
0x4f: {  	_ =	shalt  }
0x50: {  	_ =	shalt  }
0x51: {  	_ =	shalt  }
0x52: {  	_ =	shalt  }
0x53: {  	_ =	shalt  }
0x54: {  	_ =	shalt  }
0x55: {  	_ =	shalt  }
0x56: {  	_ =	shalt  }
0x57: {  	_ =	shalt  }
0x58: {  	_ =	shalt  }
0x59: {  	_ =	shalt  }
0x5a: {  	_ =	shalt  }
0x5b: {  	_ =	shalt  }
0x5c: {  	_ =	shalt  }
0x5d: {  	_ =	shalt  }
0x5e: {  	_ =	shalt  }
0x5f: {  	_ =	shalt  }
0x60: {  	_ =	shalt  }
0x61: {  	_ =	shalt  }
0x62: {  	_ =	shalt  }
0x63: {  	_ =	shalt  }
0x64: {  	_ =	shalt  }
0x65: {  	_ =	shalt  }
0x66: {  	_ =	shalt  }
0x67: {  	_ =	shalt  }
0x68: {  	_ =	shalt  }
0x69: {  	_ =	shalt  }
0x6a: {  	_ =	shalt  }
0x6b: {  	_ =	shalt  }
0x6c: {  	_ =	shalt  }
0x6d: {  	_ =	shalt  }
0x6e: {  	_ =	shalt  }
0x6f: {  	_ =	shalt  }
0x70: {  	_ =	shalt  }
0x71: {  	_ =	shalt  }
0x72: {  	_ =	shalt  }
0x73: {  	_ =	shalt  }
0x74: {  	_ =	shalt  }
0x75: {  	_ =	shalt  }
0x76: {  	_ =	shalt  }
0x77: {  	_ =	shalt  }
0x78: {  	_ =	shalt  }
0x79: {  	_ =	shalt  }
0x7a: {  	_ =	shalt  }
0x7b: {  	_ =	shalt  }
0x7c: {  	_ =	shalt  }
0x7d: {  	_ =	shalt  }
0x7e: {  	_ =	shalt  }
0x7f: {  	_ =	shalt  }
0x80: {  	_ =	shalt  }
0x81: {  	_ =	shalt  }
0x82: {  	_ =	shalt  }
0x83: {  	_ =	shalt  }
0x84: {  	_ =	shalt  }
0x85: {  	_ =	shalt  }
0x86: {  	_ =	shalt  }
0x87: {  	_ =	shalt  }
.Lfunc_end0:
.L_simem_size_0:
called_computation.3_lowered:
.L_overlay_start_0:
0x88: {  	s2 =	sld [smem:$0x3FD9]  }
0x89: {  	s3 =	sld [smem:$0x3FFE];
	_ =	sdelay $0x1  }
0x8a: {  	s1 =	srdreg.scid  }
0x8b: {  	s0 =	sand.u32 $0x1, s1  }
0x8c: {  	s16 =	sshll.u32 s0, $0xA;
	s2 =	sadd.s32 s3, s2  }
0x8d: {  	s2 =	sadd.s32 s2, s16  }
0x8e: {  	[smem:$0x3FBD] =	sst s2  }
0x8f: {  	_ = 	snop  }
0x90: {  	(tm) =	ssettm $0x1  }
0x91: {  	s17 =	sld [smem:$0x3FFB];
	_ =	sdelay $0x3  }
0x92: {  	_ =	strace s17  }
0x93: {  	s2 =	sld [smem:$0x3FFC];
	_ =	sdelay $0x3  }
0x94: {  	_ =	strace s2  }
0x95: {  	s2 =	sld [smem:$0x3FFD];
	_ =	sdelay $0x3  }
0x96: {  	_ =	strace s2  }
0x97: {  	_ =	strace $0x8FFFFFFF  }
0x98: {  	s18 =	sld [smem:$0x3FDB];
	_ =	sdelay $0x1  }
0x99: {  	s19 =	simm.s32 $_scs_section_size  }
0x9a: {  	s4 =	simm.s32 $_size__tile_overlayer_lowered;
	s5 =	simm.s32 $_tile_overlayer_lowered  }
0x9b: {  	s22 =	simm.s32 $0x1BFF;
	s21 =	sshll.u32 s5, $0x1;
	s2 =	sadd.s32 s19, s18  }
0x9c: {  	s6 =	simm.s32 $0x0;
	s20 =	sshll.u32 s4, $0x1;
	s4 =	sadd.s32 s21, s2  }
0x9d: {  	[timem:s6], [sflag:s22] =	dma.local [hbm:s4], s20  }
0x9e: {  	_ =	swait.ge [sflag:s22], s20  }
0x9f: {  	s3 =	ssub.s32 $0x0, s20;
	[sflag:s22] =	ssyncset.done $0x0  }
0xa0: {  	[sflag:s22] =	ssyncadd.s32 s3;
	_ =	sdelay $0x1  }
0xa1: {  	s23 =	simm.s32 $0x1B8B  }
0xa2: {  	_ =	swait.ge [sflag:s23], $0x1  }
0xa3: {  	[sflag:s23] =	ssyncset.done $0x0  }
0xa4: {  	s25 =	simm.s32 $0x1B8E;
	s24 =	sld [smem:$0x3FFE];
	[sflag:s23] =	ssyncadd.s32 $0xFFFFFFFF  }
0xa5: {  	s26 =	simm.s32 $execute0_lowered;
	[smem:$0x3FD2] =	sst s25  }
0xa6: {  	s4 =	sshll.u32 s26, $0x1;
	_ =	strace $0x8000004F;
	[dreg:$0x1] =	wrdreg $0xFFFFFFFF  }
0xa7: {  	s28 =	simm.s32 $_size_execute0_lowered;
	s2 =	sadd.s32 s2, s4;
	[dreg:$0x0] =	wrdreg $0x0  }
0xa8: {  	s4 =	sshll.u32 s28, $0x1;
	[dreg:$0x2] =	wrdreg s2  }
0xa9: {  	[dreg:$0x3] =	wrdreg s4  }
0xaa: {  	[dreg:$0x4] =	wrdreg $0xC0  }
0xab: {  	_ =	task [dreg:s6], $0x5FFFF  }
0xac: {  	[dreg:$0x1] =	wrdreg $0xFFFFFFFF  }
0xad: {  	[dreg:$0x0] =	wrdreg $0x60  }
0xae: {  	[dreg:$0x2] =	wrdreg s24  }
0xaf: {  	[dreg:$0x3] =	wrdreg $0x0  }
0xb0: {  	[dreg:$0x4] =	wrdreg $0x9  }
0xb1: {  	_ =	task.clear_ibuf [dreg:s6], $0x5FFFF;
	_ =	strace $0x9000004F  }
0xb2: {  	s29 =	simm.s32 $0x9;
	_ =	strace $0x80000051  }
0xb3: {  	_ =	swait.ge [sflag:s29], $0x1  }
0xb4: {  	[sflag:s29] =	ssyncadd.s32 $0xFFFFFFFF  }
0xb5: {  	_ =	strace $0x90000051  }
0xb6: {  	_ =	sfence  }
0xb7: {  	s30 =	sld [smem:$0x0];
	_ =	sdelay $0x2  }
0xb8: {  	s31 =	sshll.u32 s1, $0xD;
	s1 =	sshrl.u32 s1, $0x2  }
0xb9: {  	s3 =	sand.u32 $0x4000, s31;
	s1 =	sadd.s32 s1, s30  }
0xba: {  	s0 =	sor.u32 s3, s0;
	s1 =	sshll.u32 s1, $0x11  }
0xbb: {  	s0 =	sor.u32 s1, s0  }
0xbc: {  	s0 =	sadd.s32 $0x8F2B, s0  }
0xbd: {  	[sflag:s0] =	ssyncadd.remote.s32 $0x1  }
0xbe: {  	_ =	sfence.sel $0xFFFF  }
0xbf: {  	[dreg:$0x0] =	wrdreg $0xFFFFFFFF;
	(pc) =	sbr.abs _section_cstart, $3  }
0xc0: {  	[dreg:$0x1] =	wrdreg $0xFFFFFFFF  }
0xc1: {  	_ =	task.clear_ibuf [dreg:s6], $0x2FFFF;
	_ =	strace $0x9FFFFFFF  }
0xc2: {  	(tm) =	ssettm $0x7FFFFFFF  }
0xc3: {  	_ =	shalt  }
tec
execute0_lowered:
.L_overlay_start_1:
0x0: {  	(tag) =	ssettag $0x1  }
0x1: {  	s0 =	rddreg [dreg:$0x0]  }
0x2: {  	s2 =	rddreg [dreg:$0x1]  }
0x3: {  	s7 =	stileid.u32;
	s1 =	srdreg.scid  }
0x4: {  	s3 =	simm.s32 $0x0;
	s17 =	simm.s32 $0x1D800;
	s9 =	simm.s32 $0x19000  }
0x5: {  	s10 =	simm.s32 $0x19400;
	s11 =	simm.s32 $0x80;
	s21 =	simm.s32 $0x19080  }
0x6: {  	s12 =	simm.s32 $0x19800;
	s22 =	simm.s32 $0x19100;
	s13 =	simm.s32 $0x1A000  }
0x7: {  	s24 =	simm.s32 $0x19180;
	s14 =	simm.s32 $0x1A800;
	s25 =	simm.s32 $0x19200  }
0x8: {  	s15 =	simm.s32 $0x1B000;
	s16 =	simm.s32 $0x1B800;
	s28 =	simm.s32 $0x19500  }
0x9: {  	s29 =	simm.s32 $0x19580;
	s30 =	simm.s32 $0x19600;
	[smem:$0x7FF] =	sst s3  }
0xa: {  	s4 =	smul.u32 $0xC400, s7;
	_ =	strace $0x80000050;
	[dreg:$0x5] =	wrdreg s21  }
0xb: {  	s31 =	simm.s32 $0x19780;
	s19 =	smul.u32 $0x19000, s7;
	[dreg:$0x6] =	wrdreg s22  }
0xc: {  	s1 =	sand.u32 $0x1, s1;
	s7 =	smul.u32 $0x64000, s7;
	[dreg:$0x7] =	wrdreg s24  }
0xd: {  	s5 =	smul.u32 $0x32000, s1;
	s1 =	ssub.s32 $0x2, s1;
	[dreg:$0x8] =	wrdreg s25  }
0xe: {  	s21 =	simm.s32 $0x19300;
	s25 =	simm.s32 $0x19380;
	s22 =	simm.s32 $0x1D000  }
0xf: {  	s24 =	simm.s32 $0x1;
	s6 =	sadd.s32 s4, s0;
	s18 =	sshrl.u32 s1, $0x1  }
0x10: {  	s23 =	sshrl.u32 s19, $0x3;
	s7 =	sshrl.u32 s7, $0x2;
	s0 =	sadd.s32 s5, s0  }
0x11: {  	s1 =	ssub.s32 s1, s18;
	s5 =	sadd.s32 s19, s2;
	s8 =	sadd.s32 $0xC6C00, s6  }
0x12: {  	s20 =	sadd.s32 $0x311600, s6;
	s6 =	sadd.s32 s7, s2;
	s19 =	simm.s32 $0x19280  }
0x13: {  	s18 =	simm.s32 $0x1C000;
	s4 =	sadd.s32 $0x3600, s0;
	[dreg:$0x3] =	wrdreg s8  }
0x14: {  	s0 =	sadd.s32 $0x18AC00, s0;
	s1 =	smax.u32 s1, $0x1;
	[dreg:$0x4] =	wrdreg s20  }
0x15: {  	s8 =	simm.s32 $0x3;
	s20 =	simm.s32 $0x1C800;
	s26 =	sshrl.u32 s5, $0x3  }
0x16: {  	s5 =	simm.s32 $0x2;
	[dreg:$0x9] =	wrdreg s1;
	s0 =	sadd.s32 s23, s0  }
0x17: {  	[dreg:$0xb] =	wrdreg s26;
	s26 =	simm.s32 $0x19480;
	s1 =	simm.s32 $0x19700  }
0x18: {  	v0 =	vimm.f32 $0.0e+00;
	s23 =	simm.s32 $0x0;
	[dreg:$0xa] =	wrdreg s0;
	s0 =	simm.s32 $0x19680  }
.LBB2_1:
0x19: {  	[dreg:$0xc] =	wrdreg s23;
	s7 =	simm.s32 $0x0  }
.LBB2_2:
0x1a: {  	p0 =	sne.s32 s7, $0x31C0  }
.Ltmp0:
0x1b: {  	_ = 	snop;
	(pc) =	sbr.rel @p0 .LBB2_2-.Ltmp0, $3  }
0x1c: {  	_ =	sdelay $0x1  }
0x1d: {  	s23 =	sshra.s32 s7, $0x2  }
0x1e: {  	s7 =	sadd.s32 $0x40, s7;
	[tilespmem:s23+$0x1D800] =	vst v0  }
0x1f: {  	s7 =	sadd.s32 $0x0, s6  }
0x20: {  	[spmem:s7] =	stream.linear.scatter [tilespmem:s17], [sflag:$0x3], $0xC80, $0x38;
	[tilespmem:$0x1E480] =	vst v63  }
0x21: {  	s23 =	simm.s32 $0x3200;
	_ =	swait.ge [sflag:s8], $0xC80  }
.LBB2_4:
0x22: {  	s7 =	sshra.s32 s23, $0x2;
	[sflag:s8] =	ssyncset.done $0x0;
	p0 =	sne.s32 s23, $0x60E00  }
.Ltmp1:
0x23: {  	s7 =	sadd.s32 s7, s6;
	[sflag:s8] =	ssyncadd.s32 $0xFFFFF380;
	(pc) =	sbr.rel @p0 .LBB2_4-.Ltmp1, $3  }
0x24: {  	[spmem:s7] =	stream.linear.scatter [tilespmem:s17], [sflag:$0x3], $0xC80, $0x38;
	[tilespmem:$0x1E480] =	vst v63  }
0x25: {  	s23 =	sadd.s32 $0x3200, s23;
	_ =	sdelay $0x1  }
0x26: {  	_ =	swait.ge [sflag:s8], $0xC80  }
0x27: {  	[sflag:s8] =	ssyncset.done $0x0  }
0x28: {  	[sflag:s8] =	ssyncadd.s32 $0xFFFFF380  }
0x29: {  	[bflag:$0x0] =	sbarrier.arrive $0xFFFF  }
0x2a: {  	s7 =	rddreg [dreg:$0x4]  }
0x2b: {  	s7 =	sadd.s32 $0x0, s7  }
0x2c: {  	[tilespmem:s9], [sflag:$0x3] =	stream.linear.gather [hbm4b:s7+s3], $0x400, $0x38;
	[tilespmem:$0x1E480] =	vst v63  }
0x2d: {  	_ =	swait.ge [sflag:s8], $0x400  }
0x2e: {  	s23 =	rddreg [dreg:$0x3];
	[sflag:s8] =	ssyncset.done $0x0  }
0x2f: {  	[sflag:s8] =	ssyncadd.s32 $0xFFFFFC00;
	s7 =	sadd.s32 $0x0, s23  }
0x30: {  	[tilespmem:s10], [sflag:$0x3] =	stream.linear.gather [hbm4b:s7+s3], $0x400, $0x38;
	[tilespmem:$0x1E480] =	vst v63  }
0x31: {  	_ =	swait.ge [sflag:s8], $0x400  }
0x32: {  	[sflag:s8] =	ssyncset.done $0x0  }
0x33: {  	[sflag:s8] =	ssyncadd.s32 $0xFFFFFC00  }
0x34: {  	[tilespmem:s12], [sflag:$0x1] =	stream.indirect.gather [hbm4b:s4+s11], $0x10, s9, s11, $0xb8;
	[tilespmem:$0x1E480] =	vst v63  }
0x35: {  	s17 =	rddreg [dreg:$0x5]  }
0x36: {  	[tilespmem:s13], [sflag:$0x1] =	stream.indirect.gather [hbm4b:s4+s11], $0x10, s17, s11, $0xb8;
	[tilespmem:$0x1E480] =	vst v63  }
0x37: {  	s23 =	rddreg [dreg:$0x6]  }
0x38: {  	[tilespmem:s14], [sflag:$0x1] =	stream.indirect.gather [hbm4b:s4+s11], $0x10, s23, s11, $0xb8;
	[tilespmem:$0x1E480] =	vst v63  }
0x39: {  	s7 =	rddreg [dreg:$0x7]  }
0x3a: {  	[tilespmem:s15], [sflag:$0x1] =	stream.indirect.gather [hbm4b:s4+s11], $0x10, s7, s11, $0xb8;
	[tilespmem:$0x1E480] =	vst v63  }
0x3b: {  	s17 =	rddreg [dreg:$0x8]  }
0x3c: {  	[tilespmem:s16], [sflag:$0x1] =	stream.indirect.gather [hbm4b:s4+s11], $0x10, s17, s11, $0xb8;
	[tilespmem:$0x1E480] =	vst v63  }
0x3d: {  	_ = 	snop  }
0x3e: {  	[tilespmem:s18], [sflag:$0x1] =	stream.indirect.gather [hbm4b:s4+s11], $0x10, s19, s11, $0xb8;
	[tilespmem:$0x1E480] =	vst v63  }
0x3f: {  	_ = 	snop  }
0x40: {  	[tilespmem:s20], [sflag:$0x1] =	stream.indirect.gather [hbm4b:s4+s11], $0x10, s21, s11, $0xb8;
	[tilespmem:$0x1E480] =	vst v63  }
0x41: {  	_ = 	snop  }
0x42: {  	[tilespmem:s22], [sflag:$0x1] =	stream.indirect.gather [hbm4b:s4+s11], $0x10, s25, s11, $0xb8;
	[tilespmem:$0x1E480] =	vst v63  }
0x43: {  	_ =	swait.ge [sflag:s24], $0x800  }
0x44: {  	[sflag:s24] =	ssyncset.done $0x0  }
0x45: {  	[sflag:s24] =	ssyncadd.s32 $0xFFFFF800  }
0x46: {  	_ =	swait.ge [sflag:s24], $0x800  }
0x47: {  	[sflag:s24] =	ssyncset.done $0x0  }
0x48: {  	[sflag:s24] =	ssyncadd.s32 $0xFFFFF800  }
0x49: {  	_ =	swait.ge [sflag:s24], $0x800  }
0x4a: {  	[sflag:s24] =	ssyncset.done $0x0  }
0x4b: {  	[sflag:s24] =	ssyncadd.s32 $0xFFFFF800  }
0x4c: {  	_ =	swait.ge [sflag:s24], $0x800  }
0x4d: {  	[sflag:s24] =	ssyncset.done $0x0  }
0x4e: {  	[sflag:s24] =	ssyncadd.s32 $0xFFFFF800  }
0x4f: {  	_ =	swait.ge [sflag:s24], $0x800  }
0x50: {  	[sflag:s24] =	ssyncset.done $0x0  }
0x51: {  	[sflag:s24] =	ssyncadd.s32 $0xFFFFF800  }
0x52: {  	_ =	swait.ge [sflag:s24], $0x800  }
0x53: {  	[sflag:s24] =	ssyncset.done $0x0  }
0x54: {  	[sflag:s24] =	ssyncadd.s32 $0xFFFFF800  }
0x55: {  	_ =	swait.ge [sflag:s24], $0x800  }
0x56: {  	[sflag:s24] =	ssyncset.done $0x0  }
0x57: {  	[sflag:s24] =	ssyncadd.s32 $0xFFFFF800  }
0x58: {  	_ =	swait.ge [sflag:s24], $0x800  }
0x59: {  	[sflag:s24] =	ssyncset.done $0x0  }
0x5a: {  	[sflag:s24] =	ssyncadd.s32 $0xFFFFF800  }
0x5b: {  	[spmem:s2] =	stream.indirect.scatter.add.f32 [tilespmem:s12], [sflag:$0x2], $0x10, s10, s11, $0xb8;
	[tilespmem:$0x1E480] =	vst v63  }
0x5c: {  	_ = 	snop  }
0x5d: {  	[spmem:s2] =	stream.indirect.scatter.add.f32 [tilespmem:s13], [sflag:$0x2], $0x10, s26, s11, $0xb8;
	[tilespmem:$0x1E480] =	vst v63  }
0x5e: {  	_ = 	snop  }
0x5f: {  	[spmem:s2] =	stream.indirect.scatter.add.f32 [tilespmem:s14], [sflag:$0x2], $0x10, s28, s11, $0xb8;
	[tilespmem:$0x1E480] =	vst v63  }
0x60: {  	_ = 	snop  }
0x61: {  	[spmem:s2] =	stream.indirect.scatter.add.f32 [tilespmem:s15], [sflag:$0x2], $0x10, s29, s11, $0xb8;
	[tilespmem:$0x1E480] =	vst v63  }
0x62: {  	_ = 	snop  }
0x63: {  	[spmem:s2] =	stream.indirect.scatter.add.f32 [tilespmem:s16], [sflag:$0x2], $0x10, s30, s11, $0xb8;
	[tilespmem:$0x1E480] =	vst v63  }
0x64: {  	_ = 	snop  }
0x65: {  	[spmem:s2] =	stream.indirect.scatter.add.f32 [tilespmem:s18], [sflag:$0x2], $0x10, s0, s11, $0xb8;
	[tilespmem:$0x1E480] =	vst v63  }
0x66: {  	_ = 	snop  }
0x67: {  	[spmem:s2] =	stream.indirect.scatter.add.f32 [tilespmem:s20], [sflag:$0x2], $0x10, s1, s11, $0xb8;
	[tilespmem:$0x1E480] =	vst v63  }
0x68: {  	_ = 	snop  }
0x69: {  	[spmem:s2] =	stream.indirect.scatter.add.f32 [tilespmem:s22], [sflag:$0x2], $0x10, s31, s11, $0xb8;
	[tilespmem:$0x1E480] =	vst v63  }
0x6a: {  	_ =	swait.ge [sflag:s5], $0x800  }
0x6b: {  	[sflag:s5] =	ssyncset.done $0x0  }
0x6c: {  	[sflag:s5] =	ssyncadd.s32 $0xFFFFF800  }
0x6d: {  	_ =	swait.ge [sflag:s5], $0x800  }
0x6e: {  	[sflag:s5] =	ssyncset.done $0x0  }
0x6f: {  	[sflag:s5] =	ssyncadd.s32 $0xFFFFF800  }
0x70: {  	_ =	swait.ge [sflag:s5], $0x800  }
0x71: {  	[sflag:s5] =	ssyncset.done $0x0  }
0x72: {  	[sflag:s5] =	ssyncadd.s32 $0xFFFFF800  }
0x73: {  	_ =	swait.ge [sflag:s5], $0x800  }
0x74: {  	[sflag:s5] =	ssyncset.done $0x0  }
0x75: {  	[sflag:s5] =	ssyncadd.s32 $0xFFFFF800  }
0x76: {  	_ =	swait.ge [sflag:s5], $0x800  }
0x77: {  	[sflag:s5] =	ssyncset.done $0x0  }
0x78: {  	[sflag:s5] =	ssyncadd.s32 $0xFFFFF800  }
0x79: {  	_ =	swait.ge [sflag:s5], $0x800  }
0x7a: {  	[sflag:s5] =	ssyncset.done $0x0  }
0x7b: {  	s23 =	simm.s32 $0x100;
	s19 =	simm.s32 $0x19280;
	[sflag:s5] =	ssyncadd.s32 $0xFFFFF800  }
0x7c: {  	s21 =	simm.s32 $0x19300;
	s25 =	simm.s32 $0x80;
	_ =	swait.ge [sflag:s5], $0x800  }
0x7d: {  	s26 =	simm.s32 $0x19380;
	s28 =	simm.s32 $0x19480;
	[sflag:s5] =	ssyncset.done $0x0  }
0x7e: {  	s29 =	simm.s32 $0x19500;
	s30 =	simm.s32 $0x19580;
	[sflag:s5] =	ssyncadd.s32 $0xFFFFF800  }
0x7f: {  	s0 =	simm.s32 $0x19680;
	s1 =	simm.s32 $0x19700;
	_ =	swait.ge [sflag:s5], $0x800  }
0x80: {  	s31 =	simm.s32 $0x19600;
	s7 =	rddreg [dreg:$0x4];
	[sflag:s5] =	ssyncset.done $0x0  }
.LBB2_6:
0x81: {  	[sflag:s5] =	ssyncadd.s32 $0xFFFFF800;
	s7 =	sadd.s32 s25, s7  }
0x82: {  	[tilespmem:s9], [sflag:$0x3] =	stream.linear.gather [hbm4b:s7+s3], $0x400, $0x38;
	[tilespmem:$0x1E480] =	vst v63  }
0x83: {  	_ =	swait.ge [sflag:s8], $0x400  }
0x84: {  	s7 =	rddreg [dreg:$0x3];
	[sflag:s8] =	ssyncset.done $0x0  }
0x85: {  	[sflag:s8] =	ssyncadd.s32 $0xFFFFFC00;
	s7 =	sadd.s32 s25, s7  }
0x86: {  	[tilespmem:s10], [sflag:$0x3] =	stream.linear.gather [hbm4b:s7+s3], $0x400, $0x38;
	[tilespmem:$0x1E480] =	vst v63  }
0x87: {  	_ =	swait.ge [sflag:s8], $0x400  }
0x88: {  	[sflag:s8] =	ssyncset.done $0x0  }
0x89: {  	[sflag:s8] =	ssyncadd.s32 $0xFFFFFC00  }
0x8a: {  	[tilespmem:s12], [sflag:$0x1] =	stream.indirect.gather [hbm4b:s4+s11], $0x10, s9, s11, $0xb8;
	[tilespmem:$0x1E480] =	vst v63  }
0x8b: {  	s17 =	smov.u32 s23;
	s7 =	rddreg [dreg:$0x5]  }
0x8c: {  	[tilespmem:s13], [sflag:$0x1] =	stream.indirect.gather [hbm4b:s4+s11], $0x10, s7, s11, $0xb8;
	[tilespmem:$0x1E480] =	vst v63  }
0x8d: {  	s25 =	smov.u32 s17;
	s17 =	rddreg [dreg:$0x6]  }
0x8e: {  	[tilespmem:s14], [sflag:$0x1] =	stream.indirect.gather [hbm4b:s4+s11], $0x10, s17, s11, $0xb8;
	[tilespmem:$0x1E480] =	vst v63  }
0x8f: {  	s7 =	rddreg [dreg:$0x7]  }
0x90: {  	[tilespmem:s15], [sflag:$0x1] =	stream.indirect.gather [hbm4b:s4+s11], $0x10, s7, s11, $0xb8;
	[tilespmem:$0x1E480] =	vst v63  }
0x91: {  	s17 =	rddreg [dreg:$0x8]  }
0x92: {  	[tilespmem:s16], [sflag:$0x1] =	stream.indirect.gather [hbm4b:s4+s11], $0x10, s17, s11, $0xb8;
	[tilespmem:$0x1E480] =	vst v63  }
0x93: {  	_ = 	snop  }
0x94: {  	[tilespmem:s18], [sflag:$0x1] =	stream.indirect.gather [hbm4b:s4+s11], $0x10, s19, s11, $0xb8;
	[tilespmem:$0x1E480] =	vst v63  }
0x95: {  	_ = 	snop  }
0x96: {  	[tilespmem:s20], [sflag:$0x1] =	stream.indirect.gather [hbm4b:s4+s11], $0x10, s21, s11, $0xb8;
	[tilespmem:$0x1E480] =	vst v63  }
0x97: {  	_ = 	snop  }
0x98: {  	[tilespmem:s22], [sflag:$0x1] =	stream.indirect.gather [hbm4b:s4+s11], $0x10, s26, s11, $0xb8;
	[tilespmem:$0x1E480] =	vst v63  }
0x99: {  	_ =	swait.ge [sflag:s24], $0x800  }
0x9a: {  	[sflag:s24] =	ssyncset.done $0x0  }
0x9b: {  	[sflag:s24] =	ssyncadd.s32 $0xFFFFF800  }
0x9c: {  	_ =	swait.ge [sflag:s24], $0x800  }
0x9d: {  	[sflag:s24] =	ssyncset.done $0x0  }
0x9e: {  	[sflag:s24] =	ssyncadd.s32 $0xFFFFF800  }
0x9f: {  	_ =	swait.ge [sflag:s24], $0x800  }
0xa0: {  	[sflag:s24] =	ssyncset.done $0x0  }
0xa1: {  	[sflag:s24] =	ssyncadd.s32 $0xFFFFF800  }
0xa2: {  	_ =	swait.ge [sflag:s24], $0x800  }
0xa3: {  	[sflag:s24] =	ssyncset.done $0x0  }
0xa4: {  	[sflag:s24] =	ssyncadd.s32 $0xFFFFF800  }
0xa5: {  	_ =	swait.ge [sflag:s24], $0x800  }
0xa6: {  	[sflag:s24] =	ssyncset.done $0x0  }
0xa7: {  	[sflag:s24] =	ssyncadd.s32 $0xFFFFF800  }
0xa8: {  	_ =	swait.ge [sflag:s24], $0x800  }
0xa9: {  	[sflag:s24] =	ssyncset.done $0x0  }
0xaa: {  	[sflag:s24] =	ssyncadd.s32 $0xFFFFF800  }
0xab: {  	_ =	swait.ge [sflag:s24], $0x800  }
0xac: {  	[sflag:s24] =	ssyncset.done $0x0  }
0xad: {  	[sflag:s24] =	ssyncadd.s32 $0xFFFFF800  }
0xae: {  	_ =	swait.ge [sflag:s24], $0x800  }
0xaf: {  	[sflag:s24] =	ssyncset.done $0x0  }
0xb0: {  	[sflag:s24] =	ssyncadd.s32 $0xFFFFF800  }
0xb1: {  	[spmem:s2] =	stream.indirect.scatter.add.f32 [tilespmem:s12], [sflag:$0x2], $0x10, s10, s11, $0xb8;
	[tilespmem:$0x1E480] =	vst v63  }
0xb2: {  	_ = 	snop  }
0xb3: {  	[spmem:s2] =	stream.indirect.scatter.add.f32 [tilespmem:s13], [sflag:$0x2], $0x10, s28, s11, $0xb8;
	[tilespmem:$0x1E480] =	vst v63  }
0xb4: {  	_ = 	snop  }
0xb5: {  	[spmem:s2] =	stream.indirect.scatter.add.f32 [tilespmem:s14], [sflag:$0x2], $0x10, s29, s11, $0xb8;
	[tilespmem:$0x1E480] =	vst v63  }
0xb6: {  	_ = 	snop  }
0xb7: {  	[spmem:s2] =	stream.indirect.scatter.add.f32 [tilespmem:s15], [sflag:$0x2], $0x10, s30, s11, $0xb8;
	[tilespmem:$0x1E480] =	vst v63  }
0xb8: {  	_ = 	snop  }
0xb9: {  	[spmem:s2] =	stream.indirect.scatter.add.f32 [tilespmem:s16], [sflag:$0x2], $0x10, s31, s11, $0xb8;
	[tilespmem:$0x1E480] =	vst v63  }
0xba: {  	_ = 	snop  }
0xbb: {  	[spmem:s2] =	stream.indirect.scatter.add.f32 [tilespmem:s18], [sflag:$0x2], $0x10, s0, s11, $0xb8;
	[tilespmem:$0x1E480] =	vst v63  }
0xbc: {  	_ = 	snop  }
0xbd: {  	[spmem:s2] =	stream.indirect.scatter.add.f32 [tilespmem:s20], [sflag:$0x2], $0x10, s1, s11, $0xb8;
	[tilespmem:$0x1E480] =	vst v63  }
0xbe: {  	s17 =	simm.s32 $0x19780  }
0xbf: {  	[spmem:s2] =	stream.indirect.scatter.add.f32 [tilespmem:s22], [sflag:$0x2], $0x10, s17, s11, $0xb8;
	[tilespmem:$0x1E480] =	vst v63  }
0xc0: {  	_ =	swait.ge [sflag:s5], $0x800  }
0xc1: {  	[sflag:s5] =	ssyncset.done $0x0  }
0xc2: {  	[sflag:s5] =	ssyncadd.s32 $0xFFFFF800  }
0xc3: {  	_ =	swait.ge [sflag:s5], $0x800  }
0xc4: {  	[sflag:s5] =	ssyncset.done $0x0  }
0xc5: {  	[sflag:s5] =	ssyncadd.s32 $0xFFFFF800  }
0xc6: {  	_ =	swait.ge [sflag:s5], $0x800  }
0xc7: {  	[sflag:s5] =	ssyncset.done $0x0  }
0xc8: {  	[sflag:s5] =	ssyncadd.s32 $0xFFFFF800  }
0xc9: {  	_ =	swait.ge [sflag:s5], $0x800  }
0xca: {  	[sflag:s5] =	ssyncset.done $0x0  }
0xcb: {  	[sflag:s5] =	ssyncadd.s32 $0xFFFFF800  }
0xcc: {  	_ =	swait.ge [sflag:s5], $0x800  }
0xcd: {  	[sflag:s5] =	ssyncset.done $0x0  }
0xce: {  	[sflag:s5] =	ssyncadd.s32 $0xFFFFF800  }
0xcf: {  	_ =	swait.ge [sflag:s5], $0x800  }
0xd0: {  	[sflag:s5] =	ssyncset.done $0x0  }
0xd1: {  	p0 =	sne.s32 s23, $0xC380;
	[sflag:s5] =	ssyncadd.s32 $0xFFFFF800  }
.Ltmp2:
0xd2: {  	_ =	swait.ge [sflag:s5], $0x800;
	(pc) =	sbr.rel @p0 .LBB2_6-.Ltmp2, $4  }
0xd3: {  	[sflag:s5] =	ssyncset.done $0x0  }
0xd4: {  	[sflag:s5] =	ssyncadd.s32 $0xFFFFF800  }
0xd5: {  	_ =	swait.ge [sflag:s5], $0x800  }
0xd6: {  	s23 =	sadd.s32 $0x80, s23;
	s7 =	rddreg [dreg:$0x4];
	[sflag:s5] =	ssyncset.done $0x0  }
0xd7: {  	[sflag:s5] =	ssyncadd.s32 $0xFFFFF800;
	s7 =	sadd.s32 s25, s7  }
0xd8: {  	[tilespmem:s9], [sflag:$0x3] =	stream.linear.gather [hbm4b:s7+s3], $0x400, $0x38;
	[tilespmem:$0x1E480] =	vst v63  }
0xd9: {  	_ =	swait.ge [sflag:s8], $0x400  }
0xda: {  	s23 =	rddreg [dreg:$0x3];
	[sflag:s8] =	ssyncset.done $0x0  }
0xdb: {  	[sflag:s8] =	ssyncadd.s32 $0xFFFFFC00;
	s7 =	sadd.s32 s25, s23  }
0xdc: {  	[tilespmem:s10], [sflag:$0x3] =	stream.linear.gather [hbm4b:s7+s3], $0x400, $0x38;
	[tilespmem:$0x1E480] =	vst v63  }
0xdd: {  	_ =	swait.ge [sflag:s8], $0x400  }
0xde: {  	[sflag:s8] =	ssyncset.done $0x0  }
0xdf: {  	[sflag:s8] =	ssyncadd.s32 $0xFFFFFC00  }
0xe0: {  	[tilespmem:s12], [sflag:$0x1] =	stream.indirect.gather [hbm4b:s4+s11], $0x10, s9, s11, $0xb8;
	[tilespmem:$0x1E480] =	vst v63  }
0xe1: {  	s25 =	rddreg [dreg:$0x5]  }
0xe2: {  	[tilespmem:s13], [sflag:$0x1] =	stream.indirect.gather [hbm4b:s4+s11], $0x10, s25, s11, $0xb8;
	[tilespmem:$0x1E480] =	vst v63  }
0xe3: {  	s17 =	rddreg [dreg:$0x6]  }
0xe4: {  	[tilespmem:s14], [sflag:$0x1] =	stream.indirect.gather [hbm4b:s4+s11], $0x10, s17, s11, $0xb8;
	[tilespmem:$0x1E480] =	vst v63  }
0xe5: {  	s23 =	rddreg [dreg:$0x7]  }
0xe6: {  	[tilespmem:s15], [sflag:$0x1] =	stream.indirect.gather [hbm4b:s4+s11], $0x10, s23, s11, $0xb8;
	[tilespmem:$0x1E480] =	vst v63  }
0xe7: {  	s25 =	rddreg [dreg:$0x8]  }
0xe8: {  	[tilespmem:s16], [sflag:$0x1] =	stream.indirect.gather [hbm4b:s4+s11], $0x10, s25, s11, $0xb8;
	[tilespmem:$0x1E480] =	vst v63  }
0xe9: {  	_ = 	snop  }
0xea: {  	[tilespmem:s18], [sflag:$0x1] =	stream.indirect.gather [hbm4b:s4+s11], $0x10, s19, s11, $0xb8;
	[tilespmem:$0x1E480] =	vst v63  }
0xeb: {  	_ = 	snop  }
0xec: {  	[tilespmem:s20], [sflag:$0x1] =	stream.indirect.gather [hbm4b:s4+s11], $0x10, s21, s11, $0xb8;
	[tilespmem:$0x1E480] =	vst v63  }
0xed: {  	_ = 	snop  }
0xee: {  	[tilespmem:s22], [sflag:$0x1] =	stream.indirect.gather [hbm4b:s4+s11], $0x10, s26, s11, $0xb8;
	[tilespmem:$0x1E480] =	vst v63  }
0xef: {  	_ =	swait.ge [sflag:s24], $0x800  }
0xf0: {  	[sflag:s24] =	ssyncset.done $0x0  }
0xf1: {  	[sflag:s24] =	ssyncadd.s32 $0xFFFFF800  }
0xf2: {  	_ =	swait.ge [sflag:s24], $0x800  }
0xf3: {  	[sflag:s24] =	ssyncset.done $0x0  }
0xf4: {  	[sflag:s24] =	ssyncadd.s32 $0xFFFFF800  }
0xf5: {  	_ =	swait.ge [sflag:s24], $0x800  }
0xf6: {  	[sflag:s24] =	ssyncset.done $0x0  }
0xf7: {  	[sflag:s24] =	ssyncadd.s32 $0xFFFFF800  }
0xf8: {  	_ =	swait.ge [sflag:s24], $0x800  }
0xf9: {  	[sflag:s24] =	ssyncset.done $0x0  }
0xfa: {  	[sflag:s24] =	ssyncadd.s32 $0xFFFFF800  }
0xfb: {  	_ =	swait.ge [sflag:s24], $0x800  }
0xfc: {  	[sflag:s24] =	ssyncset.done $0x0  }
0xfd: {  	[sflag:s24] =	ssyncadd.s32 $0xFFFFF800  }
0xfe: {  	_ =	swait.ge [sflag:s24], $0x800  }
0xff: {  	[sflag:s24] =	ssyncset.done $0x0  }
0x100: {  	[sflag:s24] =	ssyncadd.s32 $0xFFFFF800  }
0x101: {  	_ =	swait.ge [sflag:s24], $0x800  }
0x102: {  	[sflag:s24] =	ssyncset.done $0x0  }
0x103: {  	[sflag:s24] =	ssyncadd.s32 $0xFFFFF800  }
0x104: {  	_ =	swait.ge [sflag:s24], $0x800  }
0x105: {  	[sflag:s24] =	ssyncset.done $0x0  }
0x106: {  	[sflag:s24] =	ssyncadd.s32 $0xFFFFF800  }
0x107: {  	[spmem:s2] =	stream.indirect.scatter.add.f32 [tilespmem:s12], [sflag:$0x2], $0x10, s10, s11, $0xb8;
	[tilespmem:$0x1E480] =	vst v63  }
0x108: {  	_ = 	snop  }
0x109: {  	[spmem:s2] =	stream.indirect.scatter.add.f32 [tilespmem:s13], [sflag:$0x2], $0x10, s28, s11, $0xb8;
	[tilespmem:$0x1E480] =	vst v63  }
0x10a: {  	_ = 	snop  }
0x10b: {  	[spmem:s2] =	stream.indirect.scatter.add.f32 [tilespmem:s14], [sflag:$0x2], $0x10, s29, s11, $0xb8;
	[tilespmem:$0x1E480] =	vst v63  }
0x10c: {  	_ = 	snop  }
0x10d: {  	[spmem:s2] =	stream.indirect.scatter.add.f32 [tilespmem:s15], [sflag:$0x2], $0x10, s30, s11, $0xb8;
	[tilespmem:$0x1E480] =	vst v63  }
0x10e: {  	_ = 	snop  }
0x10f: {  	[spmem:s2] =	stream.indirect.scatter.add.f32 [tilespmem:s16], [sflag:$0x2], $0x10, s31, s11, $0xb8;
	[tilespmem:$0x1E480] =	vst v63  }
0x110: {  	_ = 	snop  }
0x111: {  	[spmem:s2] =	stream.indirect.scatter.add.f32 [tilespmem:s18], [sflag:$0x2], $0x10, s0, s11, $0xb8;
	[tilespmem:$0x1E480] =	vst v63  }
0x112: {  	_ = 	snop  }
0x113: {  	[spmem:s2] =	stream.indirect.scatter.add.f32 [tilespmem:s20], [sflag:$0x2], $0x10, s1, s11, $0xb8;
	[tilespmem:$0x1E480] =	vst v63  }
0x114: {  	s19 =	simm.s32 $0x19780  }
0x115: {  	[spmem:s2] =	stream.indirect.scatter.add.f32 [tilespmem:s22], [sflag:$0x2], $0x10, s19, s11, $0xb8;
	[tilespmem:$0x1E480] =	vst v63  }
0x116: {  	_ =	swait.ge [sflag:s5], $0x800  }
0x117: {  	[sflag:s5] =	ssyncset.done $0x0  }
0x118: {  	[sflag:s5] =	ssyncadd.s32 $0xFFFFF800  }
0x119: {  	_ =	swait.ge [sflag:s5], $0x800  }
0x11a: {  	[sflag:s5] =	ssyncset.done $0x0  }
0x11b: {  	[sflag:s5] =	ssyncadd.s32 $0xFFFFF800  }
0x11c: {  	_ =	swait.ge [sflag:s5], $0x800  }
0x11d: {  	[sflag:s5] =	ssyncset.done $0x0  }
0x11e: {  	[sflag:s5] =	ssyncadd.s32 $0xFFFFF800  }
0x11f: {  	_ =	swait.ge [sflag:s5], $0x800  }
0x120: {  	[sflag:s5] =	ssyncset.done $0x0  }
0x121: {  	[sflag:s5] =	ssyncadd.s32 $0xFFFFF800  }
0x122: {  	_ =	swait.ge [sflag:s5], $0x800  }
0x123: {  	[sflag:s5] =	ssyncset.done $0x0  }
0x124: {  	[sflag:s5] =	ssyncadd.s32 $0xFFFFF800  }
0x125: {  	_ =	swait.ge [sflag:s5], $0x800  }
0x126: {  	[sflag:s5] =	ssyncset.done $0x0  }
0x127: {  	[sflag:s5] =	ssyncadd.s32 $0xFFFFF800  }
0x128: {  	_ =	swait.ge [sflag:s5], $0x800  }
0x129: {  	[sflag:s5] =	ssyncset.done $0x0  }
0x12a: {  	[sflag:s5] =	ssyncadd.s32 $0xFFFFF800  }
0x12b: {  	_ =	swait.ge [sflag:s5], $0x800  }
0x12c: {  	[sflag:s5] =	ssyncset.done $0x0  }
0x12d: {  	[sflag:s5] =	ssyncadd.s32 $0xFFFFF800  }
0x12e: {  	s21 =	stileid.u32;
	[bflag:$0x0] =	sbarrier.arrive $0xFFFF  }
0x12f: {  	s7 =	sshll.u32 s21, $0x6;
	s23 =	rddreg [dreg:$0xa]  }
0x130: {  	s7 =	sor.u32 $0x1C03, s7;
	s25 =	rddreg [dreg:$0xb]  }
0x131: {  	[hbm:s23], [sflag:s7] =	dma.local [spmem:s25], $0x3200  }
0x132: {  	_ =	swait.ge [sflag:s8], $0x3200  }
0x133: {  	s23 =	rddreg [dreg:$0xc]  }
0x134: {  	s26 =	rddreg [dreg:$0x9];
	s23 =	sadd.s32 $0x1, s23  }
0x135: {  	p0 =	sne.s32 s23, s26  }
.Ltmp3:
0x136: {  	s17 =	simm.s32 $0x1D800;
	(pc) =	sbr.rel @p0 .LBB2_1-.Ltmp3, $4  }
0x137: {  	s21 =	simm.s32 $0x19300;
	s28 =	simm.s32 $0x19500;
	s29 =	simm.s32 $0x19580  }
0x138: {  	s30 =	simm.s32 $0x19600;
	s31 =	simm.s32 $0x19780;
	s0 =	simm.s32 $0x19680  }
0x139: {  	s1 =	simm.s32 $0x19700;
	s19 =	simm.s32 $0x19280;
	[sflag:s8] =	ssyncset.done $0x0  }
0x13a: {  	s25 =	simm.s32 $0x19380;
	[sflag:s8] =	ssyncadd.s32 $0xFFFFCE00;
	s26 =	simm.s32 $0x19480  }
0x13b: {  	_ =	sfence.sel $0x180000  }
0x13c: {  	[bflag:$0x0] =	sbarrier.arrive $0xFFFF  }
0x13d: {  	_ =	strace $0x90000050  }
0x13e: {  	s0 =	stileid.u32;
	[bflag:$0x2] =	sbarrier.arrive $0xFFFF  }
0x13f: {  	p0 =	sne.s32 s0, $0x0;
	s0 =	rddreg [dreg:$0x2]  }
0x140: {  	s0 =	sadd.s32 @!p0 $0x100000, s0  }
0x141: {  	[sflag:s0] =	ssyncadd.tile.s32 @!p0 $0x1;
	_ =	shalt  }
.Lfunc_end2:
_tile_overlayer_lowered:
.L_overlay_start_2:
0x142: {  	(tag) =	ssettag $0x2  }
0x143: {  	s0 =	rddreg [dreg:$0x0];
	s2 =	stileid.u32  }
0x144: {  	s1 =	rddreg [dreg:$0x1];
	p0 =	sne.s32 s2, $0x0  }
0x145: {  	s3 =	rddreg [dreg:$0x2];
	[bflag:$0x3] =	sbarrier.arrive $0xFFFF;
	s2 =	simm.s32 @!p0 $0x1C03  }
0x146: {  	[timem:s3], [sflag:s2] =	dma.local @!p0 [hbm:s0], s1  }
0x147: {  	s0 =	simm.s32 @!p0 $0x3  }
0x148: {  	_ =	swait.ge @!p0 [sflag:s0], s1  }
0x149: {  	s1 =	ssub.s32 @!p0 $0x0, s1;
	[sflag:s0] =	ssyncset.done @!p0 $0x0  }
0x14a: {  	[sflag:s0] =	ssyncadd.s32 @!p0 s1  }
0x14b: {  	[bflag:$0x3] =	sbarrier.arrive $0xFFFF  }
0x14c: {  	_ =	shalt  }

// kernel: kernel.24.cloned.1.call-start
scs
__scs_entry_jumppad:
0x0: {  	(pc) =	sbr.rel $0x88, $3  }
0x1: {  	(tag) =	ssettag $0x0;
	lr =	simm.s32 $0x1  }
0x2: {  	[smem:$0x3F96] =	sst lr;
	_ =	strace $0xD0000000  }
0x3: {  	_ = 	snop  }
0x4: {  	_ = 	snop  }
0x5: {  	_ = 	snop  }
0x6: {  	_ = 	snop  }
0x7: {  	_ = 	snop  }
__scs_overlays_trampoline_lowered:
0x8: {  	[smem:$0x3FA5] =	sst s0  }
0x9: {  	[smem:$0x3FA6] =	sst s1  }
0xa: {  	[smem:$0x3FA7] =	sst s2  }
0xb: {  	[smem:$0x3FA8] =	sst s3  }
0xc: {  	[smem:$0x3FA9] =	sst s4  }
0xd: {  	[smem:$0x3FAA] =	sst s5  }
0xe: {  	[smem:$0x3FAB] =	sst s6  }
0xf: {  	[smem:$0x3FAC] =	sst s7  }
0x10: {  	[smem:$0x3FAD] =	sst s8  }
0x11: {  	[smem:$0x3FAE] =	sst s9;
	s0 =	simm.s32 @!p0 $0x0  }
0x12: {  	s1 =	sld [smem:$0x3F94];
	s0 =	simm.s32 @p0 $0x1  }
0x13: {  	[smem:$0x3FAF] =	sst s0;
	s0 =	simm.s32 @!p1 $0x0  }
0x14: {  	s2 =	sld [smem:$0x3F93];
	s0 =	simm.s32 @p1 $0x1  }
0x15: {  	[smem:$0x3FB0] =	sst s0;
	s0 =	simm.s32 @!p2 $0x0  }
0x16: {  	s3 =	sld [smem:$0x3FDB];
	s0 =	simm.s32 @p2 $0x1  }
0x17: {  	s4 =	simm.s32 $0x1BF5;
	[smem:$0x3FB2] =	sst s0  }
0x18: {  	s0 =	sld [smem:$0x3F95];
	_ =	swait.ge [sflag:s4], $0x0  }
0x19: {  	s7 =	sld [smem:$0x3F96]  }
0x1a: {  	s8 =	sadd.s32 $0xFFFFE003, lr  }
0x1b: {  	s9 =	sadd.s32 $0xFFFFFEF7, lr;
	s5 =	simm.s32 $0xFFFFFFFF;
	p2 =	slt.u32 s8, $0xFFFFF086  }
0x1c: {  	p1 =	slt.u32 s9, $0xF7A;
	s5 =	simm.s32 @!p2 $0x0  }
0x1d: {  	s5 =	simm.s32 @p1 $0x1;
	p0 =	seq.s32 s7, s2  }
0x1e: {  	s7 =	smul.u32 @!p0 $0xF7A, s2;
	p2 =	seq.s32 @!p0 s5, $0x0  }
0x1f: {  	s9 =	smul.u32 $0xF7A, s1;
	s8 =	simm.s32 @!p0 $0x1BF5;
	p2 =	por !p2, p0  }
0x20: {  	[sflag:s8] =	ssyncset.s32 @!p0 $0xFFFFF086;
	s6 =	sadd.s32 @!p0 s3, s7;
	s7 =	simm.s32 @!p0 $0x108  }
0x21: {  	s3 =	sadd.s32 s3, s9;
	s6 =	sadd.s32 @!p0 $0x88, s6;
	s7 =	simm.s32 @p2 $0x1082  }
0x22: {  	[simem:s7], [sflag:s8] =	dma.local @!p0 [hbm:s6], $0xF7A  }
0x23: {  	s9 =	sor.u32 $0xD0000000, s2;
	s6 =	simm.s32 $0x108;
	_ =	swait.ge @!p0 [sflag:s8], $0x0  }
0x24: {  	s3 =	sadd.s32 $0x88, s3;
	s6 =	simm.s32 @!p1 $0x1082;
	[sflag:s4] =	ssyncset.s32 $0xFFFFF086  }
0x25: {  	[simem:s6], [sflag:s4] =	dma.local [hbm:s3], $0xF7A  }
0x26: {  	[smem:$0x3F96] =	sst s1;
	(tag) =	ssettag s2;
	_ =	strace s9  }
0x27: {  	s1 =	sld [smem:$0x3FA6]  }
0x28: {  	s2 =	sld [smem:$0x3FA7]  }
0x29: {  	s4 =	sld [smem:$0x3FA9]  }
0x2a: {  	p0 =	seq.s32 s5, $0x0;
	s5 =	sld [smem:$0x3FAA]  }
0x2b: {  	s6 =	sld [smem:$0x3FAB]  }
0x2c: {  	s7 =	sld [smem:$0x3FAC]  }
0x2d: {  	s3 =	simm.s32 $0x108;
	s8 =	sld [smem:$0x3FAD]  }
0x2e: {  	s3 =	simm.s32 @!p0 $0x1082;
	s9 =	sld [smem:$0x3FAE]  }
0x2f: {  	lr =	sadd.s32 s0, s3;
	s0 =	sld [smem:$0x3FA5]  }
0x30: {  	s3 =	sld [smem:$0x3FA8]  }
0x31: {  	[smem:$0x3FB1] =	sst s10  }
0x32: {  	s10 =	sld [smem:$0x3FAF];
	_ =	sdelay $0x3  }
0x33: {  	p0 =	seq.s32 s10, $0x1;
	s10 =	sld [smem:$0x3FB1];
	_ =	sdelay $0x3  }
0x34: {  	[smem:$0x3FB1] =	sst s10  }
0x35: {  	s10 =	sld [smem:$0x3FB0];
	_ =	sdelay $0x3  }
0x36: {  	p1 =	seq.s32 s10, $0x1;
	s10 =	sld [smem:$0x3FB1];
	_ =	sdelay $0x3  }
0x37: {  	[smem:$0x3FB1] =	sst s10  }
0x38: {  	s10 =	sld [smem:$0x3FB2]  }
0x39: {  	_ = 	snop;
	(pc) =	sbr.ind lr, $3  }
0x3a: {  	_ = 	snop  }
0x3b: {  	_ = 	snop  }
0x3c: {  	p2 =	seq.s32 s10, $0x1;
	s10 =	sld [smem:$0x3FB1]  }
0x3d: {  	_ =	shalt  }
0x3e: {  	_ =	shalt  }
0x3f: {  	_ =	shalt  }
0x40: {  	_ =	shalt  }
0x41: {  	_ =	shalt  }
0x42: {  	_ =	shalt  }
0x43: {  	_ =	shalt  }
0x44: {  	_ =	shalt  }
0x45: {  	_ =	shalt  }
0x46: {  	_ =	shalt  }
0x47: {  	_ =	shalt  }
0x48: {  	_ =	shalt  }
0x49: {  	_ =	shalt  }
0x4a: {  	_ =	shalt  }
0x4b: {  	_ =	shalt  }
0x4c: {  	_ =	shalt  }
0x4d: {  	_ =	shalt  }
0x4e: {  	_ =	shalt  }
0x4f: {  	_ =	shalt  }
0x50: {  	_ =	shalt  }
0x51: {  	_ =	shalt  }
0x52: {  	_ =	shalt  }
0x53: {  	_ =	shalt  }
0x54: {  	_ =	shalt  }
0x55: {  	_ =	shalt  }
0x56: {  	_ =	shalt  }
0x57: {  	_ =	shalt  }
0x58: {  	_ =	shalt  }
0x59: {  	_ =	shalt  }
0x5a: {  	_ =	shalt  }
0x5b: {  	_ =	shalt  }
0x5c: {  	_ =	shalt  }
0x5d: {  	_ =	shalt  }
0x5e: {  	_ =	shalt  }
0x5f: {  	_ =	shalt  }
0x60: {  	_ =	shalt  }
0x61: {  	_ =	shalt  }
0x62: {  	_ =	shalt  }
0x63: {  	_ =	shalt  }
0x64: {  	_ =	shalt  }
0x65: {  	_ =	shalt  }
0x66: {  	_ =	shalt  }
0x67: {  	_ =	shalt  }
0x68: {  	_ =	shalt  }
0x69: {  	_ =	shalt  }
0x6a: {  	_ =	shalt  }
0x6b: {  	_ =	shalt  }
0x6c: {  	_ =	shalt  }
0x6d: {  	_ =	shalt  }
0x6e: {  	_ =	shalt  }
0x6f: {  	_ =	shalt  }
0x70: {  	_ =	shalt  }
0x71: {  	_ =	shalt  }
0x72: {  	_ =	shalt  }
0x73: {  	_ =	shalt  }
0x74: {  	_ =	shalt  }
0x75: {  	_ =	shalt  }
0x76: {  	_ =	shalt  }
0x77: {  	_ =	shalt  }
0x78: {  	_ =	shalt  }
0x79: {  	_ =	shalt  }
0x7a: {  	_ =	shalt  }
0x7b: {  	_ =	shalt  }
0x7c: {  	_ =	shalt  }
0x7d: {  	_ =	shalt  }
0x7e: {  	_ =	shalt  }
0x7f: {  	_ =	shalt  }
0x80: {  	_ =	shalt  }
0x81: {  	_ =	shalt  }
0x82: {  	_ =	shalt  }
0x83: {  	_ =	shalt  }
0x84: {  	_ =	shalt  }
0x85: {  	_ =	shalt  }
0x86: {  	_ =	shalt  }
0x87: {  	_ =	shalt  }
.Lfunc_end0:
.L_simem_size_0:
called_computation.4_lowered:
.L_overlay_start_0:
0x88: {  	s2 =	sld [smem:$0x3FD9]  }
0x89: {  	s3 =	sld [smem:$0x3FFE];
	_ =	sdelay $0x1  }
0x8a: {  	s1 =	srdreg.scid  }
0x8b: {  	s0 =	sand.u32 $0x1, s1  }
0x8c: {  	s16 =	sshll.u32 s0, $0xA;
	s2 =	sadd.s32 s3, s2  }
0x8d: {  	s2 =	sadd.s32 s2, s16  }
0x8e: {  	[smem:$0x3FBD] =	sst s2  }
0x8f: {  	_ = 	snop  }
0x90: {  	(tm) =	ssettm $0x1  }
0x91: {  	s17 =	sld [smem:$0x3FFB];
	_ =	sdelay $0x3  }
0x92: {  	_ =	strace s17  }
0x93: {  	s2 =	sld [smem:$0x3FFC];
	_ =	sdelay $0x3  }
0x94: {  	_ =	strace s2  }
0x95: {  	s2 =	sld [smem:$0x3FFD];
	_ =	sdelay $0x3  }
0x96: {  	_ =	strace s2  }
0x97: {  	_ =	strace $0x8FFFFFFF  }
0x98: {  	s18 =	sld [smem:$0x3FDB];
	_ =	sdelay $0x1  }
0x99: {  	s19 =	simm.s32 $_scs_section_size  }
0x9a: {  	s4 =	simm.s32 $_size__tile_overlayer_lowered;
	s5 =	simm.s32 $_tile_overlayer_lowered  }
0x9b: {  	s22 =	simm.s32 $0x1BFF;
	s21 =	sshll.u32 s5, $0x1;
	s2 =	sadd.s32 s19, s18  }
0x9c: {  	s6 =	simm.s32 $0x0;
	s20 =	sshll.u32 s4, $0x1;
	s4 =	sadd.s32 s21, s2  }
0x9d: {  	[timem:s6], [sflag:s22] =	dma.local [hbm:s4], s20  }
0x9e: {  	_ =	swait.ge [sflag:s22], s20  }
0x9f: {  	s3 =	ssub.s32 $0x0, s20;
	[sflag:s22] =	ssyncset.done $0x0  }
0xa0: {  	[sflag:s22] =	ssyncadd.s32 s3;
	_ =	sdelay $0x1  }
0xa1: {  	s23 =	simm.s32 $0x1B8B  }
0xa2: {  	_ =	swait.ge [sflag:s23], $0x1  }
0xa3: {  	[sflag:s23] =	ssyncset.done $0x0  }
0xa4: {  	s25 =	simm.s32 $0x1B8E;
	s24 =	sld [smem:$0x3FFE];
	[sflag:s23] =	ssyncadd.s32 $0xFFFFFFFF  }
0xa5: {  	s26 =	simm.s32 $execute0_lowered;
	[smem:$0x3FD2] =	sst s25  }
0xa6: {  	s4 =	sshll.u32 s26, $0x1;
	_ =	strace $0x80000052;
	[dreg:$0x1] =	wrdreg $0xFFFFFFFF  }
0xa7: {  	s28 =	simm.s32 $_size_execute0_lowered;
	s2 =	sadd.s32 s2, s4;
	[dreg:$0x0] =	wrdreg $0x0  }
0xa8: {  	s4 =	sshll.u32 s28, $0x1;
	[dreg:$0x2] =	wrdreg s2  }
0xa9: {  	[dreg:$0x3] =	wrdreg s4  }
0xaa: {  	[dreg:$0x4] =	wrdreg $0xC0  }
0xab: {  	_ =	task [dreg:s6], $0x5FFFF  }
0xac: {  	[dreg:$0x1] =	wrdreg $0xFFFFFFFF  }
0xad: {  	[dreg:$0x0] =	wrdreg $0x60  }
0xae: {  	[dreg:$0x2] =	wrdreg s24  }
0xaf: {  	[dreg:$0x3] =	wrdreg $0x0  }
0xb0: {  	[dreg:$0x4] =	wrdreg $0x1200  }
0xb1: {  	[dreg:$0x5] =	wrdreg $0x9  }
0xb2: {  	_ =	task.clear_ibuf [dreg:s6], $0x6FFFF;
	_ =	strace $0x90000052  }
0xb3: {  	s29 =	simm.s32 $0x9;
	_ =	strace $0x80000054  }
0xb4: {  	_ =	swait.ge [sflag:s29], $0x1  }
0xb5: {  	[sflag:s29] =	ssyncadd.s32 $0xFFFFFFFF  }
0xb6: {  	_ =	strace $0x90000054  }
0xb7: {  	_ =	sfence  }
0xb8: {  	s30 =	sld [smem:$0x0];
	_ =	sdelay $0x2  }
0xb9: {  	s31 =	sshll.u32 s1, $0xD;
	s1 =	sshrl.u32 s1, $0x2  }
0xba: {  	s3 =	sand.u32 $0x4000, s31;
	s1 =	sadd.s32 s1, s30  }
0xbb: {  	s0 =	sor.u32 s3, s0;
	s1 =	sshll.u32 s1, $0x11  }
0xbc: {  	s0 =	sor.u32 s1, s0  }
0xbd: {  	s0 =	sadd.s32 $0x8F2B, s0  }
0xbe: {  	[sflag:s0] =	ssyncadd.remote.s32 $0x1  }
0xbf: {  	_ =	sfence.sel $0xFFFF  }
0xc0: {  	[dreg:$0x0] =	wrdreg $0xFFFFFFFF;
	(pc) =	sbr.abs _section_cstart, $3  }
0xc1: {  	[dreg:$0x1] =	wrdreg $0xFFFFFFFF  }
0xc2: {  	_ =	task.clear_ibuf [dreg:s6], $0x2FFFF;
	_ =	strace $0x9FFFFFFF  }
0xc3: {  	(tm) =	ssettm $0x7FFFFFFF  }
tec
execute0_lowered:
.L_overlay_start_1:
0x0: {  	(tag) =	ssettag $0x1  }
0x1: {  	s0 =	srdreg.scid;
	s4 =	rddreg [dreg:$0x0]  }
0x2: {  	s9 =	stileid.u32;
	s2 =	rddreg [dreg:$0x2];
	s3 =	simm.s32 $0x0  }
0x3: {  	s13 =	simm.s32 $0xE30;
	s14 =	simm.s32 $0x80;
	s15 =	simm.s32 $0x1E30  }
0x4: {  	s16 =	simm.s32 $0x1;
	s5 =	sand.u32 $0x1, s0;
	s11 =	smul.u32 $0x3200, s9  }
0x5: {  	s18 =	simm.s32 $0x0;
	s0 =	rddreg [dreg:$0x1];
	s6 =	smul.u32 $0x32000, s5  }
0x6: {  	[smem:$0x7FF] =	sst s3;
	p0 =	sne.s32 s9, $0x0;
	s8 =	smul.u32 $0x240, s5  }
0x7: {  	s1 =	sshll.u32 s5, $0x4;
	s29 =	smul.u32 $0x120, s5;
	s5 =	ssub.s32 $0x2, s5  }
0x8: {  	s17 =	sshrl.u32 @!p0 s0, $0x3;
	s7 =	sor.u32 s9, s1;
	s1 =	rddreg [dreg:$0x3]  }
0x9: {  	_ =	strace $0x80000053;
	s30 =	sshrl.u32 s5, $0x1;
	s9 =	simm.s32 $0x2630  }
0xa: {  	s7 =	smul.u32 $0x190, s7;
	s10 =	sadd.s32 s6, s4;
	s8 =	sadd.s32 s8, s4  }
0xb: {  	s6 =	sadd.s32 s29, s4;
	s12 =	ssub.s32 s5, s30;
	s5 =	sadd.s32 $0x6AC00, s8  }
0xc: {  	s6 =	sadd.s32 $0x6A800, s6;
	s31 =	sadd.s32 s11, s10;
	s10 =	simm.s32 $0x2  }
0xd: {  	s11 =	simm.s32 $0x3830;
	s7 =	sadd.s32 s7, s4;
	s8 =	sadd.s32 $0x3600, s31  }
0xe: {  	v0 =	vimm.f32 $1.000000000e+00;
	v1 =	vimm.f32 $0.0e+00;
	s4 =	sadd.s32 $0x67600, s7;
	s7 =	smax.u32 s12, $0x1;
	s12 =	simm.s32 $0x1B0  }
.LBB2_1:
0xf: {  	s19 =	simm.s32 $0x40;
	s20 =	simm.s32 $0x0  }
.LBB2_2:
0x10: {  	p1 =	sne.s32 s19, $0x1FC0;
	[tilespmem:s20+$0x1E30] =	vst v0;
	s20 =	smov.u32 s19;
	s19 =	sadd.s32 $0x40, s19  }
.Ltmp0:
0x11: {  	(pc) =	sbr.rel @p1 .LBB2_2-.Ltmp0, $2  }
0x12: {  	_ =	sdelay $0x2  }
0x13: {  	s20 =	sshra.s32 s20, $0x2  }
.Ltmp1:
0x14: {  	(pc) =	sbr.rel @p0 .LBB2_9-.Ltmp1, $2  }
0x15: {  	_ =	sdelay $0x2  }
0x16: {  	[tilespmem:s20+$0x1E30] =	vst v0;
	s19 =	simm.s32 $0x0  }
0x17: {  	s20 =	simm.s32 $0x80;
	s21 =	simm.s32 $0x0  }
.LBB2_5:
0x18: {  	p1 =	sne.s32 s20, $0x4780;
	[tilespmem:s21+$0x2630] =	vst v1;
	s22 =	smov.u32 s20;
	s20 =	sadd.s32 $0x80, s20  }
.Ltmp2:
0x19: {  	[tilespmem:s21+$0x2640] =	vst v1;
	(pc) =	sbr.rel @p1 .LBB2_5-.Ltmp2, $2  }
0x1a: {  	_ =	sdelay $0x2  }
0x1b: {  	s21 =	sshra.s32 s22, $0x2  }
0x1c: {  	[tilespmem:s21+$0x2630] =	vst v1  }
0x1d: {  	[tilespmem:s21+$0x2640] =	vst v1;
	s20 =	simm.s32 $0x40;
	s21 =	simm.s32 $0x0  }
.LBB2_7:
0x1e: {  	p1 =	sne.s32 s20, $0x23C0;
	[tilespmem:s21+$0x3830] =	vst v1;
	s21 =	smov.u32 s20;
	s20 =	sadd.s32 $0x40, s20  }
.Ltmp3:
0x1f: {  	(pc) =	sbr.rel @p1 .LBB2_7-.Ltmp3, $2  }
0x20: {  	_ =	sdelay $0x2  }
0x21: {  	s21 =	sshra.s32 s21, $0x2  }
0x22: {  	[tilespmem:s21+$0x3830] =	vst v1  }
0x23: {  	[spmem:s0] =	stream.linear.scatter [tilespmem:s9], [sflag:$0x2], $0x1200, $0x38;
	[tilespmem:$0x4130] =	vst v63  }
0x24: {  	_ =	swait.ge [sflag:s10], $0x1200  }
0x25: {  	[sflag:s10] =	ssyncset.done $0x0  }
0x26: {  	[sflag:s10] =	ssyncadd.s32 $0xFFFFEE00  }
0x27: {  	[spmem:s2] =	stream.linear.scatter [tilespmem:s11], [sflag:$0x2], $0x900, $0x38;
	[tilespmem:$0x4130] =	vst v63  }
0x28: {  	_ =	swait.ge [sflag:s10], $0x900  }
0x29: {  	[sflag:s10] =	ssyncset.done $0x0  }
0x2a: {  	[sflag:s10] =	ssyncadd.s32 $0xFFFFF700  }
.LBB2_9:
0x2b: {  	[bflag:$0x0] =	sbarrier.arrive $0xFFFF  }
0x2c: {  	[tilespmem:s12], [sflag:$0x2] =	stream.linear.gather [hbm4b:s4+s19], $0xC80, $0x38;
	[tilespmem:$0x4130] =	vst v63  }
0x2d: {  	_ =	swait.ge [sflag:s10], $0xC80  }
0x2e: {  	[sflag:s10] =	ssyncset.done $0x0  }
0x2f: {  	s30 =	sadd.s32 $0x0, s8;
	[sflag:s10] =	ssyncadd.s32 $0xFFFFF380  }
0x30: {  	[tilespmem:s13], [sflag:$0x2] =	stream.linear.gather [hbm4b:s30+s3], $0x1000, $0x38;
	[tilespmem:$0x4130] =	vst v63  }
0x31: {  	_ =	swait.ge [sflag:s10], $0x1000  }
0x32: {  	[sflag:s10] =	ssyncset.done $0x0  }
0x33: {  	s31 =	simm.s32 $0x1B0;
	[sflag:s10] =	ssyncadd.s32 $0xFFFFF000  }
0x34: {  	[spmem:s0] =	stream.indirect.scatter.add.f32 [tilespmem:s13], [sflag:$0x2], $0x20, s31, s14, $0xb8;
	[tilespmem:$0x4130] =	vst v63  }
0x35: {  	_ =	swait.ge [sflag:s10], $0x1000  }
0x36: {  	[sflag:s10] =	ssyncset.done $0x0  }
0x37: {  	[sflag:s10] =	ssyncadd.s32 $0xFFFFF000  }
0x38: {  	[spmem:s2] =	stream.indirect.scatter.add.f32 [tilespmem:s15], [sflag:$0x1], $0x10, s31, s14, $0xb8;
	[tilespmem:$0x4130] =	vst v63  }
0x39: {  	_ =	swait.ge [sflag:s16], $0x800  }
0x3a: {  	s20 =	simm.s32 $0x400;
	s19 =	simm.s32 $0x200;
	[sflag:s16] =	ssyncset.done $0x0  }
.LBB2_10:
0x3b: {  	s21 =	sadd.s32 s19, s8  }
0x3c: {  	[sflag:s16] =	ssyncadd.s32 $0xFFFFF800;
	s22 =	smov.u32 s20;
	s23 =	sadd.s32 $0x200, s20  }
0x3d: {  	[tilespmem:s13], [sflag:$0x2] =	stream.linear.gather [hbm4b:s21+s3], $0x1000, $0x38;
	[tilespmem:$0x4130] =	vst v63  }
0x3e: {  	p1 =	sne.s32 s20, $0x3000;
	_ =	swait.ge [sflag:s10], $0x1000  }
0x3f: {  	s20 =	sshra.s32 s19, $0x2;
	s19 =	smov.u32 s22;
	[sflag:s10] =	ssyncset.done $0x0  }
0x40: {  	s20 =	sadd.s32 $0x1B0, s20;
	[sflag:s10] =	ssyncadd.s32 $0xFFFFF000  }
0x41: {  	[spmem:s0] =	stream.indirect.scatter.add.f32 [tilespmem:s13], [sflag:$0x2], $0x20, s20, s14, $0xb8;
	[tilespmem:$0x4130] =	vst v63  }
0x42: {  	_ =	swait.ge [sflag:s10], $0x1000  }
.Ltmp4:
0x43: {  	[sflag:s10] =	ssyncset.done $0x0;
	(pc) =	sbr.rel @p1 .LBB2_10-.Ltmp4, $4  }
0x44: {  	[sflag:s10] =	ssyncadd.s32 $0xFFFFF000  }
0x45: {  	[spmem:s2] =	stream.indirect.scatter.add.f32 [tilespmem:s15], [sflag:$0x1], $0x10, s20, s14, $0xb8;
	[tilespmem:$0x4130] =	vst v63  }
0x46: {  	_ =	swait.ge [sflag:s16], $0x800  }
0x47: {  	s20 =	smov.u32 s23;
	[sflag:s16] =	ssyncset.done $0x0  }
0x48: {  	s20 =	sadd.s32 s19, s8;
	[sflag:s16] =	ssyncadd.s32 $0xFFFFF800  }
0x49: {  	[tilespmem:s13], [sflag:$0x2] =	stream.linear.gather [hbm4b:s20+s3], $0x1000, $0x38;
	[tilespmem:$0x4130] =	vst v63  }
0x4a: {  	_ =	swait.ge [sflag:s10], $0x1000  }
0x4b: {  	s31 =	sshra.s32 s19, $0x2;
	[sflag:s10] =	ssyncset.done $0x0  }
0x4c: {  	s19 =	sadd.s32 $0x1B0, s31;
	[sflag:s10] =	ssyncadd.s32 $0xFFFFF000  }
0x4d: {  	[spmem:s0] =	stream.indirect.scatter.add.f32 [tilespmem:s13], [sflag:$0x2], $0x20, s19, s14, $0xb8;
	[tilespmem:$0x4130] =	vst v63  }
0x4e: {  	_ =	swait.ge [sflag:s10], $0x1000  }
0x4f: {  	[sflag:s10] =	ssyncset.done $0x0  }
0x50: {  	[sflag:s10] =	ssyncadd.s32 $0xFFFFF000  }
0x51: {  	[spmem:s2] =	stream.indirect.scatter.add.f32 [tilespmem:s15], [sflag:$0x1], $0x10, s19, s14, $0xb8;
	[tilespmem:$0x4130] =	vst v63  }
0x52: {  	_ =	swait.ge [sflag:s16], $0x800  }
0x53: {  	[sflag:s16] =	ssyncset.done $0x0  }
0x54: {  	[sflag:s16] =	ssyncadd.s32 $0xFFFFF800  }
0x55: {  	s20 =	simm.s32 @!p0 $0x2;
	s19 =	simm.s32 @!p0 $0x1C02;
	[bflag:$0x0] =	sbarrier.arrive $0xFFFF  }
0x56: {  	[hbm:s5], [sflag:s19] =	dma.local @!p0 [spmem:s17], $0x240  }
0x57: {  	s18 =	sadd.s32 $0x1, s18;
	_ =	swait.ge @!p0 [sflag:s20], $0x240  }
0x58: {  	p1 =	sne.s32 s18, s7;
	[sflag:s20] =	ssyncset.done @!p0 $0x0  }
.Ltmp5:
0x59: {  	s21 =	sshrl.u32 @!p0 s2, $0x3;
	[sflag:s20] =	ssyncadd.s32 @!p0 $0xFFFFFDC0;
	(pc) =	sbr.rel @p1 .LBB2_1-.Ltmp5, $4  }
0x5a: {  	[hbm:s6], [sflag:s19] =	dma.local @!p0 [spmem:s21], $0x120  }
0x5b: {  	_ =	swait.ge @!p0 [sflag:s20], $0x120  }
0x5c: {  	[sflag:s20] =	ssyncset.done @!p0 $0x0  }
0x5d: {  	[sflag:s20] =	ssyncadd.s32 @!p0 $0xFFFFFEE0  }
0x5e: {  	_ =	sfence.sel $0x180000  }
0x5f: {  	[bflag:$0x0] =	sbarrier.arrive $0xFFFF  }
0x60: {  	_ =	strace $0x90000053  }
0x61: {  	s0 =	sadd.s32 @!p0 $0x100000, s1;
	[bflag:$0x2] =	sbarrier.arrive $0xFFFF  }
0x62: {  	[sflag:s0] =	ssyncadd.tile.s32 @!p0 $0x1;
	_ =	shalt  }
.Lfunc_end2:
_tile_overlayer_lowered:
.L_overlay_start_2:
0x63: {  	(tag) =	ssettag $0x2  }
0x64: {  	s0 =	rddreg [dreg:$0x0];
	s2 =	stileid.u32  }
0x65: {  	s1 =	rddreg [dreg:$0x1];
	p0 =	sne.s32 s2, $0x0  }
0x66: {  	s3 =	rddreg [dreg:$0x2];
	[bflag:$0x3] =	sbarrier.arrive $0xFFFF;
	s2 =	simm.s32 @!p0 $0x1C02  }
0x67: {  	[timem:s3], [sflag:s2] =	dma.local @!p0 [hbm:s0], s1  }
0x68: {  	s0 =	simm.s32 @!p0 $0x2  }
0x69: {  	_ =	swait.ge @!p0 [sflag:s0], s1  }
0x6a: {  	s1 =	ssub.s32 @!p0 $0x0, s1;
	[sflag:s0] =	ssyncset.done @!p0 $0x0  }
0x6b: {  	[sflag:s0] =	ssyncadd.s32 @!p0 s1  }
0x6c: {  	[bflag:$0x3] =	sbarrier.arrive $0xFFFF  }
0x6d: {  	_ =	shalt  }

</sc_bundles>
